<compile_context>
chip_gen: v7x
topology: tpu7x:2x2x1
jax: 0.10.2.dev20260603
libtpu: 0.0.44.dev20260713+nightly
codegen_flags: <defaults>
</compile_context>

<pallas_src>
import dataclasses

import jax
import jax.numpy as jnp
from jax import lax
from jax.experimental import pallas as pl
from jax.experimental.pallas import tpu as pltpu
from jax.experimental.pallas import tpu_sc as plsc

_N = 5000
_B = 128
_NB = 40
_NPAD = _NB * _B
_THR = 0.5

_L = 16
_OUTW = 784
_OUTPAD = 32 * _OUTW
_MPAD = 5024
_ROWS = 64
_RW = 80
_BOXPAD = 20352
_SCOREPAD = 5088

_mesh = plsc.VectorSubcoreMesh(
    core_axis_name="c", subcore_axis_name="s", num_cores=2, num_subcores=16
)

_sc_params = pltpu.CompilerParams()
if "needs_layout_passes" in pltpu.CompilerParams.__dataclass_fields__:
    _sc_params = dataclasses.replace(_sc_params, needs_layout_passes=False)


def _nms_body(x1r, y1r, x2r, y2r, keep_ref, area_ref, keep8_ref):
    keep_ref[...] = jnp.ones((_NB, _B), jnp.float32)
    keep8_ref[...] = jnp.ones((_NB * 8, _B), jnp.float32)
    area_ref[...] = (x2r[...] - x1r[...]) * (y2r[...] - y1r[...])

    riota = lax.broadcasted_iota(jnp.int32, (_B, _B), 0)
    ciota = lax.broadcasted_iota(jnp.int32, (_B, _B), 1)
    tri = riota < ciota
    ident = riota == ciota

    def iou_chunk(bx1, by1, bx2, by2, area_b, c):
        ax1 = x1r[pl.ds(c, 1), :]
        ay1 = y1r[pl.ds(c, 1), :]
        ax2 = x2r[pl.ds(c, 1), :]
        ay2 = y2r[pl.ds(c, 1), :]
        area_a = area_ref[pl.ds(c, 1), :]
        xx1 = jnp.maximum(bx1, ax1)
        yy1 = jnp.maximum(by1, ay1)
        xx2 = jnp.minimum(bx2, ax2)
        yy2 = jnp.minimum(by2, ay2)
        inter = jnp.maximum(xx2 - xx1, 0.0) * jnp.maximum(yy2 - yy1, 0.0)
        union = area_b + area_a - inter
        return inter / jnp.maximum(union, 1e-12)

    def col_of(chunk_row):
        return jnp.sum(jnp.where(ident, chunk_row, 0.0), axis=1, keepdims=True)

    def block_body(k, _):
        bx1 = col_of(x1r[pl.ds(k, 1), :])
        by1 = col_of(y1r[pl.ds(k, 1), :])
        bx2 = col_of(x2r[pl.ds(k, 1), :])
        by2 = col_of(y2r[pl.ds(k, 1), :])
        area_b = (bx2 - bx1) * (by2 - by1)

        iou_bb = iou_chunk(bx1, by1, bx2, by2, area_b, k)
        s_bb = jnp.where((iou_bb > _THR) & tri, 1.0, 0.0).astype(jnp.bfloat16)
        ext8 = keep8_ref[pl.ds(8 * k, 8), :]
        ext = jnp.all(ext8 > 0.0, axis=0, keepdims=True).astype(jnp.float32)

        def fix_cond(carry):
            return carry[1]

        def fix_body(carry):
            kp, _ = carry
            sup = lax.dot_general(
                kp.astype(jnp.bfloat16), s_bb,
                (((1,), (0,)), ((), ())),
                preferred_element_type=jnp.float32,
            )
            new = jnp.where(sup > 0.0, 0.0, ext)
            changed = jnp.any(new != kp)
            return (new, changed)

        keep_blk, _ = lax.while_loop(fix_cond, fix_body, (ext, True))
        keep_ref[pl.ds(k, 1), :] = keep_blk

        kc = jnp.any(ident & (keep_blk > 0.0), axis=1, keepdims=True)

        def sup8_of(iou_c):
            m3 = jnp.reshape((iou_c > _THR) & kc, (16, 8, _B))
            return jnp.any(m3, axis=0)

        def tail_body(i, _):
            c1 = k + 1 + 2 * i
            c2 = c1 + 1
            c2c = jnp.minimum(c2, _NB - 1)
            iou1 = iou_chunk(bx1, by1, bx2, by2, area_b, c1)
            iou2 = iou_chunk(bx1, by1, bx2, by2, area_b, c2c)
            sup1 = sup8_of(iou1)
            sup2 = sup8_of(iou2)
            cur1 = keep8_ref[pl.ds(8 * c1, 8), :]
            keep8_ref[pl.ds(8 * c1, 8), :] = jnp.where(sup1, 0.0, cur1)
            cur2 = keep8_ref[pl.ds(8 * c2c, 8), :]
            keep8_ref[pl.ds(8 * c2c, 8), :] = jnp.where(
                sup2 & (c2 < _NB), 0.0, cur2
            )
            return 0

        lax.fori_loop(0, (_NB - k) // 2, tail_body, 0)
        return 0

    lax.fori_loop(0, _NB, block_body, 0)


def _gather_body(boxflat, ord2g, x1o, y1o, x2o, y2o, ov, idx2, vout, sem):
    cid = lax.axis_index("c")
    sid = lax.axis_index("s")
    wid = cid * 16 + sid
    iota = lax.broadcasted_iota(jnp.int32, (_L,), 0)
    for r in range(2):
        pltpu.async_copy(ord2g.at[2 * wid + r], ov.at[r], sem).wait()
    for r in range(2):
        for g in range(5):
            o = ov[r, pl.ds(g * _L, _L)] * 4
            for c in range(4):
                idx2[2 * c + r, pl.ds(g * _L, _L)] = o + c
    for c in range(4):
        for r in range(2):
            pltpu.async_copy(boxflat.at[idx2.at[2 * c + r]], vout.at[2 * c + r], sem).wait()
    for r in range(2):
        for g in range(5):
            glob = (2 * wid + r) * 80 + g * _L + iota
            mask = glob < _N
            for c in range(4):
                row = 2 * c + r
                vals = vout[row, pl.ds(g * _L, _L)]
                vout[row, pl.ds(g * _L, _L)] = jnp.where(mask, vals, 0.0)
    base = pl.multiple_of(wid * 160, 32)
    for c, dst in enumerate((x1o, y1o, x2o, y2o)):
        for r in range(2):
            pltpu.async_copy(vout.at[2 * c + r], dst.at[pl.ds(base + 80 * r, 80)], sem).wait()


def _scatter_assemble_body(boxflat, scoresp, keep2d, ord2d, out_hbm,
                           m_sh, kv, ov, mv, bv, sv, outv, sem):
    cid = lax.axis_index("c")
    sid = lax.axis_index("s")
    wid = cid * 16 + sid

    iota = lax.broadcasted_iota(jnp.int32, (_L,), 0)

    for r in range(4):
        row = sid * 4 + r
        pltpu.async_copy(keep2d.at[row], kv, sem).wait()
        pltpu.async_copy(ord2d.at[row], ov, sem).wait()
        pltpu.async_copy(kv, m_sh.at[ov], sem).wait()

    plsc.subcore_barrier()

    f0 = pl.multiple_of(wid * _OUTW, 16)
    n_lo8 = pl.multiple_of((((f0 * 52429) >> 18) >> 3) << 3, 8)
    pltpu.async_copy(m_sh.at[pl.ds(n_lo8, 168)], mv, sem).wait()
    pltpu.async_copy(scoresp.at[pl.ds(n_lo8, 168)], sv, sem).wait()
    pltpu.async_copy(boxflat.at[pl.ds(pl.multiple_of(n_lo8 * 4, 32), 672)], bv, sem).wait()

    for g in range(_OUTW // _L):
        f = f0 + g * _L + iota
        n = (f * 52429) >> 18
        c = f - n * 5
        ln = n - n_lo8
        bidx = jnp.where(c < 4, ln * 4 + c, 0)
        bval = plsc.load_gather(bv, [bidx])
        sval = plsc.load_gather(sv, [ln])
        mval = plsc.load_gather(mv, [ln])
        outv[pl.ds(g * _L, _L)] = jnp.where(c < 4, bval, sval) * mval

    pltpu.async_copy(outv, out_hbm.at[pl.ds(pl.multiple_of(f0, 16), _OUTW)], sem).wait()


def kernel(boxes, scores):
    order = jnp.argsort(-scores).astype(jnp.int32)
    boxflat = jnp.pad(boxes.reshape(-1), (0, _BOXPAD - 4 * _N))
    orderp = jnp.concatenate([order, jnp.full((_NPAD - _N,), _N, jnp.int32)])

    gather_sorted = pl.kernel(
        _gather_body,
        out_type=[jax.ShapeDtypeStruct((_NPAD,), jnp.float32)] * 4,
        mesh=_mesh,
        scratch_types=[
            pltpu.VMEM((2, 80), jnp.int32),
            pltpu.VMEM((8, 80), jnp.int32),
            pltpu.VMEM((8, 80), jnp.float32),
            pltpu.SemaphoreType.DMA,
        ],
        compiler_params=_sc_params,
    )
    ord2g = orderp.reshape(_ROWS, _RW)
    x1s, y1s, x2s, y2s = gather_sorted(boxflat, ord2g)
    rows = [a.reshape(_NB, _B) for a in (x1s, y1s, x2s, y2s)]

    keep_pad, _ = pl.pallas_call(
        _nms_body,
        out_shape=[
            jax.ShapeDtypeStruct((_NB, _B), jnp.float32),
            jax.ShapeDtypeStruct((_NB, _B), jnp.float32),
        ],
        scratch_shapes=[pltpu.VMEM((_NB * 8, _B), jnp.float32)],
    )(*rows)

    scoresp = jnp.pad(scores, (0, _SCOREPAD - _N))
    keep2d = keep_pad.reshape(_ROWS, _RW)
    ord2d = orderp.reshape(_ROWS, _RW)

    scatter_assemble = pl.kernel(
        _scatter_assemble_body,
        out_type=jax.ShapeDtypeStruct((_OUTPAD,), jnp.float32),
        mesh=_mesh,
        scratch_types=[
            pltpu.VMEM_SHARED((_MPAD,), jnp.float32),
            pltpu.VMEM((_RW,), jnp.float32),
            pltpu.VMEM((_RW,), jnp.int32),
            pltpu.VMEM((168,), jnp.float32),
            pltpu.VMEM((672,), jnp.float32),
            pltpu.VMEM((168,), jnp.float32),
            pltpu.VMEM((_OUTW,), jnp.float32),
            pltpu.SemaphoreType.DMA,
        ],
        compiler_params=_sc_params,
    )
    out_pad = scatter_assemble(boxflat, scoresp, keep2d, ord2d)
    return out_pad[: _N * 5].reshape(_N, 5)

# --- scband reference (transcript-rebuilt; emitter-appended) ---
"""Pipeline reference for scband-lite-mtcnn-79242146611879 (READ-ONLY COPY).

The authoritative reference and input builder live on the scoring server;
editing this copy changes nothing except your own understanding.
"""

import jax, jax.numpy as jnp
import numpy as np

N = 5000
IOU_THRESH = 0.5


def setup_inputs(seed: int = 0) -> dict:
    key = jax.random.key(seed)
    k1, k2, k3 = jax.random.split(key, 3)
    xy = jax.random.uniform(k1, (N, 2), dtype=jnp.float32) * 992.0
    wh = jax.random.uniform(k2, (N, 2), dtype=jnp.float32) * 96.0 + 4.0
    boxes = jnp.concatenate([xy, xy + wh], axis=1)
    scores = jax.random.uniform(k3, (N,), dtype=jnp.float32)
    return {"boxes": boxes, "scores": scores}


def _iou_matrix(b):
    x1, y1, x2, y2 = b[:, 0], b[:, 1], b[:, 2], b[:, 3]
    area = (x2 - x1) * (y2 - y1)
    xx1 = jnp.maximum(x1[:, None], x1[None, :])
    yy1 = jnp.maximum(y1[:, None], y1[None, :])
    xx2 = jnp.minimum(x2[:, None], x2[None, :])
    yy2 = jnp.minimum(y2[:, None], y2[None, :])
    inter = jnp.clip(xx2 - xx1, 0.0) * jnp.clip(yy2 - yy1, 0.0)
    union = area[:, None] + area[None, :] - inter
    return inter / jnp.maximum(union, 1e-12)


def reference(boxes, scores):
    # Greedy NMS core of LiteMTCNN.detect (batched_nms with a single image index,
    # iou_threshold_1 = 0.5), expressed with fixed shapes: returns boxes/scores
    # masked by the NMS keep decision in original index order.
    n = boxes.shape[0]
    order = jnp.argsort(-scores)
    b = boxes[order]
    iou = _iou_matrix(b)
    idx = jnp.arange(n)

    def body(i, keep):
        sup = (iou[i] > IOU_THRESH) & (idx > i) & keep[i]
        return keep & (~sup)

    keep_sorted = jax.lax.fori_loop(0, n, body, jnp.ones((n,), dtype=bool))
    keep = jnp.zeros((n,), dtype=bool).at[order].set(keep_sorted)
    m = keep.astype(boxes.dtype)
    out = jnp.concatenate([boxes * m[:, None], (scores * m)[:, None]], axis=1)
    return out

if __name__ == "__main__":
    import jax
    _d = setup_inputs()
    print(jax.jit(kernel)(*tuple(_d.values())))

</pallas_src>

<mosaic_0001>
#map = affine_map<(d0, d1) -> (0)>
#map1 = affine_map<(d0, d1) -> (0, 0)>
module attributes {stable_mosaic.version = 14 : i64} {
  func.func @_gather_body(%arg0: i32, %arg1: i32, %arg2: memref<20352xf32, #tpu.memory_space<hbm>>, %arg3: memref<64x80xi32, #tpu.memory_space<hbm>>, %arg4: memref<5120xf32, #tpu.memory_space<hbm>>, %arg5: memref<5120xf32, #tpu.memory_space<hbm>>, %arg6: memref<5120xf32, #tpu.memory_space<hbm>>, %arg7: memref<5120xf32, #tpu.memory_space<hbm>>, %arg8: memref<2x80xi32, #tpu.memory_space<vmem>>, %arg9: memref<8x80xi32, #tpu.memory_space<vmem>>, %arg10: memref<8x80xf32, #tpu.memory_space<vmem>>, %arg11: memref<!tpu.dma_semaphore, #tpu.memory_space<semaphore_mem>>) attributes {dimension_semantics = [#tpu.dimension_semantics<core_parallel>, #tpu.dimension_semantics<subcore_parallel>], iteration_bounds = array<i64: 2, 16>, scalar_prefetch = 0 : i64, scratch_operands = 4 : i64, tpu.core_type = #tpu.core_type<sc_vector_subcore>, window_params = [{transform_indices = #map}, {transform_indices = #map1}, {transform_indices = #map}, {transform_indices = #map}, {transform_indices = #map}, {transform_indices = #map}]} {
    %mul3A = arith.constant 16 : i32
    %mul3A_0 = arith.muli %arg0, %mul3A : i32
    %add3A = arith.addi %mul3A_0, %arg1 : i32
    %iota3A = tpu.iota {dimensions = array<i32: 0>} : vector<16xi32>
    %mul3A_1 = arith.constant 2 : i32
    %mul3A_2 = arith.muli %mul3A_1, %add3A : i32
    %add3A_3 = arith.constant 0 : i32
    %add3A_4 = arith.addi %mul3A_2, %add3A_3 : i32
    %dma_start3A = arith.constant 0 : i32
    %dma_start3A_5 = arith.constant 0 : i32
    %dma_start3A_6 = tpu.memref_slice %arg8[%dma_start3A, %dma_start3A_5] : memref<2x80xi32, #tpu.memory_space<vmem>> -> memref<1x80xi32, #tpu.memory_space<vmem>>
    %dma_start3A_7 = tpu.memref_squeeze %dma_start3A_6 : memref<1x80xi32, #tpu.memory_space<vmem>> -> memref<80xi32, #tpu.memory_space<vmem>>
    %dma_start3A_8 = arith.constant 0 : i32
    %dma_start3A_9 = tpu.memref_slice %arg3[%add3A_4, %dma_start3A_8] : memref<64x80xi32, #tpu.memory_space<hbm>> -> memref<1x80xi32, #tpu.memory_space<hbm>>
    %dma_start3A_10 = tpu.memref_squeeze %dma_start3A_9 : memref<1x80xi32, #tpu.memory_space<hbm>> -> memref<80xi32, #tpu.memory_space<hbm>>
    %dma_start3A_11 = arith.constant 0 : i32
    %dma_start3A_12 = tpu.memref_slice %arg8[%dma_start3A, %dma_start3A_11] : memref<2x80xi32, #tpu.memory_space<vmem>> -> memref<1x80xi32, #tpu.memory_space<vmem>>
    %dma_start3A_13 = tpu.memref_squeeze %dma_start3A_12 : memref<1x80xi32, #tpu.memory_space<vmem>> -> memref<80xi32, #tpu.memory_space<vmem>>
    %dma_start3A_14 = arith.constant 0 : i32
    %dma_start3A_15 = tpu.memref_slice %arg3[%add3A_4, %dma_start3A_14] : memref<64x80xi32, #tpu.memory_space<hbm>> -> memref<1x80xi32, #tpu.memory_space<hbm>>
    %dma_start3A_16 = tpu.memref_squeeze %dma_start3A_15 : memref<1x80xi32, #tpu.memory_space<hbm>> -> memref<80xi32, #tpu.memory_space<hbm>>
    tpu.enqueue_dma source(%dma_start3A_16 : memref<80xi32, #tpu.memory_space<hbm>>) target(%dma_start3A_13 : memref<80xi32, #tpu.memory_space<vmem>>) target_semaphore(%arg11 : memref<!tpu.dma_semaphore, #tpu.memory_space<semaphore_mem>>)
    %dma_wait3A = arith.constant 0 : i32
    %dma_wait3A_17 = arith.constant 0 : i32
    %dma_wait3A_18 = tpu.memref_slice %arg8[%dma_wait3A, %dma_wait3A_17] : memref<2x80xi32, #tpu.memory_space<vmem>> -> memref<1x80xi32, #tpu.memory_space<vmem>>
    %dma_wait3A_19 = tpu.memref_squeeze %dma_wait3A_18 : memref<1x80xi32, #tpu.memory_space<vmem>> -> memref<80xi32, #tpu.memory_space<vmem>>
    %dma_wait3A_20 = arith.constant 0 : i32
    %dma_wait3A_21 = tpu.memref_slice %arg3[%add3A_4, %dma_wait3A_20] : memref<64x80xi32, #tpu.memory_space<hbm>> -> memref<1x80xi32, #tpu.memory_space<hbm>>
    %dma_wait3A_22 = tpu.memref_squeeze %dma_wait3A_21 : memref<1x80xi32, #tpu.memory_space<hbm>> -> memref<80xi32, #tpu.memory_space<hbm>>
    %dma_wait3A_23 = arith.constant 0 : i32
    %dma_wait3A_24 = tpu.memref_slice %arg8[%dma_wait3A, %dma_wait3A_23] : memref<2x80xi32, #tpu.memory_space<vmem>> -> memref<1x80xi32, #tpu.memory_space<vmem>>
    %dma_wait3A_25 = tpu.memref_squeeze %dma_wait3A_24 : memref<1x80xi32, #tpu.memory_space<vmem>> -> memref<80xi32, #tpu.memory_space<vmem>>
    %dma_wait3A_26 = arith.constant 0 : i32
    %dma_wait3A_27 = tpu.memref_slice %arg3[%add3A_4, %dma_wait3A_26] : memref<64x80xi32, #tpu.memory_space<hbm>> -> memref<1x80xi32, #tpu.memory_space<hbm>>
    %dma_wait3A_28 = tpu.memref_squeeze %dma_wait3A_27 : memref<1x80xi32, #tpu.memory_space<hbm>> -> memref<80xi32, #tpu.memory_space<hbm>>
    tpu.wait_dma2 semaphore(%arg11 : memref<!tpu.dma_semaphore, #tpu.memory_space<semaphore_mem>>) src(%dma_wait3A_28 : memref<80xi32, #tpu.memory_space<hbm>>) dst(%dma_wait3A_25 : memref<80xi32, #tpu.memory_space<vmem>>)
    %mul3A_29 = arith.constant 2 : i32
    %mul3A_30 = arith.muli %mul3A_29, %add3A : i32
    %add3A_31 = arith.constant 1 : i32
    %add3A_32 = arith.addi %mul3A_30, %add3A_31 : i32
    %dma_start3A_33 = arith.constant 1 : i32
    %dma_start3A_34 = arith.constant 0 : i32
    %dma_start3A_35 = tpu.memref_slice %arg8[%dma_start3A_33, %dma_start3A_34] : memref<2x80xi32, #tpu.memory_space<vmem>> -> memref<1x80xi32, #tpu.memory_space<vmem>>
    %dma_start3A_36 = tpu.memref_squeeze %dma_start3A_35 : memref<1x80xi32, #tpu.memory_space<vmem>> -> memref<80xi32, #tpu.memory_space<vmem>>
    %dma_start3A_37 = arith.constant 0 : i32
    %dma_start3A_38 = tpu.memref_slice %arg3[%add3A_32, %dma_start3A_37] : memref<64x80xi32, #tpu.memory_space<hbm>> -> memref<1x80xi32, #tpu.memory_space<hbm>>
    %dma_start3A_39 = tpu.memref_squeeze %dma_start3A_38 : memref<1x80xi32, #tpu.memory_space<hbm>> -> memref<80xi32, #tpu.memory_space<hbm>>
    %dma_start3A_40 = arith.constant 0 : i32
    %dma_start3A_41 = tpu.memref_slice %arg8[%dma_start3A_33, %dma_start3A_40] : memref<2x80xi32, #tpu.memory_space<vmem>> -> memref<1x80xi32, #tpu.memory_space<vmem>>
    %dma_start3A_42 = tpu.memref_squeeze %dma_start3A_41 : memref<1x80xi32, #tpu.memory_space<vmem>> -> memref<80xi32, #tpu.memory_space<vmem>>
    %dma_start3A_43 = arith.constant 0 : i32
    %dma_start3A_44 = tpu.memref_slice %arg3[%add3A_32, %dma_start3A_43] : memref<64x80xi32, #tpu.memory_space<hbm>> -> memref<1x80xi32, #tpu.memory_space<hbm>>
    %dma_start3A_45 = tpu.memref_squeeze %dma_start3A_44 : memref<1x80xi32, #tpu.memory_space<hbm>> -> memref<80xi32, #tpu.memory_space<hbm>>
    tpu.enqueue_dma source(%dma_start3A_45 : memref<80xi32, #tpu.memory_space<hbm>>) target(%dma_start3A_42 : memref<80xi32, #tpu.memory_space<vmem>>) target_semaphore(%arg11 : memref<!tpu.dma_semaphore, #tpu.memory_space<semaphore_mem>>)
    %dma_wait3A_46 = arith.constant 1 : i32
    %dma_wait3A_47 = arith.constant 0 : i32
    %dma_wait3A_48 = tpu.memref_slice %arg8[%dma_wait3A_46, %dma_wait3A_47] : memref<2x80xi32, #tpu.memory_space<vmem>> -> memref<1x80xi32, #tpu.memory_space<vmem>>
    %dma_wait3A_49 = tpu.memref_squeeze %dma_wait3A_48 : memref<1x80xi32, #tpu.memory_space<vmem>> -> memref<80xi32, #tpu.memory_space<vmem>>
    %dma_wait3A_50 = arith.constant 0 : i32
    %dma_wait3A_51 = tpu.memref_slice %arg3[%add3A_32, %dma_wait3A_50] : memref<64x80xi32, #tpu.memory_space<hbm>> -> memref<1x80xi32, #tpu.memory_space<hbm>>
    %dma_wait3A_52 = tpu.memref_squeeze %dma_wait3A_51 : memref<1x80xi32, #tpu.memory_space<hbm>> -> memref<80xi32, #tpu.memory_space<hbm>>
    %dma_wait3A_53 = arith.constant 0 : i32
    %dma_wait3A_54 = tpu.memref_slice %arg8[%dma_wait3A_46, %dma_wait3A_53] : memref<2x80xi32, #tpu.memory_space<vmem>> -> memref<1x80xi32, #tpu.memory_space<vmem>>
    %dma_wait3A_55 = tpu.memref_squeeze %dma_wait3A_54 : memref<1x80xi32, #tpu.memory_space<vmem>> -> memref<80xi32, #tpu.memory_space<vmem>>
    %dma_wait3A_56 = arith.constant 0 : i32
    %dma_wait3A_57 = tpu.memref_slice %arg3[%add3A_32, %dma_wait3A_56] : memref<64x80xi32, #tpu.memory_space<hbm>> -> memref<1x80xi32, #tpu.memory_space<hbm>>
    %dma_wait3A_58 = tpu.memref_squeeze %dma_wait3A_57 : memref<1x80xi32, #tpu.memory_space<hbm>> -> memref<80xi32, #tpu.memory_space<hbm>>
    tpu.wait_dma2 semaphore(%arg11 : memref<!tpu.dma_semaphore, #tpu.memory_space<semaphore_mem>>) src(%dma_wait3A_58 : memref<80xi32, #tpu.memory_space<hbm>>) dst(%dma_wait3A_55 : memref<80xi32, #tpu.memory_space<vmem>>)
    %get3A = arith.constant 0 : i32
    %get3A_59 = arith.index_cast %get3A : i32 to index
    %get3A_60 = arith.constant 0 : index
    %get3A_61 = tpu.vector_load %arg8[%get3A_59, %get3A_60] {strides = array<i32>} : memref<2x80xi32, #tpu.memory_space<vmem>>, vector<16xi32>,
    %mul3A_62 = arith.constant 4 : i32
    %mul3A_63 = vector.broadcast %mul3A_62 : i32 to vector<16xi32>
    %mul3A_64 = arith.muli %get3A_61, %mul3A_63 : vector<16xi32>
    %add3A_65 = arith.constant 0 : i32
    %add3A_66 = vector.broadcast %add3A_65 : i32 to vector<16xi32>
    %add3A_67 = arith.addi %mul3A_64, %add3A_66 : vector<16xi32>
    %swap3A = arith.constant 0 : i32
    %swap3A_68 = arith.index_cast %swap3A : i32 to index
    %swap3A_69 = arith.constant 0 : index
    %swap3A_70 = tpu.vector_load %arg9[%swap3A_68, %swap3A_69] {strides = array<i32>} : memref<8x80xi32, #tpu.memory_space<vmem>>, vector<16xi32>,
    tpu.vector_store %arg9[%swap3A_68, %swap3A_69], %add3A_67 {strides = array<i32>} : memref<8x80xi32, #tpu.memory_space<vmem>>, vector<16xi32>,
    %add3A_71 = arith.constant 1 : i32
    %add3A_72 = vector.broadcast %add3A_71 : i32 to vector<16xi32>
    %add3A_73 = arith.addi %mul3A_64, %add3A_72 : vector<16xi32>
    %swap3A_74 = arith.constant 2 : i32
    %swap3A_75 = arith.index_cast %swap3A_74 : i32 to index
    %swap3A_76 = arith.constant 0 : index
    %swap3A_77 = tpu.vector_load %arg9[%swap3A_75, %swap3A_76] {strides = array<i32>} : memref<8x80xi32, #tpu.memory_space<vmem>>, vector<16xi32>,
    tpu.vector_store %arg9[%swap3A_75, %swap3A_76], %add3A_73 {strides = array<i32>} : memref<8x80xi32, #tpu.memory_space<vmem>>, vector<16xi32>,
    %add3A_78 = arith.constant 2 : i32
    %add3A_79 = vector.broadcast %add3A_78 : i32 to vector<16xi32>
    %add3A_80 = arith.addi %mul3A_64, %add3A_79 : vector<16xi32>
    %swap3A_81 = arith.constant 4 : i32
    %swap3A_82 = arith.index_cast %swap3A_81 : i32 to index
    %swap3A_83 = arith.constant 0 : index
    %swap3A_84 = tpu.vector_load %arg9[%swap3A_82, %swap3A_83] {strides = array<i32>} : memref<8x80xi32, #tpu.memory_space<vmem>>, vector<16xi32>,
    tpu.vector_store %arg9[%swap3A_82, %swap3A_83], %add3A_80 {strides = array<i32>} : memref<8x80xi32, #tpu.memory_space<vmem>>, vector<16xi32>,
    %add3A_85 = arith.constant 3 : i32
    %add3A_86 = vector.broadcast %add3A_85 : i32 to vector<16xi32>
    %add3A_87 = arith.addi %mul3A_64, %add3A_86 : vector<16xi32>
    %swap3A_88 = arith.constant 6 : i32
    %swap3A_89 = arith.index_cast %swap3A_88 : i32 to index
    %swap3A_90 = arith.constant 0 : index
    %swap3A_91 = tpu.vector_load %arg9[%swap3A_89, %swap3A_90] {strides = array<i32>} : memref<8x80xi32, #tpu.memory_space<vmem>>, vector<16xi32>,
    tpu.vector_store %arg9[%swap3A_89, %swap3A_90], %add3A_87 {strides = array<i32>} : memref<8x80xi32, #tpu.memory_space<vmem>>, vector<16xi32>,
    %get3A_92 = arith.constant 0 : i32
    %get3A_93 = arith.index_cast %get3A_92 : i32 to index
    %get3A_94 = arith.constant 16 : index
    %get3A_95 = tpu.vector_load %arg8[%get3A_93, %get3A_94] {strides = array<i32>} : memref<2x80xi32, #tpu.memory_space<vmem>>, vector<16xi32>,
    %mul3A_96 = arith.constant 4 : i32
    %mul3A_97 = vector.broadcast %mul3A_96 : i32 to vector<16xi32>
    %mul3A_98 = arith.muli %get3A_95, %mul3A_97 : vector<16xi32>
    %add3A_99 = arith.constant 0 : i32
    %add3A_100 = vector.broadcast %add3A_99 : i32 to vector<16xi32>
    %add3A_101 = arith.addi %mul3A_98, %add3A_100 : vector<16xi32>
    %swap3A_102 = arith.constant 0 : i32
    %swap3A_103 = arith.index_cast %swap3A_102 : i32 to index
    %swap3A_104 = arith.constant 16 : index
    %swap3A_105 = tpu.vector_load %arg9[%swap3A_103, %swap3A_104] {strides = array<i32>} : memref<8x80xi32, #tpu.memory_space<vmem>>, vector<16xi32>,
    tpu.vector_store %arg9[%swap3A_103, %swap3A_104], %add3A_101 {strides = array<i32>} : memref<8x80xi32, #tpu.memory_space<vmem>>, vector<16xi32>,
    %add3A_106 = arith.constant 1 : i32
    %add3A_107 = vector.broadcast %add3A_106 : i32 to vector<16xi32>
    %add3A_108 = arith.addi %mul3A_98, %add3A_107 : vector<16xi32>
    %swap3A_109 = arith.constant 2 : i32
    %swap3A_110 = arith.index_cast %swap3A_109 : i32 to index
    %swap3A_111 = arith.constant 16 : index
    %swap3A_112 = tpu.vector_load %arg9[%swap3A_110, %swap3A_111] {strides = array<i32>} : memref<8x80xi32, #tpu.memory_space<vmem>>, vector<16xi32>,
    tpu.vector_store %arg9[%swap3A_110, %swap3A_111], %add3A_108 {strides = array<i32>} : memref<8x80xi32, #tpu.memory_space<vmem>>, vector<16xi32>,
    %add3A_113 = arith.constant 2 : i32
    %add3A_114 = vector.broadcast %add3A_113 : i32 to vector<16xi32>
    %add3A_115 = arith.addi %mul3A_98, %add3A_114 : vector<16xi32>
    %swap3A_116 = arith.constant 4 : i32
    %swap3A_117 = arith.index_cast %swap3A_116 : i32 to index
    %swap3A_118 = arith.constant 16 : index
    %swap3A_119 = tpu.vector_load %arg9[%swap3A_117, %swap3A_118] {strides = array<i32>} : memref<8x80xi32, #tpu.memory_space<vmem>>, vector<16xi32>,
    tpu.vector_store %arg9[%swap3A_117, %swap3A_118], %add3A_115 {strides = array<i32>} : memref<8x80xi32, #tpu.memory_space<vmem>>, vector<16xi32>,
    %add3A_120 = arith.constant 3 : i32
    %add3A_121 = vector.broadcast %add3A_120 : i32 to vector<16xi32>
    %add3A_122 = arith.addi %mul3A_98, %add3A_121 : vector<16xi32>
    %swap3A_123 = arith.constant 6 : i32
    %swap3A_124 = arith.index_cast %swap3A_123 : i32 to index
    %swap3A_125 = arith.constant 16 : index
    %swap3A_126 = tpu.vector_load %arg9[%swap3A_124, %swap3A_125] {strides = array<i32>} : memref<8x80xi32, #tpu.memory_space<vmem>>, vector<16xi32>,
    tpu.vector_store %arg9[%swap3A_124, %swap3A_125], %add3A_122 {strides = array<i32>} : memref<8x80xi32, #tpu.memory_space<vmem>>, vector<16xi32>,
    %get3A_127 = arith.constant 0 : i32
    %get3A_128 = arith.index_cast %get3A_127 : i32 to index
    %get3A_129 = arith.constant 32 : index
    %get3A_130 = tpu.vector_load %arg8[%get3A_128, %get3A_129] {strides = array<i32>} : memref<2x80xi32, #tpu.memory_space<vmem>>, vector<16xi32>,
    %mul3A_131 = arith.constant 4 : i32
    %mul3A_132 = vector.broadcast %mul3A_131 : i32 to vector<16xi32>
    %mul3A_133 = arith.muli %get3A_130, %mul3A_132 : vector<16xi32>
    %add3A_134 = arith.constant 0 : i32
    %add3A_135 = vector.broadcast %add3A_134 : i32 to vector<16xi32>
    %add3A_136 = arith.addi %mul3A_133, %add3A_135 : vector<16xi32>
    %swap3A_137 = arith.constant 0 : i32
    %swap3A_138 = arith.index_cast %swap3A_137 : i32 to index
    %swap3A_139 = arith.constant 32 : index
    %swap3A_140 = tpu.vector_load %arg9[%swap3A_138, %swap3A_139] {strides = array<i32>} : memref<8x80xi32, #tpu.memory_space<vmem>>, vector<16xi32>,
    tpu.vector_store %arg9[%swap3A_138, %swap3A_139], %add3A_136 {strides = array<i32>} : memref<8x80xi32, #tpu.memory_space<vmem>>, vector<16xi32>,
    %add3A_141 = arith.constant 1 : i32
    %add3A_142 = vector.broadcast %add3A_141 : i32 to vector<16xi32>
    %add3A_143 = arith.addi %mul3A_133, %add3A_142 : vector<16xi32>
    %swap3A_144 = arith.constant 2 : i32
    %swap3A_145 = arith.index_cast %swap3A_144 : i32 to index
    %swap3A_146 = arith.constant 32 : index
    %swap3A_147 = tpu.vector_load %arg9[%swap3A_145, %swap3A_146] {strides = array<i32>} : memref<8x80xi32, #tpu.memory_space<vmem>>, vector<16xi32>,
    tpu.vector_store %arg9[%swap3A_145, %swap3A_146], %add3A_143 {strides = array<i32>} : memref<8x80xi32, #tpu.memory_space<vmem>>, vector<16xi32>,
    %add3A_148 = arith.constant 2 : i32
    %add3A_149 = vector.broadcast %add3A_148 : i32 to vector<16xi32>
    %add3A_150 = arith.addi %mul3A_133, %add3A_149 : vector<16xi32>
    %swap3A_151 = arith.constant 4 : i32
    %swap3A_152 = arith.index_cast %swap3A_151 : i32 to index
    %swap3A_153 = arith.constant 32 : index
    %swap3A_154 = tpu.vector_load %arg9[%swap3A_152, %swap3A_153] {strides = array<i32>} : memref<8x80xi32, #tpu.memory_space<vmem>>, vector<16xi32>,
    tpu.vector_store %arg9[%swap3A_152, %swap3A_153], %add3A_150 {strides = array<i32>} : memref<8x80xi32, #tpu.memory_space<vmem>>, vector<16xi32>,
    %add3A_155 = arith.constant 3 : i32
    %add3A_156 = vector.broadcast %add3A_155 : i32 to vector<16xi32>
    %add3A_157 = arith.addi %mul3A_133, %add3A_156 : vector<16xi32>
    %swap3A_158 = arith.constant 6 : i32
    %swap3A_159 = arith.index_cast %swap3A_158 : i32 to index
    %swap3A_160 = arith.constant 32 : index
    %swap3A_161 = tpu.vector_load %arg9[%swap3A_159, %swap3A_160] {strides = array<i32>} : memref<8x80xi32, #tpu.memory_space<vmem>>, vector<16xi32>,
    tpu.vector_store %arg9[%swap3A_159, %swap3A_160], %add3A_157 {strides = array<i32>} : memref<8x80xi32, #tpu.memory_space<vmem>>, vector<16xi32>,
    %get3A_162 = arith.constant 0 : i32
    %get3A_163 = arith.index_cast %get3A_162 : i32 to index
    %get3A_164 = arith.constant 48 : index
    %get3A_165 = tpu.vector_load %arg8[%get3A_163, %get3A_164] {strides = array<i32>} : memref<2x80xi32, #tpu.memory_space<vmem>>, vector<16xi32>,
    %mul3A_166 = arith.constant 4 : i32
    %mul3A_167 = vector.broadcast %mul3A_166 : i32 to vector<16xi32>
    %mul3A_168 = arith.muli %get3A_165, %mul3A_167 : vector<16xi32>
    %add3A_169 = arith.constant 0 : i32
    %add3A_170 = vector.broadcast %add3A_169 : i32 to vector<16xi32>
    %add3A_171 = arith.addi %mul3A_168, %add3A_170 : vector<16xi32>
    %swap3A_172 = arith.constant 0 : i32
    %swap3A_173 = arith.index_cast %swap3A_172 : i32 to index
    %swap3A_174 = arith.constant 48 : index
    %swap3A_175 = tpu.vector_load %arg9[%swap3A_173, %swap3A_174] {strides = array<i32>} : memref<8x80xi32, #tpu.memory_space<vmem>>, vector<16xi32>,
    tpu.vector_store %arg9[%swap3A_173, %swap3A_174], %add3A_171 {strides = array<i32>} : memref<8x80xi32, #tpu.memory_space<vmem>>, vector<16xi32>,
    %add3A_176 = arith.constant 1 : i32
    %add3A_177 = vector.broadcast %add3A_176 : i32 to vector<16xi32>
    %add3A_178 = arith.addi %mul3A_168, %add3A_177 : vector<16xi32>
    %swap3A_179 = arith.constant 2 : i32
    %swap3A_180 = arith.index_cast %swap3A_179 : i32 to index
    %swap3A_181 = arith.constant 48 : index
    %swap3A_182 = tpu.vector_load %arg9[%swap3A_180, %swap3A_181] {strides = array<i32>} : memref<8x80xi32, #tpu.memory_space<vmem>>, vector<16xi32>,
    tpu.vector_store %arg9[%swap3A_180, %swap3A_181], %add3A_178 {strides = array<i32>} : memref<8x80xi32, #tpu.memory_space<vmem>>, vector<16xi32>,
    %add3A_183 = arith.constant 2 : i32
    %add3A_184 = vector.broadcast %add3A_183 : i32 to vector<16xi32>
    %add3A_185 = arith.addi %mul3A_168, %add3A_184 : vector<16xi32>
    %swap3A_186 = arith.constant 4 : i32
    %swap3A_187 = arith.index_cast %swap3A_186 : i32 to index
    %swap3A_188 = arith.constant 48 : index
    %swap3A_189 = tpu.vector_load %arg9[%swap3A_187, %swap3A_188] {strides = array<i32>} : memref<8x80xi32, #tpu.memory_space<vmem>>, vector<16xi32>,
    tpu.vector_store %arg9[%swap3A_187, %swap3A_188], %add3A_185 {strides = array<i32>} : memref<8x80xi32, #tpu.memory_space<vmem>>, vector<16xi32>,
    %add3A_190 = arith.constant 3 : i32
    %add3A_191 = vector.broadcast %add3A_190 : i32 to vector<16xi32>
    %add3A_192 = arith.addi %mul3A_168, %add3A_191 : vector<16xi32>
    %swap3A_193 = arith.constant 6 : i32
    %swap3A_194 = arith.index_cast %swap3A_193 : i32 to index
    %swap3A_195 = arith.constant 48 : index
    %swap3A_196 = tpu.vector_load %arg9[%swap3A_194, %swap3A_195] {strides = array<i32>} : memref<8x80xi32, #tpu.memory_space<vmem>>, vector<16xi32>,
    tpu.vector_store %arg9[%swap3A_194, %swap3A_195], %add3A_192 {strides = array<i32>} : memref<8x80xi32, #tpu.memory_space<vmem>>, vector<16xi32>,
    %get3A_197 = arith.constant 0 : i32
    %get3A_198 = arith.index_cast %get3A_197 : i32 to index
    %get3A_199 = arith.constant 64 : index
    %get3A_200 = tpu.vector_load %arg8[%get3A_198, %get3A_199] {strides = array<i32>} : memref<2x80xi32, #tpu.memory_space<vmem>>, vector<16xi32>,
    %mul3A_201 = arith.constant 4 : i32
    %mul3A_202 = vector.broadcast %mul3A_201 : i32 to vector<16xi32>
    %mul3A_203 = arith.muli %get3A_200, %mul3A_202 : vector<16xi32>
    %add3A_204 = arith.constant 0 : i32
    %add3A_205 = vector.broadcast %add3A_204 : i32 to vector<16xi32>
    %add3A_206 = arith.addi %mul3A_203, %add3A_205 : vector<16xi32>
    %swap3A_207 = arith.constant 0 : i32
    %swap3A_208 = arith.index_cast %swap3A_207 : i32 to index
    %swap3A_209 = arith.constant 64 : index
    %swap3A_210 = tpu.vector_load %arg9[%swap3A_208, %swap3A_209] {strides = array<i32>} : memref<8x80xi32, #tpu.memory_space<vmem>>, vector<16xi32>,
    tpu.vector_store %arg9[%swap3A_208, %swap3A_209], %add3A_206 {strides = array<i32>} : memref<8x80xi32, #tpu.memory_space<vmem>>, vector<16xi32>,
    %add3A_211 = arith.constant 1 : i32
    %add3A_212 = vector.broadcast %add3A_211 : i32 to vector<16xi32>
    %add3A_213 = arith.addi %mul3A_203, %add3A_212 : vector<16xi32>
    %swap3A_214 = arith.constant 2 : i32
    %swap3A_215 = arith.index_cast %swap3A_214 : i32 to index
    %swap3A_216 = arith.constant 64 : index
    %swap3A_217 = tpu.vector_load %arg9[%swap3A_215, %swap3A_216] {strides = array<i32>} : memref<8x80xi32, #tpu.memory_space<vmem>>, vector<16xi32>,
    tpu.vector_store %arg9[%swap3A_215, %swap3A_216], %add3A_213 {strides = array<i32>} : memref<8x80xi32, #tpu.memory_space<vmem>>, vector<16xi32>,
    %add3A_218 = arith.constant 2 : i32
    %add3A_219 = vector.broadcast %add3A_218 : i32 to vector<16xi32>
    %add3A_220 = arith.addi %mul3A_203, %add3A_219 : vector<16xi32>
    %swap3A_221 = arith.constant 4 : i32
    %swap3A_222 = arith.index_cast %swap3A_221 : i32 to index
    %swap3A_223 = arith.constant 64 : index
    %swap3A_224 = tpu.vector_load %arg9[%swap3A_222, %swap3A_223] {strides = array<i32>} : memref<8x80xi32, #tpu.memory_space<vmem>>, vector<16xi32>,
    tpu.vector_store %arg9[%swap3A_222, %swap3A_223], %add3A_220 {strides = array<i32>} : memref<8x80xi32, #tpu.memory_space<vmem>>, vector<16xi32>,
    %add3A_225 = arith.constant 3 : i32
    %add3A_226 = vector.broadcast %add3A_225 : i32 to vector<16xi32>
    %add3A_227 = arith.addi %mul3A_203, %add3A_226 : vector<16xi32>
    %swap3A_228 = arith.constant 6 : i32
    %swap3A_229 = arith.index_cast %swap3A_228 : i32 to index
    %swap3A_230 = arith.constant 64 : index
    %swap3A_231 = tpu.vector_load %arg9[%swap3A_229, %swap3A_230] {strides = array<i32>} : memref<8x80xi32, #tpu.memory_space<vmem>>, vector<16xi32>,
    tpu.vector_store %arg9[%swap3A_229, %swap3A_230], %add3A_227 {strides = array<i32>} : memref<8x80xi32, #tpu.memory_space<vmem>>, vector<16xi32>,
    %get3A_232 = arith.constant 1 : i32
    %get3A_233 = arith.index_cast %get3A_232 : i32 to index
    %get3A_234 = arith.constant 0 : index
    %get3A_235 = tpu.vector_load %arg8[%get3A_233, %get3A_234] {strides = array<i32>} : memref<2x80xi32, #tpu.memory_space<vmem>>, vector<16xi32>,
    %mul3A_236 = arith.constant 4 : i32
    %mul3A_237 = vector.broadcast %mul3A_236 : i32 to vector<16xi32>
    %mul3A_238 = arith.muli %get3A_235, %mul3A_237 : vector<16xi32>
    %add3A_239 = arith.constant 0 : i32
    %add3A_240 = vector.broadcast %add3A_239 : i32 to vector<16xi32>
    %add3A_241 = arith.addi %mul3A_238, %add3A_240 : vector<16xi32>
    %swap3A_242 = arith.constant 1 : i32
    %swap3A_243 = arith.index_cast %swap3A_242 : i32 to index
    %swap3A_244 = arith.constant 0 : index
    %swap3A_245 = tpu.vector_load %arg9[%swap3A_243, %swap3A_244] {strides = array<i32>} : memref<8x80xi32, #tpu.memory_space<vmem>>, vector<16xi32>,
    tpu.vector_store %arg9[%swap3A_243, %swap3A_244], %add3A_241 {strides = array<i32>} : memref<8x80xi32, #tpu.memory_space<vmem>>, vector<16xi32>,
    %add3A_246 = arith.constant 1 : i32
    %add3A_247 = vector.broadcast %add3A_246 : i32 to vector<16xi32>
    %add3A_248 = arith.addi %mul3A_238, %add3A_247 : vector<16xi32>
    %swap3A_249 = arith.constant 3 : i32
    %swap3A_250 = arith.index_cast %swap3A_249 : i32 to index
    %swap3A_251 = arith.constant 0 : index
    %swap3A_252 = tpu.vector_load %arg9[%swap3A_250, %swap3A_251] {strides = array<i32>} : memref<8x80xi32, #tpu.memory_space<vmem>>, vector<16xi32>,
    tpu.vector_store %arg9[%swap3A_250, %swap3A_251], %add3A_248 {strides = array<i32>} : memref<8x80xi32, #tpu.memory_space<vmem>>, vector<16xi32>,
    %add3A_253 = arith.constant 2 : i32
    %add3A_254 = vector.broadcast %add3A_253 : i32 to vector<16xi32>
    %add3A_255 = arith.addi %mul3A_238, %add3A_254 : vector<16xi32>
    %swap3A_256 = arith.constant 5 : i32
    %swap3A_257 = arith.index_cast %swap3A_256 : i32 to index
    %swap3A_258 = arith.constant 0 : index
    %swap3A_259 = tpu.vector_load %arg9[%swap3A_257, %swap3A_258] {strides = array<i32>} : memref<8x80xi32, #tpu.memory_space<vmem>>, vector<16xi32>,
    tpu.vector_store %arg9[%swap3A_257, %swap3A_258], %add3A_255 {strides = array<i32>} : memref<8x80xi32, #tpu.memory_space<vmem>>, vector<16xi32>,
    %add3A_260 = arith.constant 3 : i32
    %add3A_261 = vector.broadcast %add3A_260 : i32 to vector<16xi32>
    %add3A_262 = arith.addi %mul3A_238, %add3A_261 : vector<16xi32>
    %swap3A_263 = arith.constant 7 : i32
    %swap3A_264 = arith.index_cast %swap3A_263 : i32 to index
    %swap3A_265 = arith.constant 0 : index
    %swap3A_266 = tpu.vector_load %arg9[%swap3A_264, %swap3A_265] {strides = array<i32>} : memref<8x80xi32, #tpu.memory_space<vmem>>, vector<16xi32>,
    tpu.vector_store %arg9[%swap3A_264, %swap3A_265], %add3A_262 {strides = array<i32>} : memref<8x80xi32, #tpu.memory_space<vmem>>, vector<16xi32>,
    %get3A_267 = arith.constant 1 : i32
    %get3A_268 = arith.index_cast %get3A_267 : i32 to index
    %get3A_269 = arith.constant 16 : index
    %get3A_270 = tpu.vector_load %arg8[%get3A_268, %get3A_269] {strides = array<i32>} : memref<2x80xi32, #tpu.memory_space<vmem>>, vector<16xi32>,
    %mul3A_271 = arith.constant 4 : i32
    %mul3A_272 = vector.broadcast %mul3A_271 : i32 to vector<16xi32>
    %mul3A_273 = arith.muli %get3A_270, %mul3A_272 : vector<16xi32>
    %add3A_274 = arith.constant 0 : i32
    %add3A_275 = vector.broadcast %add3A_274 : i32 to vector<16xi32>
    %add3A_276 = arith.addi %mul3A_273, %add3A_275 : vector<16xi32>
    %swap3A_277 = arith.constant 1 : i32
    %swap3A_278 = arith.index_cast %swap3A_277 : i32 to index
    %swap3A_279 = arith.constant 16 : index
    %swap3A_280 = tpu.vector_load %arg9[%swap3A_278, %swap3A_279] {strides = array<i32>} : memref<8x80xi32, #tpu.memory_space<vmem>>, vector<16xi32>,
    tpu.vector_store %arg9[%swap3A_278, %swap3A_279], %add3A_276 {strides = array<i32>} : memref<8x80xi32, #tpu.memory_space<vmem>>, vector<16xi32>,
    %add3A_281 = arith.constant 1 : i32
    %add3A_282 = vector.broadcast %add3A_281 : i32 to vector<16xi32>
    %add3A_283 = arith.addi %mul3A_273, %add3A_282 : vector<16xi32>
    %swap3A_284 = arith.constant 3 : i32
    %swap3A_285 = arith.index_cast %swap3A_284 : i32 to index
    %swap3A_286 = arith.constant 16 : index
    %swap3A_287 = tpu.vector_load %arg9[%swap3A_285, %swap3A_286] {strides = array<i32>} : memref<8x80xi32, #tpu.memory_space<vmem>>, vector<16xi32>,
    tpu.vector_store %arg9[%swap3A_285, %swap3A_286], %add3A_283 {strides = array<i32>} : memref<8x80xi32, #tpu.memory_space<vmem>>, vector<16xi32>,
    %add3A_288 = arith.constant 2 : i32
    %add3A_289 = vector.broadcast %add3A_288 : i32 to vector<16xi32>
    %add3A_290 = arith.addi %mul3A_273, %add3A_289 : vector<16xi32>
    %swap3A_291 = arith.constant 5 : i32
    %swap3A_292 = arith.index_cast %swap3A_291 : i32 to index
    %swap3A_293 = arith.constant 16 : index
    %swap3A_294 = tpu.vector_load %arg9[%swap3A_292, %swap3A_293] {strides = array<i32>} : memref<8x80xi32, #tpu.memory_space<vmem>>, vector<16xi32>,
    tpu.vector_store %arg9[%swap3A_292, %swap3A_293], %add3A_290 {strides = array<i32>} : memref<8x80xi32, #tpu.memory_space<vmem>>, vector<16xi32>,
    %add3A_295 = arith.constant 3 : i32
    %add3A_296 = vector.broadcast %add3A_295 : i32 to vector<16xi32>
    %add3A_297 = arith.addi %mul3A_273, %add3A_296 : vector<16xi32>
    %swap3A_298 = arith.constant 7 : i32
    %swap3A_299 = arith.index_cast %swap3A_298 : i32 to index
    %swap3A_300 = arith.constant 16 : index
    %swap3A_301 = tpu.vector_load %arg9[%swap3A_299, %swap3A_300] {strides = array<i32>} : memref<8x80xi32, #tpu.memory_space<vmem>>, vector<16xi32>,
    tpu.vector_store %arg9[%swap3A_299, %swap3A_300], %add3A_297 {strides = array<i32>} : memref<8x80xi32, #tpu.memory_space<vmem>>, vector<16xi32>,
    %get3A_302 = arith.constant 1 : i32
    %get3A_303 = arith.index_cast %get3A_302 : i32 to index
    %get3A_304 = arith.constant 32 : index
    %get3A_305 = tpu.vector_load %arg8[%get3A_303, %get3A_304] {strides = array<i32>} : memref<2x80xi32, #tpu.memory_space<vmem>>, vector<16xi32>,
    %mul3A_306 = arith.constant 4 : i32
    %mul3A_307 = vector.broadcast %mul3A_306 : i32 to vector<16xi32>
    %mul3A_308 = arith.muli %get3A_305, %mul3A_307 : vector<16xi32>
    %add3A_309 = arith.constant 0 : i32
    %add3A_310 = vector.broadcast %add3A_309 : i32 to vector<16xi32>
    %add3A_311 = arith.addi %mul3A_308, %add3A_310 : vector<16xi32>
    %swap3A_312 = arith.constant 1 : i32
    %swap3A_313 = arith.index_cast %swap3A_312 : i32 to index
    %swap3A_314 = arith.constant 32 : index
    %swap3A_315 = tpu.vector_load %arg9[%swap3A_313, %swap3A_314] {strides = array<i32>} : memref<8x80xi32, #tpu.memory_space<vmem>>, vector<16xi32>,
    tpu.vector_store %arg9[%swap3A_313, %swap3A_314], %add3A_311 {strides = array<i32>} : memref<8x80xi32, #tpu.memory_space<vmem>>, vector<16xi32>,
    %add3A_316 = arith.constant 1 : i32
    %add3A_317 = vector.broadcast %add3A_316 : i32 to vector<16xi32>
    %add3A_318 = arith.addi %mul3A_308, %add3A_317 : vector<16xi32>
    %swap3A_319 = arith.constant 3 : i32
    %swap3A_320 = arith.index_cast %swap3A_319 : i32 to index
    %swap3A_321 = arith.constant 32 : index
    %swap3A_322 = tpu.vector_load %arg9[%swap3A_320, %swap3A_321] {strides = array<i32>} : memref<8x80xi32, #tpu.memory_space<vmem>>, vector<16xi32>,
    tpu.vector_store %arg9[%swap3A_320, %swap3A_321], %add3A_318 {strides = array<i32>} : memref<8x80xi32, #tpu.memory_space<vmem>>, vector<16xi32>,
    %add3A_323 = arith.constant 2 : i32
    %add3A_324 = vector.broadcast %add3A_323 : i32 to vector<16xi32>
    %add3A_325 = arith.addi %mul3A_308, %add3A_324 : vector<16xi32>
    %swap3A_326 = arith.constant 5 : i32
    %swap3A_327 = arith.index_cast %swap3A_326 : i32 to index
    %swap3A_328 = arith.constant 32 : index
    %swap3A_329 = tpu.vector_load %arg9[%swap3A_327, %swap3A_328] {strides = array<i32>} : memref<8x80xi32, #tpu.memory_space<vmem>>, vector<16xi32>,
    tpu.vector_store %arg9[%swap3A_327, %swap3A_328], %add3A_325 {strides = array<i32>} : memref<8x80xi32, #tpu.memory_space<vmem>>, vector<16xi32>,
    %add3A_330 = arith.constant 3 : i32
    %add3A_331 = vector.broadcast %add3A_330 : i32 to vector<16xi32>
    %add3A_332 = arith.addi %mul3A_308, %add3A_331 : vector<16xi32>
    %swap3A_333 = arith.constant 7 : i32
    %swap3A_334 = arith.index_cast %swap3A_333 : i32 to index
    %swap3A_335 = arith.constant 32 : index
    %swap3A_336 = tpu.vector_load %arg9[%swap3A_334, %swap3A_335] {strides = array<i32>} : memref<8x80xi32, #tpu.memory_space<vmem>>, vector<16xi32>,
    tpu.vector_store %arg9[%swap3A_334, %swap3A_335], %add3A_332 {strides = array<i32>} : memref<8x80xi32, #tpu.memory_space<vmem>>, vector<16xi32>,
    %get3A_337 = arith.constant 1 : i32
    %get3A_338 = arith.index_cast %get3A_337 : i32 to index
    %get3A_339 = arith.constant 48 : index
    %get3A_340 = tpu.vector_load %arg8[%get3A_338, %get3A_339] {strides = array<i32>} : memref<2x80xi32, #tpu.memory_space<vmem>>, vector<16xi32>,
    %mul3A_341 = arith.constant 4 : i32
    %mul3A_342 = vector.broadcast %mul3A_341 : i32 to vector<16xi32>
    %mul3A_343 = arith.muli %get3A_340, %mul3A_342 : vector<16xi32>
    %add3A_344 = arith.constant 0 : i32
    %add3A_345 = vector.broadcast %add3A_344 : i32 to vector<16xi32>
    %add3A_346 = arith.addi %mul3A_343, %add3A_345 : vector<16xi32>
    %swap3A_347 = arith.constant 1 : i32
    %swap3A_348 = arith.index_cast %swap3A_347 : i32 to index
    %swap3A_349 = arith.constant 48 : index
    %swap3A_350 = tpu.vector_load %arg9[%swap3A_348, %swap3A_349] {strides = array<i32>} : memref<8x80xi32, #tpu.memory_space<vmem>>, vector<16xi32>,
    tpu.vector_store %arg9[%swap3A_348, %swap3A_349], %add3A_346 {strides = array<i32>} : memref<8x80xi32, #tpu.memory_space<vmem>>, vector<16xi32>,
    %add3A_351 = arith.constant 1 : i32
    %add3A_352 = vector.broadcast %add3A_351 : i32 to vector<16xi32>
    %add3A_353 = arith.addi %mul3A_343, %add3A_352 : vector<16xi32>
    %swap3A_354 = arith.constant 3 : i32
    %swap3A_355 = arith.index_cast %swap3A_354 : i32 to index
    %swap3A_356 = arith.constant 48 : index
    %swap3A_357 = tpu.vector_load %arg9[%swap3A_355, %swap3A_356] {strides = array<i32>} : memref<8x80xi32, #tpu.memory_space<vmem>>, vector<16xi32>,
    tpu.vector_store %arg9[%swap3A_355, %swap3A_356], %add3A_353 {strides = array<i32>} : memref<8x80xi32, #tpu.memory_space<vmem>>, vector<16xi32>,
    %add3A_358 = arith.constant 2 : i32
    %add3A_359 = vector.broadcast %add3A_358 : i32 to vector<16xi32>
    %add3A_360 = arith.addi %mul3A_343, %add3A_359 : vector<16xi32>
    %swap3A_361 = arith.constant 5 : i32
    %swap3A_362 = arith.index_cast %swap3A_361 : i32 to index
    %swap3A_363 = arith.constant 48 : index
    %swap3A_364 = tpu.vector_load %arg9[%swap3A_362, %swap3A_363] {strides = array<i32>} : memref<8x80xi32, #tpu.memory_space<vmem>>, vector<16xi32>,
    tpu.vector_store %arg9[%swap3A_362, %swap3A_363], %add3A_360 {strides = array<i32>} : memref<8x80xi32, #tpu.memory_space<vmem>>, vector<16xi32>,
    %add3A_365 = arith.constant 3 : i32
    %add3A_366 = vector.broadcast %add3A_365 : i32 to vector<16xi32>
    %add3A_367 = arith.addi %mul3A_343, %add3A_366 : vector<16xi32>
    %swap3A_368 = arith.constant 7 : i32
    %swap3A_369 = arith.index_cast %swap3A_368 : i32 to index
    %swap3A_370 = arith.constant 48 : index
    %swap3A_371 = tpu.vector_load %arg9[%swap3A_369, %swap3A_370] {strides = array<i32>} : memref<8x80xi32, #tpu.memory_space<vmem>>, vector<16xi32>,
    tpu.vector_store %arg9[%swap3A_369, %swap3A_370], %add3A_367 {strides = array<i32>} : memref<8x80xi32, #tpu.memory_space<vmem>>, vector<16xi32>,
    %get3A_372 = arith.constant 1 : i32
    %get3A_373 = arith.index_cast %get3A_372 : i32 to index
    %get3A_374 = arith.constant 64 : index
    %get3A_375 = tpu.vector_load %arg8[%get3A_373, %get3A_374] {strides = array<i32>} : memref<2x80xi32, #tpu.memory_space<vmem>>, vector<16xi32>,
    %mul3A_376 = arith.constant 4 : i32
    %mul3A_377 = vector.broadcast %mul3A_376 : i32 to vector<16xi32>
    %mul3A_378 = arith.muli %get3A_375, %mul3A_377 : vector<16xi32>
    %add3A_379 = arith.constant 0 : i32
    %add3A_380 = vector.broadcast %add3A_379 : i32 to vector<16xi32>
    %add3A_381 = arith.addi %mul3A_378, %add3A_380 : vector<16xi32>
    %swap3A_382 = arith.constant 1 : i32
    %swap3A_383 = arith.index_cast %swap3A_382 : i32 to index
    %swap3A_384 = arith.constant 64 : index
    %swap3A_385 = tpu.vector_load %arg9[%swap3A_383, %swap3A_384] {strides = array<i32>} : memref<8x80xi32, #tpu.memory_space<vmem>>, vector<16xi32>,
    tpu.vector_store %arg9[%swap3A_383, %swap3A_384], %add3A_381 {strides = array<i32>} : memref<8x80xi32, #tpu.memory_space<vmem>>, vector<16xi32>,
    %add3A_386 = arith.constant 1 : i32
    %add3A_387 = vector.broadcast %add3A_386 : i32 to vector<16xi32>
    %add3A_388 = arith.addi %mul3A_378, %add3A_387 : vector<16xi32>
    %swap3A_389 = arith.constant 3 : i32
    %swap3A_390 = arith.index_cast %swap3A_389 : i32 to index
    %swap3A_391 = arith.constant 64 : index
    %swap3A_392 = tpu.vector_load %arg9[%swap3A_390, %swap3A_391] {strides = array<i32>} : memref<8x80xi32, #tpu.memory_space<vmem>>, vector<16xi32>,
    tpu.vector_store %arg9[%swap3A_390, %swap3A_391], %add3A_388 {strides = array<i32>} : memref<8x80xi32, #tpu.memory_space<vmem>>, vector<16xi32>,
    %add3A_393 = arith.constant 2 : i32
    %add3A_394 = vector.broadcast %add3A_393 : i32 to vector<16xi32>
    %add3A_395 = arith.addi %mul3A_378, %add3A_394 : vector<16xi32>
    %swap3A_396 = arith.constant 5 : i32
    %swap3A_397 = arith.index_cast %swap3A_396 : i32 to index
    %swap3A_398 = arith.constant 64 : index
    %swap3A_399 = tpu.vector_load %arg9[%swap3A_397, %swap3A_398] {strides = array<i32>} : memref<8x80xi32, #tpu.memory_space<vmem>>, vector<16xi32>,
    tpu.vector_store %arg9[%swap3A_397, %swap3A_398], %add3A_395 {strides = array<i32>} : memref<8x80xi32, #tpu.memory_space<vmem>>, vector<16xi32>,
    %add3A_400 = arith.constant 3 : i32
    %add3A_401 = vector.broadcast %add3A_400 : i32 to vector<16xi32>
    %add3A_402 = arith.addi %mul3A_378, %add3A_401 : vector<16xi32>
    %swap3A_403 = arith.constant 7 : i32
    %swap3A_404 = arith.index_cast %swap3A_403 : i32 to index
    %swap3A_405 = arith.constant 64 : index
    %swap3A_406 = tpu.vector_load %arg9[%swap3A_404, %swap3A_405] {strides = array<i32>} : memref<8x80xi32, #tpu.memory_space<vmem>>, vector<16xi32>,
    tpu.vector_store %arg9[%swap3A_404, %swap3A_405], %add3A_402 {strides = array<i32>} : memref<8x80xi32, #tpu.memory_space<vmem>>, vector<16xi32>,
    %dma_start3A_407 = arith.constant 0 : i32
    %dma_start3A_408 = arith.constant 0 : i32
    %dma_start3A_409 = arith.constant 0 : i32
    %dma_start3A_410 = tpu.memref_slice %arg10[%dma_start3A_408, %dma_start3A_409] : memref<8x80xf32, #tpu.memory_space<vmem>> -> memref<1x80xf32, #tpu.memory_space<vmem>>
    %dma_start3A_411 = tpu.memref_squeeze %dma_start3A_410 : memref<1x80xf32, #tpu.memory_space<vmem>> -> memref<80xf32, #tpu.memory_space<vmem>>
    %dma_start3A_412 = arith.constant 0 : i32
    %dma_start3A_413 = tpu.memref_slice %arg9[%dma_start3A_407, %dma_start3A_412] : memref<8x80xi32, #tpu.memory_space<vmem>> -> memref<1x80xi32, #tpu.memory_space<vmem>>
    %dma_start3A_414 = tpu.memref_squeeze %dma_start3A_413 : memref<1x80xi32, #tpu.memory_space<vmem>> -> memref<80xi32, #tpu.memory_space<vmem>>
    %dma_start3A_415 = arith.constant 0 : i32
    %dma_start3A_416 = tpu.memref_slice %arg2[%dma_start3A_415] : memref<20352xf32, #tpu.memory_space<hbm>> -> memref<20352xf32, #tpu.memory_space<hbm>>
    tpu.enqueue_indirect_dma source(%dma_start3A_416 : memref<20352xf32, #tpu.memory_space<hbm>>) target(%dma_start3A_411 : memref<80xf32, #tpu.memory_space<vmem>>) offsets(%dma_start3A_414 : memref<80xi32, #tpu.memory_space<vmem>>) semaphore(%arg11 : memref<!tpu.dma_semaphore, #tpu.memory_space<semaphore_mem>>)
    %dma_wait3A_417 = arith.constant 0 : i32
    %dma_wait3A_418 = arith.constant 0 : i32
    %dma_wait3A_419 = arith.constant 0 : i32
    %dma_wait3A_420 = tpu.memref_slice %arg10[%dma_wait3A_418, %dma_wait3A_419] : memref<8x80xf32, #tpu.memory_space<vmem>> -> memref<1x80xf32, #tpu.memory_space<vmem>>
    %dma_wait3A_421 = tpu.memref_squeeze %dma_wait3A_420 : memref<1x80xf32, #tpu.memory_space<vmem>> -> memref<80xf32, #tpu.memory_space<vmem>>
    %dma_wait3A_422 = arith.constant 0 : i32
    %dma_wait3A_423 = tpu.memref_slice %arg9[%dma_wait3A_417, %dma_wait3A_422] : memref<8x80xi32, #tpu.memory_space<vmem>> -> memref<1x80xi32, #tpu.memory_space<vmem>>
    %dma_wait3A_424 = tpu.memref_squeeze %dma_wait3A_423 : memref<1x80xi32, #tpu.memory_space<vmem>> -> memref<80xi32, #tpu.memory_space<vmem>>
    %dma_wait3A_425 = arith.constant 0 : i32
    %dma_wait3A_426 = tpu.memref_slice %arg2[%dma_wait3A_425] : memref<20352xf32, #tpu.memory_space<hbm>> -> memref<20352xf32, #tpu.memory_space<hbm>>
    tpu.wait_indirect_dma semaphore(%arg11 : memref<!tpu.dma_semaphore, #tpu.memory_space<semaphore_mem>>) src(%dma_wait3A_426 : memref<20352xf32, #tpu.memory_space<hbm>>) dst(%dma_wait3A_421 : memref<80xf32, #tpu.memory_space<vmem>>)
    %dma_start3A_427 = arith.constant 1 : i32
    %dma_start3A_428 = arith.constant 1 : i32
    %dma_start3A_429 = arith.constant 0 : i32
    %dma_start3A_430 = tpu.memref_slice %arg10[%dma_start3A_428, %dma_start3A_429] : memref<8x80xf32, #tpu.memory_space<vmem>> -> memref<1x80xf32, #tpu.memory_space<vmem>>
    %dma_start3A_431 = tpu.memref_squeeze %dma_start3A_430 : memref<1x80xf32, #tpu.memory_space<vmem>> -> memref<80xf32, #tpu.memory_space<vmem>>
    %dma_start3A_432 = arith.constant 0 : i32
    %dma_start3A_433 = tpu.memref_slice %arg9[%dma_start3A_427, %dma_start3A_432] : memref<8x80xi32, #tpu.memory_space<vmem>> -> memref<1x80xi32, #tpu.memory_space<vmem>>
    %dma_start3A_434 = tpu.memref_squeeze %dma_start3A_433 : memref<1x80xi32, #tpu.memory_space<vmem>> -> memref<80xi32, #tpu.memory_space<vmem>>
    %dma_start3A_435 = arith.constant 0 : i32
    %dma_start3A_436 = tpu.memref_slice %arg2[%dma_start3A_435] : memref<20352xf32, #tpu.memory_space<hbm>> -> memref<20352xf32, #tpu.memory_space<hbm>>
    tpu.enqueue_indirect_dma source(%dma_start3A_436 : memref<20352xf32, #tpu.memory_space<hbm>>) target(%dma_start3A_431 : memref<80xf32, #tpu.memory_space<vmem>>) offsets(%dma_start3A_434 : memref<80xi32, #tpu.memory_space<vmem>>) semaphore(%arg11 : memref<!tpu.dma_semaphore, #tpu.memory_space<semaphore_mem>>)
    %dma_wait3A_437 = arith.constant 1 : i32
    %dma_wait3A_438 = arith.constant 1 : i32
    %dma_wait3A_439 = arith.constant 0 : i32
    %dma_wait3A_440 = tpu.memref_slice %arg10[%dma_wait3A_438, %dma_wait3A_439] : memref<8x80xf32, #tpu.memory_space<vmem>> -> memref<1x80xf32, #tpu.memory_space<vmem>>
    %dma_wait3A_441 = tpu.memref_squeeze %dma_wait3A_440 : memref<1x80xf32, #tpu.memory_space<vmem>> -> memref<80xf32, #tpu.memory_space<vmem>>
    %dma_wait3A_442 = arith.constant 0 : i32
    %dma_wait3A_443 = tpu.memref_slice %arg9[%dma_wait3A_437, %dma_wait3A_442] : memref<8x80xi32, #tpu.memory_space<vmem>> -> memref<1x80xi32, #tpu.memory_space<vmem>>
    %dma_wait3A_444 = tpu.memref_squeeze %dma_wait3A_443 : memref<1x80xi32, #tpu.memory_space<vmem>> -> memref<80xi32, #tpu.memory_space<vmem>>
    %dma_wait3A_445 = arith.constant 0 : i32
    %dma_wait3A_446 = tpu.memref_slice %arg2[%dma_wait3A_445] : memref<20352xf32, #tpu.memory_space<hbm>> -> memref<20352xf32, #tpu.memory_space<hbm>>
    tpu.wait_indirect_dma semaphore(%arg11 : memref<!tpu.dma_semaphore, #tpu.memory_space<semaphore_mem>>) src(%dma_wait3A_446 : memref<20352xf32, #tpu.memory_space<hbm>>) dst(%dma_wait3A_441 : memref<80xf32, #tpu.memory_space<vmem>>)
    %dma_start3A_447 = arith.constant 2 : i32
    %dma_start3A_448 = arith.constant 2 : i32
    %dma_start3A_449 = arith.constant 0 : i32
    %dma_start3A_450 = tpu.memref_slice %arg10[%dma_start3A_448, %dma_start3A_449] : memref<8x80xf32, #tpu.memory_space<vmem>> -> memref<1x80xf32, #tpu.memory_space<vmem>>
    %dma_start3A_451 = tpu.memref_squeeze %dma_start3A_450 : memref<1x80xf32, #tpu.memory_space<vmem>> -> memref<80xf32, #tpu.memory_space<vmem>>
    %dma_start3A_452 = arith.constant 0 : i32
    %dma_start3A_453 = tpu.memref_slice %arg9[%dma_start3A_447, %dma_start3A_452] : memref<8x80xi32, #tpu.memory_space<vmem>> -> memref<1x80xi32, #tpu.memory_space<vmem>>
    %dma_start3A_454 = tpu.memref_squeeze %dma_start3A_453 : memref<1x80xi32, #tpu.memory_space<vmem>> -> memref<80xi32, #tpu.memory_space<vmem>>
    %dma_start3A_455 = arith.constant 0 : i32
    %dma_start3A_456 = tpu.memref_slice %arg2[%dma_start3A_455] : memref<20352xf32, #tpu.memory_space<hbm>> -> memref<20352xf32, #tpu.memory_space<hbm>>
    tpu.enqueue_indirect_dma source(%dma_start3A_456 : memref<20352xf32, #tpu.memory_space<hbm>>) target(%dma_start3A_451 : memref<80xf32, #tpu.memory_space<vmem>>) offsets(%dma_start3A_454 : memref<80xi32, #tpu.memory_space<vmem>>) semaphore(%arg11 : memref<!tpu.dma_semaphore, #tpu.memory_space<semaphore_mem>>)
    %dma_wait3A_457 = arith.constant 2 : i32
    %dma_wait3A_458 = arith.constant 2 : i32
    %dma_wait3A_459 = arith.constant 0 : i32
    %dma_wait3A_460 = tpu.memref_slice %arg10[%dma_wait3A_458, %dma_wait3A_459] : memref<8x80xf32, #tpu.memory_space<vmem>> -> memref<1x80xf32, #tpu.memory_space<vmem>>
    %dma_wait3A_461 = tpu.memref_squeeze %dma_wait3A_460 : memref<1x80xf32, #tpu.memory_space<vmem>> -> memref<80xf32, #tpu.memory_space<vmem>>
    %dma_wait3A_462 = arith.constant 0 : i32
    %dma_wait3A_463 = tpu.memref_slice %arg9[%dma_wait3A_457, %dma_wait3A_462] : memref<8x80xi32, #tpu.memory_space<vmem>> -> memref<1x80xi32, #tpu.memory_space<vmem>>
    %dma_wait3A_464 = tpu.memref_squeeze %dma_wait3A_463 : memref<1x80xi32, #tpu.memory_space<vmem>> -> memref<80xi32, #tpu.memory_space<vmem>>
    %dma_wait3A_465 = arith.constant 0 : i32
    %dma_wait3A_466 = tpu.memref_slice %arg2[%dma_wait3A_465] : memref<20352xf32, #tpu.memory_space<hbm>> -> memref<20352xf32, #tpu.memory_space<hbm>>
    tpu.wait_indirect_dma semaphore(%arg11 : memref<!tpu.dma_semaphore, #tpu.memory_space<semaphore_mem>>) src(%dma_wait3A_466 : memref<20352xf32, #tpu.memory_space<hbm>>) dst(%dma_wait3A_461 : memref<80xf32, #tpu.memory_space<vmem>>)
    %dma_start3A_467 = arith.constant 3 : i32
    %dma_start3A_468 = arith.constant 3 : i32
    %dma_start3A_469 = arith.constant 0 : i32
    %dma_start3A_470 = tpu.memref_slice %arg10[%dma_start3A_468, %dma_start3A_469] : memref<8x80xf32, #tpu.memory_space<vmem>> -> memref<1x80xf32, #tpu.memory_space<vmem>>
    %dma_start3A_471 = tpu.memref_squeeze %dma_start3A_470 : memref<1x80xf32, #tpu.memory_space<vmem>> -> memref<80xf32, #tpu.memory_space<vmem>>
    %dma_start3A_472 = arith.constant 0 : i32
    %dma_start3A_473 = tpu.memref_slice %arg9[%dma_start3A_467, %dma_start3A_472] : memref<8x80xi32, #tpu.memory_space<vmem>> -> memref<1x80xi32, #tpu.memory_space<vmem>>
    %dma_start3A_474 = tpu.memref_squeeze %dma_start3A_473 : memref<1x80xi32, #tpu.memory_space<vmem>> -> memref<80xi32, #tpu.memory_space<vmem>>
    %dma_start3A_475 = arith.constant 0 : i32
    %dma_start3A_476 = tpu.memref_slice %arg2[%dma_start3A_475] : memref<20352xf32, #tpu.memory_space<hbm>> -> memref<20352xf32, #tpu.memory_space<hbm>>
    tpu.enqueue_indirect_dma source(%dma_start3A_476 : memref<20352xf32, #tpu.memory_space<hbm>>) target(%dma_start3A_471 : memref<80xf32, #tpu.memory_space<vmem>>) offsets(%dma_start3A_474 : memref<80xi32, #tpu.memory_space<vmem>>) semaphore(%arg11 : memref<!tpu.dma_semaphore, #tpu.memory_space<semaphore_mem>>)
    %dma_wait3A_477 = arith.constant 3 : i32
    %dma_wait3A_478 = arith.constant 3 : i32
    %dma_wait3A_479 = arith.constant 0 : i32
    %dma_wait3A_480 = tpu.memref_slice %arg10[%dma_wait3A_478, %dma_wait3A_479] : memref<8x80xf32, #tpu.memory_space<vmem>> -> memref<1x80xf32, #tpu.memory_space<vmem>>
    %dma_wait3A_481 = tpu.memref_squeeze %dma_wait3A_480 : memref<1x80xf32, #tpu.memory_space<vmem>> -> memref<80xf32, #tpu.memory_space<vmem>>
    %dma_wait3A_482 = arith.constant 0 : i32
    %dma_wait3A_483 = tpu.memref_slice %arg9[%dma_wait3A_477, %dma_wait3A_482] : memref<8x80xi32, #tpu.memory_space<vmem>> -> memref<1x80xi32, #tpu.memory_space<vmem>>
    %dma_wait3A_484 = tpu.memref_squeeze %dma_wait3A_483 : memref<1x80xi32, #tpu.memory_space<vmem>> -> memref<80xi32, #tpu.memory_space<vmem>>
    %dma_wait3A_485 = arith.constant 0 : i32
    %dma_wait3A_486 = tpu.memref_slice %arg2[%dma_wait3A_485] : memref<20352xf32, #tpu.memory_space<hbm>> -> memref<20352xf32, #tpu.memory_space<hbm>>
    tpu.wait_indirect_dma semaphore(%arg11 : memref<!tpu.dma_semaphore, #tpu.memory_space<semaphore_mem>>) src(%dma_wait3A_486 : memref<20352xf32, #tpu.memory_space<hbm>>) dst(%dma_wait3A_481 : memref<80xf32, #tpu.memory_space<vmem>>)
    %dma_start3A_487 = arith.constant 4 : i32
    %dma_start3A_488 = arith.constant 4 : i32
    %dma_start3A_489 = arith.constant 0 : i32
    %dma_start3A_490 = tpu.memref_slice %arg10[%dma_start3A_488, %dma_start3A_489] : memref<8x80xf32, #tpu.memory_space<vmem>> -> memref<1x80xf32, #tpu.memory_space<vmem>>
    %dma_start3A_491 = tpu.memref_squeeze %dma_start3A_490 : memref<1x80xf32, #tpu.memory_space<vmem>> -> memref<80xf32, #tpu.memory_space<vmem>>
    %dma_start3A_492 = arith.constant 0 : i32
    %dma_start3A_493 = tpu.memref_slice %arg9[%dma_start3A_487, %dma_start3A_492] : memref<8x80xi32, #tpu.memory_space<vmem>> -> memref<1x80xi32, #tpu.memory_space<vmem>>
    %dma_start3A_494 = tpu.memref_squeeze %dma_start3A_493 : memref<1x80xi32, #tpu.memory_space<vmem>> -> memref<80xi32, #tpu.memory_space<vmem>>
    %dma_start3A_495 = arith.constant 0 : i32
    %dma_start3A_496 = tpu.memref_slice %arg2[%dma_start3A_495] : memref<20352xf32, #tpu.memory_space<hbm>> -> memref<20352xf32, #tpu.memory_space<hbm>>
    tpu.enqueue_indirect_dma source(%dma_start3A_496 : memref<20352xf32, #tpu.memory_space<hbm>>) target(%dma_start3A_491 : memref<80xf32, #tpu.memory_space<vmem>>) offsets(%dma_start3A_494 : memref<80xi32, #tpu.memory_space<vmem>>) semaphore(%arg11 : memref<!tpu.dma_semaphore, #tpu.memory_space<semaphore_mem>>)
    %dma_wait3A_497 = arith.constant 4 : i32
    %dma_wait3A_498 = arith.constant 4 : i32
    %dma_wait3A_499 = arith.constant 0 : i32
    %dma_wait3A_500 = tpu.memref_slice %arg10[%dma_wait3A_498, %dma_wait3A_499] : memref<8x80xf32, #tpu.memory_space<vmem>> -> memref<1x80xf32, #tpu.memory_space<vmem>>
    %dma_wait3A_501 = tpu.memref_squeeze %dma_wait3A_500 : memref<1x80xf32, #tpu.memory_space<vmem>> -> memref<80xf32, #tpu.memory_space<vmem>>
    %dma_wait3A_502 = arith.constant 0 : i32
    %dma_wait3A_503 = tpu.memref_slice %arg9[%dma_wait3A_497, %dma_wait3A_502] : memref<8x80xi32, #tpu.memory_space<vmem>> -> memref<1x80xi32, #tpu.memory_space<vmem>>
    %dma_wait3A_504 = tpu.memref_squeeze %dma_wait3A_503 : memref<1x80xi32, #tpu.memory_space<vmem>> -> memref<80xi32, #tpu.memory_space<vmem>>
    %dma_wait3A_505 = arith.constant 0 : i32
    %dma_wait3A_506 = tpu.memref_slice %arg2[%dma_wait3A_505] : memref<20352xf32, #tpu.memory_space<hbm>> -> memref<20352xf32, #tpu.memory_space<hbm>>
    tpu.wait_indirect_dma semaphore(%arg11 : memref<!tpu.dma_semaphore, #tpu.memory_space<semaphore_mem>>) src(%dma_wait3A_506 : memref<20352xf32, #tpu.memory_space<hbm>>) dst(%dma_wait3A_501 : memref<80xf32, #tpu.memory_space<vmem>>)
    %dma_start3A_507 = arith.constant 5 : i32
    %dma_start3A_508 = arith.constant 5 : i32
    %dma_start3A_509 = arith.constant 0 : i32
    %dma_start3A_510 = tpu.memref_slice %arg10[%dma_start3A_508, %dma_start3A_509] : memref<8x80xf32, #tpu.memory_space<vmem>> -> memref<1x80xf32, #tpu.memory_space<vmem>>
    %dma_start3A_511 = tpu.memref_squeeze %dma_start3A_510 : memref<1x80xf32, #tpu.memory_space<vmem>> -> memref<80xf32, #tpu.memory_space<vmem>>
    %dma_start3A_512 = arith.constant 0 : i32
    %dma_start3A_513 = tpu.memref_slice %arg9[%dma_start3A_507, %dma_start3A_512] : memref<8x80xi32, #tpu.memory_space<vmem>> -> memref<1x80xi32, #tpu.memory_space<vmem>>
    %dma_start3A_514 = tpu.memref_squeeze %dma_start3A_513 : memref<1x80xi32, #tpu.memory_space<vmem>> -> memref<80xi32, #tpu.memory_space<vmem>>
    %dma_start3A_515 = arith.constant 0 : i32
    %dma_start3A_516 = tpu.memref_slice %arg2[%dma_start3A_515] : memref<20352xf32, #tpu.memory_space<hbm>> -> memref<20352xf32, #tpu.memory_space<hbm>>
    tpu.enqueue_indirect_dma source(%dma_start3A_516 : memref<20352xf32, #tpu.memory_space<hbm>>) target(%dma_start3A_511 : memref<80xf32, #tpu.memory_space<vmem>>) offsets(%dma_start3A_514 : memref<80xi32, #tpu.memory_space<vmem>>) semaphore(%arg11 : memref<!tpu.dma_semaphore, #tpu.memory_space<semaphore_mem>>)
    %dma_wait3A_517 = arith.constant 5 : i32
    %dma_wait3A_518 = arith.constant 5 : i32
    %dma_wait3A_519 = arith.constant 0 : i32
    %dma_wait3A_520 = tpu.memref_slice %arg10[%dma_wait3A_518, %dma_wait3A_519] : memref<8x80xf32, #tpu.memory_space<vmem>> -> memref<1x80xf32, #tpu.memory_space<vmem>>
    %dma_wait3A_521 = tpu.memref_squeeze %dma_wait3A_520 : memref<1x80xf32, #tpu.memory_space<vmem>> -> memref<80xf32, #tpu.memory_space<vmem>>
    %dma_wait3A_522 = arith.constant 0 : i32
    %dma_wait3A_523 = tpu.memref_slice %arg9[%dma_wait3A_517, %dma_wait3A_522] : memref<8x80xi32, #tpu.memory_space<vmem>> -> memref<1x80xi32, #tpu.memory_space<vmem>>
    %dma_wait3A_524 = tpu.memref_squeeze %dma_wait3A_523 : memref<1x80xi32, #tpu.memory_space<vmem>> -> memref<80xi32, #tpu.memory_space<vmem>>
    %dma_wait3A_525 = arith.constant 0 : i32
    %dma_wait3A_526 = tpu.memref_slice %arg2[%dma_wait3A_525] : memref<20352xf32, #tpu.memory_space<hbm>> -> memref<20352xf32, #tpu.memory_space<hbm>>
    tpu.wait_indirect_dma semaphore(%arg11 : memref<!tpu.dma_semaphore, #tpu.memory_space<semaphore_mem>>) src(%dma_wait3A_526 : memref<20352xf32, #tpu.memory_space<hbm>>) dst(%dma_wait3A_521 : memref<80xf32, #tpu.memory_space<vmem>>)
    %dma_start3A_527 = arith.constant 6 : i32
    %dma_start3A_528 = arith.constant 6 : i32
    %dma_start3A_529 = arith.constant 0 : i32
    %dma_start3A_530 = tpu.memref_slice %arg10[%dma_start3A_528, %dma_start3A_529] : memref<8x80xf32, #tpu.memory_space<vmem>> -> memref<1x80xf32, #tpu.memory_space<vmem>>
    %dma_start3A_531 = tpu.memref_squeeze %dma_start3A_530 : memref<1x80xf32, #tpu.memory_space<vmem>> -> memref<80xf32, #tpu.memory_space<vmem>>
    %dma_start3A_532 = arith.constant 0 : i32
    %dma_start3A_533 = tpu.memref_slice %arg9[%dma_start3A_527, %dma_start3A_532] : memref<8x80xi32, #tpu.memory_space<vmem>> -> memref<1x80xi32, #tpu.memory_space<vmem>>
    %dma_start3A_534 = tpu.memref_squeeze %dma_start3A_533 : memref<1x80xi32, #tpu.memory_space<vmem>> -> memref<80xi32, #tpu.memory_space<vmem>>
    %dma_start3A_535 = arith.constant 0 : i32
    %dma_start3A_536 = tpu.memref_slice %arg2[%dma_start3A_535] : memref<20352xf32, #tpu.memory_space<hbm>> -> memref<20352xf32, #tpu.memory_space<hbm>>
    tpu.enqueue_indirect_dma source(%dma_start3A_536 : memref<20352xf32, #tpu.memory_space<hbm>>) target(%dma_start3A_531 : memref<80xf32, #tpu.memory_space<vmem>>) offsets(%dma_start3A_534 : memref<80xi32, #tpu.memory_space<vmem>>) semaphore(%arg11 : memref<!tpu.dma_semaphore, #tpu.memory_space<semaphore_mem>>)
    %dma_wait3A_537 = arith.constant 6 : i32
    %dma_wait3A_538 = arith.constant 6 : i32
    %dma_wait3A_539 = arith.constant 0 : i32
    %dma_wait3A_540 = tpu.memref_slice %arg10[%dma_wait3A_538, %dma_wait3A_539] : memref<8x80xf32, #tpu.memory_space<vmem>> -> memref<1x80xf32, #tpu.memory_space<vmem>>
    %dma_wait3A_541 = tpu.memref_squeeze %dma_wait3A_540 : memref<1x80xf32, #tpu.memory_space<vmem>> -> memref<80xf32, #tpu.memory_space<vmem>>
    %dma_wait3A_542 = arith.constant 0 : i32
    %dma_wait3A_543 = tpu.memref_slice %arg9[%dma_wait3A_537, %dma_wait3A_542] : memref<8x80xi32, #tpu.memory_space<vmem>> -> memref<1x80xi32, #tpu.memory_space<vmem>>
    %dma_wait3A_544 = tpu.memref_squeeze %dma_wait3A_543 : memref<1x80xi32, #tpu.memory_space<vmem>> -> memref<80xi32, #tpu.memory_space<vmem>>
    %dma_wait3A_545 = arith.constant 0 : i32
    %dma_wait3A_546 = tpu.memref_slice %arg2[%dma_wait3A_545] : memref<20352xf32, #tpu.memory_space<hbm>> -> memref<20352xf32, #tpu.memory_space<hbm>>
    tpu.wait_indirect_dma semaphore(%arg11 : memref<!tpu.dma_semaphore, #tpu.memory_space<semaphore_mem>>) src(%dma_wait3A_546 : memref<20352xf32, #tpu.memory_space<hbm>>) dst(%dma_wait3A_541 : memref<80xf32, #tpu.memory_space<vmem>>)
    %dma_start3A_547 = arith.constant 7 : i32
    %dma_start3A_548 = arith.constant 7 : i32
    %dma_start3A_549 = arith.constant 0 : i32
    %dma_start3A_550 = tpu.memref_slice %arg10[%dma_start3A_548, %dma_start3A_549] : memref<8x80xf32, #tpu.memory_space<vmem>> -> memref<1x80xf32, #tpu.memory_space<vmem>>
    %dma_start3A_551 = tpu.memref_squeeze %dma_start3A_550 : memref<1x80xf32, #tpu.memory_space<vmem>> -> memref<80xf32, #tpu.memory_space<vmem>>
    %dma_start3A_552 = arith.constant 0 : i32
    %dma_start3A_553 = tpu.memref_slice %arg9[%dma_start3A_547, %dma_start3A_552] : memref<8x80xi32, #tpu.memory_space<vmem>> -> memref<1x80xi32, #tpu.memory_space<vmem>>
    %dma_start3A_554 = tpu.memref_squeeze %dma_start3A_553 : memref<1x80xi32, #tpu.memory_space<vmem>> -> memref<80xi32, #tpu.memory_space<vmem>>
    %dma_start3A_555 = arith.constant 0 : i32
    %dma_start3A_556 = tpu.memref_slice %arg2[%dma_start3A_555] : memref<20352xf32, #tpu.memory_space<hbm>> -> memref<20352xf32, #tpu.memory_space<hbm>>
    tpu.enqueue_indirect_dma source(%dma_start3A_556 : memref<20352xf32, #tpu.memory_space<hbm>>) target(%dma_start3A_551 : memref<80xf32, #tpu.memory_space<vmem>>) offsets(%dma_start3A_554 : memref<80xi32, #tpu.memory_space<vmem>>) semaphore(%arg11 : memref<!tpu.dma_semaphore, #tpu.memory_space<semaphore_mem>>)
    %dma_wait3A_557 = arith.constant 7 : i32
    %dma_wait3A_558 = arith.constant 7 : i32
    %dma_wait3A_559 = arith.constant 0 : i32
    %dma_wait3A_560 = tpu.memref_slice %arg10[%dma_wait3A_558, %dma_wait3A_559] : memref<8x80xf32, #tpu.memory_space<vmem>> -> memref<1x80xf32, #tpu.memory_space<vmem>>
    %dma_wait3A_561 = tpu.memref_squeeze %dma_wait3A_560 : memref<1x80xf32, #tpu.memory_space<vmem>> -> memref<80xf32, #tpu.memory_space<vmem>>
    %dma_wait3A_562 = arith.constant 0 : i32
    %dma_wait3A_563 = tpu.memref_slice %arg9[%dma_wait3A_557, %dma_wait3A_562] : memref<8x80xi32, #tpu.memory_space<vmem>> -> memref<1x80xi32, #tpu.memory_space<vmem>>
    %dma_wait3A_564 = tpu.memref_squeeze %dma_wait3A_563 : memref<1x80xi32, #tpu.memory_space<vmem>> -> memref<80xi32, #tpu.memory_space<vmem>>
    %dma_wait3A_565 = arith.constant 0 : i32
    %dma_wait3A_566 = tpu.memref_slice %arg2[%dma_wait3A_565] : memref<20352xf32, #tpu.memory_space<hbm>> -> memref<20352xf32, #tpu.memory_space<hbm>>
    tpu.wait_indirect_dma semaphore(%arg11 : memref<!tpu.dma_semaphore, #tpu.memory_space<semaphore_mem>>) src(%dma_wait3A_566 : memref<20352xf32, #tpu.memory_space<hbm>>) dst(%dma_wait3A_561 : memref<80xf32, #tpu.memory_space<vmem>>)
    %mul3A_567 = arith.constant 2 : i32
    %mul3A_568 = arith.muli %mul3A_567, %add3A : i32
    %add3A_569 = arith.constant 0 : i32
    %add3A_570 = arith.addi %mul3A_568, %add3A_569 : i32
    %mul3A_571 = arith.constant 80 : i32
    %mul3A_572 = arith.muli %add3A_570, %mul3A_571 : i32
    %add3A_573 = arith.constant 0 : i32
    %add3A_574 = arith.addi %mul3A_572, %add3A_573 : i32
    %add3A_575 = vector.broadcast %add3A_574 : i32 to vector<16xi32>
    %add3A_576 = arith.addi %add3A_575, %iota3A : vector<16xi32>
    %lt3A = arith.constant 5000 : i32
    %lt3A_577 = vector.broadcast %lt3A : i32 to vector<16xi32>
    %lt3A_578 = arith.cmpi slt, %add3A_576, %lt3A_577 : vector<16xi32>
    %get3A_579 = arith.constant 0 : i32
    %get3A_580 = arith.index_cast %get3A_579 : i32 to index
    %get3A_581 = arith.constant 0 : index
    %get3A_582 = tpu.vector_load %arg10[%get3A_580, %get3A_581] {strides = array<i32>} : memref<8x80xf32, #tpu.memory_space<vmem>>, vector<16xf32>,
    %jit3A = arith.constant 0.000000e+00 : f32
    %broadcast_in_dim3A = vector.broadcast %jit3A : f32 to vector<16xf32>
    %select_n3A = arith.select %lt3A_578, %get3A_582, %broadcast_in_dim3A : vector<16xi1>, vector<16xf32>
    %swap3A_583 = arith.constant 0 : i32
    %swap3A_584 = arith.index_cast %swap3A_583 : i32 to index
    %swap3A_585 = arith.constant 0 : index
    %swap3A_586 = tpu.vector_load %arg10[%swap3A_584, %swap3A_585] {strides = array<i32>} : memref<8x80xf32, #tpu.memory_space<vmem>>, vector<16xf32>,
    tpu.vector_store %arg10[%swap3A_584, %swap3A_585], %select_n3A {strides = array<i32>} : memref<8x80xf32, #tpu.memory_space<vmem>>, vector<16xf32>,
    %get3A_587 = arith.constant 2 : i32
    %get3A_588 = arith.index_cast %get3A_587 : i32 to index
    %get3A_589 = arith.constant 0 : index
    %get3A_590 = tpu.vector_load %arg10[%get3A_588, %get3A_589] {strides = array<i32>} : memref<8x80xf32, #tpu.memory_space<vmem>>, vector<16xf32>,
    %jit3A_591 = arith.constant 0.000000e+00 : f32
    %broadcast_in_dim3A_592 = vector.broadcast %jit3A_591 : f32 to vector<16xf32>
    %select_n3A_593 = arith.select %lt3A_578, %get3A_590, %broadcast_in_dim3A_592 : vector<16xi1>, vector<16xf32>
    %swap3A_594 = arith.constant 2 : i32
    %swap3A_595 = arith.index_cast %swap3A_594 : i32 to index
    %swap3A_596 = arith.constant 0 : index
    %swap3A_597 = tpu.vector_load %arg10[%swap3A_595, %swap3A_596] {strides = array<i32>} : memref<8x80xf32, #tpu.memory_space<vmem>>, vector<16xf32>,
    tpu.vector_store %arg10[%swap3A_595, %swap3A_596], %select_n3A_593 {strides = array<i32>} : memref<8x80xf32, #tpu.memory_space<vmem>>, vector<16xf32>,
    %get3A_598 = arith.constant 4 : i32
    %get3A_599 = arith.index_cast %get3A_598 : i32 to index
    %get3A_600 = arith.constant 0 : index
    %get3A_601 = tpu.vector_load %arg10[%get3A_599, %get3A_600] {strides = array<i32>} : memref<8x80xf32, #tpu.memory_space<vmem>>, vector<16xf32>,
    %jit3A_602 = arith.constant 0.000000e+00 : f32
    %broadcast_in_dim3A_603 = vector.broadcast %jit3A_602 : f32 to vector<16xf32>
    %select_n3A_604 = arith.select %lt3A_578, %get3A_601, %broadcast_in_dim3A_603 : vector<16xi1>, vector<16xf32>
    %swap3A_605 = arith.constant 4 : i32
    %swap3A_606 = arith.index_cast %swap3A_605 : i32 to index
    %swap3A_607 = arith.constant 0 : index
    %swap3A_608 = tpu.vector_load %arg10[%swap3A_606, %swap3A_607] {strides = array<i32>} : memref<8x80xf32, #tpu.memory_space<vmem>>, vector<16xf32>,
    tpu.vector_store %arg10[%swap3A_606, %swap3A_607], %select_n3A_604 {strides = array<i32>} : memref<8x80xf32, #tpu.memory_space<vmem>>, vector<16xf32>,
    %get3A_609 = arith.constant 6 : i32
    %get3A_610 = arith.index_cast %get3A_609 : i32 to index
    %get3A_611 = arith.constant 0 : index
    %get3A_612 = tpu.vector_load %arg10[%get3A_610, %get3A_611] {strides = array<i32>} : memref<8x80xf32, #tpu.memory_space<vmem>>, vector<16xf32>,
    %jit3A_613 = arith.constant 0.000000e+00 : f32
    %broadcast_in_dim3A_614 = vector.broadcast %jit3A_613 : f32 to vector<16xf32>
    %select_n3A_615 = arith.select %lt3A_578, %get3A_612, %broadcast_in_dim3A_614 : vector<16xi1>, vector<16xf32>
    %swap3A_616 = arith.constant 6 : i32
    %swap3A_617 = arith.index_cast %swap3A_616 : i32 to index
    %swap3A_618 = arith.constant 0 : index
    %swap3A_619 = tpu.vector_load %arg10[%swap3A_617, %swap3A_618] {strides = array<i32>} : memref<8x80xf32, #tpu.memory_space<vmem>>, vector<16xf32>,
    tpu.vector_store %arg10[%swap3A_617, %swap3A_618], %select_n3A_615 {strides = array<i32>} : memref<8x80xf32, #tpu.memory_space<vmem>>, vector<16xf32>,
    %mul3A_620 = arith.constant 2 : i32
    %mul3A_621 = arith.muli %mul3A_620, %add3A : i32
    %add3A_622 = arith.constant 0 : i32
    %add3A_623 = arith.addi %mul3A_621, %add3A_622 : i32
    %mul3A_624 = arith.constant 80 : i32
    %mul3A_625 = arith.muli %add3A_623, %mul3A_624 : i32
    %add3A_626 = arith.constant 16 : i32
    %add3A_627 = arith.addi %mul3A_625, %add3A_626 : i32
    %add3A_628 = vector.broadcast %add3A_627 : i32 to vector<16xi32>
    %add3A_629 = arith.addi %add3A_628, %iota3A : vector<16xi32>
    %lt3A_630 = arith.constant 5000 : i32
    %lt3A_631 = vector.broadcast %lt3A_630 : i32 to vector<16xi32>
    %lt3A_632 = arith.cmpi slt, %add3A_629, %lt3A_631 : vector<16xi32>
    %get3A_633 = arith.constant 0 : i32
    %get3A_634 = arith.index_cast %get3A_633 : i32 to index
    %get3A_635 = arith.constant 16 : index
    %get3A_636 = tpu.vector_load %arg10[%get3A_634, %get3A_635] {strides = array<i32>} : memref<8x80xf32, #tpu.memory_space<vmem>>, vector<16xf32>,
    %jit3A_637 = arith.constant 0.000000e+00 : f32
    %broadcast_in_dim3A_638 = vector.broadcast %jit3A_637 : f32 to vector<16xf32>
    %select_n3A_639 = arith.select %lt3A_632, %get3A_636, %broadcast_in_dim3A_638 : vector<16xi1>, vector<16xf32>
    %swap3A_640 = arith.constant 0 : i32
    %swap3A_641 = arith.index_cast %swap3A_640 : i32 to index
    %swap3A_642 = arith.constant 16 : index
    %swap3A_643 = tpu.vector_load %arg10[%swap3A_641, %swap3A_642] {strides = array<i32>} : memref<8x80xf32, #tpu.memory_space<vmem>>, vector<16xf32>,
    tpu.vector_store %arg10[%swap3A_641, %swap3A_642], %select_n3A_639 {strides = array<i32>} : memref<8x80xf32, #tpu.memory_space<vmem>>, vector<16xf32>,
    %get3A_644 = arith.constant 2 : i32
    %get3A_645 = arith.index_cast %get3A_644 : i32 to index
    %get3A_646 = arith.constant 16 : index
    %get3A_647 = tpu.vector_load %arg10[%get3A_645, %get3A_646] {strides = array<i32>} : memref<8x80xf32, #tpu.memory_space<vmem>>, vector<16xf32>,
    %jit3A_648 = arith.constant 0.000000e+00 : f32
    %broadcast_in_dim3A_649 = vector.broadcast %jit3A_648 : f32 to vector<16xf32>
    %select_n3A_650 = arith.select %lt3A_632, %get3A_647, %broadcast_in_dim3A_649 : vector<16xi1>, vector<16xf32>
    %swap3A_651 = arith.constant 2 : i32
    %swap3A_652 = arith.index_cast %swap3A_651 : i32 to index
    %swap3A_653 = arith.constant 16 : index
    %swap3A_654 = tpu.vector_load %arg10[%swap3A_652, %swap3A_653] {strides = array<i32>} : memref<8x80xf32, #tpu.memory_space<vmem>>, vector<16xf32>,
    tpu.vector_store %arg10[%swap3A_652, %swap3A_653], %select_n3A_650 {strides = array<i32>} : memref<8x80xf32, #tpu.memory_space<vmem>>, vector<16xf32>,
    %get3A_655 = arith.constant 4 : i32
    %get3A_656 = arith.index_cast %get3A_655 : i32 to index
    %get3A_657 = arith.constant 16 : index
    %get3A_658 = tpu.vector_load %arg10[%get3A_656, %get3A_657] {strides = array<i32>} : memref<8x80xf32, #tpu.memory_space<vmem>>, vector<16xf32>,
    %jit3A_659 = arith.constant 0.000000e+00 : f32
    %broadcast_in_dim3A_660 = vector.broadcast %jit3A_659 : f32 to vector<16xf32>
    %select_n3A_661 = arith.select %lt3A_632, %get3A_658, %broadcast_in_dim3A_660 : vector<16xi1>, vector<16xf32>
    %swap3A_662 = arith.constant 4 : i32
    %swap3A_663 = arith.index_cast %swap3A_662 : i32 to index
    %swap3A_664 = arith.constant 16 : index
    %swap3A_665 = tpu.vector_load %arg10[%swap3A_663, %swap3A_664] {strides = array<i32>} : memref<8x80xf32, #tpu.memory_space<vmem>>, vector<16xf32>,
    tpu.vector_store %arg10[%swap3A_663, %swap3A_664], %select_n3A_661 {strides = array<i32>} : memref<8x80xf32, #tpu.memory_space<vmem>>, vector<16xf32>,
    %get3A_666 = arith.constant 6 : i32
    %get3A_667 = arith.index_cast %get3A_666 : i32 to index
    %get3A_668 = arith.constant 16 : index
    %get3A_669 = tpu.vector_load %arg10[%get3A_667, %get3A_668] {strides = array<i32>} : memref<8x80xf32, #tpu.memory_space<vmem>>, vector<16xf32>,
    %jit3A_670 = arith.constant 0.000000e+00 : f32
    %broadcast_in_dim3A_671 = vector.broadcast %jit3A_670 : f32 to vector<16xf32>
    %select_n3A_672 = arith.select %lt3A_632, %get3A_669, %broadcast_in_dim3A_671 : vector<16xi1>, vector<16xf32>
    %swap3A_673 = arith.constant 6 : i32
    %swap3A_674 = arith.index_cast %swap3A_673 : i32 to index
    %swap3A_675 = arith.constant 16 : index
    %swap3A_676 = tpu.vector_load %arg10[%swap3A_674, %swap3A_675] {strides = array<i32>} : memref<8x80xf32, #tpu.memory_space<vmem>>, vector<16xf32>,
    tpu.vector_store %arg10[%swap3A_674, %swap3A_675], %select_n3A_672 {strides = array<i32>} : memref<8x80xf32, #tpu.memory_space<vmem>>, vector<16xf32>,
    %mul3A_677 = arith.constant 2 : i32
    %mul3A_678 = arith.muli %mul3A_677, %add3A : i32
    %add3A_679 = arith.constant 0 : i32
    %add3A_680 = arith.addi %mul3A_678, %add3A_679 : i32
    %mul3A_681 = arith.constant 80 : i32
    %mul3A_682 = arith.muli %add3A_680, %mul3A_681 : i32
    %add3A_683 = arith.constant 32 : i32
    %add3A_684 = arith.addi %mul3A_682, %add3A_683 : i32
    %add3A_685 = vector.broadcast %add3A_684 : i32 to vector<16xi32>
    %add3A_686 = arith.addi %add3A_685, %iota3A : vector<16xi32>
    %lt3A_687 = arith.constant 5000 : i32
    %lt3A_688 = vector.broadcast %lt3A_687 : i32 to vector<16xi32>
    %lt3A_689 = arith.cmpi slt, %add3A_686, %lt3A_688 : vector<16xi32>
    %get3A_690 = arith.constant 0 : i32
    %get3A_691 = arith.index_cast %get3A_690 : i32 to index
    %get3A_692 = arith.constant 32 : index
    %get3A_693 = tpu.vector_load %arg10[%get3A_691, %get3A_692] {strides = array<i32>} : memref<8x80xf32, #tpu.memory_space<vmem>>, vector<16xf32>,
    %jit3A_694 = arith.constant 0.000000e+00 : f32
    %broadcast_in_dim3A_695 = vector.broadcast %jit3A_694 : f32 to vector<16xf32>
    %select_n3A_696 = arith.select %lt3A_689, %get3A_693, %broadcast_in_dim3A_695 : vector<16xi1>, vector<16xf32>
    %swap3A_697 = arith.constant 0 : i32
    %swap3A_698 = arith.index_cast %swap3A_697 : i32 to index
    %swap3A_699 = arith.constant 32 : index
    %swap3A_700 = tpu.vector_load %arg10[%swap3A_698, %swap3A_699] {strides = array<i32>} : memref<8x80xf32, #tpu.memory_space<vmem>>, vector<16xf32>,
    tpu.vector_store %arg10[%swap3A_698, %swap3A_699], %select_n3A_696 {strides = array<i32>} : memref<8x80xf32, #tpu.memory_space<vmem>>, vector<16xf32>,
    %get3A_701 = arith.constant 2 : i32
    %get3A_702 = arith.index_cast %get3A_701 : i32 to index
    %get3A_703 = arith.constant 32 : index
    %get3A_704 = tpu.vector_load %arg10[%get3A_702, %get3A_703] {strides = array<i32>} : memref<8x80xf32, #tpu.memory_space<vmem>>, vector<16xf32>,
    %jit3A_705 = arith.constant 0.000000e+00 : f32
    %broadcast_in_dim3A_706 = vector.broadcast %jit3A_705 : f32 to vector<16xf32>
    %select_n3A_707 = arith.select %lt3A_689, %get3A_704, %broadcast_in_dim3A_706 : vector<16xi1>, vector<16xf32>
    %swap3A_708 = arith.constant 2 : i32
    %swap3A_709 = arith.index_cast %swap3A_708 : i32 to index
    %swap3A_710 = arith.constant 32 : index
    %swap3A_711 = tpu.vector_load %arg10[%swap3A_709, %swap3A_710] {strides = array<i32>} : memref<8x80xf32, #tpu.memory_space<vmem>>, vector<16xf32>,
    tpu.vector_store %arg10[%swap3A_709, %swap3A_710], %select_n3A_707 {strides = array<i32>} : memref<8x80xf32, #tpu.memory_space<vmem>>, vector<16xf32>,
    %get3A_712 = arith.constant 4 : i32
    %get3A_713 = arith.index_cast %get3A_712 : i32 to index
    %get3A_714 = arith.constant 32 : index
    %get3A_715 = tpu.vector_load %arg10[%get3A_713, %get3A_714] {strides = array<i32>} : memref<8x80xf32, #tpu.memory_space<vmem>>, vector<16xf32>,
    %jit3A_716 = arith.constant 0.000000e+00 : f32
    %broadcast_in_dim3A_717 = vector.broadcast %jit3A_716 : f32 to vector<16xf32>
    %select_n3A_718 = arith.select %lt3A_689, %get3A_715, %broadcast_in_dim3A_717 : vector<16xi1>, vector<16xf32>
    %swap3A_719 = arith.constant 4 : i32
    %swap3A_720 = arith.index_cast %swap3A_719 : i32 to index
    %swap3A_721 = arith.constant 32 : index
    %swap3A_722 = tpu.vector_load %arg10[%swap3A_720, %swap3A_721] {strides = array<i32>} : memref<8x80xf32, #tpu.memory_space<vmem>>, vector<16xf32>,
    tpu.vector_store %arg10[%swap3A_720, %swap3A_721], %select_n3A_718 {strides = array<i32>} : memref<8x80xf32, #tpu.memory_space<vmem>>, vector<16xf32>,
    %get3A_723 = arith.constant 6 : i32
    %get3A_724 = arith.index_cast %get3A_723 : i32 to index
    %get3A_725 = arith.constant 32 : index
    %get3A_726 = tpu.vector_load %arg10[%get3A_724, %get3A_725] {strides = array<i32>} : memref<8x80xf32, #tpu.memory_space<vmem>>, vector<16xf32>,
    %jit3A_727 = arith.constant 0.000000e+00 : f32
    %broadcast_in_dim3A_728 = vector.broadcast %jit3A_727 : f32 to vector<16xf32>
    %select_n3A_729 = arith.select %lt3A_689, %get3A_726, %broadcast_in_dim3A_728 : vector<16xi1>, vector<16xf32>
    %swap3A_730 = arith.constant 6 : i32
    %swap3A_731 = arith.index_cast %swap3A_730 : i32 to index
    %swap3A_732 = arith.constant 32 : index
    %swap3A_733 = tpu.vector_load %arg10[%swap3A_731, %swap3A_732] {strides = array<i32>} : memref<8x80xf32, #tpu.memory_space<vmem>>, vector<16xf32>,
    tpu.vector_store %arg10[%swap3A_731, %swap3A_732], %select_n3A_729 {strides = array<i32>} : memref<8x80xf32, #tpu.memory_space<vmem>>, vector<16xf32>,
    %mul3A_734 = arith.constant 2 : i32
    %mul3A_735 = arith.muli %mul3A_734, %add3A : i32
    %add3A_736 = arith.constant 0 : i32
    %add3A_737 = arith.addi %mul3A_735, %add3A_736 : i32
    %mul3A_738 = arith.constant 80 : i32
    %mul3A_739 = arith.muli %add3A_737, %mul3A_738 : i32
    %add3A_740 = arith.constant 48 : i32
    %add3A_741 = arith.addi %mul3A_739, %add3A_740 : i32
    %add3A_742 = vector.broadcast %add3A_741 : i32 to vector<16xi32>
    %add3A_743 = arith.addi %add3A_742, %iota3A : vector<16xi32>
    %lt3A_744 = arith.constant 5000 : i32
    %lt3A_745 = vector.broadcast %lt3A_744 : i32 to vector<16xi32>
    %lt3A_746 = arith.cmpi slt, %add3A_743, %lt3A_745 : vector<16xi32>
    %get3A_747 = arith.constant 0 : i32
    %get3A_748 = arith.index_cast %get3A_747 : i32 to index
    %get3A_749 = arith.constant 48 : index
    %get3A_750 = tpu.vector_load %arg10[%get3A_748, %get3A_749] {strides = array<i32>} : memref<8x80xf32, #tpu.memory_space<vmem>>, vector<16xf32>,
    %jit3A_751 = arith.constant 0.000000e+00 : f32
    %broadcast_in_dim3A_752 = vector.broadcast %jit3A_751 : f32 to vector<16xf32>
    %select_n3A_753 = arith.select %lt3A_746, %get3A_750, %broadcast_in_dim3A_752 : vector<16xi1>, vector<16xf32>
    %swap3A_754 = arith.constant 0 : i32
    %swap3A_755 = arith.index_cast %swap3A_754 : i32 to index
    %swap3A_756 = arith.constant 48 : index
    %swap3A_757 = tpu.vector_load %arg10[%swap3A_755, %swap3A_756] {strides = array<i32>} : memref<8x80xf32, #tpu.memory_space<vmem>>, vector<16xf32>,
    tpu.vector_store %arg10[%swap3A_755, %swap3A_756], %select_n3A_753 {strides = array<i32>} : memref<8x80xf32, #tpu.memory_space<vmem>>, vector<16xf32>,
    %get3A_758 = arith.constant 2 : i32
    %get3A_759 = arith.index_cast %get3A_758 : i32 to index
    %get3A_760 = arith.constant 48 : index
    %get3A_761 = tpu.vector_load %arg10[%get3A_759, %get3A_760] {strides = array<i32>} : memref<8x80xf32, #tpu.memory_space<vmem>>, vector<16xf32>,
    %jit3A_762 = arith.constant 0.000000e+00 : f32
    %broadcast_in_dim3A_763 = vector.broadcast %jit3A_762 : f32 to vector<16xf32>
    %select_n3A_764 = arith.select %lt3A_746, %get3A_761, %broadcast_in_dim3A_763 : vector<16xi1>, vector<16xf32>
    %swap3A_765 = arith.constant 2 : i32
    %swap3A_766 = arith.index_cast %swap3A_765 : i32 to index
    %swap3A_767 = arith.constant 48 : index
    %swap3A_768 = tpu.vector_load %arg10[%swap3A_766, %swap3A_767] {strides = array<i32>} : memref<8x80xf32, #tpu.memory_space<vmem>>, vector<16xf32>,
    tpu.vector_store %arg10[%swap3A_766, %swap3A_767], %select_n3A_764 {strides = array<i32>} : memref<8x80xf32, #tpu.memory_space<vmem>>, vector<16xf32>,
    %get3A_769 = arith.constant 4 : i32
    %get3A_770 = arith.index_cast %get3A_769 : i32 to index
    %get3A_771 = arith.constant 48 : index
    %get3A_772 = tpu.vector_load %arg10[%get3A_770, %get3A_771] {strides = array<i32>} : memref<8x80xf32, #tpu.memory_space<vmem>>, vector<16xf32>,
    %jit3A_773 = arith.constant 0.000000e+00 : f32
    %broadcast_in_dim3A_774 = vector.broadcast %jit3A_773 : f32 to vector<16xf32>
    %select_n3A_775 = arith.select %lt3A_746, %get3A_772, %broadcast_in_dim3A_774 : vector<16xi1>, vector<16xf32>
    %swap3A_776 = arith.constant 4 : i32
    %swap3A_777 = arith.index_cast %swap3A_776 : i32 to index
    %swap3A_778 = arith.constant 48 : index
    %swap3A_779 = tpu.vector_load %arg10[%swap3A_777, %swap3A_778] {strides = array<i32>} : memref<8x80xf32, #tpu.memory_space<vmem>>, vector<16xf32>,
    tpu.vector_store %arg10[%swap3A_777, %swap3A_778], %select_n3A_775 {strides = array<i32>} : memref<8x80xf32, #tpu.memory_space<vmem>>, vector<16xf32>,
    %get3A_780 = arith.constant 6 : i32
    %get3A_781 = arith.index_cast %get3A_780 : i32 to index
    %get3A_782 = arith.constant 48 : index
    %get3A_783 = tpu.vector_load %arg10[%get3A_781, %get3A_782] {strides = array<i32>} : memref<8x80xf32, #tpu.memory_space<vmem>>, vector<16xf32>,
    %jit3A_784 = arith.constant 0.000000e+00 : f32
    %broadcast_in_dim3A_785 = vector.broadcast %jit3A_784 : f32 to vector<16xf32>
    %select_n3A_786 = arith.select %lt3A_746, %get3A_783, %broadcast_in_dim3A_785 : vector<16xi1>, vector<16xf32>
    %swap3A_787 = arith.constant 6 : i32
    %swap3A_788 = arith.index_cast %swap3A_787 : i32 to index
    %swap3A_789 = arith.constant 48 : index
    %swap3A_790 = tpu.vector_load %arg10[%swap3A_788, %swap3A_789] {strides = array<i32>} : memref<8x80xf32, #tpu.memory_space<vmem>>, vector<16xf32>,
    tpu.vector_store %arg10[%swap3A_788, %swap3A_789], %select_n3A_786 {strides = array<i32>} : memref<8x80xf32, #tpu.memory_space<vmem>>, vector<16xf32>,
    %mul3A_791 = arith.constant 2 : i32
    %mul3A_792 = arith.muli %mul3A_791, %add3A : i32
    %add3A_793 = arith.constant 0 : i32
    %add3A_794 = arith.addi %mul3A_792, %add3A_793 : i32
    %mul3A_795 = arith.constant 80 : i32
    %mul3A_796 = arith.muli %add3A_794, %mul3A_795 : i32
    %add3A_797 = arith.constant 64 : i32
    %add3A_798 = arith.addi %mul3A_796, %add3A_797 : i32
    %add3A_799 = vector.broadcast %add3A_798 : i32 to vector<16xi32>
    %add3A_800 = arith.addi %add3A_799, %iota3A : vector<16xi32>
    %lt3A_801 = arith.constant 5000 : i32
    %lt3A_802 = vector.broadcast %lt3A_801 : i32 to vector<16xi32>
    %lt3A_803 = arith.cmpi slt, %add3A_800, %lt3A_802 : vector<16xi32>
    %get3A_804 = arith.constant 0 : i32
    %get3A_805 = arith.index_cast %get3A_804 : i32 to index
    %get3A_806 = arith.constant 64 : index
    %get3A_807 = tpu.vector_load %arg10[%get3A_805, %get3A_806] {strides = array<i32>} : memref<8x80xf32, #tpu.memory_space<vmem>>, vector<16xf32>,
    %jit3A_808 = arith.constant 0.000000e+00 : f32
    %broadcast_in_dim3A_809 = vector.broadcast %jit3A_808 : f32 to vector<16xf32>
    %select_n3A_810 = arith.select %lt3A_803, %get3A_807, %broadcast_in_dim3A_809 : vector<16xi1>, vector<16xf32>
    %swap3A_811 = arith.constant 0 : i32
    %swap3A_812 = arith.index_cast %swap3A_811 : i32 to index
    %swap3A_813 = arith.constant 64 : index
    %swap3A_814 = tpu.vector_load %arg10[%swap3A_812, %swap3A_813] {strides = array<i32>} : memref<8x80xf32, #tpu.memory_space<vmem>>, vector<16xf32>,
    tpu.vector_store %arg10[%swap3A_812, %swap3A_813], %select_n3A_810 {strides = array<i32>} : memref<8x80xf32, #tpu.memory_space<vmem>>, vector<16xf32>,
    %get3A_815 = arith.constant 2 : i32
    %get3A_816 = arith.index_cast %get3A_815 : i32 to index
    %get3A_817 = arith.constant 64 : index
    %get3A_818 = tpu.vector_load %arg10[%get3A_816, %get3A_817] {strides = array<i32>} : memref<8x80xf32, #tpu.memory_space<vmem>>, vector<16xf32>,
    %jit3A_819 = arith.constant 0.000000e+00 : f32
    %broadcast_in_dim3A_820 = vector.broadcast %jit3A_819 : f32 to vector<16xf32>
    %select_n3A_821 = arith.select %lt3A_803, %get3A_818, %broadcast_in_dim3A_820 : vector<16xi1>, vector<16xf32>
    %swap3A_822 = arith.constant 2 : i32
    %swap3A_823 = arith.index_cast %swap3A_822 : i32 to index
    %swap3A_824 = arith.constant 64 : index
    %swap3A_825 = tpu.vector_load %arg10[%swap3A_823, %swap3A_824] {strides = array<i32>} : memref<8x80xf32, #tpu.memory_space<vmem>>, vector<16xf32>,
    tpu.vector_store %arg10[%swap3A_823, %swap3A_824], %select_n3A_821 {strides = array<i32>} : memref<8x80xf32, #tpu.memory_space<vmem>>, vector<16xf32>,
    %get3A_826 = arith.constant 4 : i32
    %get3A_827 = arith.index_cast %get3A_826 : i32 to index
    %get3A_828 = arith.constant 64 : index
    %get3A_829 = tpu.vector_load %arg10[%get3A_827, %get3A_828] {strides = array<i32>} : memref<8x80xf32, #tpu.memory_space<vmem>>, vector<16xf32>,
    %jit3A_830 = arith.constant 0.000000e+00 : f32
    %broadcast_in_dim3A_831 = vector.broadcast %jit3A_830 : f32 to vector<16xf32>
    %select_n3A_832 = arith.select %lt3A_803, %get3A_829, %broadcast_in_dim3A_831 : vector<16xi1>, vector<16xf32>
    %swap3A_833 = arith.constant 4 : i32
    %swap3A_834 = arith.index_cast %swap3A_833 : i32 to index
    %swap3A_835 = arith.constant 64 : index
    %swap3A_836 = tpu.vector_load %arg10[%swap3A_834, %swap3A_835] {strides = array<i32>} : memref<8x80xf32, #tpu.memory_space<vmem>>, vector<16xf32>,
    tpu.vector_store %arg10[%swap3A_834, %swap3A_835], %select_n3A_832 {strides = array<i32>} : memref<8x80xf32, #tpu.memory_space<vmem>>, vector<16xf32>,
    %get3A_837 = arith.constant 6 : i32
    %get3A_838 = arith.index_cast %get3A_837 : i32 to index
    %get3A_839 = arith.constant 64 : index
    %get3A_840 = tpu.vector_load %arg10[%get3A_838, %get3A_839] {strides = array<i32>} : memref<8x80xf32, #tpu.memory_space<vmem>>, vector<16xf32>,
    %jit3A_841 = arith.constant 0.000000e+00 : f32
    %broadcast_in_dim3A_842 = vector.broadcast %jit3A_841 : f32 to vector<16xf32>
    %select_n3A_843 = arith.select %lt3A_803, %get3A_840, %broadcast_in_dim3A_842 : vector<16xi1>, vector<16xf32>
    %swap3A_844 = arith.constant 6 : i32
    %swap3A_845 = arith.index_cast %swap3A_844 : i32 to index
    %swap3A_846 = arith.constant 64 : index
    %swap3A_847 = tpu.vector_load %arg10[%swap3A_845, %swap3A_846] {strides = array<i32>} : memref<8x80xf32, #tpu.memory_space<vmem>>, vector<16xf32>,
    tpu.vector_store %arg10[%swap3A_845, %swap3A_846], %select_n3A_843 {strides = array<i32>} : memref<8x80xf32, #tpu.memory_space<vmem>>, vector<16xf32>,
    %mul3A_848 = arith.constant 2 : i32
    %mul3A_849 = arith.muli %mul3A_848, %add3A : i32
    %add3A_850 = arith.constant 1 : i32
    %add3A_851 = arith.addi %mul3A_849, %add3A_850 : i32
    %mul3A_852 = arith.constant 80 : i32
    %mul3A_853 = arith.muli %add3A_851, %mul3A_852 : i32
    %add3A_854 = arith.constant 0 : i32
    %add3A_855 = arith.addi %mul3A_853, %add3A_854 : i32
    %add3A_856 = vector.broadcast %add3A_855 : i32 to vector<16xi32>
    %add3A_857 = arith.addi %add3A_856, %iota3A : vector<16xi32>
    %lt3A_858 = arith.constant 5000 : i32
    %lt3A_859 = vector.broadcast %lt3A_858 : i32 to vector<16xi32>
    %lt3A_860 = arith.cmpi slt, %add3A_857, %lt3A_859 : vector<16xi32>
    %get3A_861 = arith.constant 1 : i32
    %get3A_862 = arith.index_cast %get3A_861 : i32 to index
    %get3A_863 = arith.constant 0 : index
    %get3A_864 = tpu.vector_load %arg10[%get3A_862, %get3A_863] {strides = array<i32>} : memref<8x80xf32, #tpu.memory_space<vmem>>, vector<16xf32>,
    %jit3A_865 = arith.constant 0.000000e+00 : f32
    %broadcast_in_dim3A_866 = vector.broadcast %jit3A_865 : f32 to vector<16xf32>
    %select_n3A_867 = arith.select %lt3A_860, %get3A_864, %broadcast_in_dim3A_866 : vector<16xi1>, vector<16xf32>
    %swap3A_868 = arith.constant 1 : i32
    %swap3A_869 = arith.index_cast %swap3A_868 : i32 to index
    %swap3A_870 = arith.constant 0 : index
    %swap3A_871 = tpu.vector_load %arg10[%swap3A_869, %swap3A_870] {strides = array<i32>} : memref<8x80xf32, #tpu.memory_space<vmem>>, vector<16xf32>,
    tpu.vector_store %arg10[%swap3A_869, %swap3A_870], %select_n3A_867 {strides = array<i32>} : memref<8x80xf32, #tpu.memory_space<vmem>>, vector<16xf32>,
    %get3A_872 = arith.constant 3 : i32
    %get3A_873 = arith.index_cast %get3A_872 : i32 to index
    %get3A_874 = arith.constant 0 : index
    %get3A_875 = tpu.vector_load %arg10[%get3A_873, %get3A_874] {strides = array<i32>} : memref<8x80xf32, #tpu.memory_space<vmem>>, vector<16xf32>,
    %jit3A_876 = arith.constant 0.000000e+00 : f32
    %broadcast_in_dim3A_877 = vector.broadcast %jit3A_876 : f32 to vector<16xf32>
    %select_n3A_878 = arith.select %lt3A_860, %get3A_875, %broadcast_in_dim3A_877 : vector<16xi1>, vector<16xf32>
    %swap3A_879 = arith.constant 3 : i32
    %swap3A_880 = arith.index_cast %swap3A_879 : i32 to index
    %swap3A_881 = arith.constant 0 : index
    %swap3A_882 = tpu.vector_load %arg10[%swap3A_880, %swap3A_881] {strides = array<i32>} : memref<8x80xf32, #tpu.memory_space<vmem>>, vector<16xf32>,
    tpu.vector_store %arg10[%swap3A_880, %swap3A_881], %select_n3A_878 {strides = array<i32>} : memref<8x80xf32, #tpu.memory_space<vmem>>, vector<16xf32>,
    %get3A_883 = arith.constant 5 : i32
    %get3A_884 = arith.index_cast %get3A_883 : i32 to index
    %get3A_885 = arith.constant 0 : index
    %get3A_886 = tpu.vector_load %arg10[%get3A_884, %get3A_885] {strides = array<i32>} : memref<8x80xf32, #tpu.memory_space<vmem>>, vector<16xf32>,
    %jit3A_887 = arith.constant 0.000000e+00 : f32
    %broadcast_in_dim3A_888 = vector.broadcast %jit3A_887 : f32 to vector<16xf32>
    %select_n3A_889 = arith.select %lt3A_860, %get3A_886, %broadcast_in_dim3A_888 : vector<16xi1>, vector<16xf32>
    %swap3A_890 = arith.constant 5 : i32
    %swap3A_891 = arith.index_cast %swap3A_890 : i32 to index
    %swap3A_892 = arith.constant 0 : index
    %swap3A_893 = tpu.vector_load %arg10[%swap3A_891, %swap3A_892] {strides = array<i32>} : memref<8x80xf32, #tpu.memory_space<vmem>>, vector<16xf32>,
    tpu.vector_store %arg10[%swap3A_891, %swap3A_892], %select_n3A_889 {strides = array<i32>} : memref<8x80xf32, #tpu.memory_space<vmem>>, vector<16xf32>,
    %get3A_894 = arith.constant 7 : i32
    %get3A_895 = arith.index_cast %get3A_894 : i32 to index
    %get3A_896 = arith.constant 0 : index
    %get3A_897 = tpu.vector_load %arg10[%get3A_895, %get3A_896] {strides = array<i32>} : memref<8x80xf32, #tpu.memory_space<vmem>>, vector<16xf32>,
    %jit3A_898 = arith.constant 0.000000e+00 : f32
    %broadcast_in_dim3A_899 = vector.broadcast %jit3A_898 : f32 to vector<16xf32>
    %select_n3A_900 = arith.select %lt3A_860, %get3A_897, %broadcast_in_dim3A_899 : vector<16xi1>, vector<16xf32>
    %swap3A_901 = arith.constant 7 : i32
    %swap3A_902 = arith.index_cast %swap3A_901 : i32 to index
    %swap3A_903 = arith.constant 0 : index
    %swap3A_904 = tpu.vector_load %arg10[%swap3A_902, %swap3A_903] {strides = array<i32>} : memref<8x80xf32, #tpu.memory_space<vmem>>, vector<16xf32>,
    tpu.vector_store %arg10[%swap3A_902, %swap3A_903], %select_n3A_900 {strides = array<i32>} : memref<8x80xf32, #tpu.memory_space<vmem>>, vector<16xf32>,
    %mul3A_905 = arith.constant 2 : i32
    %mul3A_906 = arith.muli %mul3A_905, %add3A : i32
    %add3A_907 = arith.constant 1 : i32
    %add3A_908 = arith.addi %mul3A_906, %add3A_907 : i32
    %mul3A_909 = arith.constant 80 : i32
    %mul3A_910 = arith.muli %add3A_908, %mul3A_909 : i32
    %add3A_911 = arith.constant 16 : i32
    %add3A_912 = arith.addi %mul3A_910, %add3A_911 : i32
    %add3A_913 = vector.broadcast %add3A_912 : i32 to vector<16xi32>
    %add3A_914 = arith.addi %add3A_913, %iota3A : vector<16xi32>
    %lt3A_915 = arith.constant 5000 : i32
    %lt3A_916 = vector.broadcast %lt3A_915 : i32 to vector<16xi32>
    %lt3A_917 = arith.cmpi slt, %add3A_914, %lt3A_916 : vector<16xi32>
    %get3A_918 = arith.constant 1 : i32
    %get3A_919 = arith.index_cast %get3A_918 : i32 to index
    %get3A_920 = arith.constant 16 : index
    %get3A_921 = tpu.vector_load %arg10[%get3A_919, %get3A_920] {strides = array<i32>} : memref<8x80xf32, #tpu.memory_space<vmem>>, vector<16xf32>,
    %jit3A_922 = arith.constant 0.000000e+00 : f32
    %broadcast_in_dim3A_923 = vector.broadcast %jit3A_922 : f32 to vector<16xf32>
    %select_n3A_924 = arith.select %lt3A_917, %get3A_921, %broadcast_in_dim3A_923 : vector<16xi1>, vector<16xf32>
    %swap3A_925 = arith.constant 1 : i32
    %swap3A_926 = arith.index_cast %swap3A_925 : i32 to index
    %swap3A_927 = arith.constant 16 : index
    %swap3A_928 = tpu.vector_load %arg10[%swap3A_926, %swap3A_927] {strides = array<i32>} : memref<8x80xf32, #tpu.memory_space<vmem>>, vector<16xf32>,
    tpu.vector_store %arg10[%swap3A_926, %swap3A_927], %select_n3A_924 {strides = array<i32>} : memref<8x80xf32, #tpu.memory_space<vmem>>, vector<16xf32>,
    %get3A_929 = arith.constant 3 : i32
    %get3A_930 = arith.index_cast %get3A_929 : i32 to index
    %get3A_931 = arith.constant 16 : index
    %get3A_932 = tpu.vector_load %arg10[%get3A_930, %get3A_931] {strides = array<i32>} : memref<8x80xf32, #tpu.memory_space<vmem>>, vector<16xf32>,
    %jit3A_933 = arith.constant 0.000000e+00 : f32
    %broadcast_in_dim3A_934 = vector.broadcast %jit3A_933 : f32 to vector<16xf32>
    %select_n3A_935 = arith.select %lt3A_917, %get3A_932, %broadcast_in_dim3A_934 : vector<16xi1>, vector<16xf32>
    %swap3A_936 = arith.constant 3 : i32
    %swap3A_937 = arith.index_cast %swap3A_936 : i32 to index
    %swap3A_938 = arith.constant 16 : index
    %swap3A_939 = tpu.vector_load %arg10[%swap3A_937, %swap3A_938] {strides = array<i32>} : memref<8x80xf32, #tpu.memory_space<vmem>>, vector<16xf32>,
    tpu.vector_store %arg10[%swap3A_937, %swap3A_938], %select_n3A_935 {strides = array<i32>} : memref<8x80xf32, #tpu.memory_space<vmem>>, vector<16xf32>,
    %get3A_940 = arith.constant 5 : i32
    %get3A_941 = arith.index_cast %get3A_940 : i32 to index
    %get3A_942 = arith.constant 16 : index
    %get3A_943 = tpu.vector_load %arg10[%get3A_941, %get3A_942] {strides = array<i32>} : memref<8x80xf32, #tpu.memory_space<vmem>>, vector<16xf32>,
    %jit3A_944 = arith.constant 0.000000e+00 : f32
    %broadcast_in_dim3A_945 = vector.broadcast %jit3A_944 : f32 to vector<16xf32>
    %select_n3A_946 = arith.select %lt3A_917, %get3A_943, %broadcast_in_dim3A_945 : vector<16xi1>, vector<16xf32>
    %swap3A_947 = arith.constant 5 : i32
    %swap3A_948 = arith.index_cast %swap3A_947 : i32 to index
    %swap3A_949 = arith.constant 16 : index
    %swap3A_950 = tpu.vector_load %arg10[%swap3A_948, %swap3A_949] {strides = array<i32>} : memref<8x80xf32, #tpu.memory_space<vmem>>, vector<16xf32>,
    tpu.vector_store %arg10[%swap3A_948, %swap3A_949], %select_n3A_946 {strides = array<i32>} : memref<8x80xf32, #tpu.memory_space<vmem>>, vector<16xf32>,
    %get3A_951 = arith.constant 7 : i32
    %get3A_952 = arith.index_cast %get3A_951 : i32 to index
    %get3A_953 = arith.constant 16 : index
    %get3A_954 = tpu.vector_load %arg10[%get3A_952, %get3A_953] {strides = array<i32>} : memref<8x80xf32, #tpu.memory_space<vmem>>, vector<16xf32>,
    %jit3A_955 = arith.constant 0.000000e+00 : f32
    %broadcast_in_dim3A_956 = vector.broadcast %jit3A_955 : f32 to vector<16xf32>
    %select_n3A_957 = arith.select %lt3A_917, %get3A_954, %broadcast_in_dim3A_956 : vector<16xi1>, vector<16xf32>
    %swap3A_958 = arith.constant 7 : i32
    %swap3A_959 = arith.index_cast %swap3A_958 : i32 to index
    %swap3A_960 = arith.constant 16 : index
    %swap3A_961 = tpu.vector_load %arg10[%swap3A_959, %swap3A_960] {strides = array<i32>} : memref<8x80xf32, #tpu.memory_space<vmem>>, vector<16xf32>,
    tpu.vector_store %arg10[%swap3A_959, %swap3A_960], %select_n3A_957 {strides = array<i32>} : memref<8x80xf32, #tpu.memory_space<vmem>>, vector<16xf32>,
    %mul3A_962 = arith.constant 2 : i32
    %mul3A_963 = arith.muli %mul3A_962, %add3A : i32
    %add3A_964 = arith.constant 1 : i32
    %add3A_965 = arith.addi %mul3A_963, %add3A_964 : i32
    %mul3A_966 = arith.constant 80 : i32
    %mul3A_967 = arith.muli %add3A_965, %mul3A_966 : i32
    %add3A_968 = arith.constant 32 : i32
    %add3A_969 = arith.addi %mul3A_967, %add3A_968 : i32
    %add3A_970 = vector.broadcast %add3A_969 : i32 to vector<16xi32>
    %add3A_971 = arith.addi %add3A_970, %iota3A : vector<16xi32>
    %lt3A_972 = arith.constant 5000 : i32
    %lt3A_973 = vector.broadcast %lt3A_972 : i32 to vector<16xi32>
    %lt3A_974 = arith.cmpi slt, %add3A_971, %lt3A_973 : vector<16xi32>
    %get3A_975 = arith.constant 1 : i32
    %get3A_976 = arith.index_cast %get3A_975 : i32 to index
    %get3A_977 = arith.constant 32 : index
    %get3A_978 = tpu.vector_load %arg10[%get3A_976, %get3A_977] {strides = array<i32>} : memref<8x80xf32, #tpu.memory_space<vmem>>, vector<16xf32>,
    %jit3A_979 = arith.constant 0.000000e+00 : f32
    %broadcast_in_dim3A_980 = vector.broadcast %jit3A_979 : f32 to vector<16xf32>
    %select_n3A_981 = arith.select %lt3A_974, %get3A_978, %broadcast_in_dim3A_980 : vector<16xi1>, vector<16xf32>
    %swap3A_982 = arith.constant 1 : i32
    %swap3A_983 = arith.index_cast %swap3A_982 : i32 to index
    %swap3A_984 = arith.constant 32 : index
    %swap3A_985 = tpu.vector_load %arg10[%swap3A_983, %swap3A_984] {strides = array<i32>} : memref<8x80xf32, #tpu.memory_space<vmem>>, vector<16xf32>,
    tpu.vector_store %arg10[%swap3A_983, %swap3A_984], %select_n3A_981 {strides = array<i32>} : memref<8x80xf32, #tpu.memory_space<vmem>>, vector<16xf32>,
    %get3A_986 = arith.constant 3 : i32
    %get3A_987 = arith.index_cast %get3A_986 : i32 to index
    %get3A_988 = arith.constant 32 : index
    %get3A_989 = tpu.vector_load %arg10[%get3A_987, %get3A_988] {strides = array<i32>} : memref<8x80xf32, #tpu.memory_space<vmem>>, vector<16xf32>,
    %jit3A_990 = arith.constant 0.000000e+00 : f32
    %broadcast_in_dim3A_991 = vector.broadcast %jit3A_990 : f32 to vector<16xf32>
    %select_n3A_992 = arith.select %lt3A_974, %get3A_989, %broadcast_in_dim3A_991 : vector<16xi1>, vector<16xf32>
    %swap3A_993 = arith.constant 3 : i32
    %swap3A_994 = arith.index_cast %swap3A_993 : i32 to index
    %swap3A_995 = arith.constant 32 : index
    %swap3A_996 = tpu.vector_load %arg10[%swap3A_994, %swap3A_995] {strides = array<i32>} : memref<8x80xf32, #tpu.memory_space<vmem>>, vector<16xf32>,
    tpu.vector_store %arg10[%swap3A_994, %swap3A_995], %select_n3A_992 {strides = array<i32>} : memref<8x80xf32, #tpu.memory_space<vmem>>, vector<16xf32>,
    %get3A_997 = arith.constant 5 : i32
    %get3A_998 = arith.index_cast %get3A_997 : i32 to index
    %get3A_999 = arith.constant 32 : index
    %get3A_1000 = tpu.vector_load %arg10[%get3A_998, %get3A_999] {strides = array<i32>} : memref<8x80xf32, #tpu.memory_space<vmem>>, vector<16xf32>,
    %jit3A_1001 = arith.constant 0.000000e+00 : f32
    %broadcast_in_dim3A_1002 = vector.broadcast %jit3A_1001 : f32 to vector<16xf32>
    %select_n3A_1003 = arith.select %lt3A_974, %get3A_1000, %broadcast_in_dim3A_1002 : vector<16xi1>, vector<16xf32>
    %swap3A_1004 = arith.constant 5 : i32
    %swap3A_1005 = arith.index_cast %swap3A_1004 : i32 to index
    %swap3A_1006 = arith.constant 32 : index
    %swap3A_1007 = tpu.vector_load %arg10[%swap3A_1005, %swap3A_1006] {strides = array<i32>} : memref<8x80xf32, #tpu.memory_space<vmem>>, vector<16xf32>,
    tpu.vector_store %arg10[%swap3A_1005, %swap3A_1006], %select_n3A_1003 {strides = array<i32>} : memref<8x80xf32, #tpu.memory_space<vmem>>, vector<16xf32>,
    %get3A_1008 = arith.constant 7 : i32
    %get3A_1009 = arith.index_cast %get3A_1008 : i32 to index
    %get3A_1010 = arith.constant 32 : index
    %get3A_1011 = tpu.vector_load %arg10[%get3A_1009, %get3A_1010] {strides = array<i32>} : memref<8x80xf32, #tpu.memory_space<vmem>>, vector<16xf32>,
    %jit3A_1012 = arith.constant 0.000000e+00 : f32
    %broadcast_in_dim3A_1013 = vector.broadcast %jit3A_1012 : f32 to vector<16xf32>
    %select_n3A_1014 = arith.select %lt3A_974, %get3A_1011, %broadcast_in_dim3A_1013 : vector<16xi1>, vector<16xf32>
    %swap3A_1015 = arith.constant 7 : i32
    %swap3A_1016 = arith.index_cast %swap3A_1015 : i32 to index
    %swap3A_1017 = arith.constant 32 : index
    %swap3A_1018 = tpu.vector_load %arg10[%swap3A_1016, %swap3A_1017] {strides = array<i32>} : memref<8x80xf32, #tpu.memory_space<vmem>>, vector<16xf32>,
    tpu.vector_store %arg10[%swap3A_1016, %swap3A_1017], %select_n3A_1014 {strides = array<i32>} : memref<8x80xf32, #tpu.memory_space<vmem>>, vector<16xf32>,
    %mul3A_1019 = arith.constant 2 : i32
    %mul3A_1020 = arith.muli %mul3A_1019, %add3A : i32
    %add3A_1021 = arith.constant 1 : i32
    %add3A_1022 = arith.addi %mul3A_1020, %add3A_1021 : i32
    %mul3A_1023 = arith.constant 80 : i32
    %mul3A_1024 = arith.muli %add3A_1022, %mul3A_1023 : i32
    %add3A_1025 = arith.constant 48 : i32
    %add3A_1026 = arith.addi %mul3A_1024, %add3A_1025 : i32
    %add3A_1027 = vector.broadcast %add3A_1026 : i32 to vector<16xi32>
    %add3A_1028 = arith.addi %add3A_1027, %iota3A : vector<16xi32>
    %lt3A_1029 = arith.constant 5000 : i32
    %lt3A_1030 = vector.broadcast %lt3A_1029 : i32 to vector<16xi32>
    %lt3A_1031 = arith.cmpi slt, %add3A_1028, %lt3A_1030 : vector<16xi32>
    %get3A_1032 = arith.constant 1 : i32
    %get3A_1033 = arith.index_cast %get3A_1032 : i32 to index
    %get3A_1034 = arith.constant 48 : index
    %get3A_1035 = tpu.vector_load %arg10[%get3A_1033, %get3A_1034] {strides = array<i32>} : memref<8x80xf32, #tpu.memory_space<vmem>>, vector<16xf32>,
    %jit3A_1036 = arith.constant 0.000000e+00 : f32
    %broadcast_in_dim3A_1037 = vector.broadcast %jit3A_1036 : f32 to vector<16xf32>
    %select_n3A_1038 = arith.select %lt3A_1031, %get3A_1035, %broadcast_in_dim3A_1037 : vector<16xi1>, vector<16xf32>
    %swap3A_1039 = arith.constant 1 : i32
    %swap3A_1040 = arith.index_cast %swap3A_1039 : i32 to index
    %swap3A_1041 = arith.constant 48 : index
    %swap3A_1042 = tpu.vector_load %arg10[%swap3A_1040, %swap3A_1041] {strides = array<i32>} : memref<8x80xf32, #tpu.memory_space<vmem>>, vector<16xf32>,
    tpu.vector_store %arg10[%swap3A_1040, %swap3A_1041], %select_n3A_1038 {strides = array<i32>} : memref<8x80xf32, #tpu.memory_space<vmem>>, vector<16xf32>,
    %get3A_1043 = arith.constant 3 : i32
    %get3A_1044 = arith.index_cast %get3A_1043 : i32 to index
    %get3A_1045 = arith.constant 48 : index
    %get3A_1046 = tpu.vector_load %arg10[%get3A_1044, %get3A_1045] {strides = array<i32>} : memref<8x80xf32, #tpu.memory_space<vmem>>, vector<16xf32>,
    %jit3A_1047 = arith.constant 0.000000e+00 : f32
    %broadcast_in_dim3A_1048 = vector.broadcast %jit3A_1047 : f32 to vector<16xf32>
    %select_n3A_1049 = arith.select %lt3A_1031, %get3A_1046, %broadcast_in_dim3A_1048 : vector<16xi1>, vector<16xf32>
    %swap3A_1050 = arith.constant 3 : i32
    %swap3A_1051 = arith.index_cast %swap3A_1050 : i32 to index
    %swap3A_1052 = arith.constant 48 : index
    %swap3A_1053 = tpu.vector_load %arg10[%swap3A_1051, %swap3A_1052] {strides = array<i32>} : memref<8x80xf32, #tpu.memory_space<vmem>>, vector<16xf32>,
    tpu.vector_store %arg10[%swap3A_1051, %swap3A_1052], %select_n3A_1049 {strides = array<i32>} : memref<8x80xf32, #tpu.memory_space<vmem>>, vector<16xf32>,
    %get3A_1054 = arith.constant 5 : i32
    %get3A_1055 = arith.index_cast %get3A_1054 : i32 to index
    %get3A_1056 = arith.constant 48 : index
    %get3A_1057 = tpu.vector_load %arg10[%get3A_1055, %get3A_1056] {strides = array<i32>} : memref<8x80xf32, #tpu.memory_space<vmem>>, vector<16xf32>,
    %jit3A_1058 = arith.constant 0.000000e+00 : f32
    %broadcast_in_dim3A_1059 = vector.broadcast %jit3A_1058 : f32 to vector<16xf32>
    %select_n3A_1060 = arith.select %lt3A_1031, %get3A_1057, %broadcast_in_dim3A_1059 : vector<16xi1>, vector<16xf32>
    %swap3A_1061 = arith.constant 5 : i32
    %swap3A_1062 = arith.index_cast %swap3A_1061 : i32 to index
    %swap3A_1063 = arith.constant 48 : index
    %swap3A_1064 = tpu.vector_load %arg10[%swap3A_1062, %swap3A_1063] {strides = array<i32>} : memref<8x80xf32, #tpu.memory_space<vmem>>, vector<16xf32>,
    tpu.vector_store %arg10[%swap3A_1062, %swap3A_1063], %select_n3A_1060 {strides = array<i32>} : memref<8x80xf32, #tpu.memory_space<vmem>>, vector<16xf32>,
    %get3A_1065 = arith.constant 7 : i32
    %get3A_1066 = arith.index_cast %get3A_1065 : i32 to index
    %get3A_1067 = arith.constant 48 : index
    %get3A_1068 = tpu.vector_load %arg10[%get3A_1066, %get3A_1067] {strides = array<i32>} : memref<8x80xf32, #tpu.memory_space<vmem>>, vector<16xf32>,
    %jit3A_1069 = arith.constant 0.000000e+00 : f32
    %broadcast_in_dim3A_1070 = vector.broadcast %jit3A_1069 : f32 to vector<16xf32>
    %select_n3A_1071 = arith.select %lt3A_1031, %get3A_1068, %broadcast_in_dim3A_1070 : vector<16xi1>, vector<16xf32>
    %swap3A_1072 = arith.constant 7 : i32
    %swap3A_1073 = arith.index_cast %swap3A_1072 : i32 to index
    %swap3A_1074 = arith.constant 48 : index
    %swap3A_1075 = tpu.vector_load %arg10[%swap3A_1073, %swap3A_1074] {strides = array<i32>} : memref<8x80xf32, #tpu.memory_space<vmem>>, vector<16xf32>,
    tpu.vector_store %arg10[%swap3A_1073, %swap3A_1074], %select_n3A_1071 {strides = array<i32>} : memref<8x80xf32, #tpu.memory_space<vmem>>, vector<16xf32>,
    %mul3A_1076 = arith.constant 2 : i32
    %mul3A_1077 = arith.muli %mul3A_1076, %add3A : i32
    %add3A_1078 = arith.constant 1 : i32
    %add3A_1079 = arith.addi %mul3A_1077, %add3A_1078 : i32
    %mul3A_1080 = arith.constant 80 : i32
    %mul3A_1081 = arith.muli %add3A_1079, %mul3A_1080 : i32
    %add3A_1082 = arith.constant 64 : i32
    %add3A_1083 = arith.addi %mul3A_1081, %add3A_1082 : i32
    %add3A_1084 = vector.broadcast %add3A_1083 : i32 to vector<16xi32>
    %add3A_1085 = arith.addi %add3A_1084, %iota3A : vector<16xi32>
    %lt3A_1086 = arith.constant 5000 : i32
    %lt3A_1087 = vector.broadcast %lt3A_1086 : i32 to vector<16xi32>
    %lt3A_1088 = arith.cmpi slt, %add3A_1085, %lt3A_1087 : vector<16xi32>
    %get3A_1089 = arith.constant 1 : i32
    %get3A_1090 = arith.index_cast %get3A_1089 : i32 to index
    %get3A_1091 = arith.constant 64 : index
    %get3A_1092 = tpu.vector_load %arg10[%get3A_1090, %get3A_1091] {strides = array<i32>} : memref<8x80xf32, #tpu.memory_space<vmem>>, vector<16xf32>,
    %jit3A_1093 = arith.constant 0.000000e+00 : f32
    %broadcast_in_dim3A_1094 = vector.broadcast %jit3A_1093 : f32 to vector<16xf32>
    %select_n3A_1095 = arith.select %lt3A_1088, %get3A_1092, %broadcast_in_dim3A_1094 : vector<16xi1>, vector<16xf32>
    %swap3A_1096 = arith.constant 1 : i32
    %swap3A_1097 = arith.index_cast %swap3A_1096 : i32 to index
    %swap3A_1098 = arith.constant 64 : index
    %swap3A_1099 = tpu.vector_load %arg10[%swap3A_1097, %swap3A_1098] {strides = array<i32>} : memref<8x80xf32, #tpu.memory_space<vmem>>, vector<16xf32>,
    tpu.vector_store %arg10[%swap3A_1097, %swap3A_1098], %select_n3A_1095 {strides = array<i32>} : memref<8x80xf32, #tpu.memory_space<vmem>>, vector<16xf32>,
    %get3A_1100 = arith.constant 3 : i32
    %get3A_1101 = arith.index_cast %get3A_1100 : i32 to index
    %get3A_1102 = arith.constant 64 : index
    %get3A_1103 = tpu.vector_load %arg10[%get3A_1101, %get3A_1102] {strides = array<i32>} : memref<8x80xf32, #tpu.memory_space<vmem>>, vector<16xf32>,
    %jit3A_1104 = arith.constant 0.000000e+00 : f32
    %broadcast_in_dim3A_1105 = vector.broadcast %jit3A_1104 : f32 to vector<16xf32>
    %select_n3A_1106 = arith.select %lt3A_1088, %get3A_1103, %broadcast_in_dim3A_1105 : vector<16xi1>, vector<16xf32>
    %swap3A_1107 = arith.constant 3 : i32
    %swap3A_1108 = arith.index_cast %swap3A_1107 : i32 to index
    %swap3A_1109 = arith.constant 64 : index
    %swap3A_1110 = tpu.vector_load %arg10[%swap3A_1108, %swap3A_1109] {strides = array<i32>} : memref<8x80xf32, #tpu.memory_space<vmem>>, vector<16xf32>,
    tpu.vector_store %arg10[%swap3A_1108, %swap3A_1109], %select_n3A_1106 {strides = array<i32>} : memref<8x80xf32, #tpu.memory_space<vmem>>, vector<16xf32>,
    %get3A_1111 = arith.constant 5 : i32
    %get3A_1112 = arith.index_cast %get3A_1111 : i32 to index
    %get3A_1113 = arith.constant 64 : index
    %get3A_1114 = tpu.vector_load %arg10[%get3A_1112, %get3A_1113] {strides = array<i32>} : memref<8x80xf32, #tpu.memory_space<vmem>>, vector<16xf32>,
    %jit3A_1115 = arith.constant 0.000000e+00 : f32
    %broadcast_in_dim3A_1116 = vector.broadcast %jit3A_1115 : f32 to vector<16xf32>
    %select_n3A_1117 = arith.select %lt3A_1088, %get3A_1114, %broadcast_in_dim3A_1116 : vector<16xi1>, vector<16xf32>
    %swap3A_1118 = arith.constant 5 : i32
    %swap3A_1119 = arith.index_cast %swap3A_1118 : i32 to index
    %swap3A_1120 = arith.constant 64 : index
    %swap3A_1121 = tpu.vector_load %arg10[%swap3A_1119, %swap3A_1120] {strides = array<i32>} : memref<8x80xf32, #tpu.memory_space<vmem>>, vector<16xf32>,
    tpu.vector_store %arg10[%swap3A_1119, %swap3A_1120], %select_n3A_1117 {strides = array<i32>} : memref<8x80xf32, #tpu.memory_space<vmem>>, vector<16xf32>,
    %get3A_1122 = arith.constant 7 : i32
    %get3A_1123 = arith.index_cast %get3A_1122 : i32 to index
    %get3A_1124 = arith.constant 64 : index
    %get3A_1125 = tpu.vector_load %arg10[%get3A_1123, %get3A_1124] {strides = array<i32>} : memref<8x80xf32, #tpu.memory_space<vmem>>, vector<16xf32>,
    %jit3A_1126 = arith.constant 0.000000e+00 : f32
    %broadcast_in_dim3A_1127 = vector.broadcast %jit3A_1126 : f32 to vector<16xf32>
    %select_n3A_1128 = arith.select %lt3A_1088, %get3A_1125, %broadcast_in_dim3A_1127 : vector<16xi1>, vector<16xf32>
    %swap3A_1129 = arith.constant 7 : i32
    %swap3A_1130 = arith.index_cast %swap3A_1129 : i32 to index
    %swap3A_1131 = arith.constant 64 : index
    %swap3A_1132 = tpu.vector_load %arg10[%swap3A_1130, %swap3A_1131] {strides = array<i32>} : memref<8x80xf32, #tpu.memory_space<vmem>>, vector<16xf32>,
    tpu.vector_store %arg10[%swap3A_1130, %swap3A_1131], %select_n3A_1128 {strides = array<i32>} : memref<8x80xf32, #tpu.memory_space<vmem>>, vector<16xf32>,
    %mul3A_1133 = arith.constant 160 : i32
    %mul3A_1134 = arith.muli %add3A, %mul3A_1133 : i32
    %multiple_of3A = tpu.assume_multiple %mul3A_1134, 32 : i32
    %add3A_1135 = arith.constant 0 : i32
    %add3A_1136 = arith.addi %multiple_of3A, %add3A_1135 : i32
    %dma_start3A_1137 = arith.constant 0 : i32
    %dma_start3A_1138 = arith.constant 0 : i32
    %dma_start3A_1139 = tpu.memref_slice %arg10[%dma_start3A_1137, %dma_start3A_1138] : memref<8x80xf32, #tpu.memory_space<vmem>> -> memref<1x80xf32, #tpu.memory_space<vmem>>
    %dma_start3A_1140 = tpu.memref_squeeze %dma_start3A_1139 : memref<1x80xf32, #tpu.memory_space<vmem>> -> memref<80xf32, #tpu.memory_space<vmem>>
    %dma_start3A_1141 = tpu.memref_slice %arg4[%add3A_1136] : memref<5120xf32, #tpu.memory_space<hbm>> -> memref<80xf32, #tpu.memory_space<hbm>>
    %dma_start3A_1142 = tpu.memref_slice %arg4[%add3A_1136] : memref<5120xf32, #tpu.memory_space<hbm>> -> memref<80xf32, #tpu.memory_space<hbm>>
    %dma_start3A_1143 = arith.constant 0 : i32
    %dma_start3A_1144 = tpu.memref_slice %arg10[%dma_start3A_1137, %dma_start3A_1143] : memref<8x80xf32, #tpu.memory_space<vmem>> -> memref<1x80xf32, #tpu.memory_space<vmem>>
    %dma_start3A_1145 = tpu.memref_squeeze %dma_start3A_1144 : memref<1x80xf32, #tpu.memory_space<vmem>> -> memref<80xf32, #tpu.memory_space<vmem>>
    tpu.enqueue_dma source(%dma_start3A_1145 : memref<80xf32, #tpu.memory_space<vmem>>) target(%dma_start3A_1142 : memref<80xf32, #tpu.memory_space<hbm>>) target_semaphore(%arg11 : memref<!tpu.dma_semaphore, #tpu.memory_space<semaphore_mem>>)
    %dma_wait3A_1146 = arith.constant 0 : i32
    %dma_wait3A_1147 = arith.constant 0 : i32
    %dma_wait3A_1148 = tpu.memref_slice %arg10[%dma_wait3A_1146, %dma_wait3A_1147] : memref<8x80xf32, #tpu.memory_space<vmem>> -> memref<1x80xf32, #tpu.memory_space<vmem>>
    %dma_wait3A_1149 = tpu.memref_squeeze %dma_wait3A_1148 : memref<1x80xf32, #tpu.memory_space<vmem>> -> memref<80xf32, #tpu.memory_space<vmem>>
    %dma_wait3A_1150 = tpu.memref_slice %arg4[%add3A_1136] : memref<5120xf32, #tpu.memory_space<hbm>> -> memref<80xf32, #tpu.memory_space<hbm>>
    %dma_wait3A_1151 = tpu.memref_slice %arg4[%add3A_1136] : memref<5120xf32, #tpu.memory_space<hbm>> -> memref<80xf32, #tpu.memory_space<hbm>>
    %dma_wait3A_1152 = arith.constant 0 : i32
    %dma_wait3A_1153 = tpu.memref_slice %arg10[%dma_wait3A_1146, %dma_wait3A_1152] : memref<8x80xf32, #tpu.memory_space<vmem>> -> memref<1x80xf32, #tpu.memory_space<vmem>>
    %dma_wait3A_1154 = tpu.memref_squeeze %dma_wait3A_1153 : memref<1x80xf32, #tpu.memory_space<vmem>> -> memref<80xf32, #tpu.memory_space<vmem>>
    tpu.wait_dma2 semaphore(%arg11 : memref<!tpu.dma_semaphore, #tpu.memory_space<semaphore_mem>>) src(%dma_wait3A_1154 : memref<80xf32, #tpu.memory_space<vmem>>) dst(%dma_wait3A_1151 : memref<80xf32, #tpu.memory_space<hbm>>)
    %add3A_1155 = arith.constant 80 : i32
    %add3A_1156 = arith.addi %multiple_of3A, %add3A_1155 : i32
    %dma_start3A_1157 = arith.constant 1 : i32
    %dma_start3A_1158 = arith.constant 0 : i32
    %dma_start3A_1159 = tpu.memref_slice %arg10[%dma_start3A_1157, %dma_start3A_1158] : memref<8x80xf32, #tpu.memory_space<vmem>> -> memref<1x80xf32, #tpu.memory_space<vmem>>
    %dma_start3A_1160 = tpu.memref_squeeze %dma_start3A_1159 : memref<1x80xf32, #tpu.memory_space<vmem>> -> memref<80xf32, #tpu.memory_space<vmem>>
    %dma_start3A_1161 = tpu.memref_slice %arg4[%add3A_1156] : memref<5120xf32, #tpu.memory_space<hbm>> -> memref<80xf32, #tpu.memory_space<hbm>>
    %dma_start3A_1162 = tpu.memref_slice %arg4[%add3A_1156] : memref<5120xf32, #tpu.memory_space<hbm>> -> memref<80xf32, #tpu.memory_space<hbm>>
    %dma_start3A_1163 = arith.constant 0 : i32
    %dma_start3A_1164 = tpu.memref_slice %arg10[%dma_start3A_1157, %dma_start3A_1163] : memref<8x80xf32, #tpu.memory_space<vmem>> -> memref<1x80xf32, #tpu.memory_space<vmem>>
    %dma_start3A_1165 = tpu.memref_squeeze %dma_start3A_1164 : memref<1x80xf32, #tpu.memory_space<vmem>> -> memref<80xf32, #tpu.memory_space<vmem>>
    tpu.enqueue_dma source(%dma_start3A_1165 : memref<80xf32, #tpu.memory_space<vmem>>) target(%dma_start3A_1162 : memref<80xf32, #tpu.memory_space<hbm>>) target_semaphore(%arg11 : memref<!tpu.dma_semaphore, #tpu.memory_space<semaphore_mem>>)
    %dma_wait3A_1166 = arith.constant 1 : i32
    %dma_wait3A_1167 = arith.constant 0 : i32
    %dma_wait3A_1168 = tpu.memref_slice %arg10[%dma_wait3A_1166, %dma_wait3A_1167] : memref<8x80xf32, #tpu.memory_space<vmem>> -> memref<1x80xf32, #tpu.memory_space<vmem>>
    %dma_wait3A_1169 = tpu.memref_squeeze %dma_wait3A_1168 : memref<1x80xf32, #tpu.memory_space<vmem>> -> memref<80xf32, #tpu.memory_space<vmem>>
    %dma_wait3A_1170 = tpu.memref_slice %arg4[%add3A_1156] : memref<5120xf32, #tpu.memory_space<hbm>> -> memref<80xf32, #tpu.memory_space<hbm>>
    %dma_wait3A_1171 = tpu.memref_slice %arg4[%add3A_1156] : memref<5120xf32, #tpu.memory_space<hbm>> -> memref<80xf32, #tpu.memory_space<hbm>>
    %dma_wait3A_1172 = arith.constant 0 : i32
    %dma_wait3A_1173 = tpu.memref_slice %arg10[%dma_wait3A_1166, %dma_wait3A_1172] : memref<8x80xf32, #tpu.memory_space<vmem>> -> memref<1x80xf32, #tpu.memory_space<vmem>>
    %dma_wait3A_1174 = tpu.memref_squeeze %dma_wait3A_1173 : memref<1x80xf32, #tpu.memory_space<vmem>> -> memref<80xf32, #tpu.memory_space<vmem>>
    tpu.wait_dma2 semaphore(%arg11 : memref<!tpu.dma_semaphore, #tpu.memory_space<semaphore_mem>>) src(%dma_wait3A_1174 : memref<80xf32, #tpu.memory_space<vmem>>) dst(%dma_wait3A_1171 : memref<80xf32, #tpu.memory_space<hbm>>)
    %add3A_1175 = arith.constant 0 : i32
    %add3A_1176 = arith.addi %multiple_of3A, %add3A_1175 : i32
    %dma_start3A_1177 = arith.constant 2 : i32
    %dma_start3A_1178 = arith.constant 0 : i32
    %dma_start3A_1179 = tpu.memref_slice %arg10[%dma_start3A_1177, %dma_start3A_1178] : memref<8x80xf32, #tpu.memory_space<vmem>> -> memref<1x80xf32, #tpu.memory_space<vmem>>
    %dma_start3A_1180 = tpu.memref_squeeze %dma_start3A_1179 : memref<1x80xf32, #tpu.memory_space<vmem>> -> memref<80xf32, #tpu.memory_space<vmem>>
    %dma_start3A_1181 = tpu.memref_slice %arg5[%add3A_1176] : memref<5120xf32, #tpu.memory_space<hbm>> -> memref<80xf32, #tpu.memory_space<hbm>>
    %dma_start3A_1182 = tpu.memref_slice %arg5[%add3A_1176] : memref<5120xf32, #tpu.memory_space<hbm>> -> memref<80xf32, #tpu.memory_space<hbm>>
    %dma_start3A_1183 = arith.constant 0 : i32
    %dma_start3A_1184 = tpu.memref_slice %arg10[%dma_start3A_1177, %dma_start3A_1183] : memref<8x80xf32, #tpu.memory_space<vmem>> -> memref<1x80xf32, #tpu.memory_space<vmem>>
    %dma_start3A_1185 = tpu.memref_squeeze %dma_start3A_1184 : memref<1x80xf32, #tpu.memory_space<vmem>> -> memref<80xf32, #tpu.memory_space<vmem>>
    tpu.enqueue_dma source(%dma_start3A_1185 : memref<80xf32, #tpu.memory_space<vmem>>) target(%dma_start3A_1182 : memref<80xf32, #tpu.memory_space<hbm>>) target_semaphore(%arg11 : memref<!tpu.dma_semaphore, #tpu.memory_space<semaphore_mem>>)
    %dma_wait3A_1186 = arith.constant 2 : i32
    %dma_wait3A_1187 = arith.constant 0 : i32
    %dma_wait3A_1188 = tpu.memref_slice %arg10[%dma_wait3A_1186, %dma_wait3A_1187] : memref<8x80xf32, #tpu.memory_space<vmem>> -> memref<1x80xf32, #tpu.memory_space<vmem>>
    %dma_wait3A_1189 = tpu.memref_squeeze %dma_wait3A_1188 : memref<1x80xf32, #tpu.memory_space<vmem>> -> memref<80xf32, #tpu.memory_space<vmem>>
    %dma_wait3A_1190 = tpu.memref_slice %arg5[%add3A_1176] : memref<5120xf32, #tpu.memory_space<hbm>> -> memref<80xf32, #tpu.memory_space<hbm>>
    %dma_wait3A_1191 = tpu.memref_slice %arg5[%add3A_1176] : memref<5120xf32, #tpu.memory_space<hbm>> -> memref<80xf32, #tpu.memory_space<hbm>>
    %dma_wait3A_1192 = arith.constant 0 : i32
    %dma_wait3A_1193 = tpu.memref_slice %arg10[%dma_wait3A_1186, %dma_wait3A_1192] : memref<8x80xf32, #tpu.memory_space<vmem>> -> memref<1x80xf32, #tpu.memory_space<vmem>>
    %dma_wait3A_1194 = tpu.memref_squeeze %dma_wait3A_1193 : memref<1x80xf32, #tpu.memory_space<vmem>> -> memref<80xf32, #tpu.memory_space<vmem>>
    tpu.wait_dma2 semaphore(%arg11 : memref<!tpu.dma_semaphore, #tpu.memory_space<semaphore_mem>>) src(%dma_wait3A_1194 : memref<80xf32, #tpu.memory_space<vmem>>) dst(%dma_wait3A_1191 : memref<80xf32, #tpu.memory_space<hbm>>)
    %add3A_1195 = arith.constant 80 : i32
    %add3A_1196 = arith.addi %multiple_of3A, %add3A_1195 : i32
    %dma_start3A_1197 = arith.constant 3 : i32
    %dma_start3A_1198 = arith.constant 0 : i32
    %dma_start3A_1199 = tpu.memref_slice %arg10[%dma_start3A_1197, %dma_start3A_1198] : memref<8x80xf32, #tpu.memory_space<vmem>> -> memref<1x80xf32, #tpu.memory_space<vmem>>
    %dma_start3A_1200 = tpu.memref_squeeze %dma_start3A_1199 : memref<1x80xf32, #tpu.memory_space<vmem>> -> memref<80xf32, #tpu.memory_space<vmem>>
    %dma_start3A_1201 = tpu.memref_slice %arg5[%add3A_1196] : memref<5120xf32, #tpu.memory_space<hbm>> -> memref<80xf32, #tpu.memory_space<hbm>>
    %dma_start3A_1202 = tpu.memref_slice %arg5[%add3A_1196] : memref<5120xf32, #tpu.memory_space<hbm>> -> memref<80xf32, #tpu.memory_space<hbm>>
    %dma_start3A_1203 = arith.constant 0 : i32
    %dma_start3A_1204 = tpu.memref_slice %arg10[%dma_start3A_1197, %dma_start3A_1203] : memref<8x80xf32, #tpu.memory_space<vmem>> -> memref<1x80xf32, #tpu.memory_space<vmem>>
    %dma_start3A_1205 = tpu.memref_squeeze %dma_start3A_1204 : memref<1x80xf32, #tpu.memory_space<vmem>> -> memref<80xf32, #tpu.memory_space<vmem>>
    tpu.enqueue_dma source(%dma_start3A_1205 : memref<80xf32, #tpu.memory_space<vmem>>) target(%dma_start3A_1202 : memref<80xf32, #tpu.memory_space<hbm>>) target_semaphore(%arg11 : memref<!tpu.dma_semaphore, #tpu.memory_space<semaphore_mem>>)
    %dma_wait3A_1206 = arith.constant 3 : i32
    %dma_wait3A_1207 = arith.constant 0 : i32
    %dma_wait3A_1208 = tpu.memref_slice %arg10[%dma_wait3A_1206, %dma_wait3A_1207] : memref<8x80xf32, #tpu.memory_space<vmem>> -> memref<1x80xf32, #tpu.memory_space<vmem>>
    %dma_wait3A_1209 = tpu.memref_squeeze %dma_wait3A_1208 : memref<1x80xf32, #tpu.memory_space<vmem>> -> memref<80xf32, #tpu.memory_space<vmem>>
    %dma_wait3A_1210 = tpu.memref_slice %arg5[%add3A_1196] : memref<5120xf32, #tpu.memory_space<hbm>> -> memref<80xf32, #tpu.memory_space<hbm>>
    %dma_wait3A_1211 = tpu.memref_slice %arg5[%add3A_1196] : memref<5120xf32, #tpu.memory_space<hbm>> -> memref<80xf32, #tpu.memory_space<hbm>>
    %dma_wait3A_1212 = arith.constant 0 : i32
    %dma_wait3A_1213 = tpu.memref_slice %arg10[%dma_wait3A_1206, %dma_wait3A_1212] : memref<8x80xf32, #tpu.memory_space<vmem>> -> memref<1x80xf32, #tpu.memory_space<vmem>>
    %dma_wait3A_1214 = tpu.memref_squeeze %dma_wait3A_1213 : memref<1x80xf32, #tpu.memory_space<vmem>> -> memref<80xf32, #tpu.memory_space<vmem>>
    tpu.wait_dma2 semaphore(%arg11 : memref<!tpu.dma_semaphore, #tpu.memory_space<semaphore_mem>>) src(%dma_wait3A_1214 : memref<80xf32, #tpu.memory_space<vmem>>) dst(%dma_wait3A_1211 : memref<80xf32, #tpu.memory_space<hbm>>)
    %add3A_1215 = arith.constant 0 : i32
    %add3A_1216 = arith.addi %multiple_of3A, %add3A_1215 : i32
    %dma_start3A_1217 = arith.constant 4 : i32
    %dma_start3A_1218 = arith.constant 0 : i32
    %dma_start3A_1219 = tpu.memref_slice %arg10[%dma_start3A_1217, %dma_start3A_1218] : memref<8x80xf32, #tpu.memory_space<vmem>> -> memref<1x80xf32, #tpu.memory_space<vmem>>
    %dma_start3A_1220 = tpu.memref_squeeze %dma_start3A_1219 : memref<1x80xf32, #tpu.memory_space<vmem>> -> memref<80xf32, #tpu.memory_space<vmem>>
    %dma_start3A_1221 = tpu.memref_slice %arg6[%add3A_1216] : memref<5120xf32, #tpu.memory_space<hbm>> -> memref<80xf32, #tpu.memory_space<hbm>>
    %dma_start3A_1222 = tpu.memref_slice %arg6[%add3A_1216] : memref<5120xf32, #tpu.memory_space<hbm>> -> memref<80xf32, #tpu.memory_space<hbm>>
    %dma_start3A_1223 = arith.constant 0 : i32
    %dma_start3A_1224 = tpu.memref_slice %arg10[%dma_start3A_1217, %dma_start3A_1223] : memref<8x80xf32, #tpu.memory_space<vmem>> -> memref<1x80xf32, #tpu.memory_space<vmem>>
    %dma_start3A_1225 = tpu.memref_squeeze %dma_start3A_1224 : memref<1x80xf32, #tpu.memory_space<vmem>> -> memref<80xf32, #tpu.memory_space<vmem>>
    tpu.enqueue_dma source(%dma_start3A_1225 : memref<80xf32, #tpu.memory_space<vmem>>) target(%dma_start3A_1222 : memref<80xf32, #tpu.memory_space<hbm>>) target_semaphore(%arg11 : memref<!tpu.dma_semaphore, #tpu.memory_space<semaphore_mem>>)
    %dma_wait3A_1226 = arith.constant 4 : i32
    %dma_wait3A_1227 = arith.constant 0 : i32
    %dma_wait3A_1228 = tpu.memref_slice %arg10[%dma_wait3A_1226, %dma_wait3A_1227] : memref<8x80xf32, #tpu.memory_space<vmem>> -> memref<1x80xf32, #tpu.memory_space<vmem>>
    %dma_wait3A_1229 = tpu.memref_squeeze %dma_wait3A_1228 : memref<1x80xf32, #tpu.memory_space<vmem>> -> memref<80xf32, #tpu.memory_space<vmem>>
    %dma_wait3A_1230 = tpu.memref_slice %arg6[%add3A_1216] : memref<5120xf32, #tpu.memory_space<hbm>> -> memref<80xf32, #tpu.memory_space<hbm>>
    %dma_wait3A_1231 = tpu.memref_slice %arg6[%add3A_1216] : memref<5120xf32, #tpu.memory_space<hbm>> -> memref<80xf32, #tpu.memory_space<hbm>>
    %dma_wait3A_1232 = arith.constant 0 : i32
    %dma_wait3A_1233 = tpu.memref_slice %arg10[%dma_wait3A_1226, %dma_wait3A_1232] : memref<8x80xf32, #tpu.memory_space<vmem>> -> memref<1x80xf32, #tpu.memory_space<vmem>>
    %dma_wait3A_1234 = tpu.memref_squeeze %dma_wait3A_1233 : memref<1x80xf32, #tpu.memory_space<vmem>> -> memref<80xf32, #tpu.memory_space<vmem>>
    tpu.wait_dma2 semaphore(%arg11 : memref<!tpu.dma_semaphore, #tpu.memory_space<semaphore_mem>>) src(%dma_wait3A_1234 : memref<80xf32, #tpu.memory_space<vmem>>) dst(%dma_wait3A_1231 : memref<80xf32, #tpu.memory_space<hbm>>)
    %add3A_1235 = arith.constant 80 : i32
    %add3A_1236 = arith.addi %multiple_of3A, %add3A_1235 : i32
    %dma_start3A_1237 = arith.constant 5 : i32
    %dma_start3A_1238 = arith.constant 0 : i32
    %dma_start3A_1239 = tpu.memref_slice %arg10[%dma_start3A_1237, %dma_start3A_1238] : memref<8x80xf32, #tpu.memory_space<vmem>> -> memref<1x80xf32, #tpu.memory_space<vmem>>
    %dma_start3A_1240 = tpu.memref_squeeze %dma_start3A_1239 : memref<1x80xf32, #tpu.memory_space<vmem>> -> memref<80xf32, #tpu.memory_space<vmem>>
    %dma_start3A_1241 = tpu.memref_slice %arg6[%add3A_1236] : memref<5120xf32, #tpu.memory_space<hbm>> -> memref<80xf32, #tpu.memory_space<hbm>>
    %dma_start3A_1242 = tpu.memref_slice %arg6[%add3A_1236] : memref<5120xf32, #tpu.memory_space<hbm>> -> memref<80xf32, #tpu.memory_space<hbm>>
    %dma_start3A_1243 = arith.constant 0 : i32
    %dma_start3A_1244 = tpu.memref_slice %arg10[%dma_start3A_1237, %dma_start3A_1243] : memref<8x80xf32, #tpu.memory_space<vmem>> -> memref<1x80xf32, #tpu.memory_space<vmem>>
    %dma_start3A_1245 = tpu.memref_squeeze %dma_start3A_1244 : memref<1x80xf32, #tpu.memory_space<vmem>> -> memref<80xf32, #tpu.memory_space<vmem>>
    tpu.enqueue_dma source(%dma_start3A_1245 : memref<80xf32, #tpu.memory_space<vmem>>) target(%dma_start3A_1242 : memref<80xf32, #tpu.memory_space<hbm>>) target_semaphore(%arg11 : memref<!tpu.dma_semaphore, #tpu.memory_space<semaphore_mem>>)
    %dma_wait3A_1246 = arith.constant 5 : i32
    %dma_wait3A_1247 = arith.constant 0 : i32
    %dma_wait3A_1248 = tpu.memref_slice %arg10[%dma_wait3A_1246, %dma_wait3A_1247] : memref<8x80xf32, #tpu.memory_space<vmem>> -> memref<1x80xf32, #tpu.memory_space<vmem>>
    %dma_wait3A_1249 = tpu.memref_squeeze %dma_wait3A_1248 : memref<1x80xf32, #tpu.memory_space<vmem>> -> memref<80xf32, #tpu.memory_space<vmem>>
    %dma_wait3A_1250 = tpu.memref_slice %arg6[%add3A_1236] : memref<5120xf32, #tpu.memory_space<hbm>> -> memref<80xf32, #tpu.memory_space<hbm>>
    %dma_wait3A_1251 = tpu.memref_slice %arg6[%add3A_1236] : memref<5120xf32, #tpu.memory_space<hbm>> -> memref<80xf32, #tpu.memory_space<hbm>>
    %dma_wait3A_1252 = arith.constant 0 : i32
    %dma_wait3A_1253 = tpu.memref_slice %arg10[%dma_wait3A_1246, %dma_wait3A_1252] : memref<8x80xf32, #tpu.memory_space<vmem>> -> memref<1x80xf32, #tpu.memory_space<vmem>>
    %dma_wait3A_1254 = tpu.memref_squeeze %dma_wait3A_1253 : memref<1x80xf32, #tpu.memory_space<vmem>> -> memref<80xf32, #tpu.memory_space<vmem>>
    tpu.wait_dma2 semaphore(%arg11 : memref<!tpu.dma_semaphore, #tpu.memory_space<semaphore_mem>>) src(%dma_wait3A_1254 : memref<80xf32, #tpu.memory_space<vmem>>) dst(%dma_wait3A_1251 : memref<80xf32, #tpu.memory_space<hbm>>)
    %add3A_1255 = arith.constant 0 : i32
    %add3A_1256 = arith.addi %multiple_of3A, %add3A_1255 : i32
    %dma_start3A_1257 = arith.constant 6 : i32
    %dma_start3A_1258 = arith.constant 0 : i32
    %dma_start3A_1259 = tpu.memref_slice %arg10[%dma_start3A_1257, %dma_start3A_1258] : memref<8x80xf32, #tpu.memory_space<vmem>> -> memref<1x80xf32, #tpu.memory_space<vmem>>
    %dma_start3A_1260 = tpu.memref_squeeze %dma_start3A_1259 : memref<1x80xf32, #tpu.memory_space<vmem>> -> memref<80xf32, #tpu.memory_space<vmem>>
    %dma_start3A_1261 = tpu.memref_slice %arg7[%add3A_1256] : memref<5120xf32, #tpu.memory_space<hbm>> -> memref<80xf32, #tpu.memory_space<hbm>>
    %dma_start3A_1262 = tpu.memref_slice %arg7[%add3A_1256] : memref<5120xf32, #tpu.memory_space<hbm>> -> memref<80xf32, #tpu.memory_space<hbm>>
    %dma_start3A_1263 = arith.constant 0 : i32
    %dma_start3A_1264 = tpu.memref_slice %arg10[%dma_start3A_1257, %dma_start3A_1263] : memref<8x80xf32, #tpu.memory_space<vmem>> -> memref<1x80xf32, #tpu.memory_space<vmem>>
    %dma_start3A_1265 = tpu.memref_squeeze %dma_start3A_1264 : memref<1x80xf32, #tpu.memory_space<vmem>> -> memref<80xf32, #tpu.memory_space<vmem>>
    tpu.enqueue_dma source(%dma_start3A_1265 : memref<80xf32, #tpu.memory_space<vmem>>) target(%dma_start3A_1262 : memref<80xf32, #tpu.memory_space<hbm>>) target_semaphore(%arg11 : memref<!tpu.dma_semaphore, #tpu.memory_space<semaphore_mem>>)
    %dma_wait3A_1266 = arith.constant 6 : i32
    %dma_wait3A_1267 = arith.constant 0 : i32
    %dma_wait3A_1268 = tpu.memref_slice %arg10[%dma_wait3A_1266, %dma_wait3A_1267] : memref<8x80xf32, #tpu.memory_space<vmem>> -> memref<1x80xf32, #tpu.memory_space<vmem>>
    %dma_wait3A_1269 = tpu.memref_squeeze %dma_wait3A_1268 : memref<1x80xf32, #tpu.memory_space<vmem>> -> memref<80xf32, #tpu.memory_space<vmem>>
    %dma_wait3A_1270 = tpu.memref_slice %arg7[%add3A_1256] : memref<5120xf32, #tpu.memory_space<hbm>> -> memref<80xf32, #tpu.memory_space<hbm>>
    %dma_wait3A_1271 = tpu.memref_slice %arg7[%add3A_1256] : memref<5120xf32, #tpu.memory_space<hbm>> -> memref<80xf32, #tpu.memory_space<hbm>>
    %dma_wait3A_1272 = arith.constant 0 : i32
    %dma_wait3A_1273 = tpu.memref_slice %arg10[%dma_wait3A_1266, %dma_wait3A_1272] : memref<8x80xf32, #tpu.memory_space<vmem>> -> memref<1x80xf32, #tpu.memory_space<vmem>>
    %dma_wait3A_1274 = tpu.memref_squeeze %dma_wait3A_1273 : memref<1x80xf32, #tpu.memory_space<vmem>> -> memref<80xf32, #tpu.memory_space<vmem>>
    tpu.wait_dma2 semaphore(%arg11 : memref<!tpu.dma_semaphore, #tpu.memory_space<semaphore_mem>>) src(%dma_wait3A_1274 : memref<80xf32, #tpu.memory_space<vmem>>) dst(%dma_wait3A_1271 : memref<80xf32, #tpu.memory_space<hbm>>)
    %add3A_1275 = arith.constant 80 : i32
    %add3A_1276 = arith.addi %multiple_of3A, %add3A_1275 : i32
    %dma_start3A_1277 = arith.constant 7 : i32
    %dma_start3A_1278 = arith.constant 0 : i32
    %dma_start3A_1279 = tpu.memref_slice %arg10[%dma_start3A_1277, %dma_start3A_1278] : memref<8x80xf32, #tpu.memory_space<vmem>> -> memref<1x80xf32, #tpu.memory_space<vmem>>
    %dma_start3A_1280 = tpu.memref_squeeze %dma_start3A_1279 : memref<1x80xf32, #tpu.memory_space<vmem>> -> memref<80xf32, #tpu.memory_space<vmem>>
    %dma_start3A_1281 = tpu.memref_slice %arg7[%add3A_1276] : memref<5120xf32, #tpu.memory_space<hbm>> -> memref<80xf32, #tpu.memory_space<hbm>>
    %dma_start3A_1282 = tpu.memref_slice %arg7[%add3A_1276] : memref<5120xf32, #tpu.memory_space<hbm>> -> memref<80xf32, #tpu.memory_space<hbm>>
    %dma_start3A_1283 = arith.constant 0 : i32
    %dma_start3A_1284 = tpu.memref_slice %arg10[%dma_start3A_1277, %dma_start3A_1283] : memref<8x80xf32, #tpu.memory_space<vmem>> -> memref<1x80xf32, #tpu.memory_space<vmem>>
    %dma_start3A_1285 = tpu.memref_squeeze %dma_start3A_1284 : memref<1x80xf32, #tpu.memory_space<vmem>> -> memref<80xf32, #tpu.memory_space<vmem>>
    tpu.enqueue_dma source(%dma_start3A_1285 : memref<80xf32, #tpu.memory_space<vmem>>) target(%dma_start3A_1282 : memref<80xf32, #tpu.memory_space<hbm>>) target_semaphore(%arg11 : memref<!tpu.dma_semaphore, #tpu.memory_space<semaphore_mem>>)
    %dma_wait3A_1286 = arith.constant 7 : i32
    %dma_wait3A_1287 = arith.constant 0 : i32
    %dma_wait3A_1288 = tpu.memref_slice %arg10[%dma_wait3A_1286, %dma_wait3A_1287] : memref<8x80xf32, #tpu.memory_space<vmem>> -> memref<1x80xf32, #tpu.memory_space<vmem>>
    %dma_wait3A_1289 = tpu.memref_squeeze %dma_wait3A_1288 : memref<1x80xf32, #tpu.memory_space<vmem>> -> memref<80xf32, #tpu.memory_space<vmem>>
    %dma_wait3A_1290 = tpu.memref_slice %arg7[%add3A_1276] : memref<5120xf32, #tpu.memory_space<hbm>> -> memref<80xf32, #tpu.memory_space<hbm>>
    %dma_wait3A_1291 = tpu.memref_slice %arg7[%add3A_1276] : memref<5120xf32, #tpu.memory_space<hbm>> -> memref<80xf32, #tpu.memory_space<hbm>>
    %dma_wait3A_1292 = arith.constant 0 : i32
    %dma_wait3A_1293 = tpu.memref_slice %arg10[%dma_wait3A_1286, %dma_wait3A_1292] : memref<8x80xf32, #tpu.memory_space<vmem>> -> memref<1x80xf32, #tpu.memory_space<vmem>>
    %dma_wait3A_1294 = tpu.memref_squeeze %dma_wait3A_1293 : memref<1x80xf32, #tpu.memory_space<vmem>> -> memref<80xf32, #tpu.memory_space<vmem>>
    tpu.wait_dma2 semaphore(%arg11 : memref<!tpu.dma_semaphore, #tpu.memory_space<semaphore_mem>>) src(%dma_wait3A_1294 : memref<80xf32, #tpu.memory_space<vmem>>) dst(%dma_wait3A_1291 : memref<80xf32, #tpu.memory_space<hbm>>)
    return
  }
}

#map = affine_map<(d0, d1) -> (0)>
#map1 = affine_map<(d0, d1) -> (0, 0)>
module attributes {stable_mosaic.version = 14 : i64} {
  func.func @_scatter_assemble_body(%arg0: i32, %arg1: i32, %arg2: memref<20352xf32, #tpu.memory_space<hbm>>, %arg3: memref<5088xf32, #tpu.memory_space<hbm>>, %arg4: memref<64x80xf32, #tpu.memory_space<hbm>>, %arg5: memref<64x80xi32, #tpu.memory_space<hbm>>, %arg6: memref<25088xf32, #tpu.memory_space<hbm>>, %arg7: memref<5024xf32, #tpu.memory_space<vmem_shared>>, %arg8: memref<80xf32, #tpu.memory_space<vmem>>, %arg9: memref<80xi32, #tpu.memory_space<vmem>>, %arg10: memref<168xf32, #tpu.memory_space<vmem>>, %arg11: memref<672xf32, #tpu.memory_space<vmem>>, %arg12: memref<168xf32, #tpu.memory_space<vmem>>, %arg13: memref<784xf32, #tpu.memory_space<vmem>>, %arg14: memref<!tpu.dma_semaphore, #tpu.memory_space<semaphore_mem>>) attributes {dimension_semantics = [#tpu.dimension_semantics<core_parallel>, #tpu.dimension_semantics<subcore_parallel>], iteration_bounds = array<i64: 2, 16>, scalar_prefetch = 0 : i64, scratch_operands = 8 : i64, tpu.core_type = #tpu.core_type<sc_vector_subcore>, window_params = [{transform_indices = #map}, {transform_indices = #map}, {transform_indices = #map1}, {transform_indices = #map1}, {transform_indices = #map}]} {
    %mul3A = arith.constant 16 : i32
    %mul3A_0 = arith.muli %arg0, %mul3A : i32
    %add3A = arith.addi %mul3A_0, %arg1 : i32
    %iota3A = tpu.iota {dimensions = array<i32: 0>} : vector<16xi32>
    %mul3A_1 = arith.constant 4 : i32
    %mul3A_2 = arith.muli %arg1, %mul3A_1 : i32
    %add3A_3 = arith.constant 0 : i32
    %add3A_4 = arith.addi %mul3A_2, %add3A_3 : i32
    %dma_start3A = arith.constant 0 : i32
    %dma_start3A_5 = tpu.memref_slice %arg4[%add3A_4, %dma_start3A] : memref<64x80xf32, #tpu.memory_space<hbm>> -> memref<1x80xf32, #tpu.memory_space<hbm>>
    %dma_start3A_6 = tpu.memref_squeeze %dma_start3A_5 : memref<1x80xf32, #tpu.memory_space<hbm>> -> memref<80xf32, #tpu.memory_space<hbm>>
    %dma_start3A_7 = arith.constant 0 : i32
    %dma_start3A_8 = tpu.memref_slice %arg4[%add3A_4, %dma_start3A_7] : memref<64x80xf32, #tpu.memory_space<hbm>> -> memref<1x80xf32, #tpu.memory_space<hbm>>
    %dma_start3A_9 = tpu.memref_squeeze %dma_start3A_8 : memref<1x80xf32, #tpu.memory_space<hbm>> -> memref<80xf32, #tpu.memory_space<hbm>>
    tpu.enqueue_dma source(%dma_start3A_9 : memref<80xf32, #tpu.memory_space<hbm>>) target(%arg8 : memref<80xf32, #tpu.memory_space<vmem>>) target_semaphore(%arg14 : memref<!tpu.dma_semaphore, #tpu.memory_space<semaphore_mem>>)
    %dma_wait3A = arith.constant 0 : i32
    %dma_wait3A_10 = tpu.memref_slice %arg4[%add3A_4, %dma_wait3A] : memref<64x80xf32, #tpu.memory_space<hbm>> -> memref<1x80xf32, #tpu.memory_space<hbm>>
    %dma_wait3A_11 = tpu.memref_squeeze %dma_wait3A_10 : memref<1x80xf32, #tpu.memory_space<hbm>> -> memref<80xf32, #tpu.memory_space<hbm>>
    %dma_wait3A_12 = arith.constant 0 : i32
    %dma_wait3A_13 = tpu.memref_slice %arg4[%add3A_4, %dma_wait3A_12] : memref<64x80xf32, #tpu.memory_space<hbm>> -> memref<1x80xf32, #tpu.memory_space<hbm>>
    %dma_wait3A_14 = tpu.memref_squeeze %dma_wait3A_13 : memref<1x80xf32, #tpu.memory_space<hbm>> -> memref<80xf32, #tpu.memory_space<hbm>>
    tpu.wait_dma2 semaphore(%arg14 : memref<!tpu.dma_semaphore, #tpu.memory_space<semaphore_mem>>) src(%dma_wait3A_14 : memref<80xf32, #tpu.memory_space<hbm>>) dst(%arg8 : memref<80xf32, #tpu.memory_space<vmem>>)
    %dma_start3A_15 = arith.constant 0 : i32
    %dma_start3A_16 = tpu.memref_slice %arg5[%add3A_4, %dma_start3A_15] : memref<64x80xi32, #tpu.memory_space<hbm>> -> memref<1x80xi32, #tpu.memory_space<hbm>>
    %dma_start3A_17 = tpu.memref_squeeze %dma_start3A_16 : memref<1x80xi32, #tpu.memory_space<hbm>> -> memref<80xi32, #tpu.memory_space<hbm>>
    %dma_start3A_18 = arith.constant 0 : i32
    %dma_start3A_19 = tpu.memref_slice %arg5[%add3A_4, %dma_start3A_18] : memref<64x80xi32, #tpu.memory_space<hbm>> -> memref<1x80xi32, #tpu.memory_space<hbm>>
    %dma_start3A_20 = tpu.memref_squeeze %dma_start3A_19 : memref<1x80xi32, #tpu.memory_space<hbm>> -> memref<80xi32, #tpu.memory_space<hbm>>
    tpu.enqueue_dma source(%dma_start3A_20 : memref<80xi32, #tpu.memory_space<hbm>>) target(%arg9 : memref<80xi32, #tpu.memory_space<vmem>>) target_semaphore(%arg14 : memref<!tpu.dma_semaphore, #tpu.memory_space<semaphore_mem>>)
    %dma_wait3A_21 = arith.constant 0 : i32
    %dma_wait3A_22 = tpu.memref_slice %arg5[%add3A_4, %dma_wait3A_21] : memref<64x80xi32, #tpu.memory_space<hbm>> -> memref<1x80xi32, #tpu.memory_space<hbm>>
    %dma_wait3A_23 = tpu.memref_squeeze %dma_wait3A_22 : memref<1x80xi32, #tpu.memory_space<hbm>> -> memref<80xi32, #tpu.memory_space<hbm>>
    %dma_wait3A_24 = arith.constant 0 : i32
    %dma_wait3A_25 = tpu.memref_slice %arg5[%add3A_4, %dma_wait3A_24] : memref<64x80xi32, #tpu.memory_space<hbm>> -> memref<1x80xi32, #tpu.memory_space<hbm>>
    %dma_wait3A_26 = tpu.memref_squeeze %dma_wait3A_25 : memref<1x80xi32, #tpu.memory_space<hbm>> -> memref<80xi32, #tpu.memory_space<hbm>>
    tpu.wait_dma2 semaphore(%arg14 : memref<!tpu.dma_semaphore, #tpu.memory_space<semaphore_mem>>) src(%dma_wait3A_26 : memref<80xi32, #tpu.memory_space<hbm>>) dst(%arg9 : memref<80xi32, #tpu.memory_space<vmem>>)
    %dma_start3A_27 = arith.constant 0 : i32
    %dma_start3A_28 = tpu.memref_slice %arg7[%dma_start3A_27] : memref<5024xf32, #tpu.memory_space<vmem_shared>> -> memref<5024xf32, #tpu.memory_space<vmem_shared>>
    tpu.enqueue_indirect_dma source(%arg8 : memref<80xf32, #tpu.memory_space<vmem>>) target(%dma_start3A_28 : memref<5024xf32, #tpu.memory_space<vmem_shared>>) offsets(%arg9 : memref<80xi32, #tpu.memory_space<vmem>>) semaphore(%arg14 : memref<!tpu.dma_semaphore, #tpu.memory_space<semaphore_mem>>)
    %dma_wait3A_29 = arith.constant 0 : i32
    %dma_wait3A_30 = tpu.memref_slice %arg7[%dma_wait3A_29] : memref<5024xf32, #tpu.memory_space<vmem_shared>> -> memref<5024xf32, #tpu.memory_space<vmem_shared>>
    tpu.wait_indirect_dma semaphore(%arg14 : memref<!tpu.dma_semaphore, #tpu.memory_space<semaphore_mem>>) src(%arg8 : memref<80xf32, #tpu.memory_space<vmem>>) dst(%dma_wait3A_30 : memref<5024xf32, #tpu.memory_space<vmem_shared>>)
    %mul3A_31 = arith.constant 4 : i32
    %mul3A_32 = arith.muli %arg1, %mul3A_31 : i32
    %add3A_33 = arith.constant 1 : i32
    %add3A_34 = arith.addi %mul3A_32, %add3A_33 : i32
    %dma_start3A_35 = arith.constant 0 : i32
    %dma_start3A_36 = tpu.memref_slice %arg4[%add3A_34, %dma_start3A_35] : memref<64x80xf32, #tpu.memory_space<hbm>> -> memref<1x80xf32, #tpu.memory_space<hbm>>
    %dma_start3A_37 = tpu.memref_squeeze %dma_start3A_36 : memref<1x80xf32, #tpu.memory_space<hbm>> -> memref<80xf32, #tpu.memory_space<hbm>>
    %dma_start3A_38 = arith.constant 0 : i32
    %dma_start3A_39 = tpu.memref_slice %arg4[%add3A_34, %dma_start3A_38] : memref<64x80xf32, #tpu.memory_space<hbm>> -> memref<1x80xf32, #tpu.memory_space<hbm>>
    %dma_start3A_40 = tpu.memref_squeeze %dma_start3A_39 : memref<1x80xf32, #tpu.memory_space<hbm>> -> memref<80xf32, #tpu.memory_space<hbm>>
    tpu.enqueue_dma source(%dma_start3A_40 : memref<80xf32, #tpu.memory_space<hbm>>) target(%arg8 : memref<80xf32, #tpu.memory_space<vmem>>) target_semaphore(%arg14 : memref<!tpu.dma_semaphore, #tpu.memory_space<semaphore_mem>>)
    %dma_wait3A_41 = arith.constant 0 : i32
    %dma_wait3A_42 = tpu.memref_slice %arg4[%add3A_34, %dma_wait3A_41] : memref<64x80xf32, #tpu.memory_space<hbm>> -> memref<1x80xf32, #tpu.memory_space<hbm>>
    %dma_wait3A_43 = tpu.memref_squeeze %dma_wait3A_42 : memref<1x80xf32, #tpu.memory_space<hbm>> -> memref<80xf32, #tpu.memory_space<hbm>>
    %dma_wait3A_44 = arith.constant 0 : i32
    %dma_wait3A_45 = tpu.memref_slice %arg4[%add3A_34, %dma_wait3A_44] : memref<64x80xf32, #tpu.memory_space<hbm>> -> memref<1x80xf32, #tpu.memory_space<hbm>>
    %dma_wait3A_46 = tpu.memref_squeeze %dma_wait3A_45 : memref<1x80xf32, #tpu.memory_space<hbm>> -> memref<80xf32, #tpu.memory_space<hbm>>
    tpu.wait_dma2 semaphore(%arg14 : memref<!tpu.dma_semaphore, #tpu.memory_space<semaphore_mem>>) src(%dma_wait3A_46 : memref<80xf32, #tpu.memory_space<hbm>>) dst(%arg8 : memref<80xf32, #tpu.memory_space<vmem>>)
    %dma_start3A_47 = arith.constant 0 : i32
    %dma_start3A_48 = tpu.memref_slice %arg5[%add3A_34, %dma_start3A_47] : memref<64x80xi32, #tpu.memory_space<hbm>> -> memref<1x80xi32, #tpu.memory_space<hbm>>
    %dma_start3A_49 = tpu.memref_squeeze %dma_start3A_48 : memref<1x80xi32, #tpu.memory_space<hbm>> -> memref<80xi32, #tpu.memory_space<hbm>>
    %dma_start3A_50 = arith.constant 0 : i32
    %dma_start3A_51 = tpu.memref_slice %arg5[%add3A_34, %dma_start3A_50] : memref<64x80xi32, #tpu.memory_space<hbm>> -> memref<1x80xi32, #tpu.memory_space<hbm>>
    %dma_start3A_52 = tpu.memref_squeeze %dma_start3A_51 : memref<1x80xi32, #tpu.memory_space<hbm>> -> memref<80xi32, #tpu.memory_space<hbm>>
    tpu.enqueue_dma source(%dma_start3A_52 : memref<80xi32, #tpu.memory_space<hbm>>) target(%arg9 : memref<80xi32, #tpu.memory_space<vmem>>) target_semaphore(%arg14 : memref<!tpu.dma_semaphore, #tpu.memory_space<semaphore_mem>>)
    %dma_wait3A_53 = arith.constant 0 : i32
    %dma_wait3A_54 = tpu.memref_slice %arg5[%add3A_34, %dma_wait3A_53] : memref<64x80xi32, #tpu.memory_space<hbm>> -> memref<1x80xi32, #tpu.memory_space<hbm>>
    %dma_wait3A_55 = tpu.memref_squeeze %dma_wait3A_54 : memref<1x80xi32, #tpu.memory_space<hbm>> -> memref<80xi32, #tpu.memory_space<hbm>>
    %dma_wait3A_56 = arith.constant 0 : i32
    %dma_wait3A_57 = tpu.memref_slice %arg5[%add3A_34, %dma_wait3A_56] : memref<64x80xi32, #tpu.memory_space<hbm>> -> memref<1x80xi32, #tpu.memory_space<hbm>>
    %dma_wait3A_58 = tpu.memref_squeeze %dma_wait3A_57 : memref<1x80xi32, #tpu.memory_space<hbm>> -> memref<80xi32, #tpu.memory_space<hbm>>
    tpu.wait_dma2 semaphore(%arg14 : memref<!tpu.dma_semaphore, #tpu.memory_space<semaphore_mem>>) src(%dma_wait3A_58 : memref<80xi32, #tpu.memory_space<hbm>>) dst(%arg9 : memref<80xi32, #tpu.memory_space<vmem>>)
    %dma_start3A_59 = arith.constant 0 : i32
    %dma_start3A_60 = tpu.memref_slice %arg7[%dma_start3A_59] : memref<5024xf32, #tpu.memory_space<vmem_shared>> -> memref<5024xf32, #tpu.memory_space<vmem_shared>>
    tpu.enqueue_indirect_dma source(%arg8 : memref<80xf32, #tpu.memory_space<vmem>>) target(%dma_start3A_60 : memref<5024xf32, #tpu.memory_space<vmem_shared>>) offsets(%arg9 : memref<80xi32, #tpu.memory_space<vmem>>) semaphore(%arg14 : memref<!tpu.dma_semaphore, #tpu.memory_space<semaphore_mem>>)
    %dma_wait3A_61 = arith.constant 0 : i32
    %dma_wait3A_62 = tpu.memref_slice %arg7[%dma_wait3A_61] : memref<5024xf32, #tpu.memory_space<vmem_shared>> -> memref<5024xf32, #tpu.memory_space<vmem_shared>>
    tpu.wait_indirect_dma semaphore(%arg14 : memref<!tpu.dma_semaphore, #tpu.memory_space<semaphore_mem>>) src(%arg8 : memref<80xf32, #tpu.memory_space<vmem>>) dst(%dma_wait3A_62 : memref<5024xf32, #tpu.memory_space<vmem_shared>>)
    %mul3A_63 = arith.constant 4 : i32
    %mul3A_64 = arith.muli %arg1, %mul3A_63 : i32
    %add3A_65 = arith.constant 2 : i32
    %add3A_66 = arith.addi %mul3A_64, %add3A_65 : i32
    %dma_start3A_67 = arith.constant 0 : i32
    %dma_start3A_68 = tpu.memref_slice %arg4[%add3A_66, %dma_start3A_67] : memref<64x80xf32, #tpu.memory_space<hbm>> -> memref<1x80xf32, #tpu.memory_space<hbm>>
    %dma_start3A_69 = tpu.memref_squeeze %dma_start3A_68 : memref<1x80xf32, #tpu.memory_space<hbm>> -> memref<80xf32, #tpu.memory_space<hbm>>
    %dma_start3A_70 = arith.constant 0 : i32
    %dma_start3A_71 = tpu.memref_slice %arg4[%add3A_66, %dma_start3A_70] : memref<64x80xf32, #tpu.memory_space<hbm>> -> memref<1x80xf32, #tpu.memory_space<hbm>>
    %dma_start3A_72 = tpu.memref_squeeze %dma_start3A_71 : memref<1x80xf32, #tpu.memory_space<hbm>> -> memref<80xf32, #tpu.memory_space<hbm>>
    tpu.enqueue_dma source(%dma_start3A_72 : memref<80xf32, #tpu.memory_space<hbm>>) target(%arg8 : memref<80xf32, #tpu.memory_space<vmem>>) target_semaphore(%arg14 : memref<!tpu.dma_semaphore, #tpu.memory_space<semaphore_mem>>)
    %dma_wait3A_73 = arith.constant 0 : i32
    %dma_wait3A_74 = tpu.memref_slice %arg4[%add3A_66, %dma_wait3A_73] : memref<64x80xf32, #tpu.memory_space<hbm>> -> memref<1x80xf32, #tpu.memory_space<hbm>>
    %dma_wait3A_75 = tpu.memref_squeeze %dma_wait3A_74 : memref<1x80xf32, #tpu.memory_space<hbm>> -> memref<80xf32, #tpu.memory_space<hbm>>
    %dma_wait3A_76 = arith.constant 0 : i32
    %dma_wait3A_77 = tpu.memref_slice %arg4[%add3A_66, %dma_wait3A_76] : memref<64x80xf32, #tpu.memory_space<hbm>> -> memref<1x80xf32, #tpu.memory_space<hbm>>
    %dma_wait3A_78 = tpu.memref_squeeze %dma_wait3A_77 : memref<1x80xf32, #tpu.memory_space<hbm>> -> memref<80xf32, #tpu.memory_space<hbm>>
    tpu.wait_dma2 semaphore(%arg14 : memref<!tpu.dma_semaphore, #tpu.memory_space<semaphore_mem>>) src(%dma_wait3A_78 : memref<80xf32, #tpu.memory_space<hbm>>) dst(%arg8 : memref<80xf32, #tpu.memory_space<vmem>>)
    %dma_start3A_79 = arith.constant 0 : i32
    %dma_start3A_80 = tpu.memref_slice %arg5[%add3A_66, %dma_start3A_79] : memref<64x80xi32, #tpu.memory_space<hbm>> -> memref<1x80xi32, #tpu.memory_space<hbm>>
    %dma_start3A_81 = tpu.memref_squeeze %dma_start3A_80 : memref<1x80xi32, #tpu.memory_space<hbm>> -> memref<80xi32, #tpu.memory_space<hbm>>
    %dma_start3A_82 = arith.constant 0 : i32
    %dma_start3A_83 = tpu.memref_slice %arg5[%add3A_66, %dma_start3A_82] : memref<64x80xi32, #tpu.memory_space<hbm>> -> memref<1x80xi32, #tpu.memory_space<hbm>>
    %dma_start3A_84 = tpu.memref_squeeze %dma_start3A_83 : memref<1x80xi32, #tpu.memory_space<hbm>> -> memref<80xi32, #tpu.memory_space<hbm>>
    tpu.enqueue_dma source(%dma_start3A_84 : memref<80xi32, #tpu.memory_space<hbm>>) target(%arg9 : memref<80xi32, #tpu.memory_space<vmem>>) target_semaphore(%arg14 : memref<!tpu.dma_semaphore, #tpu.memory_space<semaphore_mem>>)
    %dma_wait3A_85 = arith.constant 0 : i32
    %dma_wait3A_86 = tpu.memref_slice %arg5[%add3A_66, %dma_wait3A_85] : memref<64x80xi32, #tpu.memory_space<hbm>> -> memref<1x80xi32, #tpu.memory_space<hbm>>
    %dma_wait3A_87 = tpu.memref_squeeze %dma_wait3A_86 : memref<1x80xi32, #tpu.memory_space<hbm>> -> memref<80xi32, #tpu.memory_space<hbm>>
    %dma_wait3A_88 = arith.constant 0 : i32
    %dma_wait3A_89 = tpu.memref_slice %arg5[%add3A_66, %dma_wait3A_88] : memref<64x80xi32, #tpu.memory_space<hbm>> -> memref<1x80xi32, #tpu.memory_space<hbm>>
    %dma_wait3A_90 = tpu.memref_squeeze %dma_wait3A_89 : memref<1x80xi32, #tpu.memory_space<hbm>> -> memref<80xi32, #tpu.memory_space<hbm>>
    tpu.wait_dma2 semaphore(%arg14 : memref<!tpu.dma_semaphore, #tpu.memory_space<semaphore_mem>>) src(%dma_wait3A_90 : memref<80xi32, #tpu.memory_space<hbm>>) dst(%arg9 : memref<80xi32, #tpu.memory_space<vmem>>)
    %dma_start3A_91 = arith.constant 0 : i32
    %dma_start3A_92 = tpu.memref_slice %arg7[%dma_start3A_91] : memref<5024xf32, #tpu.memory_space<vmem_shared>> -> memref<5024xf32, #tpu.memory_space<vmem_shared>>
    tpu.enqueue_indirect_dma source(%arg8 : memref<80xf32, #tpu.memory_space<vmem>>) target(%dma_start3A_92 : memref<5024xf32, #tpu.memory_space<vmem_shared>>) offsets(%arg9 : memref<80xi32, #tpu.memory_space<vmem>>) semaphore(%arg14 : memref<!tpu.dma_semaphore, #tpu.memory_space<semaphore_mem>>)
    %dma_wait3A_93 = arith.constant 0 : i32
    %dma_wait3A_94 = tpu.memref_slice %arg7[%dma_wait3A_93] : memref<5024xf32, #tpu.memory_space<vmem_shared>> -> memref<5024xf32, #tpu.memory_space<vmem_shared>>
    tpu.wait_indirect_dma semaphore(%arg14 : memref<!tpu.dma_semaphore, #tpu.memory_space<semaphore_mem>>) src(%arg8 : memref<80xf32, #tpu.memory_space<vmem>>) dst(%dma_wait3A_94 : memref<5024xf32, #tpu.memory_space<vmem_shared>>)
    %mul3A_95 = arith.constant 4 : i32
    %mul3A_96 = arith.muli %arg1, %mul3A_95 : i32
    %add3A_97 = arith.constant 3 : i32
    %add3A_98 = arith.addi %mul3A_96, %add3A_97 : i32
    %dma_start3A_99 = arith.constant 0 : i32
    %dma_start3A_100 = tpu.memref_slice %arg4[%add3A_98, %dma_start3A_99] : memref<64x80xf32, #tpu.memory_space<hbm>> -> memref<1x80xf32, #tpu.memory_space<hbm>>
    %dma_start3A_101 = tpu.memref_squeeze %dma_start3A_100 : memref<1x80xf32, #tpu.memory_space<hbm>> -> memref<80xf32, #tpu.memory_space<hbm>>
    %dma_start3A_102 = arith.constant 0 : i32
    %dma_start3A_103 = tpu.memref_slice %arg4[%add3A_98, %dma_start3A_102] : memref<64x80xf32, #tpu.memory_space<hbm>> -> memref<1x80xf32, #tpu.memory_space<hbm>>
    %dma_start3A_104 = tpu.memref_squeeze %dma_start3A_103 : memref<1x80xf32, #tpu.memory_space<hbm>> -> memref<80xf32, #tpu.memory_space<hbm>>
    tpu.enqueue_dma source(%dma_start3A_104 : memref<80xf32, #tpu.memory_space<hbm>>) target(%arg8 : memref<80xf32, #tpu.memory_space<vmem>>) target_semaphore(%arg14 : memref<!tpu.dma_semaphore, #tpu.memory_space<semaphore_mem>>)
    %dma_wait3A_105 = arith.constant 0 : i32
    %dma_wait3A_106 = tpu.memref_slice %arg4[%add3A_98, %dma_wait3A_105] : memref<64x80xf32, #tpu.memory_space<hbm>> -> memref<1x80xf32, #tpu.memory_space<hbm>>
    %dma_wait3A_107 = tpu.memref_squeeze %dma_wait3A_106 : memref<1x80xf32, #tpu.memory_space<hbm>> -> memref<80xf32, #tpu.memory_space<hbm>>
    %dma_wait3A_108 = arith.constant 0 : i32
    %dma_wait3A_109 = tpu.memref_slice %arg4[%add3A_98, %dma_wait3A_108] : memref<64x80xf32, #tpu.memory_space<hbm>> -> memref<1x80xf32, #tpu.memory_space<hbm>>
    %dma_wait3A_110 = tpu.memref_squeeze %dma_wait3A_109 : memref<1x80xf32, #tpu.memory_space<hbm>> -> memref<80xf32, #tpu.memory_space<hbm>>
    tpu.wait_dma2 semaphore(%arg14 : memref<!tpu.dma_semaphore, #tpu.memory_space<semaphore_mem>>) src(%dma_wait3A_110 : memref<80xf32, #tpu.memory_space<hbm>>) dst(%arg8 : memref<80xf32, #tpu.memory_space<vmem>>)
    %dma_start3A_111 = arith.constant 0 : i32
    %dma_start3A_112 = tpu.memref_slice %arg5[%add3A_98, %dma_start3A_111] : memref<64x80xi32, #tpu.memory_space<hbm>> -> memref<1x80xi32, #tpu.memory_space<hbm>>
    %dma_start3A_113 = tpu.memref_squeeze %dma_start3A_112 : memref<1x80xi32, #tpu.memory_space<hbm>> -> memref<80xi32, #tpu.memory_space<hbm>>
    %dma_start3A_114 = arith.constant 0 : i32
    %dma_start3A_115 = tpu.memref_slice %arg5[%add3A_98, %dma_start3A_114] : memref<64x80xi32, #tpu.memory_space<hbm>> -> memref<1x80xi32, #tpu.memory_space<hbm>>
    %dma_start3A_116 = tpu.memref_squeeze %dma_start3A_115 : memref<1x80xi32, #tpu.memory_space<hbm>> -> memref<80xi32, #tpu.memory_space<hbm>>
    tpu.enqueue_dma source(%dma_start3A_116 : memref<80xi32, #tpu.memory_space<hbm>>) target(%arg9 : memref<80xi32, #tpu.memory_space<vmem>>) target_semaphore(%arg14 : memref<!tpu.dma_semaphore, #tpu.memory_space<semaphore_mem>>)
    %dma_wait3A_117 = arith.constant 0 : i32
    %dma_wait3A_118 = tpu.memref_slice %arg5[%add3A_98, %dma_wait3A_117] : memref<64x80xi32, #tpu.memory_space<hbm>> -> memref<1x80xi32, #tpu.memory_space<hbm>>
    %dma_wait3A_119 = tpu.memref_squeeze %dma_wait3A_118 : memref<1x80xi32, #tpu.memory_space<hbm>> -> memref<80xi32, #tpu.memory_space<hbm>>
    %dma_wait3A_120 = arith.constant 0 : i32
    %dma_wait3A_121 = tpu.memref_slice %arg5[%add3A_98, %dma_wait3A_120] : memref<64x80xi32, #tpu.memory_space<hbm>> -> memref<1x80xi32, #tpu.memory_space<hbm>>
    %dma_wait3A_122 = tpu.memref_squeeze %dma_wait3A_121 : memref<1x80xi32, #tpu.memory_space<hbm>> -> memref<80xi32, #tpu.memory_space<hbm>>
    tpu.wait_dma2 semaphore(%arg14 : memref<!tpu.dma_semaphore, #tpu.memory_space<semaphore_mem>>) src(%dma_wait3A_122 : memref<80xi32, #tpu.memory_space<hbm>>) dst(%arg9 : memref<80xi32, #tpu.memory_space<vmem>>)
    %dma_start3A_123 = arith.constant 0 : i32
    %dma_start3A_124 = tpu.memref_slice %arg7[%dma_start3A_123] : memref<5024xf32, #tpu.memory_space<vmem_shared>> -> memref<5024xf32, #tpu.memory_space<vmem_shared>>
    tpu.enqueue_indirect_dma source(%arg8 : memref<80xf32, #tpu.memory_space<vmem>>) target(%dma_start3A_124 : memref<5024xf32, #tpu.memory_space<vmem_shared>>) offsets(%arg9 : memref<80xi32, #tpu.memory_space<vmem>>) semaphore(%arg14 : memref<!tpu.dma_semaphore, #tpu.memory_space<semaphore_mem>>)
    %dma_wait3A_125 = arith.constant 0 : i32
    %dma_wait3A_126 = tpu.memref_slice %arg7[%dma_wait3A_125] : memref<5024xf32, #tpu.memory_space<vmem_shared>> -> memref<5024xf32, #tpu.memory_space<vmem_shared>>
    tpu.wait_indirect_dma semaphore(%arg14 : memref<!tpu.dma_semaphore, #tpu.memory_space<semaphore_mem>>) src(%arg8 : memref<80xf32, #tpu.memory_space<vmem>>) dst(%dma_wait3A_126 : memref<5024xf32, #tpu.memory_space<vmem_shared>>)
    %barrier3A = arith.constant 0 : index
    tpu.barrier barrier_id(%barrier3A)
    %mul3A_127 = arith.constant 784 : i32
    %mul3A_128 = arith.muli %add3A, %mul3A_127 : i32
    %multiple_of3A = tpu.assume_multiple %mul3A_128, 16 : i32
    %mul3A_129 = arith.constant 52429 : i32
    %mul3A_130 = arith.muli %multiple_of3A, %mul3A_129 : i32
    %shift_right_arithmetic3A = arith.constant 18 : i32
    %shift_right_arithmetic3A_131 = arith.shrsi %mul3A_130, %shift_right_arithmetic3A : i32
    %shift_right_arithmetic3A_132 = arith.constant 3 : i32
    %shift_right_arithmetic3A_133 = arith.shrsi %shift_right_arithmetic3A_131, %shift_right_arithmetic3A_132 : i32
    %shift_left3A = arith.constant 3 : i32
    %shift_left3A_134 = arith.shli %shift_right_arithmetic3A_133, %shift_left3A : i32
    %multiple_of3A_135 = tpu.assume_multiple %shift_left3A_134, 8 : i32
    %dma_start3A_136 = tpu.memref_slice %arg7[%multiple_of3A_135] : memref<5024xf32, #tpu.memory_space<vmem_shared>> -> memref<168xf32, #tpu.memory_space<vmem_shared>>
    %dma_start3A_137 = tpu.memref_slice %arg7[%multiple_of3A_135] : memref<5024xf32, #tpu.memory_space<vmem_shared>> -> memref<168xf32, #tpu.memory_space<vmem_shared>>
    tpu.enqueue_dma source(%dma_start3A_137 : memref<168xf32, #tpu.memory_space<vmem_shared>>) target(%arg10 : memref<168xf32, #tpu.memory_space<vmem>>) target_semaphore(%arg14 : memref<!tpu.dma_semaphore, #tpu.memory_space<semaphore_mem>>)
    %dma_wait3A_138 = tpu.memref_slice %arg7[%multiple_of3A_135] : memref<5024xf32, #tpu.memory_space<vmem_shared>> -> memref<168xf32, #tpu.memory_space<vmem_shared>>
    %dma_wait3A_139 = tpu.memref_slice %arg7[%multiple_of3A_135] : memref<5024xf32, #tpu.memory_space<vmem_shared>> -> memref<168xf32, #tpu.memory_space<vmem_shared>>
    tpu.wait_dma2 semaphore(%arg14 : memref<!tpu.dma_semaphore, #tpu.memory_space<semaphore_mem>>) src(%dma_wait3A_139 : memref<168xf32, #tpu.memory_space<vmem_shared>>) dst(%arg10 : memref<168xf32, #tpu.memory_space<vmem>>)
    %dma_start3A_140 = tpu.memref_slice %arg3[%multiple_of3A_135] : memref<5088xf32, #tpu.memory_space<hbm>> -> memref<168xf32, #tpu.memory_space<hbm>>
    %dma_start3A_141 = tpu.memref_slice %arg3[%multiple_of3A_135] : memref<5088xf32, #tpu.memory_space<hbm>> -> memref<168xf32, #tpu.memory_space<hbm>>
    tpu.enqueue_dma source(%dma_start3A_141 : memref<168xf32, #tpu.memory_space<hbm>>) target(%arg12 : memref<168xf32, #tpu.memory_space<vmem>>) target_semaphore(%arg14 : memref<!tpu.dma_semaphore, #tpu.memory_space<semaphore_mem>>)
    %dma_wait3A_142 = tpu.memref_slice %arg3[%multiple_of3A_135] : memref<5088xf32, #tpu.memory_space<hbm>> -> memref<168xf32, #tpu.memory_space<hbm>>
    %dma_wait3A_143 = tpu.memref_slice %arg3[%multiple_of3A_135] : memref<5088xf32, #tpu.memory_space<hbm>> -> memref<168xf32, #tpu.memory_space<hbm>>
    tpu.wait_dma2 semaphore(%arg14 : memref<!tpu.dma_semaphore, #tpu.memory_space<semaphore_mem>>) src(%dma_wait3A_143 : memref<168xf32, #tpu.memory_space<hbm>>) dst(%arg12 : memref<168xf32, #tpu.memory_space<vmem>>)
    %mul3A_144 = arith.constant 4 : i32
    %mul3A_145 = arith.muli %multiple_of3A_135, %mul3A_144 : i32
    %multiple_of3A_146 = tpu.assume_multiple %mul3A_145, 32 : i32
    %dma_start3A_147 = tpu.memref_slice %arg2[%multiple_of3A_146] : memref<20352xf32, #tpu.memory_space<hbm>> -> memref<672xf32, #tpu.memory_space<hbm>>
    %dma_start3A_148 = tpu.memref_slice %arg2[%multiple_of3A_146] : memref<20352xf32, #tpu.memory_space<hbm>> -> memref<672xf32, #tpu.memory_space<hbm>>
    tpu.enqueue_dma source(%dma_start3A_148 : memref<672xf32, #tpu.memory_space<hbm>>) target(%arg11 : memref<672xf32, #tpu.memory_space<vmem>>) target_semaphore(%arg14 : memref<!tpu.dma_semaphore, #tpu.memory_space<semaphore_mem>>)
    %dma_wait3A_149 = tpu.memref_slice %arg2[%multiple_of3A_146] : memref<20352xf32, #tpu.memory_space<hbm>> -> memref<672xf32, #tpu.memory_space<hbm>>
    %dma_wait3A_150 = tpu.memref_slice %arg2[%multiple_of3A_146] : memref<20352xf32, #tpu.memory_space<hbm>> -> memref<672xf32, #tpu.memory_space<hbm>>
    tpu.wait_dma2 semaphore(%arg14 : memref<!tpu.dma_semaphore, #tpu.memory_space<semaphore_mem>>) src(%dma_wait3A_150 : memref<672xf32, #tpu.memory_space<hbm>>) dst(%arg11 : memref<672xf32, #tpu.memory_space<vmem>>)
    %add3A_151 = arith.constant 0 : i32
    %add3A_152 = arith.addi %multiple_of3A, %add3A_151 : i32
    %add3A_153 = vector.broadcast %add3A_152 : i32 to vector<16xi32>
    %add3A_154 = arith.addi %add3A_153, %iota3A : vector<16xi32>
    %mul3A_155 = arith.constant 52429 : i32
    %mul3A_156 = vector.broadcast %mul3A_155 : i32 to vector<16xi32>
    %mul3A_157 = arith.muli %add3A_154, %mul3A_156 : vector<16xi32>
    %shift_right_arithmetic3A_158 = arith.constant 18 : i32
    %shift_right_arithmetic3A_159 = vector.broadcast %shift_right_arithmetic3A_158 : i32 to vector<16xi32>
    %shift_right_arithmetic3A_160 = arith.shrsi %mul3A_157, %shift_right_arithmetic3A_159 : vector<16xi32>
    %mul3A_161 = arith.constant 5 : i32
    %mul3A_162 = vector.broadcast %mul3A_161 : i32 to vector<16xi32>
    %mul3A_163 = arith.muli %shift_right_arithmetic3A_160, %mul3A_162 : vector<16xi32>
    %sub3A = arith.subi %add3A_154, %mul3A_163 : vector<16xi32>
    %sub3A_164 = vector.broadcast %multiple_of3A_135 : i32 to vector<16xi32>
    %sub3A_165 = arith.subi %shift_right_arithmetic3A_160, %sub3A_164 : vector<16xi32>
    %lt3A = arith.constant 4 : i32
    %lt3A_166 = vector.broadcast %lt3A : i32 to vector<16xi32>
    %lt3A_167 = arith.cmpi slt, %sub3A, %lt3A_166 : vector<16xi32>
    %mul3A_168 = arith.constant 4 : i32
    %mul3A_169 = vector.broadcast %mul3A_168 : i32 to vector<16xi32>
    %mul3A_170 = arith.muli %sub3A_165, %mul3A_169 : vector<16xi32>
    %add3A_171 = arith.addi %mul3A_170, %sub3A : vector<16xi32>
    %jit3A = arith.constant 0 : i32
    %broadcast_in_dim3A = vector.broadcast %jit3A : i32 to vector<16xi32>
    %select_n3A = arith.select %lt3A_167, %add3A_171, %broadcast_in_dim3A : vector<16xi1>, vector<16xi32>
    %gather3A = tpu.vector_load_idx %arg11[%select_n3A] : memref<672xf32, #tpu.memory_space<vmem>>[vector<16xi32>], vector<16xf32>,
    %gather3A_172 = tpu.vector_load_idx %arg12[%sub3A_165] : memref<168xf32, #tpu.memory_space<vmem>>[vector<16xi32>], vector<16xf32>,
    %gather3A_173 = tpu.vector_load_idx %arg10[%sub3A_165] : memref<168xf32, #tpu.memory_space<vmem>>[vector<16xi32>], vector<16xf32>,
    %lt3A_174 = arith.constant 4 : i32
    %lt3A_175 = vector.broadcast %lt3A_174 : i32 to vector<16xi32>
    %lt3A_176 = arith.cmpi slt, %sub3A, %lt3A_175 : vector<16xi32>
    %select_n3A_177 = arith.select %lt3A_176, %gather3A, %gather3A_172 : vector<16xi1>, vector<16xf32>
    %mul3A_178 = arith.mulf %select_n3A_177, %gather3A_173 : vector<16xf32>
    %swap3A = arith.constant 0 : index
    %swap3A_179 = tpu.vector_load %arg13[%swap3A] {strides = array<i32>} : memref<784xf32, #tpu.memory_space<vmem>>, vector<16xf32>,
    tpu.vector_store %arg13[%swap3A], %mul3A_178 {strides = array<i32>} : memref<784xf32, #tpu.memory_space<vmem>>, vector<16xf32>,
    %add3A_180 = arith.constant 16 : i32
    %add3A_181 = arith.addi %multiple_of3A, %add3A_180 : i32
    %add3A_182 = vector.broadcast %add3A_181 : i32 to vector<16xi32>
    %add3A_183 = arith.addi %add3A_182, %iota3A : vector<16xi32>
    %mul3A_184 = arith.constant 52429 : i32
    %mul3A_185 = vector.broadcast %mul3A_184 : i32 to vector<16xi32>
    %mul3A_186 = arith.muli %add3A_183, %mul3A_185 : vector<16xi32>
    %shift_right_arithmetic3A_187 = arith.constant 18 : i32
    %shift_right_arithmetic3A_188 = vector.broadcast %shift_right_arithmetic3A_187 : i32 to vector<16xi32>
    %shift_right_arithmetic3A_189 = arith.shrsi %mul3A_186, %shift_right_arithmetic3A_188 : vector<16xi32>
    %mul3A_190 = arith.constant 5 : i32
    %mul3A_191 = vector.broadcast %mul3A_190 : i32 to vector<16xi32>
    %mul3A_192 = arith.muli %shift_right_arithmetic3A_189, %mul3A_191 : vector<16xi32>
    %sub3A_193 = arith.subi %add3A_183, %mul3A_192 : vector<16xi32>
    %sub3A_194 = vector.broadcast %multiple_of3A_135 : i32 to vector<16xi32>
    %sub3A_195 = arith.subi %shift_right_arithmetic3A_189, %sub3A_194 : vector<16xi32>
    %lt3A_196 = arith.constant 4 : i32
    %lt3A_197 = vector.broadcast %lt3A_196 : i32 to vector<16xi32>
    %lt3A_198 = arith.cmpi slt, %sub3A_193, %lt3A_197 : vector<16xi32>
    %mul3A_199 = arith.constant 4 : i32
    %mul3A_200 = vector.broadcast %mul3A_199 : i32 to vector<16xi32>
    %mul3A_201 = arith.muli %sub3A_195, %mul3A_200 : vector<16xi32>
    %add3A_202 = arith.addi %mul3A_201, %sub3A_193 : vector<16xi32>
    %jit3A_203 = arith.constant 0 : i32
    %broadcast_in_dim3A_204 = vector.broadcast %jit3A_203 : i32 to vector<16xi32>
    %select_n3A_205 = arith.select %lt3A_198, %add3A_202, %broadcast_in_dim3A_204 : vector<16xi1>, vector<16xi32>
    %gather3A_206 = tpu.vector_load_idx %arg11[%select_n3A_205] : memref<672xf32, #tpu.memory_space<vmem>>[vector<16xi32>], vector<16xf32>,
    %gather3A_207 = tpu.vector_load_idx %arg12[%sub3A_195] : memref<168xf32, #tpu.memory_space<vmem>>[vector<16xi32>], vector<16xf32>,
    %gather3A_208 = tpu.vector_load_idx %arg10[%sub3A_195] : memref<168xf32, #tpu.memory_space<vmem>>[vector<16xi32>], vector<16xf32>,
    %lt3A_209 = arith.constant 4 : i32
    %lt3A_210 = vector.broadcast %lt3A_209 : i32 to vector<16xi32>
    %lt3A_211 = arith.cmpi slt, %sub3A_193, %lt3A_210 : vector<16xi32>
    %select_n3A_212 = arith.select %lt3A_211, %gather3A_206, %gather3A_207 : vector<16xi1>, vector<16xf32>
    %mul3A_213 = arith.mulf %select_n3A_212, %gather3A_208 : vector<16xf32>
    %swap3A_214 = arith.constant 16 : index
    %swap3A_215 = tpu.vector_load %arg13[%swap3A_214] {strides = array<i32>} : memref<784xf32, #tpu.memory_space<vmem>>, vector<16xf32>,
    tpu.vector_store %arg13[%swap3A_214], %mul3A_213 {strides = array<i32>} : memref<784xf32, #tpu.memory_space<vmem>>, vector<16xf32>,
    %add3A_216 = arith.constant 32 : i32
    %add3A_217 = arith.addi %multiple_of3A, %add3A_216 : i32
    %add3A_218 = vector.broadcast %add3A_217 : i32 to vector<16xi32>
    %add3A_219 = arith.addi %add3A_218, %iota3A : vector<16xi32>
    %mul3A_220 = arith.constant 52429 : i32
    %mul3A_221 = vector.broadcast %mul3A_220 : i32 to vector<16xi32>
    %mul3A_222 = arith.muli %add3A_219, %mul3A_221 : vector<16xi32>
    %shift_right_arithmetic3A_223 = arith.constant 18 : i32
    %shift_right_arithmetic3A_224 = vector.broadcast %shift_right_arithmetic3A_223 : i32 to vector<16xi32>
    %shift_right_arithmetic3A_225 = arith.shrsi %mul3A_222, %shift_right_arithmetic3A_224 : vector<16xi32>
    %mul3A_226 = arith.constant 5 : i32
    %mul3A_227 = vector.broadcast %mul3A_226 : i32 to vector<16xi32>
    %mul3A_228 = arith.muli %shift_right_arithmetic3A_225, %mul3A_227 : vector<16xi32>
    %sub3A_229 = arith.subi %add3A_219, %mul3A_228 : vector<16xi32>
    %sub3A_230 = vector.broadcast %multiple_of3A_135 : i32 to vector<16xi32>
    %sub3A_231 = arith.subi %shift_right_arithmetic3A_225, %sub3A_230 : vector<16xi32>
    %lt3A_232 = arith.constant 4 : i32
    %lt3A_233 = vector.broadcast %lt3A_232 : i32 to vector<16xi32>
    %lt3A_234 = arith.cmpi slt, %sub3A_229, %lt3A_233 : vector<16xi32>
    %mul3A_235 = arith.constant 4 : i32
    %mul3A_236 = vector.broadcast %mul3A_235 : i32 to vector<16xi32>
    %mul3A_237 = arith.muli %sub3A_231, %mul3A_236 : vector<16xi32>
    %add3A_238 = arith.addi %mul3A_237, %sub3A_229 : vector<16xi32>
    %jit3A_239 = arith.constant 0 : i32
    %broadcast_in_dim3A_240 = vector.broadcast %jit3A_239 : i32 to vector<16xi32>
    %select_n3A_241 = arith.select %lt3A_234, %add3A_238, %broadcast_in_dim3A_240 : vector<16xi1>, vector<16xi32>
    %gather3A_242 = tpu.vector_load_idx %arg11[%select_n3A_241] : memref<672xf32, #tpu.memory_space<vmem>>[vector<16xi32>], vector<16xf32>,
    %gather3A_243 = tpu.vector_load_idx %arg12[%sub3A_231] : memref<168xf32, #tpu.memory_space<vmem>>[vector<16xi32>], vector<16xf32>,
    %gather3A_244 = tpu.vector_load_idx %arg10[%sub3A_231] : memref<168xf32, #tpu.memory_space<vmem>>[vector<16xi32>], vector<16xf32>,
    %lt3A_245 = arith.constant 4 : i32
    %lt3A_246 = vector.broadcast %lt3A_245 : i32 to vector<16xi32>
    %lt3A_247 = arith.cmpi slt, %sub3A_229, %lt3A_246 : vector<16xi32>
    %select_n3A_248 = arith.select %lt3A_247, %gather3A_242, %gather3A_243 : vector<16xi1>, vector<16xf32>
    %mul3A_249 = arith.mulf %select_n3A_248, %gather3A_244 : vector<16xf32>
    %swap3A_250 = arith.constant 32 : index
    %swap3A_251 = tpu.vector_load %arg13[%swap3A_250] {strides = array<i32>} : memref<784xf32, #tpu.memory_space<vmem>>, vector<16xf32>,
    tpu.vector_store %arg13[%swap3A_250], %mul3A_249 {strides = array<i32>} : memref<784xf32, #tpu.memory_space<vmem>>, vector<16xf32>,
    %add3A_252 = arith.constant 48 : i32
    %add3A_253 = arith.addi %multiple_of3A, %add3A_252 : i32
    %add3A_254 = vector.broadcast %add3A_253 : i32 to vector<16xi32>
    %add3A_255 = arith.addi %add3A_254, %iota3A : vector<16xi32>
    %mul3A_256 = arith.constant 52429 : i32
    %mul3A_257 = vector.broadcast %mul3A_256 : i32 to vector<16xi32>
    %mul3A_258 = arith.muli %add3A_255, %mul3A_257 : vector<16xi32>
    %shift_right_arithmetic3A_259 = arith.constant 18 : i32
    %shift_right_arithmetic3A_260 = vector.broadcast %shift_right_arithmetic3A_259 : i32 to vector<16xi32>
    %shift_right_arithmetic3A_261 = arith.shrsi %mul3A_258, %shift_right_arithmetic3A_260 : vector<16xi32>
    %mul3A_262 = arith.constant 5 : i32
    %mul3A_263 = vector.broadcast %mul3A_262 : i32 to vector<16xi32>
    %mul3A_264 = arith.muli %shift_right_arithmetic3A_261, %mul3A_263 : vector<16xi32>
    %sub3A_265 = arith.subi %add3A_255, %mul3A_264 : vector<16xi32>
    %sub3A_266 = vector.broadcast %multiple_of3A_135 : i32 to vector<16xi32>
    %sub3A_267 = arith.subi %shift_right_arithmetic3A_261, %sub3A_266 : vector<16xi32>
    %lt3A_268 = arith.constant 4 : i32
    %lt3A_269 = vector.broadcast %lt3A_268 : i32 to vector<16xi32>
    %lt3A_270 = arith.cmpi slt, %sub3A_265, %lt3A_269 : vector<16xi32>
    %mul3A_271 = arith.constant 4 : i32
    %mul3A_272 = vector.broadcast %mul3A_271 : i32 to vector<16xi32>
    %mul3A_273 = arith.muli %sub3A_267, %mul3A_272 : vector<16xi32>
    %add3A_274 = arith.addi %mul3A_273, %sub3A_265 : vector<16xi32>
    %jit3A_275 = arith.constant 0 : i32
    %broadcast_in_dim3A_276 = vector.broadcast %jit3A_275 : i32 to vector<16xi32>
    %select_n3A_277 = arith.select %lt3A_270, %add3A_274, %broadcast_in_dim3A_276 : vector<16xi1>, vector<16xi32>
    %gather3A_278 = tpu.vector_load_idx %arg11[%select_n3A_277] : memref<672xf32, #tpu.memory_space<vmem>>[vector<16xi32>], vector<16xf32>,
    %gather3A_279 = tpu.vector_load_idx %arg12[%sub3A_267] : memref<168xf32, #tpu.memory_space<vmem>>[vector<16xi32>], vector<16xf32>,
    %gather3A_280 = tpu.vector_load_idx %arg10[%sub3A_267] : memref<168xf32, #tpu.memory_space<vmem>>[vector<16xi32>], vector<16xf32>,
    %lt3A_281 = arith.constant 4 : i32
    %lt3A_282 = vector.broadcast %lt3A_281 : i32 to vector<16xi32>
    %lt3A_283 = arith.cmpi slt, %sub3A_265, %lt3A_282 : vector<16xi32>
    %select_n3A_284 = arith.select %lt3A_283, %gather3A_278, %gather3A_279 : vector<16xi1>, vector<16xf32>
    %mul3A_285 = arith.mulf %select_n3A_284, %gather3A_280 : vector<16xf32>
    %swap3A_286 = arith.constant 48 : index
    %swap3A_287 = tpu.vector_load %arg13[%swap3A_286] {strides = array<i32>} : memref<784xf32, #tpu.memory_space<vmem>>, vector<16xf32>,
    tpu.vector_store %arg13[%swap3A_286], %mul3A_285 {strides = array<i32>} : memref<784xf32, #tpu.memory_space<vmem>>, vector<16xf32>,
    %add3A_288 = arith.constant 64 : i32
    %add3A_289 = arith.addi %multiple_of3A, %add3A_288 : i32
    %add3A_290 = vector.broadcast %add3A_289 : i32 to vector<16xi32>
    %add3A_291 = arith.addi %add3A_290, %iota3A : vector<16xi32>
    %mul3A_292 = arith.constant 52429 : i32
    %mul3A_293 = vector.broadcast %mul3A_292 : i32 to vector<16xi32>
    %mul3A_294 = arith.muli %add3A_291, %mul3A_293 : vector<16xi32>
    %shift_right_arithmetic3A_295 = arith.constant 18 : i32
    %shift_right_arithmetic3A_296 = vector.broadcast %shift_right_arithmetic3A_295 : i32 to vector<16xi32>
    %shift_right_arithmetic3A_297 = arith.shrsi %mul3A_294, %shift_right_arithmetic3A_296 : vector<16xi32>
    %mul3A_298 = arith.constant 5 : i32
    %mul3A_299 = vector.broadcast %mul3A_298 : i32 to vector<16xi32>
    %mul3A_300 = arith.muli %shift_right_arithmetic3A_297, %mul3A_299 : vector<16xi32>
    %sub3A_301 = arith.subi %add3A_291, %mul3A_300 : vector<16xi32>
    %sub3A_302 = vector.broadcast %multiple_of3A_135 : i32 to vector<16xi32>
    %sub3A_303 = arith.subi %shift_right_arithmetic3A_297, %sub3A_302 : vector<16xi32>
    %lt3A_304 = arith.constant 4 : i32
    %lt3A_305 = vector.broadcast %lt3A_304 : i32 to vector<16xi32>
    %lt3A_306 = arith.cmpi slt, %sub3A_301, %lt3A_305 : vector<16xi32>
    %mul3A_307 = arith.constant 4 : i32
    %mul3A_308 = vector.broadcast %mul3A_307 : i32 to vector<16xi32>
    %mul3A_309 = arith.muli %sub3A_303, %mul3A_308 : vector<16xi32>
    %add3A_310 = arith.addi %mul3A_309, %sub3A_301 : vector<16xi32>
    %jit3A_311 = arith.constant 0 : i32
    %broadcast_in_dim3A_312 = vector.broadcast %jit3A_311 : i32 to vector<16xi32>
    %select_n3A_313 = arith.select %lt3A_306, %add3A_310, %broadcast_in_dim3A_312 : vector<16xi1>, vector<16xi32>
    %gather3A_314 = tpu.vector_load_idx %arg11[%select_n3A_313] : memref<672xf32, #tpu.memory_space<vmem>>[vector<16xi32>], vector<16xf32>,
    %gather3A_315 = tpu.vector_load_idx %arg12[%sub3A_303] : memref<168xf32, #tpu.memory_space<vmem>>[vector<16xi32>], vector<16xf32>,
    %gather3A_316 = tpu.vector_load_idx %arg10[%sub3A_303] : memref<168xf32, #tpu.memory_space<vmem>>[vector<16xi32>], vector<16xf32>,
    %lt3A_317 = arith.constant 4 : i32
    %lt3A_318 = vector.broadcast %lt3A_317 : i32 to vector<16xi32>
    %lt3A_319 = arith.cmpi slt, %sub3A_301, %lt3A_318 : vector<16xi32>
    %select_n3A_320 = arith.select %lt3A_319, %gather3A_314, %gather3A_315 : vector<16xi1>, vector<16xf32>
    %mul3A_321 = arith.mulf %select_n3A_320, %gather3A_316 : vector<16xf32>
    %swap3A_322 = arith.constant 64 : index
    %swap3A_323 = tpu.vector_load %arg13[%swap3A_322] {strides = array<i32>} : memref<784xf32, #tpu.memory_space<vmem>>, vector<16xf32>,
    tpu.vector_store %arg13[%swap3A_322], %mul3A_321 {strides = array<i32>} : memref<784xf32, #tpu.memory_space<vmem>>, vector<16xf32>,
    %add3A_324 = arith.constant 80 : i32
    %add3A_325 = arith.addi %multiple_of3A, %add3A_324 : i32
    %add3A_326 = vector.broadcast %add3A_325 : i32 to vector<16xi32>
    %add3A_327 = arith.addi %add3A_326, %iota3A : vector<16xi32>
    %mul3A_328 = arith.constant 52429 : i32
    %mul3A_329 = vector.broadcast %mul3A_328 : i32 to vector<16xi32>
    %mul3A_330 = arith.muli %add3A_327, %mul3A_329 : vector<16xi32>
    %shift_right_arithmetic3A_331 = arith.constant 18 : i32
    %shift_right_arithmetic3A_332 = vector.broadcast %shift_right_arithmetic3A_331 : i32 to vector<16xi32>
    %shift_right_arithmetic3A_333 = arith.shrsi %mul3A_330, %shift_right_arithmetic3A_332 : vector<16xi32>
    %mul3A_334 = arith.constant 5 : i32
    %mul3A_335 = vector.broadcast %mul3A_334 : i32 to vector<16xi32>
    %mul3A_336 = arith.muli %shift_right_arithmetic3A_333, %mul3A_335 : vector<16xi32>
    %sub3A_337 = arith.subi %add3A_327, %mul3A_336 : vector<16xi32>
    %sub3A_338 = vector.broadcast %multiple_of3A_135 : i32 to vector<16xi32>
    %sub3A_339 = arith.subi %shift_right_arithmetic3A_333, %sub3A_338 : vector<16xi32>
    %lt3A_340 = arith.constant 4 : i32
    %lt3A_341 = vector.broadcast %lt3A_340 : i32 to vector<16xi32>
    %lt3A_342 = arith.cmpi slt, %sub3A_337, %lt3A_341 : vector<16xi32>
    %mul3A_343 = arith.constant 4 : i32
    %mul3A_344 = vector.broadcast %mul3A_343 : i32 to vector<16xi32>
    %mul3A_345 = arith.muli %sub3A_339, %mul3A_344 : vector<16xi32>
    %add3A_346 = arith.addi %mul3A_345, %sub3A_337 : vector<16xi32>
    %jit3A_347 = arith.constant 0 : i32
    %broadcast_in_dim3A_348 = vector.broadcast %jit3A_347 : i32 to vector<16xi32>
    %select_n3A_349 = arith.select %lt3A_342, %add3A_346, %broadcast_in_dim3A_348 : vector<16xi1>, vector<16xi32>
    %gather3A_350 = tpu.vector_load_idx %arg11[%select_n3A_349] : memref<672xf32, #tpu.memory_space<vmem>>[vector<16xi32>], vector<16xf32>,
    %gather3A_351 = tpu.vector_load_idx %arg12[%sub3A_339] : memref<168xf32, #tpu.memory_space<vmem>>[vector<16xi32>], vector<16xf32>,
    %gather3A_352 = tpu.vector_load_idx %arg10[%sub3A_339] : memref<168xf32, #tpu.memory_space<vmem>>[vector<16xi32>], vector<16xf32>,
    %lt3A_353 = arith.constant 4 : i32
    %lt3A_354 = vector.broadcast %lt3A_353 : i32 to vector<16xi32>
    %lt3A_355 = arith.cmpi slt, %sub3A_337, %lt3A_354 : vector<16xi32>
    %select_n3A_356 = arith.select %lt3A_355, %gather3A_350, %gather3A_351 : vector<16xi1>, vector<16xf32>
    %mul3A_357 = arith.mulf %select_n3A_356, %gather3A_352 : vector<16xf32>
    %swap3A_358 = arith.constant 80 : index
    %swap3A_359 = tpu.vector_load %arg13[%swap3A_358] {strides = array<i32>} : memref<784xf32, #tpu.memory_space<vmem>>, vector<16xf32>,
    tpu.vector_store %arg13[%swap3A_358], %mul3A_357 {strides = array<i32>} : memref<784xf32, #tpu.memory_space<vmem>>, vector<16xf32>,
    %add3A_360 = arith.constant 96 : i32
    %add3A_361 = arith.addi %multiple_of3A, %add3A_360 : i32
    %add3A_362 = vector.broadcast %add3A_361 : i32 to vector<16xi32>
    %add3A_363 = arith.addi %add3A_362, %iota3A : vector<16xi32>
    %mul3A_364 = arith.constant 52429 : i32
    %mul3A_365 = vector.broadcast %mul3A_364 : i32 to vector<16xi32>
    %mul3A_366 = arith.muli %add3A_363, %mul3A_365 : vector<16xi32>
    %shift_right_arithmetic3A_367 = arith.constant 18 : i32
    %shift_right_arithmetic3A_368 = vector.broadcast %shift_right_arithmetic3A_367 : i32 to vector<16xi32>
    %shift_right_arithmetic3A_369 = arith.shrsi %mul3A_366, %shift_right_arithmetic3A_368 : vector<16xi32>
    %mul3A_370 = arith.constant 5 : i32
    %mul3A_371 = vector.broadcast %mul3A_370 : i32 to vector<16xi32>
    %mul3A_372 = arith.muli %shift_right_arithmetic3A_369, %mul3A_371 : vector<16xi32>
    %sub3A_373 = arith.subi %add3A_363, %mul3A_372 : vector<16xi32>
    %sub3A_374 = vector.broadcast %multiple_of3A_135 : i32 to vector<16xi32>
    %sub3A_375 = arith.subi %shift_right_arithmetic3A_369, %sub3A_374 : vector<16xi32>
    %lt3A_376 = arith.constant 4 : i32
    %lt3A_377 = vector.broadcast %lt3A_376 : i32 to vector<16xi32>
    %lt3A_378 = arith.cmpi slt, %sub3A_373, %lt3A_377 : vector<16xi32>
    %mul3A_379 = arith.constant 4 : i32
    %mul3A_380 = vector.broadcast %mul3A_379 : i32 to vector<16xi32>
    %mul3A_381 = arith.muli %sub3A_375, %mul3A_380 : vector<16xi32>
    %add3A_382 = arith.addi %mul3A_381, %sub3A_373 : vector<16xi32>
    %jit3A_383 = arith.constant 0 : i32
    %broadcast_in_dim3A_384 = vector.broadcast %jit3A_383 : i32 to vector<16xi32>
    %select_n3A_385 = arith.select %lt3A_378, %add3A_382, %broadcast_in_dim3A_384 : vector<16xi1>, vector<16xi32>
    %gather3A_386 = tpu.vector_load_idx %arg11[%select_n3A_385] : memref<672xf32, #tpu.memory_space<vmem>>[vector<16xi32>], vector<16xf32>,
    %gather3A_387 = tpu.vector_load_idx %arg12[%sub3A_375] : memref<168xf32, #tpu.memory_space<vmem>>[vector<16xi32>], vector<16xf32>,
    %gather3A_388 = tpu.vector_load_idx %arg10[%sub3A_375] : memref<168xf32, #tpu.memory_space<vmem>>[vector<16xi32>], vector<16xf32>,
    %lt3A_389 = arith.constant 4 : i32
    %lt3A_390 = vector.broadcast %lt3A_389 : i32 to vector<16xi32>
    %lt3A_391 = arith.cmpi slt, %sub3A_373, %lt3A_390 : vector<16xi32>
    %select_n3A_392 = arith.select %lt3A_391, %gather3A_386, %gather3A_387 : vector<16xi1>, vector<16xf32>
    %mul3A_393 = arith.mulf %select_n3A_392, %gather3A_388 : vector<16xf32>
    %swap3A_394 = arith.constant 96 : index
    %swap3A_395 = tpu.vector_load %arg13[%swap3A_394] {strides = array<i32>} : memref<784xf32, #tpu.memory_space<vmem>>, vector<16xf32>,
    tpu.vector_store %arg13[%swap3A_394], %mul3A_393 {strides = array<i32>} : memref<784xf32, #tpu.memory_space<vmem>>, vector<16xf32>,
    %add3A_396 = arith.constant 112 : i32
    %add3A_397 = arith.addi %multiple_of3A, %add3A_396 : i32
    %add3A_398 = vector.broadcast %add3A_397 : i32 to vector<16xi32>
    %add3A_399 = arith.addi %add3A_398, %iota3A : vector<16xi32>
    %mul3A_400 = arith.constant 52429 : i32
    %mul3A_401 = vector.broadcast %mul3A_400 : i32 to vector<16xi32>
    %mul3A_402 = arith.muli %add3A_399, %mul3A_401 : vector<16xi32>
    %shift_right_arithmetic3A_403 = arith.constant 18 : i32
    %shift_right_arithmetic3A_404 = vector.broadcast %shift_right_arithmetic3A_403 : i32 to vector<16xi32>
    %shift_right_arithmetic3A_405 = arith.shrsi %mul3A_402, %shift_right_arithmetic3A_404 : vector<16xi32>
    %mul3A_406 = arith.constant 5 : i32
    %mul3A_407 = vector.broadcast %mul3A_406 : i32 to vector<16xi32>
    %mul3A_408 = arith.muli %shift_right_arithmetic3A_405, %mul3A_407 : vector<16xi32>
    %sub3A_409 = arith.subi %add3A_399, %mul3A_408 : vector<16xi32>
    %sub3A_410 = vector.broadcast %multiple_of3A_135 : i32 to vector<16xi32>
    %sub3A_411 = arith.subi %shift_right_arithmetic3A_405, %sub3A_410 : vector<16xi32>
    %lt3A_412 = arith.constant 4 : i32
    %lt3A_413 = vector.broadcast %lt3A_412 : i32 to vector<16xi32>
    %lt3A_414 = arith.cmpi slt, %sub3A_409, %lt3A_413 : vector<16xi32>
    %mul3A_415 = arith.constant 4 : i32
    %mul3A_416 = vector.broadcast %mul3A_415 : i32 to vector<16xi32>
    %mul3A_417 = arith.muli %sub3A_411, %mul3A_416 : vector<16xi32>
    %add3A_418 = arith.addi %mul3A_417, %sub3A_409 : vector<16xi32>
    %jit3A_419 = arith.constant 0 : i32
    %broadcast_in_dim3A_420 = vector.broadcast %jit3A_419 : i32 to vector<16xi32>
    %select_n3A_421 = arith.select %lt3A_414, %add3A_418, %broadcast_in_dim3A_420 : vector<16xi1>, vector<16xi32>
    %gather3A_422 = tpu.vector_load_idx %arg11[%select_n3A_421] : memref<672xf32, #tpu.memory_space<vmem>>[vector<16xi32>], vector<16xf32>,
    %gather3A_423 = tpu.vector_load_idx %arg12[%sub3A_411] : memref<168xf32, #tpu.memory_space<vmem>>[vector<16xi32>], vector<16xf32>,
    %gather3A_424 = tpu.vector_load_idx %arg10[%sub3A_411] : memref<168xf32, #tpu.memory_space<vmem>>[vector<16xi32>], vector<16xf32>,
    %lt3A_425 = arith.constant 4 : i32
    %lt3A_426 = vector.broadcast %lt3A_425 : i32 to vector<16xi32>
    %lt3A_427 = arith.cmpi slt, %sub3A_409, %lt3A_426 : vector<16xi32>
    %select_n3A_428 = arith.select %lt3A_427, %gather3A_422, %gather3A_423 : vector<16xi1>, vector<16xf32>
    %mul3A_429 = arith.mulf %select_n3A_428, %gather3A_424 : vector<16xf32>
    %swap3A_430 = arith.constant 112 : index
    %swap3A_431 = tpu.vector_load %arg13[%swap3A_430] {strides = array<i32>} : memref<784xf32, #tpu.memory_space<vmem>>, vector<16xf32>,
    tpu.vector_store %arg13[%swap3A_430], %mul3A_429 {strides = array<i32>} : memref<784xf32, #tpu.memory_space<vmem>>, vector<16xf32>,
    %add3A_432 = arith.constant 128 : i32
    %add3A_433 = arith.addi %multiple_of3A, %add3A_432 : i32
    %add3A_434 = vector.broadcast %add3A_433 : i32 to vector<16xi32>
    %add3A_435 = arith.addi %add3A_434, %iota3A : vector<16xi32>
    %mul3A_436 = arith.constant 52429 : i32
    %mul3A_437 = vector.broadcast %mul3A_436 : i32 to vector<16xi32>
    %mul3A_438 = arith.muli %add3A_435, %mul3A_437 : vector<16xi32>
    %shift_right_arithmetic3A_439 = arith.constant 18 : i32
    %shift_right_arithmetic3A_440 = vector.broadcast %shift_right_arithmetic3A_439 : i32 to vector<16xi32>
    %shift_right_arithmetic3A_441 = arith.shrsi %mul3A_438, %shift_right_arithmetic3A_440 : vector<16xi32>
    %mul3A_442 = arith.constant 5 : i32
    %mul3A_443 = vector.broadcast %mul3A_442 : i32 to vector<16xi32>
    %mul3A_444 = arith.muli %shift_right_arithmetic3A_441, %mul3A_443 : vector<16xi32>
    %sub3A_445 = arith.subi %add3A_435, %mul3A_444 : vector<16xi32>
    %sub3A_446 = vector.broadcast %multiple_of3A_135 : i32 to vector<16xi32>
    %sub3A_447 = arith.subi %shift_right_arithmetic3A_441, %sub3A_446 : vector<16xi32>
    %lt3A_448 = arith.constant 4 : i32
    %lt3A_449 = vector.broadcast %lt3A_448 : i32 to vector<16xi32>
    %lt3A_450 = arith.cmpi slt, %sub3A_445, %lt3A_449 : vector<16xi32>
    %mul3A_451 = arith.constant 4 : i32
    %mul3A_452 = vector.broadcast %mul3A_451 : i32 to vector<16xi32>
    %mul3A_453 = arith.muli %sub3A_447, %mul3A_452 : vector<16xi32>
    %add3A_454 = arith.addi %mul3A_453, %sub3A_445 : vector<16xi32>
    %jit3A_455 = arith.constant 0 : i32
    %broadcast_in_dim3A_456 = vector.broadcast %jit3A_455 : i32 to vector<16xi32>
    %select_n3A_457 = arith.select %lt3A_450, %add3A_454, %broadcast_in_dim3A_456 : vector<16xi1>, vector<16xi32>
    %gather3A_458 = tpu.vector_load_idx %arg11[%select_n3A_457] : memref<672xf32, #tpu.memory_space<vmem>>[vector<16xi32>], vector<16xf32>,
    %gather3A_459 = tpu.vector_load_idx %arg12[%sub3A_447] : memref<168xf32, #tpu.memory_space<vmem>>[vector<16xi32>], vector<16xf32>,
    %gather3A_460 = tpu.vector_load_idx %arg10[%sub3A_447] : memref<168xf32, #tpu.memory_space<vmem>>[vector<16xi32>], vector<16xf32>,
    %lt3A_461 = arith.constant 4 : i32
    %lt3A_462 = vector.broadcast %lt3A_461 : i32 to vector<16xi32>
    %lt3A_463 = arith.cmpi slt, %sub3A_445, %lt3A_462 : vector<16xi32>
    %select_n3A_464 = arith.select %lt3A_463, %gather3A_458, %gather3A_459 : vector<16xi1>, vector<16xf32>
    %mul3A_465 = arith.mulf %select_n3A_464, %gather3A_460 : vector<16xf32>
    %swap3A_466 = arith.constant 128 : index
    %swap3A_467 = tpu.vector_load %arg13[%swap3A_466] {strides = array<i32>} : memref<784xf32, #tpu.memory_space<vmem>>, vector<16xf32>,
    tpu.vector_store %arg13[%swap3A_466], %mul3A_465 {strides = array<i32>} : memref<784xf32, #tpu.memory_space<vmem>>, vector<16xf32>,
    %add3A_468 = arith.constant 144 : i32
    %add3A_469 = arith.addi %multiple_of3A, %add3A_468 : i32
    %add3A_470 = vector.broadcast %add3A_469 : i32 to vector<16xi32>
    %add3A_471 = arith.addi %add3A_470, %iota3A : vector<16xi32>
    %mul3A_472 = arith.constant 52429 : i32
    %mul3A_473 = vector.broadcast %mul3A_472 : i32 to vector<16xi32>
    %mul3A_474 = arith.muli %add3A_471, %mul3A_473 : vector<16xi32>
    %shift_right_arithmetic3A_475 = arith.constant 18 : i32
    %shift_right_arithmetic3A_476 = vector.broadcast %shift_right_arithmetic3A_475 : i32 to vector<16xi32>
    %shift_right_arithmetic3A_477 = arith.shrsi %mul3A_474, %shift_right_arithmetic3A_476 : vector<16xi32>
    %mul3A_478 = arith.constant 5 : i32
    %mul3A_479 = vector.broadcast %mul3A_478 : i32 to vector<16xi32>
    %mul3A_480 = arith.muli %shift_right_arithmetic3A_477, %mul3A_479 : vector<16xi32>
    %sub3A_481 = arith.subi %add3A_471, %mul3A_480 : vector<16xi32>
    %sub3A_482 = vector.broadcast %multiple_of3A_135 : i32 to vector<16xi32>
    %sub3A_483 = arith.subi %shift_right_arithmetic3A_477, %sub3A_482 : vector<16xi32>
    %lt3A_484 = arith.constant 4 : i32
    %lt3A_485 = vector.broadcast %lt3A_484 : i32 to vector<16xi32>
    %lt3A_486 = arith.cmpi slt, %sub3A_481, %lt3A_485 : vector<16xi32>
    %mul3A_487 = arith.constant 4 : i32
    %mul3A_488 = vector.broadcast %mul3A_487 : i32 to vector<16xi32>
    %mul3A_489 = arith.muli %sub3A_483, %mul3A_488 : vector<16xi32>
    %add3A_490 = arith.addi %mul3A_489, %sub3A_481 : vector<16xi32>
    %jit3A_491 = arith.constant 0 : i32
    %broadcast_in_dim3A_492 = vector.broadcast %jit3A_491 : i32 to vector<16xi32>
    %select_n3A_493 = arith.select %lt3A_486, %add3A_490, %broadcast_in_dim3A_492 : vector<16xi1>, vector<16xi32>
    %gather3A_494 = tpu.vector_load_idx %arg11[%select_n3A_493] : memref<672xf32, #tpu.memory_space<vmem>>[vector<16xi32>], vector<16xf32>,
    %gather3A_495 = tpu.vector_load_idx %arg12[%sub3A_483] : memref<168xf32, #tpu.memory_space<vmem>>[vector<16xi32>], vector<16xf32>,
    %gather3A_496 = tpu.vector_load_idx %arg10[%sub3A_483] : memref<168xf32, #tpu.memory_space<vmem>>[vector<16xi32>], vector<16xf32>,
    %lt3A_497 = arith.constant 4 : i32
    %lt3A_498 = vector.broadcast %lt3A_497 : i32 to vector<16xi32>
    %lt3A_499 = arith.cmpi slt, %sub3A_481, %lt3A_498 : vector<16xi32>
    %select_n3A_500 = arith.select %lt3A_499, %gather3A_494, %gather3A_495 : vector<16xi1>, vector<16xf32>
    %mul3A_501 = arith.mulf %select_n3A_500, %gather3A_496 : vector<16xf32>
    %swap3A_502 = arith.constant 144 : index
    %swap3A_503 = tpu.vector_load %arg13[%swap3A_502] {strides = array<i32>} : memref<784xf32, #tpu.memory_space<vmem>>, vector<16xf32>,
    tpu.vector_store %arg13[%swap3A_502], %mul3A_501 {strides = array<i32>} : memref<784xf32, #tpu.memory_space<vmem>>, vector<16xf32>,
    %add3A_504 = arith.constant 160 : i32
    %add3A_505 = arith.addi %multiple_of3A, %add3A_504 : i32
    %add3A_506 = vector.broadcast %add3A_505 : i32 to vector<16xi32>
    %add3A_507 = arith.addi %add3A_506, %iota3A : vector<16xi32>
    %mul3A_508 = arith.constant 52429 : i32
    %mul3A_509 = vector.broadcast %mul3A_508 : i32 to vector<16xi32>
    %mul3A_510 = arith.muli %add3A_507, %mul3A_509 : vector<16xi32>
    %shift_right_arithmetic3A_511 = arith.constant 18 : i32
    %shift_right_arithmetic3A_512 = vector.broadcast %shift_right_arithmetic3A_511 : i32 to vector<16xi32>
    %shift_right_arithmetic3A_513 = arith.shrsi %mul3A_510, %shift_right_arithmetic3A_512 : vector<16xi32>
    %mul3A_514 = arith.constant 5 : i32
    %mul3A_515 = vector.broadcast %mul3A_514 : i32 to vector<16xi32>
    %mul3A_516 = arith.muli %shift_right_arithmetic3A_513, %mul3A_515 : vector<16xi32>
    %sub3A_517 = arith.subi %add3A_507, %mul3A_516 : vector<16xi32>
    %sub3A_518 = vector.broadcast %multiple_of3A_135 : i32 to vector<16xi32>
    %sub3A_519 = arith.subi %shift_right_arithmetic3A_513, %sub3A_518 : vector<16xi32>
    %lt3A_520 = arith.constant 4 : i32
    %lt3A_521 = vector.broadcast %lt3A_520 : i32 to vector<16xi32>
    %lt3A_522 = arith.cmpi slt, %sub3A_517, %lt3A_521 : vector<16xi32>
    %mul3A_523 = arith.constant 4 : i32
    %mul3A_524 = vector.broadcast %mul3A_523 : i32 to vector<16xi32>
    %mul3A_525 = arith.muli %sub3A_519, %mul3A_524 : vector<16xi32>
    %add3A_526 = arith.addi %mul3A_525, %sub3A_517 : vector<16xi32>
    %jit3A_527 = arith.constant 0 : i32
    %broadcast_in_dim3A_528 = vector.broadcast %jit3A_527 : i32 to vector<16xi32>
    %select_n3A_529 = arith.select %lt3A_522, %add3A_526, %broadcast_in_dim3A_528 : vector<16xi1>, vector<16xi32>
    %gather3A_530 = tpu.vector_load_idx %arg11[%select_n3A_529] : memref<672xf32, #tpu.memory_space<vmem>>[vector<16xi32>], vector<16xf32>,
    %gather3A_531 = tpu.vector_load_idx %arg12[%sub3A_519] : memref<168xf32, #tpu.memory_space<vmem>>[vector<16xi32>], vector<16xf32>,
    %gather3A_532 = tpu.vector_load_idx %arg10[%sub3A_519] : memref<168xf32, #tpu.memory_space<vmem>>[vector<16xi32>], vector<16xf32>,
    %lt3A_533 = arith.constant 4 : i32
    %lt3A_534 = vector.broadcast %lt3A_533 : i32 to vector<16xi32>
    %lt3A_535 = arith.cmpi slt, %sub3A_517, %lt3A_534 : vector<16xi32>
    %select_n3A_536 = arith.select %lt3A_535, %gather3A_530, %gather3A_531 : vector<16xi1>, vector<16xf32>
    %mul3A_537 = arith.mulf %select_n3A_536, %gather3A_532 : vector<16xf32>
    %swap3A_538 = arith.constant 160 : index
    %swap3A_539 = tpu.vector_load %arg13[%swap3A_538] {strides = array<i32>} : memref<784xf32, #tpu.memory_space<vmem>>, vector<16xf32>,
    tpu.vector_store %arg13[%swap3A_538], %mul3A_537 {strides = array<i32>} : memref<784xf32, #tpu.memory_space<vmem>>, vector<16xf32>,
    %add3A_540 = arith.constant 176 : i32
    %add3A_541 = arith.addi %multiple_of3A, %add3A_540 : i32
    %add3A_542 = vector.broadcast %add3A_541 : i32 to vector<16xi32>
    %add3A_543 = arith.addi %add3A_542, %iota3A : vector<16xi32>
    %mul3A_544 = arith.constant 52429 : i32
    %mul3A_545 = vector.broadcast %mul3A_544 : i32 to vector<16xi32>
    %mul3A_546 = arith.muli %add3A_543, %mul3A_545 : vector<16xi32>
    %shift_right_arithmetic3A_547 = arith.constant 18 : i32
    %shift_right_arithmetic3A_548 = vector.broadcast %shift_right_arithmetic3A_547 : i32 to vector<16xi32>
    %shift_right_arithmetic3A_549 = arith.shrsi %mul3A_546, %shift_right_arithmetic3A_548 : vector<16xi32>
    %mul3A_550 = arith.constant 5 : i32
    %mul3A_551 = vector.broadcast %mul3A_550 : i32 to vector<16xi32>
    %mul3A_552 = arith.muli %shift_right_arithmetic3A_549, %mul3A_551 : vector<16xi32>
    %sub3A_553 = arith.subi %add3A_543, %mul3A_552 : vector<16xi32>
    %sub3A_554 = vector.broadcast %multiple_of3A_135 : i32 to vector<16xi32>
    %sub3A_555 = arith.subi %shift_right_arithmetic3A_549, %sub3A_554 : vector<16xi32>
    %lt3A_556 = arith.constant 4 : i32
    %lt3A_557 = vector.broadcast %lt3A_556 : i32 to vector<16xi32>
    %lt3A_558 = arith.cmpi slt, %sub3A_553, %lt3A_557 : vector<16xi32>
    %mul3A_559 = arith.constant 4 : i32
    %mul3A_560 = vector.broadcast %mul3A_559 : i32 to vector<16xi32>
    %mul3A_561 = arith.muli %sub3A_555, %mul3A_560 : vector<16xi32>
    %add3A_562 = arith.addi %mul3A_561, %sub3A_553 : vector<16xi32>
    %jit3A_563 = arith.constant 0 : i32
    %broadcast_in_dim3A_564 = vector.broadcast %jit3A_563 : i32 to vector<16xi32>
    %select_n3A_565 = arith.select %lt3A_558, %add3A_562, %broadcast_in_dim3A_564 : vector<16xi1>, vector<16xi32>
    %gather3A_566 = tpu.vector_load_idx %arg11[%select_n3A_565] : memref<672xf32, #tpu.memory_space<vmem>>[vector<16xi32>], vector<16xf32>,
    %gather3A_567 = tpu.vector_load_idx %arg12[%sub3A_555] : memref<168xf32, #tpu.memory_space<vmem>>[vector<16xi32>], vector<16xf32>,
    %gather3A_568 = tpu.vector_load_idx %arg10[%sub3A_555] : memref<168xf32, #tpu.memory_space<vmem>>[vector<16xi32>], vector<16xf32>,
    %lt3A_569 = arith.constant 4 : i32
    %lt3A_570 = vector.broadcast %lt3A_569 : i32 to vector<16xi32>
    %lt3A_571 = arith.cmpi slt, %sub3A_553, %lt3A_570 : vector<16xi32>
    %select_n3A_572 = arith.select %lt3A_571, %gather3A_566, %gather3A_567 : vector<16xi1>, vector<16xf32>
    %mul3A_573 = arith.mulf %select_n3A_572, %gather3A_568 : vector<16xf32>
    %swap3A_574 = arith.constant 176 : index
    %swap3A_575 = tpu.vector_load %arg13[%swap3A_574] {strides = array<i32>} : memref<784xf32, #tpu.memory_space<vmem>>, vector<16xf32>,
    tpu.vector_store %arg13[%swap3A_574], %mul3A_573 {strides = array<i32>} : memref<784xf32, #tpu.memory_space<vmem>>, vector<16xf32>,
    %add3A_576 = arith.constant 192 : i32
    %add3A_577 = arith.addi %multiple_of3A, %add3A_576 : i32
    %add3A_578 = vector.broadcast %add3A_577 : i32 to vector<16xi32>
    %add3A_579 = arith.addi %add3A_578, %iota3A : vector<16xi32>
    %mul3A_580 = arith.constant 52429 : i32
    %mul3A_581 = vector.broadcast %mul3A_580 : i32 to vector<16xi32>
    %mul3A_582 = arith.muli %add3A_579, %mul3A_581 : vector<16xi32>
    %shift_right_arithmetic3A_583 = arith.constant 18 : i32
    %shift_right_arithmetic3A_584 = vector.broadcast %shift_right_arithmetic3A_583 : i32 to vector<16xi32>
    %shift_right_arithmetic3A_585 = arith.shrsi %mul3A_582, %shift_right_arithmetic3A_584 : vector<16xi32>
    %mul3A_586 = arith.constant 5 : i32
    %mul3A_587 = vector.broadcast %mul3A_586 : i32 to vector<16xi32>
    %mul3A_588 = arith.muli %shift_right_arithmetic3A_585, %mul3A_587 : vector<16xi32>
    %sub3A_589 = arith.subi %add3A_579, %mul3A_588 : vector<16xi32>
    %sub3A_590 = vector.broadcast %multiple_of3A_135 : i32 to vector<16xi32>
    %sub3A_591 = arith.subi %shift_right_arithmetic3A_585, %sub3A_590 : vector<16xi32>
    %lt3A_592 = arith.constant 4 : i32
    %lt3A_593 = vector.broadcast %lt3A_592 : i32 to vector<16xi32>
    %lt3A_594 = arith.cmpi slt, %sub3A_589, %lt3A_593 : vector<16xi32>
    %mul3A_595 = arith.constant 4 : i32
    %mul3A_596 = vector.broadcast %mul3A_595 : i32 to vector<16xi32>
    %mul3A_597 = arith.muli %sub3A_591, %mul3A_596 : vector<16xi32>
    %add3A_598 = arith.addi %mul3A_597, %sub3A_589 : vector<16xi32>
    %jit3A_599 = arith.constant 0 : i32
    %broadcast_in_dim3A_600 = vector.broadcast %jit3A_599 : i32 to vector<16xi32>
    %select_n3A_601 = arith.select %lt3A_594, %add3A_598, %broadcast_in_dim3A_600 : vector<16xi1>, vector<16xi32>
    %gather3A_602 = tpu.vector_load_idx %arg11[%select_n3A_601] : memref<672xf32, #tpu.memory_space<vmem>>[vector<16xi32>], vector<16xf32>,
    %gather3A_603 = tpu.vector_load_idx %arg12[%sub3A_591] : memref<168xf32, #tpu.memory_space<vmem>>[vector<16xi32>], vector<16xf32>,
    %gather3A_604 = tpu.vector_load_idx %arg10[%sub3A_591] : memref<168xf32, #tpu.memory_space<vmem>>[vector<16xi32>], vector<16xf32>,
    %lt3A_605 = arith.constant 4 : i32
    %lt3A_606 = vector.broadcast %lt3A_605 : i32 to vector<16xi32>
    %lt3A_607 = arith.cmpi slt, %sub3A_589, %lt3A_606 : vector<16xi32>
    %select_n3A_608 = arith.select %lt3A_607, %gather3A_602, %gather3A_603 : vector<16xi1>, vector<16xf32>
    %mul3A_609 = arith.mulf %select_n3A_608, %gather3A_604 : vector<16xf32>
    %swap3A_610 = arith.constant 192 : index
    %swap3A_611 = tpu.vector_load %arg13[%swap3A_610] {strides = array<i32>} : memref<784xf32, #tpu.memory_space<vmem>>, vector<16xf32>,
    tpu.vector_store %arg13[%swap3A_610], %mul3A_609 {strides = array<i32>} : memref<784xf32, #tpu.memory_space<vmem>>, vector<16xf32>,
    %add3A_612 = arith.constant 208 : i32
    %add3A_613 = arith.addi %multiple_of3A, %add3A_612 : i32
    %add3A_614 = vector.broadcast %add3A_613 : i32 to vector<16xi32>
    %add3A_615 = arith.addi %add3A_614, %iota3A : vector<16xi32>
    %mul3A_616 = arith.constant 52429 : i32
    %mul3A_617 = vector.broadcast %mul3A_616 : i32 to vector<16xi32>
    %mul3A_618 = arith.muli %add3A_615, %mul3A_617 : vector<16xi32>
    %shift_right_arithmetic3A_619 = arith.constant 18 : i32
    %shift_right_arithmetic3A_620 = vector.broadcast %shift_right_arithmetic3A_619 : i32 to vector<16xi32>
    %shift_right_arithmetic3A_621 = arith.shrsi %mul3A_618, %shift_right_arithmetic3A_620 : vector<16xi32>
    %mul3A_622 = arith.constant 5 : i32
    %mul3A_623 = vector.broadcast %mul3A_622 : i32 to vector<16xi32>
    %mul3A_624 = arith.muli %shift_right_arithmetic3A_621, %mul3A_623 : vector<16xi32>
    %sub3A_625 = arith.subi %add3A_615, %mul3A_624 : vector<16xi32>
    %sub3A_626 = vector.broadcast %multiple_of3A_135 : i32 to vector<16xi32>
    %sub3A_627 = arith.subi %shift_right_arithmetic3A_621, %sub3A_626 : vector<16xi32>
    %lt3A_628 = arith.constant 4 : i32
    %lt3A_629 = vector.broadcast %lt3A_628 : i32 to vector<16xi32>
    %lt3A_630 = arith.cmpi slt, %sub3A_625, %lt3A_629 : vector<16xi32>
    %mul3A_631 = arith.constant 4 : i32
    %mul3A_632 = vector.broadcast %mul3A_631 : i32 to vector<16xi32>
    %mul3A_633 = arith.muli %sub3A_627, %mul3A_632 : vector<16xi32>
    %add3A_634 = arith.addi %mul3A_633, %sub3A_625 : vector<16xi32>
    %jit3A_635 = arith.constant 0 : i32
    %broadcast_in_dim3A_636 = vector.broadcast %jit3A_635 : i32 to vector<16xi32>
    %select_n3A_637 = arith.select %lt3A_630, %add3A_634, %broadcast_in_dim3A_636 : vector<16xi1>, vector<16xi32>
    %gather3A_638 = tpu.vector_load_idx %arg11[%select_n3A_637] : memref<672xf32, #tpu.memory_space<vmem>>[vector<16xi32>], vector<16xf32>,
    %gather3A_639 = tpu.vector_load_idx %arg12[%sub3A_627] : memref<168xf32, #tpu.memory_space<vmem>>[vector<16xi32>], vector<16xf32>,
    %gather3A_640 = tpu.vector_load_idx %arg10[%sub3A_627] : memref<168xf32, #tpu.memory_space<vmem>>[vector<16xi32>], vector<16xf32>,
    %lt3A_641 = arith.constant 4 : i32
    %lt3A_642 = vector.broadcast %lt3A_641 : i32 to vector<16xi32>
    %lt3A_643 = arith.cmpi slt, %sub3A_625, %lt3A_642 : vector<16xi32>
    %select_n3A_644 = arith.select %lt3A_643, %gather3A_638, %gather3A_639 : vector<16xi1>, vector<16xf32>
    %mul3A_645 = arith.mulf %select_n3A_644, %gather3A_640 : vector<16xf32>
    %swap3A_646 = arith.constant 208 : index
    %swap3A_647 = tpu.vector_load %arg13[%swap3A_646] {strides = array<i32>} : memref<784xf32, #tpu.memory_space<vmem>>, vector<16xf32>,
    tpu.vector_store %arg13[%swap3A_646], %mul3A_645 {strides = array<i32>} : memref<784xf32, #tpu.memory_space<vmem>>, vector<16xf32>,
    %add3A_648 = arith.constant 224 : i32
    %add3A_649 = arith.addi %multiple_of3A, %add3A_648 : i32
    %add3A_650 = vector.broadcast %add3A_649 : i32 to vector<16xi32>
    %add3A_651 = arith.addi %add3A_650, %iota3A : vector<16xi32>
    %mul3A_652 = arith.constant 52429 : i32
    %mul3A_653 = vector.broadcast %mul3A_652 : i32 to vector<16xi32>
    %mul3A_654 = arith.muli %add3A_651, %mul3A_653 : vector<16xi32>
    %shift_right_arithmetic3A_655 = arith.constant 18 : i32
    %shift_right_arithmetic3A_656 = vector.broadcast %shift_right_arithmetic3A_655 : i32 to vector<16xi32>
    %shift_right_arithmetic3A_657 = arith.shrsi %mul3A_654, %shift_right_arithmetic3A_656 : vector<16xi32>
    %mul3A_658 = arith.constant 5 : i32
    %mul3A_659 = vector.broadcast %mul3A_658 : i32 to vector<16xi32>
    %mul3A_660 = arith.muli %shift_right_arithmetic3A_657, %mul3A_659 : vector<16xi32>
    %sub3A_661 = arith.subi %add3A_651, %mul3A_660 : vector<16xi32>
    %sub3A_662 = vector.broadcast %multiple_of3A_135 : i32 to vector<16xi32>
    %sub3A_663 = arith.subi %shift_right_arithmetic3A_657, %sub3A_662 : vector<16xi32>
    %lt3A_664 = arith.constant 4 : i32
    %lt3A_665 = vector.broadcast %lt3A_664 : i32 to vector<16xi32>
    %lt3A_666 = arith.cmpi slt, %sub3A_661, %lt3A_665 : vector<16xi32>
    %mul3A_667 = arith.constant 4 : i32
    %mul3A_668 = vector.broadcast %mul3A_667 : i32 to vector<16xi32>
    %mul3A_669 = arith.muli %sub3A_663, %mul3A_668 : vector<16xi32>
    %add3A_670 = arith.addi %mul3A_669, %sub3A_661 : vector<16xi32>
    %jit3A_671 = arith.constant 0 : i32
    %broadcast_in_dim3A_672 = vector.broadcast %jit3A_671 : i32 to vector<16xi32>
    %select_n3A_673 = arith.select %lt3A_666, %add3A_670, %broadcast_in_dim3A_672 : vector<16xi1>, vector<16xi32>
    %gather3A_674 = tpu.vector_load_idx %arg11[%select_n3A_673] : memref<672xf32, #tpu.memory_space<vmem>>[vector<16xi32>], vector<16xf32>,
    %gather3A_675 = tpu.vector_load_idx %arg12[%sub3A_663] : memref<168xf32, #tpu.memory_space<vmem>>[vector<16xi32>], vector<16xf32>,
    %gather3A_676 = tpu.vector_load_idx %arg10[%sub3A_663] : memref<168xf32, #tpu.memory_space<vmem>>[vector<16xi32>], vector<16xf32>,
    %lt3A_677 = arith.constant 4 : i32
    %lt3A_678 = vector.broadcast %lt3A_677 : i32 to vector<16xi32>
    %lt3A_679 = arith.cmpi slt, %sub3A_661, %lt3A_678 : vector<16xi32>
    %select_n3A_680 = arith.select %lt3A_679, %gather3A_674, %gather3A_675 : vector<16xi1>, vector<16xf32>
    %mul3A_681 = arith.mulf %select_n3A_680, %gather3A_676 : vector<16xf32>
    %swap3A_682 = arith.constant 224 : index
    %swap3A_683 = tpu.vector_load %arg13[%swap3A_682] {strides = array<i32>} : memref<784xf32, #tpu.memory_space<vmem>>, vector<16xf32>,
    tpu.vector_store %arg13[%swap3A_682], %mul3A_681 {strides = array<i32>} : memref<784xf32, #tpu.memory_space<vmem>>, vector<16xf32>,
    %add3A_684 = arith.constant 240 : i32
    %add3A_685 = arith.addi %multiple_of3A, %add3A_684 : i32
    %add3A_686 = vector.broadcast %add3A_685 : i32 to vector<16xi32>
    %add3A_687 = arith.addi %add3A_686, %iota3A : vector<16xi32>
    %mul3A_688 = arith.constant 52429 : i32
    %mul3A_689 = vector.broadcast %mul3A_688 : i32 to vector<16xi32>
    %mul3A_690 = arith.muli %add3A_687, %mul3A_689 : vector<16xi32>
    %shift_right_arithmetic3A_691 = arith.constant 18 : i32
    %shift_right_arithmetic3A_692 = vector.broadcast %shift_right_arithmetic3A_691 : i32 to vector<16xi32>
    %shift_right_arithmetic3A_693 = arith.shrsi %mul3A_690, %shift_right_arithmetic3A_692 : vector<16xi32>
    %mul3A_694 = arith.constant 5 : i32
    %mul3A_695 = vector.broadcast %mul3A_694 : i32 to vector<16xi32>
    %mul3A_696 = arith.muli %shift_right_arithmetic3A_693, %mul3A_695 : vector<16xi32>
    %sub3A_697 = arith.subi %add3A_687, %mul3A_696 : vector<16xi32>
    %sub3A_698 = vector.broadcast %multiple_of3A_135 : i32 to vector<16xi32>
    %sub3A_699 = arith.subi %shift_right_arithmetic3A_693, %sub3A_698 : vector<16xi32>
    %lt3A_700 = arith.constant 4 : i32
    %lt3A_701 = vector.broadcast %lt3A_700 : i32 to vector<16xi32>
    %lt3A_702 = arith.cmpi slt, %sub3A_697, %lt3A_701 : vector<16xi32>
    %mul3A_703 = arith.constant 4 : i32
    %mul3A_704 = vector.broadcast %mul3A_703 : i32 to vector<16xi32>
    %mul3A_705 = arith.muli %sub3A_699, %mul3A_704 : vector<16xi32>
    %add3A_706 = arith.addi %mul3A_705, %sub3A_697 : vector<16xi32>
    %jit3A_707 = arith.constant 0 : i32
    %broadcast_in_dim3A_708 = vector.broadcast %jit3A_707 : i32 to vector<16xi32>
    %select_n3A_709 = arith.select %lt3A_702, %add3A_706, %broadcast_in_dim3A_708 : vector<16xi1>, vector<16xi32>
    %gather3A_710 = tpu.vector_load_idx %arg11[%select_n3A_709] : memref<672xf32, #tpu.memory_space<vmem>>[vector<16xi32>], vector<16xf32>,
    %gather3A_711 = tpu.vector_load_idx %arg12[%sub3A_699] : memref<168xf32, #tpu.memory_space<vmem>>[vector<16xi32>], vector<16xf32>,
    %gather3A_712 = tpu.vector_load_idx %arg10[%sub3A_699] : memref<168xf32, #tpu.memory_space<vmem>>[vector<16xi32>], vector<16xf32>,
    %lt3A_713 = arith.constant 4 : i32
    %lt3A_714 = vector.broadcast %lt3A_713 : i32 to vector<16xi32>
    %lt3A_715 = arith.cmpi slt, %sub3A_697, %lt3A_714 : vector<16xi32>
    %select_n3A_716 = arith.select %lt3A_715, %gather3A_710, %gather3A_711 : vector<16xi1>, vector<16xf32>
    %mul3A_717 = arith.mulf %select_n3A_716, %gather3A_712 : vector<16xf32>
    %swap3A_718 = arith.constant 240 : index
    %swap3A_719 = tpu.vector_load %arg13[%swap3A_718] {strides = array<i32>} : memref<784xf32, #tpu.memory_space<vmem>>, vector<16xf32>,
    tpu.vector_store %arg13[%swap3A_718], %mul3A_717 {strides = array<i32>} : memref<784xf32, #tpu.memory_space<vmem>>, vector<16xf32>,
    %add3A_720 = arith.constant 256 : i32
    %add3A_721 = arith.addi %multiple_of3A, %add3A_720 : i32
    %add3A_722 = vector.broadcast %add3A_721 : i32 to vector<16xi32>
    %add3A_723 = arith.addi %add3A_722, %iota3A : vector<16xi32>
    %mul3A_724 = arith.constant 52429 : i32
    %mul3A_725 = vector.broadcast %mul3A_724 : i32 to vector<16xi32>
    %mul3A_726 = arith.muli %add3A_723, %mul3A_725 : vector<16xi32>
    %shift_right_arithmetic3A_727 = arith.constant 18 : i32
    %shift_right_arithmetic3A_728 = vector.broadcast %shift_right_arithmetic3A_727 : i32 to vector<16xi32>
    %shift_right_arithmetic3A_729 = arith.shrsi %mul3A_726, %shift_right_arithmetic3A_728 : vector<16xi32>
    %mul3A_730 = arith.constant 5 : i32
    %mul3A_731 = vector.broadcast %mul3A_730 : i32 to vector<16xi32>
    %mul3A_732 = arith.muli %shift_right_arithmetic3A_729, %mul3A_731 : vector<16xi32>
    %sub3A_733 = arith.subi %add3A_723, %mul3A_732 : vector<16xi32>
    %sub3A_734 = vector.broadcast %multiple_of3A_135 : i32 to vector<16xi32>
    %sub3A_735 = arith.subi %shift_right_arithmetic3A_729, %sub3A_734 : vector<16xi32>
    %lt3A_736 = arith.constant 4 : i32
    %lt3A_737 = vector.broadcast %lt3A_736 : i32 to vector<16xi32>
    %lt3A_738 = arith.cmpi slt, %sub3A_733, %lt3A_737 : vector<16xi32>
    %mul3A_739 = arith.constant 4 : i32
    %mul3A_740 = vector.broadcast %mul3A_739 : i32 to vector<16xi32>
    %mul3A_741 = arith.muli %sub3A_735, %mul3A_740 : vector<16xi32>
    %add3A_742 = arith.addi %mul3A_741, %sub3A_733 : vector<16xi32>
    %jit3A_743 = arith.constant 0 : i32
    %broadcast_in_dim3A_744 = vector.broadcast %jit3A_743 : i32 to vector<16xi32>
    %select_n3A_745 = arith.select %lt3A_738, %add3A_742, %broadcast_in_dim3A_744 : vector<16xi1>, vector<16xi32>
    %gather3A_746 = tpu.vector_load_idx %arg11[%select_n3A_745] : memref<672xf32, #tpu.memory_space<vmem>>[vector<16xi32>], vector<16xf32>,
    %gather3A_747 = tpu.vector_load_idx %arg12[%sub3A_735] : memref<168xf32, #tpu.memory_space<vmem>>[vector<16xi32>], vector<16xf32>,
    %gather3A_748 = tpu.vector_load_idx %arg10[%sub3A_735] : memref<168xf32, #tpu.memory_space<vmem>>[vector<16xi32>], vector<16xf32>,
    %lt3A_749 = arith.constant 4 : i32
    %lt3A_750 = vector.broadcast %lt3A_749 : i32 to vector<16xi32>
    %lt3A_751 = arith.cmpi slt, %sub3A_733, %lt3A_750 : vector<16xi32>
    %select_n3A_752 = arith.select %lt3A_751, %gather3A_746, %gather3A_747 : vector<16xi1>, vector<16xf32>
    %mul3A_753 = arith.mulf %select_n3A_752, %gather3A_748 : vector<16xf32>
    %swap3A_754 = arith.constant 256 : index
    %swap3A_755 = tpu.vector_load %arg13[%swap3A_754] {strides = array<i32>} : memref<784xf32, #tpu.memory_space<vmem>>, vector<16xf32>,
    tpu.vector_store %arg13[%swap3A_754], %mul3A_753 {strides = array<i32>} : memref<784xf32, #tpu.memory_space<vmem>>, vector<16xf32>,
    %add3A_756 = arith.constant 272 : i32
    %add3A_757 = arith.addi %multiple_of3A, %add3A_756 : i32
    %add3A_758 = vector.broadcast %add3A_757 : i32 to vector<16xi32>
    %add3A_759 = arith.addi %add3A_758, %iota3A : vector<16xi32>
    %mul3A_760 = arith.constant 52429 : i32
    %mul3A_761 = vector.broadcast %mul3A_760 : i32 to vector<16xi32>
    %mul3A_762 = arith.muli %add3A_759, %mul3A_761 : vector<16xi32>
    %shift_right_arithmetic3A_763 = arith.constant 18 : i32
    %shift_right_arithmetic3A_764 = vector.broadcast %shift_right_arithmetic3A_763 : i32 to vector<16xi32>
    %shift_right_arithmetic3A_765 = arith.shrsi %mul3A_762, %shift_right_arithmetic3A_764 : vector<16xi32>
    %mul3A_766 = arith.constant 5 : i32
    %mul3A_767 = vector.broadcast %mul3A_766 : i32 to vector<16xi32>
    %mul3A_768 = arith.muli %shift_right_arithmetic3A_765, %mul3A_767 : vector<16xi32>
    %sub3A_769 = arith.subi %add3A_759, %mul3A_768 : vector<16xi32>
    %sub3A_770 = vector.broadcast %multiple_of3A_135 : i32 to vector<16xi32>
    %sub3A_771 = arith.subi %shift_right_arithmetic3A_765, %sub3A_770 : vector<16xi32>
    %lt3A_772 = arith.constant 4 : i32
    %lt3A_773 = vector.broadcast %lt3A_772 : i32 to vector<16xi32>
    %lt3A_774 = arith.cmpi slt, %sub3A_769, %lt3A_773 : vector<16xi32>
    %mul3A_775 = arith.constant 4 : i32
    %mul3A_776 = vector.broadcast %mul3A_775 : i32 to vector<16xi32>
    %mul3A_777 = arith.muli %sub3A_771, %mul3A_776 : vector<16xi32>
    %add3A_778 = arith.addi %mul3A_777, %sub3A_769 : vector<16xi32>
    %jit3A_779 = arith.constant 0 : i32
    %broadcast_in_dim3A_780 = vector.broadcast %jit3A_779 : i32 to vector<16xi32>
    %select_n3A_781 = arith.select %lt3A_774, %add3A_778, %broadcast_in_dim3A_780 : vector<16xi1>, vector<16xi32>
    %gather3A_782 = tpu.vector_load_idx %arg11[%select_n3A_781] : memref<672xf32, #tpu.memory_space<vmem>>[vector<16xi32>], vector<16xf32>,
    %gather3A_783 = tpu.vector_load_idx %arg12[%sub3A_771] : memref<168xf32, #tpu.memory_space<vmem>>[vector<16xi32>], vector<16xf32>,
    %gather3A_784 = tpu.vector_load_idx %arg10[%sub3A_771] : memref<168xf32, #tpu.memory_space<vmem>>[vector<16xi32>], vector<16xf32>,
    %lt3A_785 = arith.constant 4 : i32
    %lt3A_786 = vector.broadcast %lt3A_785 : i32 to vector<16xi32>
    %lt3A_787 = arith.cmpi slt, %sub3A_769, %lt3A_786 : vector<16xi32>
    %select_n3A_788 = arith.select %lt3A_787, %gather3A_782, %gather3A_783 : vector<16xi1>, vector<16xf32>
    %mul3A_789 = arith.mulf %select_n3A_788, %gather3A_784 : vector<16xf32>
    %swap3A_790 = arith.constant 272 : index
    %swap3A_791 = tpu.vector_load %arg13[%swap3A_790] {strides = array<i32>} : memref<784xf32, #tpu.memory_space<vmem>>, vector<16xf32>,
    tpu.vector_store %arg13[%swap3A_790], %mul3A_789 {strides = array<i32>} : memref<784xf32, #tpu.memory_space<vmem>>, vector<16xf32>,
    %add3A_792 = arith.constant 288 : i32
    %add3A_793 = arith.addi %multiple_of3A, %add3A_792 : i32
    %add3A_794 = vector.broadcast %add3A_793 : i32 to vector<16xi32>
    %add3A_795 = arith.addi %add3A_794, %iota3A : vector<16xi32>
    %mul3A_796 = arith.constant 52429 : i32
    %mul3A_797 = vector.broadcast %mul3A_796 : i32 to vector<16xi32>
    %mul3A_798 = arith.muli %add3A_795, %mul3A_797 : vector<16xi32>
    %shift_right_arithmetic3A_799 = arith.constant 18 : i32
    %shift_right_arithmetic3A_800 = vector.broadcast %shift_right_arithmetic3A_799 : i32 to vector<16xi32>
    %shift_right_arithmetic3A_801 = arith.shrsi %mul3A_798, %shift_right_arithmetic3A_800 : vector<16xi32>
    %mul3A_802 = arith.constant 5 : i32
    %mul3A_803 = vector.broadcast %mul3A_802 : i32 to vector<16xi32>
    %mul3A_804 = arith.muli %shift_right_arithmetic3A_801, %mul3A_803 : vector<16xi32>
    %sub3A_805 = arith.subi %add3A_795, %mul3A_804 : vector<16xi32>
    %sub3A_806 = vector.broadcast %multiple_of3A_135 : i32 to vector<16xi32>
    %sub3A_807 = arith.subi %shift_right_arithmetic3A_801, %sub3A_806 : vector<16xi32>
    %lt3A_808 = arith.constant 4 : i32
    %lt3A_809 = vector.broadcast %lt3A_808 : i32 to vector<16xi32>
    %lt3A_810 = arith.cmpi slt, %sub3A_805, %lt3A_809 : vector<16xi32>
    %mul3A_811 = arith.constant 4 : i32
    %mul3A_812 = vector.broadcast %mul3A_811 : i32 to vector<16xi32>
    %mul3A_813 = arith.muli %sub3A_807, %mul3A_812 : vector<16xi32>
    %add3A_814 = arith.addi %mul3A_813, %sub3A_805 : vector<16xi32>
    %jit3A_815 = arith.constant 0 : i32
    %broadcast_in_dim3A_816 = vector.broadcast %jit3A_815 : i32 to vector<16xi32>
    %select_n3A_817 = arith.select %lt3A_810, %add3A_814, %broadcast_in_dim3A_816 : vector<16xi1>, vector<16xi32>
    %gather3A_818 = tpu.vector_load_idx %arg11[%select_n3A_817] : memref<672xf32, #tpu.memory_space<vmem>>[vector<16xi32>], vector<16xf32>,
    %gather3A_819 = tpu.vector_load_idx %arg12[%sub3A_807] : memref<168xf32, #tpu.memory_space<vmem>>[vector<16xi32>], vector<16xf32>,
    %gather3A_820 = tpu.vector_load_idx %arg10[%sub3A_807] : memref<168xf32, #tpu.memory_space<vmem>>[vector<16xi32>], vector<16xf32>,
    %lt3A_821 = arith.constant 4 : i32
    %lt3A_822 = vector.broadcast %lt3A_821 : i32 to vector<16xi32>
    %lt3A_823 = arith.cmpi slt, %sub3A_805, %lt3A_822 : vector<16xi32>
    %select_n3A_824 = arith.select %lt3A_823, %gather3A_818, %gather3A_819 : vector<16xi1>, vector<16xf32>
    %mul3A_825 = arith.mulf %select_n3A_824, %gather3A_820 : vector<16xf32>
    %swap3A_826 = arith.constant 288 : index
    %swap3A_827 = tpu.vector_load %arg13[%swap3A_826] {strides = array<i32>} : memref<784xf32, #tpu.memory_space<vmem>>, vector<16xf32>,
    tpu.vector_store %arg13[%swap3A_826], %mul3A_825 {strides = array<i32>} : memref<784xf32, #tpu.memory_space<vmem>>, vector<16xf32>,
    %add3A_828 = arith.constant 304 : i32
    %add3A_829 = arith.addi %multiple_of3A, %add3A_828 : i32
    %add3A_830 = vector.broadcast %add3A_829 : i32 to vector<16xi32>
    %add3A_831 = arith.addi %add3A_830, %iota3A : vector<16xi32>
    %mul3A_832 = arith.constant 52429 : i32
    %mul3A_833 = vector.broadcast %mul3A_832 : i32 to vector<16xi32>
    %mul3A_834 = arith.muli %add3A_831, %mul3A_833 : vector<16xi32>
    %shift_right_arithmetic3A_835 = arith.constant 18 : i32
    %shift_right_arithmetic3A_836 = vector.broadcast %shift_right_arithmetic3A_835 : i32 to vector<16xi32>
    %shift_right_arithmetic3A_837 = arith.shrsi %mul3A_834, %shift_right_arithmetic3A_836 : vector<16xi32>
    %mul3A_838 = arith.constant 5 : i32
    %mul3A_839 = vector.broadcast %mul3A_838 : i32 to vector<16xi32>
    %mul3A_840 = arith.muli %shift_right_arithmetic3A_837, %mul3A_839 : vector<16xi32>
    %sub3A_841 = arith.subi %add3A_831, %mul3A_840 : vector<16xi32>
    %sub3A_842 = vector.broadcast %multiple_of3A_135 : i32 to vector<16xi32>
    %sub3A_843 = arith.subi %shift_right_arithmetic3A_837, %sub3A_842 : vector<16xi32>
    %lt3A_844 = arith.constant 4 : i32
    %lt3A_845 = vector.broadcast %lt3A_844 : i32 to vector<16xi32>
    %lt3A_846 = arith.cmpi slt, %sub3A_841, %lt3A_845 : vector<16xi32>
    %mul3A_847 = arith.constant 4 : i32
    %mul3A_848 = vector.broadcast %mul3A_847 : i32 to vector<16xi32>
    %mul3A_849 = arith.muli %sub3A_843, %mul3A_848 : vector<16xi32>
    %add3A_850 = arith.addi %mul3A_849, %sub3A_841 : vector<16xi32>
    %jit3A_851 = arith.constant 0 : i32
    %broadcast_in_dim3A_852 = vector.broadcast %jit3A_851 : i32 to vector<16xi32>
    %select_n3A_853 = arith.select %lt3A_846, %add3A_850, %broadcast_in_dim3A_852 : vector<16xi1>, vector<16xi32>
    %gather3A_854 = tpu.vector_load_idx %arg11[%select_n3A_853] : memref<672xf32, #tpu.memory_space<vmem>>[vector<16xi32>], vector<16xf32>,
    %gather3A_855 = tpu.vector_load_idx %arg12[%sub3A_843] : memref<168xf32, #tpu.memory_space<vmem>>[vector<16xi32>], vector<16xf32>,
    %gather3A_856 = tpu.vector_load_idx %arg10[%sub3A_843] : memref<168xf32, #tpu.memory_space<vmem>>[vector<16xi32>], vector<16xf32>,
    %lt3A_857 = arith.constant 4 : i32
    %lt3A_858 = vector.broadcast %lt3A_857 : i32 to vector<16xi32>
    %lt3A_859 = arith.cmpi slt, %sub3A_841, %lt3A_858 : vector<16xi32>
    %select_n3A_860 = arith.select %lt3A_859, %gather3A_854, %gather3A_855 : vector<16xi1>, vector<16xf32>
    %mul3A_861 = arith.mulf %select_n3A_860, %gather3A_856 : vector<16xf32>
    %swap3A_862 = arith.constant 304 : index
    %swap3A_863 = tpu.vector_load %arg13[%swap3A_862] {strides = array<i32>} : memref<784xf32, #tpu.memory_space<vmem>>, vector<16xf32>,
    tpu.vector_store %arg13[%swap3A_862], %mul3A_861 {strides = array<i32>} : memref<784xf32, #tpu.memory_space<vmem>>, vector<16xf32>,
    %add3A_864 = arith.constant 320 : i32
    %add3A_865 = arith.addi %multiple_of3A, %add3A_864 : i32
    %add3A_866 = vector.broadcast %add3A_865 : i32 to vector<16xi32>
    %add3A_867 = arith.addi %add3A_866, %iota3A : vector<16xi32>
    %mul3A_868 = arith.constant 52429 : i32
    %mul3A_869 = vector.broadcast %mul3A_868 : i32 to vector<16xi32>
    %mul3A_870 = arith.muli %add3A_867, %mul3A_869 : vector<16xi32>
    %shift_right_arithmetic3A_871 = arith.constant 18 : i32
    %shift_right_arithmetic3A_872 = vector.broadcast %shift_right_arithmetic3A_871 : i32 to vector<16xi32>
    %shift_right_arithmetic3A_873 = arith.shrsi %mul3A_870, %shift_right_arithmetic3A_872 : vector<16xi32>
    %mul3A_874 = arith.constant 5 : i32
    %mul3A_875 = vector.broadcast %mul3A_874 : i32 to vector<16xi32>
    %mul3A_876 = arith.muli %shift_right_arithmetic3A_873, %mul3A_875 : vector<16xi32>
    %sub3A_877 = arith.subi %add3A_867, %mul3A_876 : vector<16xi32>
    %sub3A_878 = vector.broadcast %multiple_of3A_135 : i32 to vector<16xi32>
    %sub3A_879 = arith.subi %shift_right_arithmetic3A_873, %sub3A_878 : vector<16xi32>
    %lt3A_880 = arith.constant 4 : i32
    %lt3A_881 = vector.broadcast %lt3A_880 : i32 to vector<16xi32>
    %lt3A_882 = arith.cmpi slt, %sub3A_877, %lt3A_881 : vector<16xi32>
    %mul3A_883 = arith.constant 4 : i32
    %mul3A_884 = vector.broadcast %mul3A_883 : i32 to vector<16xi32>
    %mul3A_885 = arith.muli %sub3A_879, %mul3A_884 : vector<16xi32>
    %add3A_886 = arith.addi %mul3A_885, %sub3A_877 : vector<16xi32>
    %jit3A_887 = arith.constant 0 : i32
    %broadcast_in_dim3A_888 = vector.broadcast %jit3A_887 : i32 to vector<16xi32>
    %select_n3A_889 = arith.select %lt3A_882, %add3A_886, %broadcast_in_dim3A_888 : vector<16xi1>, vector<16xi32>
    %gather3A_890 = tpu.vector_load_idx %arg11[%select_n3A_889] : memref<672xf32, #tpu.memory_space<vmem>>[vector<16xi32>], vector<16xf32>,
    %gather3A_891 = tpu.vector_load_idx %arg12[%sub3A_879] : memref<168xf32, #tpu.memory_space<vmem>>[vector<16xi32>], vector<16xf32>,
    %gather3A_892 = tpu.vector_load_idx %arg10[%sub3A_879] : memref<168xf32, #tpu.memory_space<vmem>>[vector<16xi32>], vector<16xf32>,
    %lt3A_893 = arith.constant 4 : i32
    %lt3A_894 = vector.broadcast %lt3A_893 : i32 to vector<16xi32>
    %lt3A_895 = arith.cmpi slt, %sub3A_877, %lt3A_894 : vector<16xi32>
    %select_n3A_896 = arith.select %lt3A_895, %gather3A_890, %gather3A_891 : vector<16xi1>, vector<16xf32>
    %mul3A_897 = arith.mulf %select_n3A_896, %gather3A_892 : vector<16xf32>
    %swap3A_898 = arith.constant 320 : index
    %swap3A_899 = tpu.vector_load %arg13[%swap3A_898] {strides = array<i32>} : memref<784xf32, #tpu.memory_space<vmem>>, vector<16xf32>,
    tpu.vector_store %arg13[%swap3A_898], %mul3A_897 {strides = array<i32>} : memref<784xf32, #tpu.memory_space<vmem>>, vector<16xf32>,
    %add3A_900 = arith.constant 336 : i32
    %add3A_901 = arith.addi %multiple_of3A, %add3A_900 : i32
    %add3A_902 = vector.broadcast %add3A_901 : i32 to vector<16xi32>
    %add3A_903 = arith.addi %add3A_902, %iota3A : vector<16xi32>
    %mul3A_904 = arith.constant 52429 : i32
    %mul3A_905 = vector.broadcast %mul3A_904 : i32 to vector<16xi32>
    %mul3A_906 = arith.muli %add3A_903, %mul3A_905 : vector<16xi32>
    %shift_right_arithmetic3A_907 = arith.constant 18 : i32
    %shift_right_arithmetic3A_908 = vector.broadcast %shift_right_arithmetic3A_907 : i32 to vector<16xi32>
    %shift_right_arithmetic3A_909 = arith.shrsi %mul3A_906, %shift_right_arithmetic3A_908 : vector<16xi32>
    %mul3A_910 = arith.constant 5 : i32
    %mul3A_911 = vector.broadcast %mul3A_910 : i32 to vector<16xi32>
    %mul3A_912 = arith.muli %shift_right_arithmetic3A_909, %mul3A_911 : vector<16xi32>
    %sub3A_913 = arith.subi %add3A_903, %mul3A_912 : vector<16xi32>
    %sub3A_914 = vector.broadcast %multiple_of3A_135 : i32 to vector<16xi32>
    %sub3A_915 = arith.subi %shift_right_arithmetic3A_909, %sub3A_914 : vector<16xi32>
    %lt3A_916 = arith.constant 4 : i32
    %lt3A_917 = vector.broadcast %lt3A_916 : i32 to vector<16xi32>
    %lt3A_918 = arith.cmpi slt, %sub3A_913, %lt3A_917 : vector<16xi32>
    %mul3A_919 = arith.constant 4 : i32
    %mul3A_920 = vector.broadcast %mul3A_919 : i32 to vector<16xi32>
    %mul3A_921 = arith.muli %sub3A_915, %mul3A_920 : vector<16xi32>
    %add3A_922 = arith.addi %mul3A_921, %sub3A_913 : vector<16xi32>
    %jit3A_923 = arith.constant 0 : i32
    %broadcast_in_dim3A_924 = vector.broadcast %jit3A_923 : i32 to vector<16xi32>
    %select_n3A_925 = arith.select %lt3A_918, %add3A_922, %broadcast_in_dim3A_924 : vector<16xi1>, vector<16xi32>
    %gather3A_926 = tpu.vector_load_idx %arg11[%select_n3A_925] : memref<672xf32, #tpu.memory_space<vmem>>[vector<16xi32>], vector<16xf32>,
    %gather3A_927 = tpu.vector_load_idx %arg12[%sub3A_915] : memref<168xf32, #tpu.memory_space<vmem>>[vector<16xi32>], vector<16xf32>,
    %gather3A_928 = tpu.vector_load_idx %arg10[%sub3A_915] : memref<168xf32, #tpu.memory_space<vmem>>[vector<16xi32>], vector<16xf32>,
    %lt3A_929 = arith.constant 4 : i32
    %lt3A_930 = vector.broadcast %lt3A_929 : i32 to vector<16xi32>
    %lt3A_931 = arith.cmpi slt, %sub3A_913, %lt3A_930 : vector<16xi32>
    %select_n3A_932 = arith.select %lt3A_931, %gather3A_926, %gather3A_927 : vector<16xi1>, vector<16xf32>
    %mul3A_933 = arith.mulf %select_n3A_932, %gather3A_928 : vector<16xf32>
    %swap3A_934 = arith.constant 336 : index
    %swap3A_935 = tpu.vector_load %arg13[%swap3A_934] {strides = array<i32>} : memref<784xf32, #tpu.memory_space<vmem>>, vector<16xf32>,
    tpu.vector_store %arg13[%swap3A_934], %mul3A_933 {strides = array<i32>} : memref<784xf32, #tpu.memory_space<vmem>>, vector<16xf32>,
    %add3A_936 = arith.constant 352 : i32
    %add3A_937 = arith.addi %multiple_of3A, %add3A_936 : i32
    %add3A_938 = vector.broadcast %add3A_937 : i32 to vector<16xi32>
    %add3A_939 = arith.addi %add3A_938, %iota3A : vector<16xi32>
    %mul3A_940 = arith.constant 52429 : i32
    %mul3A_941 = vector.broadcast %mul3A_940 : i32 to vector<16xi32>
    %mul3A_942 = arith.muli %add3A_939, %mul3A_941 : vector<16xi32>
    %shift_right_arithmetic3A_943 = arith.constant 18 : i32
    %shift_right_arithmetic3A_944 = vector.broadcast %shift_right_arithmetic3A_943 : i32 to vector<16xi32>
    %shift_right_arithmetic3A_945 = arith.shrsi %mul3A_942, %shift_right_arithmetic3A_944 : vector<16xi32>
    %mul3A_946 = arith.constant 5 : i32
    %mul3A_947 = vector.broadcast %mul3A_946 : i32 to vector<16xi32>
    %mul3A_948 = arith.muli %shift_right_arithmetic3A_945, %mul3A_947 : vector<16xi32>
    %sub3A_949 = arith.subi %add3A_939, %mul3A_948 : vector<16xi32>
    %sub3A_950 = vector.broadcast %multiple_of3A_135 : i32 to vector<16xi32>
    %sub3A_951 = arith.subi %shift_right_arithmetic3A_945, %sub3A_950 : vector<16xi32>
    %lt3A_952 = arith.constant 4 : i32
    %lt3A_953 = vector.broadcast %lt3A_952 : i32 to vector<16xi32>
    %lt3A_954 = arith.cmpi slt, %sub3A_949, %lt3A_953 : vector<16xi32>
    %mul3A_955 = arith.constant 4 : i32
    %mul3A_956 = vector.broadcast %mul3A_955 : i32 to vector<16xi32>
    %mul3A_957 = arith.muli %sub3A_951, %mul3A_956 : vector<16xi32>
    %add3A_958 = arith.addi %mul3A_957, %sub3A_949 : vector<16xi32>
    %jit3A_959 = arith.constant 0 : i32
    %broadcast_in_dim3A_960 = vector.broadcast %jit3A_959 : i32 to vector<16xi32>
    %select_n3A_961 = arith.select %lt3A_954, %add3A_958, %broadcast_in_dim3A_960 : vector<16xi1>, vector<16xi32>
    %gather3A_962 = tpu.vector_load_idx %arg11[%select_n3A_961] : memref<672xf32, #tpu.memory_space<vmem>>[vector<16xi32>], vector<16xf32>,
    %gather3A_963 = tpu.vector_load_idx %arg12[%sub3A_951] : memref<168xf32, #tpu.memory_space<vmem>>[vector<16xi32>], vector<16xf32>,
    %gather3A_964 = tpu.vector_load_idx %arg10[%sub3A_951] : memref<168xf32, #tpu.memory_space<vmem>>[vector<16xi32>], vector<16xf32>,
    %lt3A_965 = arith.constant 4 : i32
    %lt3A_966 = vector.broadcast %lt3A_965 : i32 to vector<16xi32>
    %lt3A_967 = arith.cmpi slt, %sub3A_949, %lt3A_966 : vector<16xi32>
    %select_n3A_968 = arith.select %lt3A_967, %gather3A_962, %gather3A_963 : vector<16xi1>, vector<16xf32>
    %mul3A_969 = arith.mulf %select_n3A_968, %gather3A_964 : vector<16xf32>
    %swap3A_970 = arith.constant 352 : index
    %swap3A_971 = tpu.vector_load %arg13[%swap3A_970] {strides = array<i32>} : memref<784xf32, #tpu.memory_space<vmem>>, vector<16xf32>,
    tpu.vector_store %arg13[%swap3A_970], %mul3A_969 {strides = array<i32>} : memref<784xf32, #tpu.memory_space<vmem>>, vector<16xf32>,
    %add3A_972 = arith.constant 368 : i32
    %add3A_973 = arith.addi %multiple_of3A, %add3A_972 : i32
    %add3A_974 = vector.broadcast %add3A_973 : i32 to vector<16xi32>
    %add3A_975 = arith.addi %add3A_974, %iota3A : vector<16xi32>
    %mul3A_976 = arith.constant 52429 : i32
    %mul3A_977 = vector.broadcast %mul3A_976 : i32 to vector<16xi32>
    %mul3A_978 = arith.muli %add3A_975, %mul3A_977 : vector<16xi32>
    %shift_right_arithmetic3A_979 = arith.constant 18 : i32
    %shift_right_arithmetic3A_980 = vector.broadcast %shift_right_arithmetic3A_979 : i32 to vector<16xi32>
    %shift_right_arithmetic3A_981 = arith.shrsi %mul3A_978, %shift_right_arithmetic3A_980 : vector<16xi32>
    %mul3A_982 = arith.constant 5 : i32
    %mul3A_983 = vector.broadcast %mul3A_982 : i32 to vector<16xi32>
    %mul3A_984 = arith.muli %shift_right_arithmetic3A_981, %mul3A_983 : vector<16xi32>
    %sub3A_985 = arith.subi %add3A_975, %mul3A_984 : vector<16xi32>
    %sub3A_986 = vector.broadcast %multiple_of3A_135 : i32 to vector<16xi32>
    %sub3A_987 = arith.subi %shift_right_arithmetic3A_981, %sub3A_986 : vector<16xi32>
    %lt3A_988 = arith.constant 4 : i32
    %lt3A_989 = vector.broadcast %lt3A_988 : i32 to vector<16xi32>
    %lt3A_990 = arith.cmpi slt, %sub3A_985, %lt3A_989 : vector<16xi32>
    %mul3A_991 = arith.constant 4 : i32
    %mul3A_992 = vector.broadcast %mul3A_991 : i32 to vector<16xi32>
    %mul3A_993 = arith.muli %sub3A_987, %mul3A_992 : vector<16xi32>
    %add3A_994 = arith.addi %mul3A_993, %sub3A_985 : vector<16xi32>
    %jit3A_995 = arith.constant 0 : i32
    %broadcast_in_dim3A_996 = vector.broadcast %jit3A_995 : i32 to vector<16xi32>
    %select_n3A_997 = arith.select %lt3A_990, %add3A_994, %broadcast_in_dim3A_996 : vector<16xi1>, vector<16xi32>
    %gather3A_998 = tpu.vector_load_idx %arg11[%select_n3A_997] : memref<672xf32, #tpu.memory_space<vmem>>[vector<16xi32>], vector<16xf32>,
    %gather3A_999 = tpu.vector_load_idx %arg12[%sub3A_987] : memref<168xf32, #tpu.memory_space<vmem>>[vector<16xi32>], vector<16xf32>,
    %gather3A_1000 = tpu.vector_load_idx %arg10[%sub3A_987] : memref<168xf32, #tpu.memory_space<vmem>>[vector<16xi32>], vector<16xf32>,
    %lt3A_1001 = arith.constant 4 : i32
    %lt3A_1002 = vector.broadcast %lt3A_1001 : i32 to vector<16xi32>
    %lt3A_1003 = arith.cmpi slt, %sub3A_985, %lt3A_1002 : vector<16xi32>
    %select_n3A_1004 = arith.select %lt3A_1003, %gather3A_998, %gather3A_999 : vector<16xi1>, vector<16xf32>
    %mul3A_1005 = arith.mulf %select_n3A_1004, %gather3A_1000 : vector<16xf32>
    %swap3A_1006 = arith.constant 368 : index
    %swap3A_1007 = tpu.vector_load %arg13[%swap3A_1006] {strides = array<i32>} : memref<784xf32, #tpu.memory_space<vmem>>, vector<16xf32>,
    tpu.vector_store %arg13[%swap3A_1006], %mul3A_1005 {strides = array<i32>} : memref<784xf32, #tpu.memory_space<vmem>>, vector<16xf32>,
    %add3A_1008 = arith.constant 384 : i32
    %add3A_1009 = arith.addi %multiple_of3A, %add3A_1008 : i32
    %add3A_1010 = vector.broadcast %add3A_1009 : i32 to vector<16xi32>
    %add3A_1011 = arith.addi %add3A_1010, %iota3A : vector<16xi32>
    %mul3A_1012 = arith.constant 52429 : i32
    %mul3A_1013 = vector.broadcast %mul3A_1012 : i32 to vector<16xi32>
    %mul3A_1014 = arith.muli %add3A_1011, %mul3A_1013 : vector<16xi32>
    %shift_right_arithmetic3A_1015 = arith.constant 18 : i32
    %shift_right_arithmetic3A_1016 = vector.broadcast %shift_right_arithmetic3A_1015 : i32 to vector<16xi32>
    %shift_right_arithmetic3A_1017 = arith.shrsi %mul3A_1014, %shift_right_arithmetic3A_1016 : vector<16xi32>
    %mul3A_1018 = arith.constant 5 : i32
    %mul3A_1019 = vector.broadcast %mul3A_1018 : i32 to vector<16xi32>
    %mul3A_1020 = arith.muli %shift_right_arithmetic3A_1017, %mul3A_1019 : vector<16xi32>
    %sub3A_1021 = arith.subi %add3A_1011, %mul3A_1020 : vector<16xi32>
    %sub3A_1022 = vector.broadcast %multiple_of3A_135 : i32 to vector<16xi32>
    %sub3A_1023 = arith.subi %shift_right_arithmetic3A_1017, %sub3A_1022 : vector<16xi32>
    %lt3A_1024 = arith.constant 4 : i32
    %lt3A_1025 = vector.broadcast %lt3A_1024 : i32 to vector<16xi32>
    %lt3A_1026 = arith.cmpi slt, %sub3A_1021, %lt3A_1025 : vector<16xi32>
    %mul3A_1027 = arith.constant 4 : i32
    %mul3A_1028 = vector.broadcast %mul3A_1027 : i32 to vector<16xi32>
    %mul3A_1029 = arith.muli %sub3A_1023, %mul3A_1028 : vector<16xi32>
    %add3A_1030 = arith.addi %mul3A_1029, %sub3A_1021 : vector<16xi32>
    %jit3A_1031 = arith.constant 0 : i32
    %broadcast_in_dim3A_1032 = vector.broadcast %jit3A_1031 : i32 to vector<16xi32>
    %select_n3A_1033 = arith.select %lt3A_1026, %add3A_1030, %broadcast_in_dim3A_1032 : vector<16xi1>, vector<16xi32>
    %gather3A_1034 = tpu.vector_load_idx %arg11[%select_n3A_1033] : memref<672xf32, #tpu.memory_space<vmem>>[vector<16xi32>], vector<16xf32>,
    %gather3A_1035 = tpu.vector_load_idx %arg12[%sub3A_1023] : memref<168xf32, #tpu.memory_space<vmem>>[vector<16xi32>], vector<16xf32>,
    %gather3A_1036 = tpu.vector_load_idx %arg10[%sub3A_1023] : memref<168xf32, #tpu.memory_space<vmem>>[vector<16xi32>], vector<16xf32>,
    %lt3A_1037 = arith.constant 4 : i32
    %lt3A_1038 = vector.broadcast %lt3A_1037 : i32 to vector<16xi32>
    %lt3A_1039 = arith.cmpi slt, %sub3A_1021, %lt3A_1038 : vector<16xi32>
    %select_n3A_1040 = arith.select %lt3A_1039, %gather3A_1034, %gather3A_1035 : vector<16xi1>, vector<16xf32>
    %mul3A_1041 = arith.mulf %select_n3A_1040, %gather3A_1036 : vector<16xf32>
    %swap3A_1042 = arith.constant 384 : index
    %swap3A_1043 = tpu.vector_load %arg13[%swap3A_1042] {strides = array<i32>} : memref<784xf32, #tpu.memory_space<vmem>>, vector<16xf32>,
    tpu.vector_store %arg13[%swap3A_1042], %mul3A_1041 {strides = array<i32>} : memref<784xf32, #tpu.memory_space<vmem>>, vector<16xf32>,
    %add3A_1044 = arith.constant 400 : i32
    %add3A_1045 = arith.addi %multiple_of3A, %add3A_1044 : i32
    %add3A_1046 = vector.broadcast %add3A_1045 : i32 to vector<16xi32>
    %add3A_1047 = arith.addi %add3A_1046, %iota3A : vector<16xi32>
    %mul3A_1048 = arith.constant 52429 : i32
    %mul3A_1049 = vector.broadcast %mul3A_1048 : i32 to vector<16xi32>
    %mul3A_1050 = arith.muli %add3A_1047, %mul3A_1049 : vector<16xi32>
    %shift_right_arithmetic3A_1051 = arith.constant 18 : i32
    %shift_right_arithmetic3A_1052 = vector.broadcast %shift_right_arithmetic3A_1051 : i32 to vector<16xi32>
    %shift_right_arithmetic3A_1053 = arith.shrsi %mul3A_1050, %shift_right_arithmetic3A_1052 : vector<16xi32>
    %mul3A_1054 = arith.constant 5 : i32
    %mul3A_1055 = vector.broadcast %mul3A_1054 : i32 to vector<16xi32>
    %mul3A_1056 = arith.muli %shift_right_arithmetic3A_1053, %mul3A_1055 : vector<16xi32>
    %sub3A_1057 = arith.subi %add3A_1047, %mul3A_1056 : vector<16xi32>
    %sub3A_1058 = vector.broadcast %multiple_of3A_135 : i32 to vector<16xi32>
    %sub3A_1059 = arith.subi %shift_right_arithmetic3A_1053, %sub3A_1058 : vector<16xi32>
    %lt3A_1060 = arith.constant 4 : i32
    %lt3A_1061 = vector.broadcast %lt3A_1060 : i32 to vector<16xi32>
    %lt3A_1062 = arith.cmpi slt, %sub3A_1057, %lt3A_1061 : vector<16xi32>
    %mul3A_1063 = arith.constant 4 : i32
    %mul3A_1064 = vector.broadcast %mul3A_1063 : i32 to vector<16xi32>
    %mul3A_1065 = arith.muli %sub3A_1059, %mul3A_1064 : vector<16xi32>
    %add3A_1066 = arith.addi %mul3A_1065, %sub3A_1057 : vector<16xi32>
    %jit3A_1067 = arith.constant 0 : i32
    %broadcast_in_dim3A_1068 = vector.broadcast %jit3A_1067 : i32 to vector<16xi32>
    %select_n3A_1069 = arith.select %lt3A_1062, %add3A_1066, %broadcast_in_dim3A_1068 : vector<16xi1>, vector<16xi32>
    %gather3A_1070 = tpu.vector_load_idx %arg11[%select_n3A_1069] : memref<672xf32, #tpu.memory_space<vmem>>[vector<16xi32>], vector<16xf32>,
    %gather3A_1071 = tpu.vector_load_idx %arg12[%sub3A_1059] : memref<168xf32, #tpu.memory_space<vmem>>[vector<16xi32>], vector<16xf32>,
    %gather3A_1072 = tpu.vector_load_idx %arg10[%sub3A_1059] : memref<168xf32, #tpu.memory_space<vmem>>[vector<16xi32>], vector<16xf32>,
    %lt3A_1073 = arith.constant 4 : i32
    %lt3A_1074 = vector.broadcast %lt3A_1073 : i32 to vector<16xi32>
    %lt3A_1075 = arith.cmpi slt, %sub3A_1057, %lt3A_1074 : vector<16xi32>
    %select_n3A_1076 = arith.select %lt3A_1075, %gather3A_1070, %gather3A_1071 : vector<16xi1>, vector<16xf32>
    %mul3A_1077 = arith.mulf %select_n3A_1076, %gather3A_1072 : vector<16xf32>
    %swap3A_1078 = arith.constant 400 : index
    %swap3A_1079 = tpu.vector_load %arg13[%swap3A_1078] {strides = array<i32>} : memref<784xf32, #tpu.memory_space<vmem>>, vector<16xf32>,
    tpu.vector_store %arg13[%swap3A_1078], %mul3A_1077 {strides = array<i32>} : memref<784xf32, #tpu.memory_space<vmem>>, vector<16xf32>,
    %add3A_1080 = arith.constant 416 : i32
    %add3A_1081 = arith.addi %multiple_of3A, %add3A_1080 : i32
    %add3A_1082 = vector.broadcast %add3A_1081 : i32 to vector<16xi32>
    %add3A_1083 = arith.addi %add3A_1082, %iota3A : vector<16xi32>
    %mul3A_1084 = arith.constant 52429 : i32
    %mul3A_1085 = vector.broadcast %mul3A_1084 : i32 to vector<16xi32>
    %mul3A_1086 = arith.muli %add3A_1083, %mul3A_1085 : vector<16xi32>
    %shift_right_arithmetic3A_1087 = arith.constant 18 : i32
    %shift_right_arithmetic3A_1088 = vector.broadcast %shift_right_arithmetic3A_1087 : i32 to vector<16xi32>
    %shift_right_arithmetic3A_1089 = arith.shrsi %mul3A_1086, %shift_right_arithmetic3A_1088 : vector<16xi32>
    %mul3A_1090 = arith.constant 5 : i32
    %mul3A_1091 = vector.broadcast %mul3A_1090 : i32 to vector<16xi32>
    %mul3A_1092 = arith.muli %shift_right_arithmetic3A_1089, %mul3A_1091 : vector<16xi32>
    %sub3A_1093 = arith.subi %add3A_1083, %mul3A_1092 : vector<16xi32>
    %sub3A_1094 = vector.broadcast %multiple_of3A_135 : i32 to vector<16xi32>
    %sub3A_1095 = arith.subi %shift_right_arithmetic3A_1089, %sub3A_1094 : vector<16xi32>
    %lt3A_1096 = arith.constant 4 : i32
    %lt3A_1097 = vector.broadcast %lt3A_1096 : i32 to vector<16xi32>
    %lt3A_1098 = arith.cmpi slt, %sub3A_1093, %lt3A_1097 : vector<16xi32>
    %mul3A_1099 = arith.constant 4 : i32
    %mul3A_1100 = vector.broadcast %mul3A_1099 : i32 to vector<16xi32>
    %mul3A_1101 = arith.muli %sub3A_1095, %mul3A_1100 : vector<16xi32>
    %add3A_1102 = arith.addi %mul3A_1101, %sub3A_1093 : vector<16xi32>
    %jit3A_1103 = arith.constant 0 : i32
    %broadcast_in_dim3A_1104 = vector.broadcast %jit3A_1103 : i32 to vector<16xi32>
    %select_n3A_1105 = arith.select %lt3A_1098, %add3A_1102, %broadcast_in_dim3A_1104 : vector<16xi1>, vector<16xi32>
    %gather3A_1106 = tpu.vector_load_idx %arg11[%select_n3A_1105] : memref<672xf32, #tpu.memory_space<vmem>>[vector<16xi32>], vector<16xf32>,
    %gather3A_1107 = tpu.vector_load_idx %arg12[%sub3A_1095] : memref<168xf32, #tpu.memory_space<vmem>>[vector<16xi32>], vector<16xf32>,
    %gather3A_1108 = tpu.vector_load_idx %arg10[%sub3A_1095] : memref<168xf32, #tpu.memory_space<vmem>>[vector<16xi32>], vector<16xf32>,
    %lt3A_1109 = arith.constant 4 : i32
    %lt3A_1110 = vector.broadcast %lt3A_1109 : i32 to vector<16xi32>
    %lt3A_1111 = arith.cmpi slt, %sub3A_1093, %lt3A_1110 : vector<16xi32>
    %select_n3A_1112 = arith.select %lt3A_1111, %gather3A_1106, %gather3A_1107 : vector<16xi1>, vector<16xf32>
    %mul3A_1113 = arith.mulf %select_n3A_1112, %gather3A_1108 : vector<16xf32>
    %swap3A_1114 = arith.constant 416 : index
    %swap3A_1115 = tpu.vector_load %arg13[%swap3A_1114] {strides = array<i32>} : memref<784xf32, #tpu.memory_space<vmem>>, vector<16xf32>,
    tpu.vector_store %arg13[%swap3A_1114], %mul3A_1113 {strides = array<i32>} : memref<784xf32, #tpu.memory_space<vmem>>, vector<16xf32>,
    %add3A_1116 = arith.constant 432 : i32
    %add3A_1117 = arith.addi %multiple_of3A, %add3A_1116 : i32
    %add3A_1118 = vector.broadcast %add3A_1117 : i32 to vector<16xi32>
    %add3A_1119 = arith.addi %add3A_1118, %iota3A : vector<16xi32>
    %mul3A_1120 = arith.constant 52429 : i32
    %mul3A_1121 = vector.broadcast %mul3A_1120 : i32 to vector<16xi32>
    %mul3A_1122 = arith.muli %add3A_1119, %mul3A_1121 : vector<16xi32>
    %shift_right_arithmetic3A_1123 = arith.constant 18 : i32
    %shift_right_arithmetic3A_1124 = vector.broadcast %shift_right_arithmetic3A_1123 : i32 to vector<16xi32>
    %shift_right_arithmetic3A_1125 = arith.shrsi %mul3A_1122, %shift_right_arithmetic3A_1124 : vector<16xi32>
    %mul3A_1126 = arith.constant 5 : i32
    %mul3A_1127 = vector.broadcast %mul3A_1126 : i32 to vector<16xi32>
    %mul3A_1128 = arith.muli %shift_right_arithmetic3A_1125, %mul3A_1127 : vector<16xi32>
    %sub3A_1129 = arith.subi %add3A_1119, %mul3A_1128 : vector<16xi32>
    %sub3A_1130 = vector.broadcast %multiple_of3A_135 : i32 to vector<16xi32>
    %sub3A_1131 = arith.subi %shift_right_arithmetic3A_1125, %sub3A_1130 : vector<16xi32>
    %lt3A_1132 = arith.constant 4 : i32
    %lt3A_1133 = vector.broadcast %lt3A_1132 : i32 to vector<16xi32>
    %lt3A_1134 = arith.cmpi slt, %sub3A_1129, %lt3A_1133 : vector<16xi32>
    %mul3A_1135 = arith.constant 4 : i32
    %mul3A_1136 = vector.broadcast %mul3A_1135 : i32 to vector<16xi32>
    %mul3A_1137 = arith.muli %sub3A_1131, %mul3A_1136 : vector<16xi32>
    %add3A_1138 = arith.addi %mul3A_1137, %sub3A_1129 : vector<16xi32>
    %jit3A_1139 = arith.constant 0 : i32
    %broadcast_in_dim3A_1140 = vector.broadcast %jit3A_1139 : i32 to vector<16xi32>
    %select_n3A_1141 = arith.select %lt3A_1134, %add3A_1138, %broadcast_in_dim3A_1140 : vector<16xi1>, vector<16xi32>
    %gather3A_1142 = tpu.vector_load_idx %arg11[%select_n3A_1141] : memref<672xf32, #tpu.memory_space<vmem>>[vector<16xi32>], vector<16xf32>,
    %gather3A_1143 = tpu.vector_load_idx %arg12[%sub3A_1131] : memref<168xf32, #tpu.memory_space<vmem>>[vector<16xi32>], vector<16xf32>,
    %gather3A_1144 = tpu.vector_load_idx %arg10[%sub3A_1131] : memref<168xf32, #tpu.memory_space<vmem>>[vector<16xi32>], vector<16xf32>,
    %lt3A_1145 = arith.constant 4 : i32
    %lt3A_1146 = vector.broadcast %lt3A_1145 : i32 to vector<16xi32>
    %lt3A_1147 = arith.cmpi slt, %sub3A_1129, %lt3A_1146 : vector<16xi32>
    %select_n3A_1148 = arith.select %lt3A_1147, %gather3A_1142, %gather3A_1143 : vector<16xi1>, vector<16xf32>
    %mul3A_1149 = arith.mulf %select_n3A_1148, %gather3A_1144 : vector<16xf32>
    %swap3A_1150 = arith.constant 432 : index
    %swap3A_1151 = tpu.vector_load %arg13[%swap3A_1150] {strides = array<i32>} : memref<784xf32, #tpu.memory_space<vmem>>, vector<16xf32>,
    tpu.vector_store %arg13[%swap3A_1150], %mul3A_1149 {strides = array<i32>} : memref<784xf32, #tpu.memory_space<vmem>>, vector<16xf32>,
    %add3A_1152 = arith.constant 448 : i32
    %add3A_1153 = arith.addi %multiple_of3A, %add3A_1152 : i32
    %add3A_1154 = vector.broadcast %add3A_1153 : i32 to vector<16xi32>
    %add3A_1155 = arith.addi %add3A_1154, %iota3A : vector<16xi32>
    %mul3A_1156 = arith.constant 52429 : i32
    %mul3A_1157 = vector.broadcast %mul3A_1156 : i32 to vector<16xi32>
    %mul3A_1158 = arith.muli %add3A_1155, %mul3A_1157 : vector<16xi32>
    %shift_right_arithmetic3A_1159 = arith.constant 18 : i32
    %shift_right_arithmetic3A_1160 = vector.broadcast %shift_right_arithmetic3A_1159 : i32 to vector<16xi32>
    %shift_right_arithmetic3A_1161 = arith.shrsi %mul3A_1158, %shift_right_arithmetic3A_1160 : vector<16xi32>
    %mul3A_1162 = arith.constant 5 : i32
    %mul3A_1163 = vector.broadcast %mul3A_1162 : i32 to vector<16xi32>
    %mul3A_1164 = arith.muli %shift_right_arithmetic3A_1161, %mul3A_1163 : vector<16xi32>
    %sub3A_1165 = arith.subi %add3A_1155, %mul3A_1164 : vector<16xi32>
    %sub3A_1166 = vector.broadcast %multiple_of3A_135 : i32 to vector<16xi32>
    %sub3A_1167 = arith.subi %shift_right_arithmetic3A_1161, %sub3A_1166 : vector<16xi32>
    %lt3A_1168 = arith.constant 4 : i32
    %lt3A_1169 = vector.broadcast %lt3A_1168 : i32 to vector<16xi32>
    %lt3A_1170 = arith.cmpi slt, %sub3A_1165, %lt3A_1169 : vector<16xi32>
    %mul3A_1171 = arith.constant 4 : i32
    %mul3A_1172 = vector.broadcast %mul3A_1171 : i32 to vector<16xi32>
    %mul3A_1173 = arith.muli %sub3A_1167, %mul3A_1172 : vector<16xi32>
    %add3A_1174 = arith.addi %mul3A_1173, %sub3A_1165 : vector<16xi32>
    %jit3A_1175 = arith.constant 0 : i32
    %broadcast_in_dim3A_1176 = vector.broadcast %jit3A_1175 : i32 to vector<16xi32>
    %select_n3A_1177 = arith.select %lt3A_1170, %add3A_1174, %broadcast_in_dim3A_1176 : vector<16xi1>, vector<16xi32>
    %gather3A_1178 = tpu.vector_load_idx %arg11[%select_n3A_1177] : memref<672xf32, #tpu.memory_space<vmem>>[vector<16xi32>], vector<16xf32>,
    %gather3A_1179 = tpu.vector_load_idx %arg12[%sub3A_1167] : memref<168xf32, #tpu.memory_space<vmem>>[vector<16xi32>], vector<16xf32>,
    %gather3A_1180 = tpu.vector_load_idx %arg10[%sub3A_1167] : memref<168xf32, #tpu.memory_space<vmem>>[vector<16xi32>], vector<16xf32>,
    %lt3A_1181 = arith.constant 4 : i32
    %lt3A_1182 = vector.broadcast %lt3A_1181 : i32 to vector<16xi32>
    %lt3A_1183 = arith.cmpi slt, %sub3A_1165, %lt3A_1182 : vector<16xi32>
    %select_n3A_1184 = arith.select %lt3A_1183, %gather3A_1178, %gather3A_1179 : vector<16xi1>, vector<16xf32>
    %mul3A_1185 = arith.mulf %select_n3A_1184, %gather3A_1180 : vector<16xf32>
    %swap3A_1186 = arith.constant 448 : index
    %swap3A_1187 = tpu.vector_load %arg13[%swap3A_1186] {strides = array<i32>} : memref<784xf32, #tpu.memory_space<vmem>>, vector<16xf32>,
    tpu.vector_store %arg13[%swap3A_1186], %mul3A_1185 {strides = array<i32>} : memref<784xf32, #tpu.memory_space<vmem>>, vector<16xf32>,
    %add3A_1188 = arith.constant 464 : i32
    %add3A_1189 = arith.addi %multiple_of3A, %add3A_1188 : i32
    %add3A_1190 = vector.broadcast %add3A_1189 : i32 to vector<16xi32>
    %add3A_1191 = arith.addi %add3A_1190, %iota3A : vector<16xi32>
    %mul3A_1192 = arith.constant 52429 : i32
    %mul3A_1193 = vector.broadcast %mul3A_1192 : i32 to vector<16xi32>
    %mul3A_1194 = arith.muli %add3A_1191, %mul3A_1193 : vector<16xi32>
    %shift_right_arithmetic3A_1195 = arith.constant 18 : i32
    %shift_right_arithmetic3A_1196 = vector.broadcast %shift_right_arithmetic3A_1195 : i32 to vector<16xi32>
    %shift_right_arithmetic3A_1197 = arith.shrsi %mul3A_1194, %shift_right_arithmetic3A_1196 : vector<16xi32>
    %mul3A_1198 = arith.constant 5 : i32
    %mul3A_1199 = vector.broadcast %mul3A_1198 : i32 to vector<16xi32>
    %mul3A_1200 = arith.muli %shift_right_arithmetic3A_1197, %mul3A_1199 : vector<16xi32>
    %sub3A_1201 = arith.subi %add3A_1191, %mul3A_1200 : vector<16xi32>
    %sub3A_1202 = vector.broadcast %multiple_of3A_135 : i32 to vector<16xi32>
    %sub3A_1203 = arith.subi %shift_right_arithmetic3A_1197, %sub3A_1202 : vector<16xi32>
    %lt3A_1204 = arith.constant 4 : i32
    %lt3A_1205 = vector.broadcast %lt3A_1204 : i32 to vector<16xi32>
    %lt3A_1206 = arith.cmpi slt, %sub3A_1201, %lt3A_1205 : vector<16xi32>
    %mul3A_1207 = arith.constant 4 : i32
    %mul3A_1208 = vector.broadcast %mul3A_1207 : i32 to vector<16xi32>
    %mul3A_1209 = arith.muli %sub3A_1203, %mul3A_1208 : vector<16xi32>
    %add3A_1210 = arith.addi %mul3A_1209, %sub3A_1201 : vector<16xi32>
    %jit3A_1211 = arith.constant 0 : i32
    %broadcast_in_dim3A_1212 = vector.broadcast %jit3A_1211 : i32 to vector<16xi32>
    %select_n3A_1213 = arith.select %lt3A_1206, %add3A_1210, %broadcast_in_dim3A_1212 : vector<16xi1>, vector<16xi32>
    %gather3A_1214 = tpu.vector_load_idx %arg11[%select_n3A_1213] : memref<672xf32, #tpu.memory_space<vmem>>[vector<16xi32>], vector<16xf32>,
    %gather3A_1215 = tpu.vector_load_idx %arg12[%sub3A_1203] : memref<168xf32, #tpu.memory_space<vmem>>[vector<16xi32>], vector<16xf32>,
    %gather3A_1216 = tpu.vector_load_idx %arg10[%sub3A_1203] : memref<168xf32, #tpu.memory_space<vmem>>[vector<16xi32>], vector<16xf32>,
    %lt3A_1217 = arith.constant 4 : i32
    %lt3A_1218 = vector.broadcast %lt3A_1217 : i32 to vector<16xi32>
    %lt3A_1219 = arith.cmpi slt, %sub3A_1201, %lt3A_1218 : vector<16xi32>
    %select_n3A_1220 = arith.select %lt3A_1219, %gather3A_1214, %gather3A_1215 : vector<16xi1>, vector<16xf32>
    %mul3A_1221 = arith.mulf %select_n3A_1220, %gather3A_1216 : vector<16xf32>
    %swap3A_1222 = arith.constant 464 : index
    %swap3A_1223 = tpu.vector_load %arg13[%swap3A_1222] {strides = array<i32>} : memref<784xf32, #tpu.memory_space<vmem>>, vector<16xf32>,
    tpu.vector_store %arg13[%swap3A_1222], %mul3A_1221 {strides = array<i32>} : memref<784xf32, #tpu.memory_space<vmem>>, vector<16xf32>,
    %add3A_1224 = arith.constant 480 : i32
    %add3A_1225 = arith.addi %multiple_of3A, %add3A_1224 : i32
    %add3A_1226 = vector.broadcast %add3A_1225 : i32 to vector<16xi32>
    %add3A_1227 = arith.addi %add3A_1226, %iota3A : vector<16xi32>
    %mul3A_1228 = arith.constant 52429 : i32
    %mul3A_1229 = vector.broadcast %mul3A_1228 : i32 to vector<16xi32>
    %mul3A_1230 = arith.muli %add3A_1227, %mul3A_1229 : vector<16xi32>
    %shift_right_arithmetic3A_1231 = arith.constant 18 : i32
    %shift_right_arithmetic3A_1232 = vector.broadcast %shift_right_arithmetic3A_1231 : i32 to vector<16xi32>
    %shift_right_arithmetic3A_1233 = arith.shrsi %mul3A_1230, %shift_right_arithmetic3A_1232 : vector<16xi32>
    %mul3A_1234 = arith.constant 5 : i32
    %mul3A_1235 = vector.broadcast %mul3A_1234 : i32 to vector<16xi32>
    %mul3A_1236 = arith.muli %shift_right_arithmetic3A_1233, %mul3A_1235 : vector<16xi32>
    %sub3A_1237 = arith.subi %add3A_1227, %mul3A_1236 : vector<16xi32>
    %sub3A_1238 = vector.broadcast %multiple_of3A_135 : i32 to vector<16xi32>
    %sub3A_1239 = arith.subi %shift_right_arithmetic3A_1233, %sub3A_1238 : vector<16xi32>
    %lt3A_1240 = arith.constant 4 : i32
    %lt3A_1241 = vector.broadcast %lt3A_1240 : i32 to vector<16xi32>
    %lt3A_1242 = arith.cmpi slt, %sub3A_1237, %lt3A_1241 : vector<16xi32>
    %mul3A_1243 = arith.constant 4 : i32
    %mul3A_1244 = vector.broadcast %mul3A_1243 : i32 to vector<16xi32>
    %mul3A_1245 = arith.muli %sub3A_1239, %mul3A_1244 : vector<16xi32>
    %add3A_1246 = arith.addi %mul3A_1245, %sub3A_1237 : vector<16xi32>
    %jit3A_1247 = arith.constant 0 : i32
    %broadcast_in_dim3A_1248 = vector.broadcast %jit3A_1247 : i32 to vector<16xi32>
    %select_n3A_1249 = arith.select %lt3A_1242, %add3A_1246, %broadcast_in_dim3A_1248 : vector<16xi1>, vector<16xi32>
    %gather3A_1250 = tpu.vector_load_idx %arg11[%select_n3A_1249] : memref<672xf32, #tpu.memory_space<vmem>>[vector<16xi32>], vector<16xf32>,
    %gather3A_1251 = tpu.vector_load_idx %arg12[%sub3A_1239] : memref<168xf32, #tpu.memory_space<vmem>>[vector<16xi32>], vector<16xf32>,
    %gather3A_1252 = tpu.vector_load_idx %arg10[%sub3A_1239] : memref<168xf32, #tpu.memory_space<vmem>>[vector<16xi32>], vector<16xf32>,
    %lt3A_1253 = arith.constant 4 : i32
    %lt3A_1254 = vector.broadcast %lt3A_1253 : i32 to vector<16xi32>
    %lt3A_1255 = arith.cmpi slt, %sub3A_1237, %lt3A_1254 : vector<16xi32>
    %select_n3A_1256 = arith.select %lt3A_1255, %gather3A_1250, %gather3A_1251 : vector<16xi1>, vector<16xf32>
    %mul3A_1257 = arith.mulf %select_n3A_1256, %gather3A_1252 : vector<16xf32>
    %swap3A_1258 = arith.constant 480 : index
    %swap3A_1259 = tpu.vector_load %arg13[%swap3A_1258] {strides = array<i32>} : memref<784xf32, #tpu.memory_space<vmem>>, vector<16xf32>,
    tpu.vector_store %arg13[%swap3A_1258], %mul3A_1257 {strides = array<i32>} : memref<784xf32, #tpu.memory_space<vmem>>, vector<16xf32>,
    %add3A_1260 = arith.constant 496 : i32
    %add3A_1261 = arith.addi %multiple_of3A, %add3A_1260 : i32
    %add3A_1262 = vector.broadcast %add3A_1261 : i32 to vector<16xi32>
    %add3A_1263 = arith.addi %add3A_1262, %iota3A : vector<16xi32>
    %mul3A_1264 = arith.constant 52429 : i32
    %mul3A_1265 = vector.broadcast %mul3A_1264 : i32 to vector<16xi32>
    %mul3A_1266 = arith.muli %add3A_1263, %mul3A_1265 : vector<16xi32>
    %shift_right_arithmetic3A_1267 = arith.constant 18 : i32
    %shift_right_arithmetic3A_1268 = vector.broadcast %shift_right_arithmetic3A_1267 : i32 to vector<16xi32>
    %shift_right_arithmetic3A_1269 = arith.shrsi %mul3A_1266, %shift_right_arithmetic3A_1268 : vector<16xi32>
    %mul3A_1270 = arith.constant 5 : i32
    %mul3A_1271 = vector.broadcast %mul3A_1270 : i32 to vector<16xi32>
    %mul3A_1272 = arith.muli %shift_right_arithmetic3A_1269, %mul3A_1271 : vector<16xi32>
    %sub3A_1273 = arith.subi %add3A_1263, %mul3A_1272 : vector<16xi32>
    %sub3A_1274 = vector.broadcast %multiple_of3A_135 : i32 to vector<16xi32>
    %sub3A_1275 = arith.subi %shift_right_arithmetic3A_1269, %sub3A_1274 : vector<16xi32>
    %lt3A_1276 = arith.constant 4 : i32
    %lt3A_1277 = vector.broadcast %lt3A_1276 : i32 to vector<16xi32>
    %lt3A_1278 = arith.cmpi slt, %sub3A_1273, %lt3A_1277 : vector<16xi32>
    %mul3A_1279 = arith.constant 4 : i32
    %mul3A_1280 = vector.broadcast %mul3A_1279 : i32 to vector<16xi32>
    %mul3A_1281 = arith.muli %sub3A_1275, %mul3A_1280 : vector<16xi32>
    %add3A_1282 = arith.addi %mul3A_1281, %sub3A_1273 : vector<16xi32>
    %jit3A_1283 = arith.constant 0 : i32
    %broadcast_in_dim3A_1284 = vector.broadcast %jit3A_1283 : i32 to vector<16xi32>
    %select_n3A_1285 = arith.select %lt3A_1278, %add3A_1282, %broadcast_in_dim3A_1284 : vector<16xi1>, vector<16xi32>
    %gather3A_1286 = tpu.vector_load_idx %arg11[%select_n3A_1285] : memref<672xf32, #tpu.memory_space<vmem>>[vector<16xi32>], vector<16xf32>,
    %gather3A_1287 = tpu.vector_load_idx %arg12[%sub3A_1275] : memref<168xf32, #tpu.memory_space<vmem>>[vector<16xi32>], vector<16xf32>,
    %gather3A_1288 = tpu.vector_load_idx %arg10[%sub3A_1275] : memref<168xf32, #tpu.memory_space<vmem>>[vector<16xi32>], vector<16xf32>,
    %lt3A_1289 = arith.constant 4 : i32
    %lt3A_1290 = vector.broadcast %lt3A_1289 : i32 to vector<16xi32>
    %lt3A_1291 = arith.cmpi slt, %sub3A_1273, %lt3A_1290 : vector<16xi32>
    %select_n3A_1292 = arith.select %lt3A_1291, %gather3A_1286, %gather3A_1287 : vector<16xi1>, vector<16xf32>
    %mul3A_1293 = arith.mulf %select_n3A_1292, %gather3A_1288 : vector<16xf32>
    %swap3A_1294 = arith.constant 496 : index
    %swap3A_1295 = tpu.vector_load %arg13[%swap3A_1294] {strides = array<i32>} : memref<784xf32, #tpu.memory_space<vmem>>, vector<16xf32>,
    tpu.vector_store %arg13[%swap3A_1294], %mul3A_1293 {strides = array<i32>} : memref<784xf32, #tpu.memory_space<vmem>>, vector<16xf32>,
    %add3A_1296 = arith.constant 512 : i32
    %add3A_1297 = arith.addi %multiple_of3A, %add3A_1296 : i32
    %add3A_1298 = vector.broadcast %add3A_1297 : i32 to vector<16xi32>
    %add3A_1299 = arith.addi %add3A_1298, %iota3A : vector<16xi32>
    %mul3A_1300 = arith.constant 52429 : i32
    %mul3A_1301 = vector.broadcast %mul3A_1300 : i32 to vector<16xi32>
    %mul3A_1302 = arith.muli %add3A_1299, %mul3A_1301 : vector<16xi32>
    %shift_right_arithmetic3A_1303 = arith.constant 18 : i32
    %shift_right_arithmetic3A_1304 = vector.broadcast %shift_right_arithmetic3A_1303 : i32 to vector<16xi32>
    %shift_right_arithmetic3A_1305 = arith.shrsi %mul3A_1302, %shift_right_arithmetic3A_1304 : vector<16xi32>
    %mul3A_1306 = arith.constant 5 : i32
    %mul3A_1307 = vector.broadcast %mul3A_1306 : i32 to vector<16xi32>
    %mul3A_1308 = arith.muli %shift_right_arithmetic3A_1305, %mul3A_1307 : vector<16xi32>
    %sub3A_1309 = arith.subi %add3A_1299, %mul3A_1308 : vector<16xi32>
    %sub3A_1310 = vector.broadcast %multiple_of3A_135 : i32 to vector<16xi32>
    %sub3A_1311 = arith.subi %shift_right_arithmetic3A_1305, %sub3A_1310 : vector<16xi32>
    %lt3A_1312 = arith.constant 4 : i32
    %lt3A_1313 = vector.broadcast %lt3A_1312 : i32 to vector<16xi32>
    %lt3A_1314 = arith.cmpi slt, %sub3A_1309, %lt3A_1313 : vector<16xi32>
    %mul3A_1315 = arith.constant 4 : i32
    %mul3A_1316 = vector.broadcast %mul3A_1315 : i32 to vector<16xi32>
    %mul3A_1317 = arith.muli %sub3A_1311, %mul3A_1316 : vector<16xi32>
    %add3A_1318 = arith.addi %mul3A_1317, %sub3A_1309 : vector<16xi32>
    %jit3A_1319 = arith.constant 0 : i32
    %broadcast_in_dim3A_1320 = vector.broadcast %jit3A_1319 : i32 to vector<16xi32>
    %select_n3A_1321 = arith.select %lt3A_1314, %add3A_1318, %broadcast_in_dim3A_1320 : vector<16xi1>, vector<16xi32>
    %gather3A_1322 = tpu.vector_load_idx %arg11[%select_n3A_1321] : memref<672xf32, #tpu.memory_space<vmem>>[vector<16xi32>], vector<16xf32>,
    %gather3A_1323 = tpu.vector_load_idx %arg12[%sub3A_1311] : memref<168xf32, #tpu.memory_space<vmem>>[vector<16xi32>], vector<16xf32>,
    %gather3A_1324 = tpu.vector_load_idx %arg10[%sub3A_1311] : memref<168xf32, #tpu.memory_space<vmem>>[vector<16xi32>], vector<16xf32>,
    %lt3A_1325 = arith.constant 4 : i32
    %lt3A_1326 = vector.broadcast %lt3A_1325 : i32 to vector<16xi32>
    %lt3A_1327 = arith.cmpi slt, %sub3A_1309, %lt3A_1326 : vector<16xi32>
    %select_n3A_1328 = arith.select %lt3A_1327, %gather3A_1322, %gather3A_1323 : vector<16xi1>, vector<16xf32>
    %mul3A_1329 = arith.mulf %select_n3A_1328, %gather3A_1324 : vector<16xf32>
    %swap3A_1330 = arith.constant 512 : index
    %swap3A_1331 = tpu.vector_load %arg13[%swap3A_1330] {strides = array<i32>} : memref<784xf32, #tpu.memory_space<vmem>>, vector<16xf32>,
    tpu.vector_store %arg13[%swap3A_1330], %mul3A_1329 {strides = array<i32>} : memref<784xf32, #tpu.memory_space<vmem>>, vector<16xf32>,
    %add3A_1332 = arith.constant 528 : i32
    %add3A_1333 = arith.addi %multiple_of3A, %add3A_1332 : i32
    %add3A_1334 = vector.broadcast %add3A_1333 : i32 to vector<16xi32>
    %add3A_1335 = arith.addi %add3A_1334, %iota3A : vector<16xi32>
    %mul3A_1336 = arith.constant 52429 : i32
    %mul3A_1337 = vector.broadcast %mul3A_1336 : i32 to vector<16xi32>
    %mul3A_1338 = arith.muli %add3A_1335, %mul3A_1337 : vector<16xi32>
    %shift_right_arithmetic3A_1339 = arith.constant 18 : i32
    %shift_right_arithmetic3A_1340 = vector.broadcast %shift_right_arithmetic3A_1339 : i32 to vector<16xi32>
    %shift_right_arithmetic3A_1341 = arith.shrsi %mul3A_1338, %shift_right_arithmetic3A_1340 : vector<16xi32>
    %mul3A_1342 = arith.constant 5 : i32
    %mul3A_1343 = vector.broadcast %mul3A_1342 : i32 to vector<16xi32>
    %mul3A_1344 = arith.muli %shift_right_arithmetic3A_1341, %mul3A_1343 : vector<16xi32>
    %sub3A_1345 = arith.subi %add3A_1335, %mul3A_1344 : vector<16xi32>
    %sub3A_1346 = vector.broadcast %multiple_of3A_135 : i32 to vector<16xi32>
    %sub3A_1347 = arith.subi %shift_right_arithmetic3A_1341, %sub3A_1346 : vector<16xi32>
    %lt3A_1348 = arith.constant 4 : i32
    %lt3A_1349 = vector.broadcast %lt3A_1348 : i32 to vector<16xi32>
    %lt3A_1350 = arith.cmpi slt, %sub3A_1345, %lt3A_1349 : vector<16xi32>
    %mul3A_1351 = arith.constant 4 : i32
    %mul3A_1352 = vector.broadcast %mul3A_1351 : i32 to vector<16xi32>
    %mul3A_1353 = arith.muli %sub3A_1347, %mul3A_1352 : vector<16xi32>
    %add3A_1354 = arith.addi %mul3A_1353, %sub3A_1345 : vector<16xi32>
    %jit3A_1355 = arith.constant 0 : i32
    %broadcast_in_dim3A_1356 = vector.broadcast %jit3A_1355 : i32 to vector<16xi32>
    %select_n3A_1357 = arith.select %lt3A_1350, %add3A_1354, %broadcast_in_dim3A_1356 : vector<16xi1>, vector<16xi32>
    %gather3A_1358 = tpu.vector_load_idx %arg11[%select_n3A_1357] : memref<672xf32, #tpu.memory_space<vmem>>[vector<16xi32>], vector<16xf32>,
    %gather3A_1359 = tpu.vector_load_idx %arg12[%sub3A_1347] : memref<168xf32, #tpu.memory_space<vmem>>[vector<16xi32>], vector<16xf32>,
    %gather3A_1360 = tpu.vector_load_idx %arg10[%sub3A_1347] : memref<168xf32, #tpu.memory_space<vmem>>[vector<16xi32>], vector<16xf32>,
    %lt3A_1361 = arith.constant 4 : i32
    %lt3A_1362 = vector.broadcast %lt3A_1361 : i32 to vector<16xi32>
    %lt3A_1363 = arith.cmpi slt, %sub3A_1345, %lt3A_1362 : vector<16xi32>
    %select_n3A_1364 = arith.select %lt3A_1363, %gather3A_1358, %gather3A_1359 : vector<16xi1>, vector<16xf32>
    %mul3A_1365 = arith.mulf %select_n3A_1364, %gather3A_1360 : vector<16xf32>
    %swap3A_1366 = arith.constant 528 : index
    %swap3A_1367 = tpu.vector_load %arg13[%swap3A_1366] {strides = array<i32>} : memref<784xf32, #tpu.memory_space<vmem>>, vector<16xf32>,
    tpu.vector_store %arg13[%swap3A_1366], %mul3A_1365 {strides = array<i32>} : memref<784xf32, #tpu.memory_space<vmem>>, vector<16xf32>,
    %add3A_1368 = arith.constant 544 : i32
    %add3A_1369 = arith.addi %multiple_of3A, %add3A_1368 : i32
    %add3A_1370 = vector.broadcast %add3A_1369 : i32 to vector<16xi32>
    %add3A_1371 = arith.addi %add3A_1370, %iota3A : vector<16xi32>
    %mul3A_1372 = arith.constant 52429 : i32
    %mul3A_1373 = vector.broadcast %mul3A_1372 : i32 to vector<16xi32>
    %mul3A_1374 = arith.muli %add3A_1371, %mul3A_1373 : vector<16xi32>
    %shift_right_arithmetic3A_1375 = arith.constant 18 : i32
    %shift_right_arithmetic3A_1376 = vector.broadcast %shift_right_arithmetic3A_1375 : i32 to vector<16xi32>
    %shift_right_arithmetic3A_1377 = arith.shrsi %mul3A_1374, %shift_right_arithmetic3A_1376 : vector<16xi32>
    %mul3A_1378 = arith.constant 5 : i32
    %mul3A_1379 = vector.broadcast %mul3A_1378 : i32 to vector<16xi32>
    %mul3A_1380 = arith.muli %shift_right_arithmetic3A_1377, %mul3A_1379 : vector<16xi32>
    %sub3A_1381 = arith.subi %add3A_1371, %mul3A_1380 : vector<16xi32>
    %sub3A_1382 = vector.broadcast %multiple_of3A_135 : i32 to vector<16xi32>
    %sub3A_1383 = arith.subi %shift_right_arithmetic3A_1377, %sub3A_1382 : vector<16xi32>
    %lt3A_1384 = arith.constant 4 : i32
    %lt3A_1385 = vector.broadcast %lt3A_1384 : i32 to vector<16xi32>
    %lt3A_1386 = arith.cmpi slt, %sub3A_1381, %lt3A_1385 : vector<16xi32>
    %mul3A_1387 = arith.constant 4 : i32
    %mul3A_1388 = vector.broadcast %mul3A_1387 : i32 to vector<16xi32>
    %mul3A_1389 = arith.muli %sub3A_1383, %mul3A_1388 : vector<16xi32>
    %add3A_1390 = arith.addi %mul3A_1389, %sub3A_1381 : vector<16xi32>
    %jit3A_1391 = arith.constant 0 : i32
    %broadcast_in_dim3A_1392 = vector.broadcast %jit3A_1391 : i32 to vector<16xi32>
    %select_n3A_1393 = arith.select %lt3A_1386, %add3A_1390, %broadcast_in_dim3A_1392 : vector<16xi1>, vector<16xi32>
    %gather3A_1394 = tpu.vector_load_idx %arg11[%select_n3A_1393] : memref<672xf32, #tpu.memory_space<vmem>>[vector<16xi32>], vector<16xf32>,
    %gather3A_1395 = tpu.vector_load_idx %arg12[%sub3A_1383] : memref<168xf32, #tpu.memory_space<vmem>>[vector<16xi32>], vector<16xf32>,
    %gather3A_1396 = tpu.vector_load_idx %arg10[%sub3A_1383] : memref<168xf32, #tpu.memory_space<vmem>>[vector<16xi32>], vector<16xf32>,
    %lt3A_1397 = arith.constant 4 : i32
    %lt3A_1398 = vector.broadcast %lt3A_1397 : i32 to vector<16xi32>
    %lt3A_1399 = arith.cmpi slt, %sub3A_1381, %lt3A_1398 : vector<16xi32>
    %select_n3A_1400 = arith.select %lt3A_1399, %gather3A_1394, %gather3A_1395 : vector<16xi1>, vector<16xf32>
    %mul3A_1401 = arith.mulf %select_n3A_1400, %gather3A_1396 : vector<16xf32>
    %swap3A_1402 = arith.constant 544 : index
    %swap3A_1403 = tpu.vector_load %arg13[%swap3A_1402] {strides = array<i32>} : memref<784xf32, #tpu.memory_space<vmem>>, vector<16xf32>,
    tpu.vector_store %arg13[%swap3A_1402], %mul3A_1401 {strides = array<i32>} : memref<784xf32, #tpu.memory_space<vmem>>, vector<16xf32>,
    %add3A_1404 = arith.constant 560 : i32
    %add3A_1405 = arith.addi %multiple_of3A, %add3A_1404 : i32
    %add3A_1406 = vector.broadcast %add3A_1405 : i32 to vector<16xi32>
    %add3A_1407 = arith.addi %add3A_1406, %iota3A : vector<16xi32>
    %mul3A_1408 = arith.constant 52429 : i32
    %mul3A_1409 = vector.broadcast %mul3A_1408 : i32 to vector<16xi32>
    %mul3A_1410 = arith.muli %add3A_1407, %mul3A_1409 : vector<16xi32>
    %shift_right_arithmetic3A_1411 = arith.constant 18 : i32
    %shift_right_arithmetic3A_1412 = vector.broadcast %shift_right_arithmetic3A_1411 : i32 to vector<16xi32>
    %shift_right_arithmetic3A_1413 = arith.shrsi %mul3A_1410, %shift_right_arithmetic3A_1412 : vector<16xi32>
    %mul3A_1414 = arith.constant 5 : i32
    %mul3A_1415 = vector.broadcast %mul3A_1414 : i32 to vector<16xi32>
    %mul3A_1416 = arith.muli %shift_right_arithmetic3A_1413, %mul3A_1415 : vector<16xi32>
    %sub3A_1417 = arith.subi %add3A_1407, %mul3A_1416 : vector<16xi32>
    %sub3A_1418 = vector.broadcast %multiple_of3A_135 : i32 to vector<16xi32>
    %sub3A_1419 = arith.subi %shift_right_arithmetic3A_1413, %sub3A_1418 : vector<16xi32>
    %lt3A_1420 = arith.constant 4 : i32
    %lt3A_1421 = vector.broadcast %lt3A_1420 : i32 to vector<16xi32>
    %lt3A_1422 = arith.cmpi slt, %sub3A_1417, %lt3A_1421 : vector<16xi32>
    %mul3A_1423 = arith.constant 4 : i32
    %mul3A_1424 = vector.broadcast %mul3A_1423 : i32 to vector<16xi32>
    %mul3A_1425 = arith.muli %sub3A_1419, %mul3A_1424 : vector<16xi32>
    %add3A_1426 = arith.addi %mul3A_1425, %sub3A_1417 : vector<16xi32>
    %jit3A_1427 = arith.constant 0 : i32
    %broadcast_in_dim3A_1428 = vector.broadcast %jit3A_1427 : i32 to vector<16xi32>
    %select_n3A_1429 = arith.select %lt3A_1422, %add3A_1426, %broadcast_in_dim3A_1428 : vector<16xi1>, vector<16xi32>
    %gather3A_1430 = tpu.vector_load_idx %arg11[%select_n3A_1429] : memref<672xf32, #tpu.memory_space<vmem>>[vector<16xi32>], vector<16xf32>,
    %gather3A_1431 = tpu.vector_load_idx %arg12[%sub3A_1419] : memref<168xf32, #tpu.memory_space<vmem>>[vector<16xi32>], vector<16xf32>,
    %gather3A_1432 = tpu.vector_load_idx %arg10[%sub3A_1419] : memref<168xf32, #tpu.memory_space<vmem>>[vector<16xi32>], vector<16xf32>,
    %lt3A_1433 = arith.constant 4 : i32
    %lt3A_1434 = vector.broadcast %lt3A_1433 : i32 to vector<16xi32>
    %lt3A_1435 = arith.cmpi slt, %sub3A_1417, %lt3A_1434 : vector<16xi32>
    %select_n3A_1436 = arith.select %lt3A_1435, %gather3A_1430, %gather3A_1431 : vector<16xi1>, vector<16xf32>
    %mul3A_1437 = arith.mulf %select_n3A_1436, %gather3A_1432 : vector<16xf32>
    %swap3A_1438 = arith.constant 560 : index
    %swap3A_1439 = tpu.vector_load %arg13[%swap3A_1438] {strides = array<i32>} : memref<784xf32, #tpu.memory_space<vmem>>, vector<16xf32>,
    tpu.vector_store %arg13[%swap3A_1438], %mul3A_1437 {strides = array<i32>} : memref<784xf32, #tpu.memory_space<vmem>>, vector<16xf32>,
    %add3A_1440 = arith.constant 576 : i32
    %add3A_1441 = arith.addi %multiple_of3A, %add3A_1440 : i32
    %add3A_1442 = vector.broadcast %add3A_1441 : i32 to vector<16xi32>
    %add3A_1443 = arith.addi %add3A_1442, %iota3A : vector<16xi32>
    %mul3A_1444 = arith.constant 52429 : i32
    %mul3A_1445 = vector.broadcast %mul3A_1444 : i32 to vector<16xi32>
    %mul3A_1446 = arith.muli %add3A_1443, %mul3A_1445 : vector<16xi32>
    %shift_right_arithmetic3A_1447 = arith.constant 18 : i32
    %shift_right_arithmetic3A_1448 = vector.broadcast %shift_right_arithmetic3A_1447 : i32 to vector<16xi32>
    %shift_right_arithmetic3A_1449 = arith.shrsi %mul3A_1446, %shift_right_arithmetic3A_1448 : vector<16xi32>
    %mul3A_1450 = arith.constant 5 : i32
    %mul3A_1451 = vector.broadcast %mul3A_1450 : i32 to vector<16xi32>
    %mul3A_1452 = arith.muli %shift_right_arithmetic3A_1449, %mul3A_1451 : vector<16xi32>
    %sub3A_1453 = arith.subi %add3A_1443, %mul3A_1452 : vector<16xi32>
    %sub3A_1454 = vector.broadcast %multiple_of3A_135 : i32 to vector<16xi32>
    %sub3A_1455 = arith.subi %shift_right_arithmetic3A_1449, %sub3A_1454 : vector<16xi32>
    %lt3A_1456 = arith.constant 4 : i32
    %lt3A_1457 = vector.broadcast %lt3A_1456 : i32 to vector<16xi32>
    %lt3A_1458 = arith.cmpi slt, %sub3A_1453, %lt3A_1457 : vector<16xi32>
    %mul3A_1459 = arith.constant 4 : i32
    %mul3A_1460 = vector.broadcast %mul3A_1459 : i32 to vector<16xi32>
    %mul3A_1461 = arith.muli %sub3A_1455, %mul3A_1460 : vector<16xi32>
    %add3A_1462 = arith.addi %mul3A_1461, %sub3A_1453 : vector<16xi32>
    %jit3A_1463 = arith.constant 0 : i32
    %broadcast_in_dim3A_1464 = vector.broadcast %jit3A_1463 : i32 to vector<16xi32>
    %select_n3A_1465 = arith.select %lt3A_1458, %add3A_1462, %broadcast_in_dim3A_1464 : vector<16xi1>, vector<16xi32>
    %gather3A_1466 = tpu.vector_load_idx %arg11[%select_n3A_1465] : memref<672xf32, #tpu.memory_space<vmem>>[vector<16xi32>], vector<16xf32>,
    %gather3A_1467 = tpu.vector_load_idx %arg12[%sub3A_1455] : memref<168xf32, #tpu.memory_space<vmem>>[vector<16xi32>], vector<16xf32>,
    %gather3A_1468 = tpu.vector_load_idx %arg10[%sub3A_1455] : memref<168xf32, #tpu.memory_space<vmem>>[vector<16xi32>], vector<16xf32>,
    %lt3A_1469 = arith.constant 4 : i32
    %lt3A_1470 = vector.broadcast %lt3A_1469 : i32 to vector<16xi32>
    %lt3A_1471 = arith.cmpi slt, %sub3A_1453, %lt3A_1470 : vector<16xi32>
    %select_n3A_1472 = arith.select %lt3A_1471, %gather3A_1466, %gather3A_1467 : vector<16xi1>, vector<16xf32>
    %mul3A_1473 = arith.mulf %select_n3A_1472, %gather3A_1468 : vector<16xf32>
    %swap3A_1474 = arith.constant 576 : index
    %swap3A_1475 = tpu.vector_load %arg13[%swap3A_1474] {strides = array<i32>} : memref<784xf32, #tpu.memory_space<vmem>>, vector<16xf32>,
    tpu.vector_store %arg13[%swap3A_1474], %mul3A_1473 {strides = array<i32>} : memref<784xf32, #tpu.memory_space<vmem>>, vector<16xf32>,
    %add3A_1476 = arith.constant 592 : i32
    %add3A_1477 = arith.addi %multiple_of3A, %add3A_1476 : i32
    %add3A_1478 = vector.broadcast %add3A_1477 : i32 to vector<16xi32>
    %add3A_1479 = arith.addi %add3A_1478, %iota3A : vector<16xi32>
    %mul3A_1480 = arith.constant 52429 : i32
    %mul3A_1481 = vector.broadcast %mul3A_1480 : i32 to vector<16xi32>
    %mul3A_1482 = arith.muli %add3A_1479, %mul3A_1481 : vector<16xi32>
    %shift_right_arithmetic3A_1483 = arith.constant 18 : i32
    %shift_right_arithmetic3A_1484 = vector.broadcast %shift_right_arithmetic3A_1483 : i32 to vector<16xi32>
    %shift_right_arithmetic3A_1485 = arith.shrsi %mul3A_1482, %shift_right_arithmetic3A_1484 : vector<16xi32>
    %mul3A_1486 = arith.constant 5 : i32
    %mul3A_1487 = vector.broadcast %mul3A_1486 : i32 to vector<16xi32>
    %mul3A_1488 = arith.muli %shift_right_arithmetic3A_1485, %mul3A_1487 : vector<16xi32>
    %sub3A_1489 = arith.subi %add3A_1479, %mul3A_1488 : vector<16xi32>
    %sub3A_1490 = vector.broadcast %multiple_of3A_135 : i32 to vector<16xi32>
    %sub3A_1491 = arith.subi %shift_right_arithmetic3A_1485, %sub3A_1490 : vector<16xi32>
    %lt3A_1492 = arith.constant 4 : i32
    %lt3A_1493 = vector.broadcast %lt3A_1492 : i32 to vector<16xi32>
    %lt3A_1494 = arith.cmpi slt, %sub3A_1489, %lt3A_1493 : vector<16xi32>
    %mul3A_1495 = arith.constant 4 : i32
    %mul3A_1496 = vector.broadcast %mul3A_1495 : i32 to vector<16xi32>
    %mul3A_1497 = arith.muli %sub3A_1491, %mul3A_1496 : vector<16xi32>
    %add3A_1498 = arith.addi %mul3A_1497, %sub3A_1489 : vector<16xi32>
    %jit3A_1499 = arith.constant 0 : i32
    %broadcast_in_dim3A_1500 = vector.broadcast %jit3A_1499 : i32 to vector<16xi32>
    %select_n3A_1501 = arith.select %lt3A_1494, %add3A_1498, %broadcast_in_dim3A_1500 : vector<16xi1>, vector<16xi32>
    %gather3A_1502 = tpu.vector_load_idx %arg11[%select_n3A_1501] : memref<672xf32, #tpu.memory_space<vmem>>[vector<16xi32>], vector<16xf32>,
    %gather3A_1503 = tpu.vector_load_idx %arg12[%sub3A_1491] : memref<168xf32, #tpu.memory_space<vmem>>[vector<16xi32>], vector<16xf32>,
    %gather3A_1504 = tpu.vector_load_idx %arg10[%sub3A_1491] : memref<168xf32, #tpu.memory_space<vmem>>[vector<16xi32>], vector<16xf32>,
    %lt3A_1505 = arith.constant 4 : i32
    %lt3A_1506 = vector.broadcast %lt3A_1505 : i32 to vector<16xi32>
    %lt3A_1507 = arith.cmpi slt, %sub3A_1489, %lt3A_1506 : vector<16xi32>
    %select_n3A_1508 = arith.select %lt3A_1507, %gather3A_1502, %gather3A_1503 : vector<16xi1>, vector<16xf32>
    %mul3A_1509 = arith.mulf %select_n3A_1508, %gather3A_1504 : vector<16xf32>
    %swap3A_1510 = arith.constant 592 : index
    %swap3A_1511 = tpu.vector_load %arg13[%swap3A_1510] {strides = array<i32>} : memref<784xf32, #tpu.memory_space<vmem>>, vector<16xf32>,
    tpu.vector_store %arg13[%swap3A_1510], %mul3A_1509 {strides = array<i32>} : memref<784xf32, #tpu.memory_space<vmem>>, vector<16xf32>,
    %add3A_1512 = arith.constant 608 : i32
    %add3A_1513 = arith.addi %multiple_of3A, %add3A_1512 : i32
    %add3A_1514 = vector.broadcast %add3A_1513 : i32 to vector<16xi32>
    %add3A_1515 = arith.addi %add3A_1514, %iota3A : vector<16xi32>
    %mul3A_1516 = arith.constant 52429 : i32
    %mul3A_1517 = vector.broadcast %mul3A_1516 : i32 to vector<16xi32>
    %mul3A_1518 = arith.muli %add3A_1515, %mul3A_1517 : vector<16xi32>
    %shift_right_arithmetic3A_1519 = arith.constant 18 : i32
    %shift_right_arithmetic3A_1520 = vector.broadcast %shift_right_arithmetic3A_1519 : i32 to vector<16xi32>
    %shift_right_arithmetic3A_1521 = arith.shrsi %mul3A_1518, %shift_right_arithmetic3A_1520 : vector<16xi32>
    %mul3A_1522 = arith.constant 5 : i32
    %mul3A_1523 = vector.broadcast %mul3A_1522 : i32 to vector<16xi32>
    %mul3A_1524 = arith.muli %shift_right_arithmetic3A_1521, %mul3A_1523 : vector<16xi32>
    %sub3A_1525 = arith.subi %add3A_1515, %mul3A_1524 : vector<16xi32>
    %sub3A_1526 = vector.broadcast %multiple_of3A_135 : i32 to vector<16xi32>
    %sub3A_1527 = arith.subi %shift_right_arithmetic3A_1521, %sub3A_1526 : vector<16xi32>
    %lt3A_1528 = arith.constant 4 : i32
    %lt3A_1529 = vector.broadcast %lt3A_1528 : i32 to vector<16xi32>
    %lt3A_1530 = arith.cmpi slt, %sub3A_1525, %lt3A_1529 : vector<16xi32>
    %mul3A_1531 = arith.constant 4 : i32
    %mul3A_1532 = vector.broadcast %mul3A_1531 : i32 to vector<16xi32>
    %mul3A_1533 = arith.muli %sub3A_1527, %mul3A_1532 : vector<16xi32>
    %add3A_1534 = arith.addi %mul3A_1533, %sub3A_1525 : vector<16xi32>
    %jit3A_1535 = arith.constant 0 : i32
    %broadcast_in_dim3A_1536 = vector.broadcast %jit3A_1535 : i32 to vector<16xi32>
    %select_n3A_1537 = arith.select %lt3A_1530, %add3A_1534, %broadcast_in_dim3A_1536 : vector<16xi1>, vector<16xi32>
    %gather3A_1538 = tpu.vector_load_idx %arg11[%select_n3A_1537] : memref<672xf32, #tpu.memory_space<vmem>>[vector<16xi32>], vector<16xf32>,
    %gather3A_1539 = tpu.vector_load_idx %arg12[%sub3A_1527] : memref<168xf32, #tpu.memory_space<vmem>>[vector<16xi32>], vector<16xf32>,
    %gather3A_1540 = tpu.vector_load_idx %arg10[%sub3A_1527] : memref<168xf32, #tpu.memory_space<vmem>>[vector<16xi32>], vector<16xf32>,
    %lt3A_1541 = arith.constant 4 : i32
    %lt3A_1542 = vector.broadcast %lt3A_1541 : i32 to vector<16xi32>
    %lt3A_1543 = arith.cmpi slt, %sub3A_1525, %lt3A_1542 : vector<16xi32>
    %select_n3A_1544 = arith.select %lt3A_1543, %gather3A_1538, %gather3A_1539 : vector<16xi1>, vector<16xf32>
    %mul3A_1545 = arith.mulf %select_n3A_1544, %gather3A_1540 : vector<16xf32>
    %swap3A_1546 = arith.constant 608 : index
    %swap3A_1547 = tpu.vector_load %arg13[%swap3A_1546] {strides = array<i32>} : memref<784xf32, #tpu.memory_space<vmem>>, vector<16xf32>,
    tpu.vector_store %arg13[%swap3A_1546], %mul3A_1545 {strides = array<i32>} : memref<784xf32, #tpu.memory_space<vmem>>, vector<16xf32>,
    %add3A_1548 = arith.constant 624 : i32
    %add3A_1549 = arith.addi %multiple_of3A, %add3A_1548 : i32
    %add3A_1550 = vector.broadcast %add3A_1549 : i32 to vector<16xi32>
    %add3A_1551 = arith.addi %add3A_1550, %iota3A : vector<16xi32>
    %mul3A_1552 = arith.constant 52429 : i32
    %mul3A_1553 = vector.broadcast %mul3A_1552 : i32 to vector<16xi32>
    %mul3A_1554 = arith.muli %add3A_1551, %mul3A_1553 : vector<16xi32>
    %shift_right_arithmetic3A_1555 = arith.constant 18 : i32
    %shift_right_arithmetic3A_1556 = vector.broadcast %shift_right_arithmetic3A_1555 : i32 to vector<16xi32>
    %shift_right_arithmetic3A_1557 = arith.shrsi %mul3A_1554, %shift_right_arithmetic3A_1556 : vector<16xi32>
    %mul3A_1558 = arith.constant 5 : i32
    %mul3A_1559 = vector.broadcast %mul3A_1558 : i32 to vector<16xi32>
    %mul3A_1560 = arith.muli %shift_right_arithmetic3A_1557, %mul3A_1559 : vector<16xi32>
    %sub3A_1561 = arith.subi %add3A_1551, %mul3A_1560 : vector<16xi32>
    %sub3A_1562 = vector.broadcast %multiple_of3A_135 : i32 to vector<16xi32>
    %sub3A_1563 = arith.subi %shift_right_arithmetic3A_1557, %sub3A_1562 : vector<16xi32>
    %lt3A_1564 = arith.constant 4 : i32
    %lt3A_1565 = vector.broadcast %lt3A_1564 : i32 to vector<16xi32>
    %lt3A_1566 = arith.cmpi slt, %sub3A_1561, %lt3A_1565 : vector<16xi32>
    %mul3A_1567 = arith.constant 4 : i32
    %mul3A_1568 = vector.broadcast %mul3A_1567 : i32 to vector<16xi32>
    %mul3A_1569 = arith.muli %sub3A_1563, %mul3A_1568 : vector<16xi32>
    %add3A_1570 = arith.addi %mul3A_1569, %sub3A_1561 : vector<16xi32>
    %jit3A_1571 = arith.constant 0 : i32
    %broadcast_in_dim3A_1572 = vector.broadcast %jit3A_1571 : i32 to vector<16xi32>
    %select_n3A_1573 = arith.select %lt3A_1566, %add3A_1570, %broadcast_in_dim3A_1572 : vector<16xi1>, vector<16xi32>
    %gather3A_1574 = tpu.vector_load_idx %arg11[%select_n3A_1573] : memref<672xf32, #tpu.memory_space<vmem>>[vector<16xi32>], vector<16xf32>,
    %gather3A_1575 = tpu.vector_load_idx %arg12[%sub3A_1563] : memref<168xf32, #tpu.memory_space<vmem>>[vector<16xi32>], vector<16xf32>,
    %gather3A_1576 = tpu.vector_load_idx %arg10[%sub3A_1563] : memref<168xf32, #tpu.memory_space<vmem>>[vector<16xi32>], vector<16xf32>,
    %lt3A_1577 = arith.constant 4 : i32
    %lt3A_1578 = vector.broadcast %lt3A_1577 : i32 to vector<16xi32>
    %lt3A_1579 = arith.cmpi slt, %sub3A_1561, %lt3A_1578 : vector<16xi32>
    %select_n3A_1580 = arith.select %lt3A_1579, %gather3A_1574, %gather3A_1575 : vector<16xi1>, vector<16xf32>
    %mul3A_1581 = arith.mulf %select_n3A_1580, %gather3A_1576 : vector<16xf32>
    %swap3A_1582 = arith.constant 624 : index
    %swap3A_1583 = tpu.vector_load %arg13[%swap3A_1582] {strides = array<i32>} : memref<784xf32, #tpu.memory_space<vmem>>, vector<16xf32>,
    tpu.vector_store %arg13[%swap3A_1582], %mul3A_1581 {strides = array<i32>} : memref<784xf32, #tpu.memory_space<vmem>>, vector<16xf32>,
    %add3A_1584 = arith.constant 640 : i32
    %add3A_1585 = arith.addi %multiple_of3A, %add3A_1584 : i32
    %add3A_1586 = vector.broadcast %add3A_1585 : i32 to vector<16xi32>
    %add3A_1587 = arith.addi %add3A_1586, %iota3A : vector<16xi32>
    %mul3A_1588 = arith.constant 52429 : i32
    %mul3A_1589 = vector.broadcast %mul3A_1588 : i32 to vector<16xi32>
    %mul3A_1590 = arith.muli %add3A_1587, %mul3A_1589 : vector<16xi32>
    %shift_right_arithmetic3A_1591 = arith.constant 18 : i32
    %shift_right_arithmetic3A_1592 = vector.broadcast %shift_right_arithmetic3A_1591 : i32 to vector<16xi32>
    %shift_right_arithmetic3A_1593 = arith.shrsi %mul3A_1590, %shift_right_arithmetic3A_1592 : vector<16xi32>
    %mul3A_1594 = arith.constant 5 : i32
    %mul3A_1595 = vector.broadcast %mul3A_1594 : i32 to vector<16xi32>
    %mul3A_1596 = arith.muli %shift_right_arithmetic3A_1593, %mul3A_1595 : vector<16xi32>
    %sub3A_1597 = arith.subi %add3A_1587, %mul3A_1596 : vector<16xi32>
    %sub3A_1598 = vector.broadcast %multiple_of3A_135 : i32 to vector<16xi32>
    %sub3A_1599 = arith.subi %shift_right_arithmetic3A_1593, %sub3A_1598 : vector<16xi32>
    %lt3A_1600 = arith.constant 4 : i32
    %lt3A_1601 = vector.broadcast %lt3A_1600 : i32 to vector<16xi32>
    %lt3A_1602 = arith.cmpi slt, %sub3A_1597, %lt3A_1601 : vector<16xi32>
    %mul3A_1603 = arith.constant 4 : i32
    %mul3A_1604 = vector.broadcast %mul3A_1603 : i32 to vector<16xi32>
    %mul3A_1605 = arith.muli %sub3A_1599, %mul3A_1604 : vector<16xi32>
    %add3A_1606 = arith.addi %mul3A_1605, %sub3A_1597 : vector<16xi32>
    %jit3A_1607 = arith.constant 0 : i32
    %broadcast_in_dim3A_1608 = vector.broadcast %jit3A_1607 : i32 to vector<16xi32>
    %select_n3A_1609 = arith.select %lt3A_1602, %add3A_1606, %broadcast_in_dim3A_1608 : vector<16xi1>, vector<16xi32>
    %gather3A_1610 = tpu.vector_load_idx %arg11[%select_n3A_1609] : memref<672xf32, #tpu.memory_space<vmem>>[vector<16xi32>], vector<16xf32>,
    %gather3A_1611 = tpu.vector_load_idx %arg12[%sub3A_1599] : memref<168xf32, #tpu.memory_space<vmem>>[vector<16xi32>], vector<16xf32>,
    %gather3A_1612 = tpu.vector_load_idx %arg10[%sub3A_1599] : memref<168xf32, #tpu.memory_space<vmem>>[vector<16xi32>], vector<16xf32>,
    %lt3A_1613 = arith.constant 4 : i32
    %lt3A_1614 = vector.broadcast %lt3A_1613 : i32 to vector<16xi32>
    %lt3A_1615 = arith.cmpi slt, %sub3A_1597, %lt3A_1614 : vector<16xi32>
    %select_n3A_1616 = arith.select %lt3A_1615, %gather3A_1610, %gather3A_1611 : vector<16xi1>, vector<16xf32>
    %mul3A_1617 = arith.mulf %select_n3A_1616, %gather3A_1612 : vector<16xf32>
    %swap3A_1618 = arith.constant 640 : index
    %swap3A_1619 = tpu.vector_load %arg13[%swap3A_1618] {strides = array<i32>} : memref<784xf32, #tpu.memory_space<vmem>>, vector<16xf32>,
    tpu.vector_store %arg13[%swap3A_1618], %mul3A_1617 {strides = array<i32>} : memref<784xf32, #tpu.memory_space<vmem>>, vector<16xf32>,
    %add3A_1620 = arith.constant 656 : i32
    %add3A_1621 = arith.addi %multiple_of3A, %add3A_1620 : i32
    %add3A_1622 = vector.broadcast %add3A_1621 : i32 to vector<16xi32>
    %add3A_1623 = arith.addi %add3A_1622, %iota3A : vector<16xi32>
    %mul3A_1624 = arith.constant 52429 : i32
    %mul3A_1625 = vector.broadcast %mul3A_1624 : i32 to vector<16xi32>
    %mul3A_1626 = arith.muli %add3A_1623, %mul3A_1625 : vector<16xi32>
    %shift_right_arithmetic3A_1627 = arith.constant 18 : i32
    %shift_right_arithmetic3A_1628 = vector.broadcast %shift_right_arithmetic3A_1627 : i32 to vector<16xi32>
    %shift_right_arithmetic3A_1629 = arith.shrsi %mul3A_1626, %shift_right_arithmetic3A_1628 : vector<16xi32>
    %mul3A_1630 = arith.constant 5 : i32
    %mul3A_1631 = vector.broadcast %mul3A_1630 : i32 to vector<16xi32>
    %mul3A_1632 = arith.muli %shift_right_arithmetic3A_1629, %mul3A_1631 : vector<16xi32>
    %sub3A_1633 = arith.subi %add3A_1623, %mul3A_1632 : vector<16xi32>
    %sub3A_1634 = vector.broadcast %multiple_of3A_135 : i32 to vector<16xi32>
    %sub3A_1635 = arith.subi %shift_right_arithmetic3A_1629, %sub3A_1634 : vector<16xi32>
    %lt3A_1636 = arith.constant 4 : i32
    %lt3A_1637 = vector.broadcast %lt3A_1636 : i32 to vector<16xi32>
    %lt3A_1638 = arith.cmpi slt, %sub3A_1633, %lt3A_1637 : vector<16xi32>
    %mul3A_1639 = arith.constant 4 : i32
    %mul3A_1640 = vector.broadcast %mul3A_1639 : i32 to vector<16xi32>
    %mul3A_1641 = arith.muli %sub3A_1635, %mul3A_1640 : vector<16xi32>
    %add3A_1642 = arith.addi %mul3A_1641, %sub3A_1633 : vector<16xi32>
    %jit3A_1643 = arith.constant 0 : i32
    %broadcast_in_dim3A_1644 = vector.broadcast %jit3A_1643 : i32 to vector<16xi32>
    %select_n3A_1645 = arith.select %lt3A_1638, %add3A_1642, %broadcast_in_dim3A_1644 : vector<16xi1>, vector<16xi32>
    %gather3A_1646 = tpu.vector_load_idx %arg11[%select_n3A_1645] : memref<672xf32, #tpu.memory_space<vmem>>[vector<16xi32>], vector<16xf32>,
    %gather3A_1647 = tpu.vector_load_idx %arg12[%sub3A_1635] : memref<168xf32, #tpu.memory_space<vmem>>[vector<16xi32>], vector<16xf32>,
    %gather3A_1648 = tpu.vector_load_idx %arg10[%sub3A_1635] : memref<168xf32, #tpu.memory_space<vmem>>[vector<16xi32>], vector<16xf32>,
    %lt3A_1649 = arith.constant 4 : i32
    %lt3A_1650 = vector.broadcast %lt3A_1649 : i32 to vector<16xi32>
    %lt3A_1651 = arith.cmpi slt, %sub3A_1633, %lt3A_1650 : vector<16xi32>
    %select_n3A_1652 = arith.select %lt3A_1651, %gather3A_1646, %gather3A_1647 : vector<16xi1>, vector<16xf32>
    %mul3A_1653 = arith.mulf %select_n3A_1652, %gather3A_1648 : vector<16xf32>
    %swap3A_1654 = arith.constant 656 : index
    %swap3A_1655 = tpu.vector_load %arg13[%swap3A_1654] {strides = array<i32>} : memref<784xf32, #tpu.memory_space<vmem>>, vector<16xf32>,
    tpu.vector_store %arg13[%swap3A_1654], %mul3A_1653 {strides = array<i32>} : memref<784xf32, #tpu.memory_space<vmem>>, vector<16xf32>,
    %add3A_1656 = arith.constant 672 : i32
    %add3A_1657 = arith.addi %multiple_of3A, %add3A_1656 : i32
    %add3A_1658 = vector.broadcast %add3A_1657 : i32 to vector<16xi32>
    %add3A_1659 = arith.addi %add3A_1658, %iota3A : vector<16xi32>
    %mul3A_1660 = arith.constant 52429 : i32
    %mul3A_1661 = vector.broadcast %mul3A_1660 : i32 to vector<16xi32>
    %mul3A_1662 = arith.muli %add3A_1659, %mul3A_1661 : vector<16xi32>
    %shift_right_arithmetic3A_1663 = arith.constant 18 : i32
    %shift_right_arithmetic3A_1664 = vector.broadcast %shift_right_arithmetic3A_1663 : i32 to vector<16xi32>
    %shift_right_arithmetic3A_1665 = arith.shrsi %mul3A_1662, %shift_right_arithmetic3A_1664 : vector<16xi32>
    %mul3A_1666 = arith.constant 5 : i32
    %mul3A_1667 = vector.broadcast %mul3A_1666 : i32 to vector<16xi32>
    %mul3A_1668 = arith.muli %shift_right_arithmetic3A_1665, %mul3A_1667 : vector<16xi32>
    %sub3A_1669 = arith.subi %add3A_1659, %mul3A_1668 : vector<16xi32>
    %sub3A_1670 = vector.broadcast %multiple_of3A_135 : i32 to vector<16xi32>
    %sub3A_1671 = arith.subi %shift_right_arithmetic3A_1665, %sub3A_1670 : vector<16xi32>
    %lt3A_1672 = arith.constant 4 : i32
    %lt3A_1673 = vector.broadcast %lt3A_1672 : i32 to vector<16xi32>
    %lt3A_1674 = arith.cmpi slt, %sub3A_1669, %lt3A_1673 : vector<16xi32>
    %mul3A_1675 = arith.constant 4 : i32
    %mul3A_1676 = vector.broadcast %mul3A_1675 : i32 to vector<16xi32>
    %mul3A_1677 = arith.muli %sub3A_1671, %mul3A_1676 : vector<16xi32>
    %add3A_1678 = arith.addi %mul3A_1677, %sub3A_1669 : vector<16xi32>
    %jit3A_1679 = arith.constant 0 : i32
    %broadcast_in_dim3A_1680 = vector.broadcast %jit3A_1679 : i32 to vector<16xi32>
    %select_n3A_1681 = arith.select %lt3A_1674, %add3A_1678, %broadcast_in_dim3A_1680 : vector<16xi1>, vector<16xi32>
    %gather3A_1682 = tpu.vector_load_idx %arg11[%select_n3A_1681] : memref<672xf32, #tpu.memory_space<vmem>>[vector<16xi32>], vector<16xf32>,
    %gather3A_1683 = tpu.vector_load_idx %arg12[%sub3A_1671] : memref<168xf32, #tpu.memory_space<vmem>>[vector<16xi32>], vector<16xf32>,
    %gather3A_1684 = tpu.vector_load_idx %arg10[%sub3A_1671] : memref<168xf32, #tpu.memory_space<vmem>>[vector<16xi32>], vector<16xf32>,
    %lt3A_1685 = arith.constant 4 : i32
    %lt3A_1686 = vector.broadcast %lt3A_1685 : i32 to vector<16xi32>
    %lt3A_1687 = arith.cmpi slt, %sub3A_1669, %lt3A_1686 : vector<16xi32>
    %select_n3A_1688 = arith.select %lt3A_1687, %gather3A_1682, %gather3A_1683 : vector<16xi1>, vector<16xf32>
    %mul3A_1689 = arith.mulf %select_n3A_1688, %gather3A_1684 : vector<16xf32>
    %swap3A_1690 = arith.constant 672 : index
    %swap3A_1691 = tpu.vector_load %arg13[%swap3A_1690] {strides = array<i32>} : memref<784xf32, #tpu.memory_space<vmem>>, vector<16xf32>,
    tpu.vector_store %arg13[%swap3A_1690], %mul3A_1689 {strides = array<i32>} : memref<784xf32, #tpu.memory_space<vmem>>, vector<16xf32>,
    %add3A_1692 = arith.constant 688 : i32
    %add3A_1693 = arith.addi %multiple_of3A, %add3A_1692 : i32
    %add3A_1694 = vector.broadcast %add3A_1693 : i32 to vector<16xi32>
    %add3A_1695 = arith.addi %add3A_1694, %iota3A : vector<16xi32>
    %mul3A_1696 = arith.constant 52429 : i32
    %mul3A_1697 = vector.broadcast %mul3A_1696 : i32 to vector<16xi32>
    %mul3A_1698 = arith.muli %add3A_1695, %mul3A_1697 : vector<16xi32>
    %shift_right_arithmetic3A_1699 = arith.constant 18 : i32
    %shift_right_arithmetic3A_1700 = vector.broadcast %shift_right_arithmetic3A_1699 : i32 to vector<16xi32>
    %shift_right_arithmetic3A_1701 = arith.shrsi %mul3A_1698, %shift_right_arithmetic3A_1700 : vector<16xi32>
    %mul3A_1702 = arith.constant 5 : i32
    %mul3A_1703 = vector.broadcast %mul3A_1702 : i32 to vector<16xi32>
    %mul3A_1704 = arith.muli %shift_right_arithmetic3A_1701, %mul3A_1703 : vector<16xi32>
    %sub3A_1705 = arith.subi %add3A_1695, %mul3A_1704 : vector<16xi32>
    %sub3A_1706 = vector.broadcast %multiple_of3A_135 : i32 to vector<16xi32>
    %sub3A_1707 = arith.subi %shift_right_arithmetic3A_1701, %sub3A_1706 : vector<16xi32>
    %lt3A_1708 = arith.constant 4 : i32
    %lt3A_1709 = vector.broadcast %lt3A_1708 : i32 to vector<16xi32>
    %lt3A_1710 = arith.cmpi slt, %sub3A_1705, %lt3A_1709 : vector<16xi32>
    %mul3A_1711 = arith.constant 4 : i32
    %mul3A_1712 = vector.broadcast %mul3A_1711 : i32 to vector<16xi32>
    %mul3A_1713 = arith.muli %sub3A_1707, %mul3A_1712 : vector<16xi32>
    %add3A_1714 = arith.addi %mul3A_1713, %sub3A_1705 : vector<16xi32>
    %jit3A_1715 = arith.constant 0 : i32
    %broadcast_in_dim3A_1716 = vector.broadcast %jit3A_1715 : i32 to vector<16xi32>
    %select_n3A_1717 = arith.select %lt3A_1710, %add3A_1714, %broadcast_in_dim3A_1716 : vector<16xi1>, vector<16xi32>
    %gather3A_1718 = tpu.vector_load_idx %arg11[%select_n3A_1717] : memref<672xf32, #tpu.memory_space<vmem>>[vector<16xi32>], vector<16xf32>,
    %gather3A_1719 = tpu.vector_load_idx %arg12[%sub3A_1707] : memref<168xf32, #tpu.memory_space<vmem>>[vector<16xi32>], vector<16xf32>,
    %gather3A_1720 = tpu.vector_load_idx %arg10[%sub3A_1707] : memref<168xf32, #tpu.memory_space<vmem>>[vector<16xi32>], vector<16xf32>,
    %lt3A_1721 = arith.constant 4 : i32
    %lt3A_1722 = vector.broadcast %lt3A_1721 : i32 to vector<16xi32>
    %lt3A_1723 = arith.cmpi slt, %sub3A_1705, %lt3A_1722 : vector<16xi32>
    %select_n3A_1724 = arith.select %lt3A_1723, %gather3A_1718, %gather3A_1719 : vector<16xi1>, vector<16xf32>
    %mul3A_1725 = arith.mulf %select_n3A_1724, %gather3A_1720 : vector<16xf32>
    %swap3A_1726 = arith.constant 688 : index
    %swap3A_1727 = tpu.vector_load %arg13[%swap3A_1726] {strides = array<i32>} : memref<784xf32, #tpu.memory_space<vmem>>, vector<16xf32>,
    tpu.vector_store %arg13[%swap3A_1726], %mul3A_1725 {strides = array<i32>} : memref<784xf32, #tpu.memory_space<vmem>>, vector<16xf32>,
    %add3A_1728 = arith.constant 704 : i32
    %add3A_1729 = arith.addi %multiple_of3A, %add3A_1728 : i32
    %add3A_1730 = vector.broadcast %add3A_1729 : i32 to vector<16xi32>
    %add3A_1731 = arith.addi %add3A_1730, %iota3A : vector<16xi32>
    %mul3A_1732 = arith.constant 52429 : i32
    %mul3A_1733 = vector.broadcast %mul3A_1732 : i32 to vector<16xi32>
    %mul3A_1734 = arith.muli %add3A_1731, %mul3A_1733 : vector<16xi32>
    %shift_right_arithmetic3A_1735 = arith.constant 18 : i32
    %shift_right_arithmetic3A_1736 = vector.broadcast %shift_right_arithmetic3A_1735 : i32 to vector<16xi32>
    %shift_right_arithmetic3A_1737 = arith.shrsi %mul3A_1734, %shift_right_arithmetic3A_1736 : vector<16xi32>
    %mul3A_1738 = arith.constant 5 : i32
    %mul3A_1739 = vector.broadcast %mul3A_1738 : i32 to vector<16xi32>
    %mul3A_1740 = arith.muli %shift_right_arithmetic3A_1737, %mul3A_1739 : vector<16xi32>
    %sub3A_1741 = arith.subi %add3A_1731, %mul3A_1740 : vector<16xi32>
    %sub3A_1742 = vector.broadcast %multiple_of3A_135 : i32 to vector<16xi32>
    %sub3A_1743 = arith.subi %shift_right_arithmetic3A_1737, %sub3A_1742 : vector<16xi32>
    %lt3A_1744 = arith.constant 4 : i32
    %lt3A_1745 = vector.broadcast %lt3A_1744 : i32 to vector<16xi32>
    %lt3A_1746 = arith.cmpi slt, %sub3A_1741, %lt3A_1745 : vector<16xi32>
    %mul3A_1747 = arith.constant 4 : i32
    %mul3A_1748 = vector.broadcast %mul3A_1747 : i32 to vector<16xi32>
    %mul3A_1749 = arith.muli %sub3A_1743, %mul3A_1748 : vector<16xi32>
    %add3A_1750 = arith.addi %mul3A_1749, %sub3A_1741 : vector<16xi32>
    %jit3A_1751 = arith.constant 0 : i32
    %broadcast_in_dim3A_1752 = vector.broadcast %jit3A_1751 : i32 to vector<16xi32>
    %select_n3A_1753 = arith.select %lt3A_1746, %add3A_1750, %broadcast_in_dim3A_1752 : vector<16xi1>, vector<16xi32>
    %gather3A_1754 = tpu.vector_load_idx %arg11[%select_n3A_1753] : memref<672xf32, #tpu.memory_space<vmem>>[vector<16xi32>], vector<16xf32>,
    %gather3A_1755 = tpu.vector_load_idx %arg12[%sub3A_1743] : memref<168xf32, #tpu.memory_space<vmem>>[vector<16xi32>], vector<16xf32>,
    %gather3A_1756 = tpu.vector_load_idx %arg10[%sub3A_1743] : memref<168xf32, #tpu.memory_space<vmem>>[vector<16xi32>], vector<16xf32>,
    %lt3A_1757 = arith.constant 4 : i32
    %lt3A_1758 = vector.broadcast %lt3A_1757 : i32 to vector<16xi32>
    %lt3A_1759 = arith.cmpi slt, %sub3A_1741, %lt3A_1758 : vector<16xi32>
    %select_n3A_1760 = arith.select %lt3A_1759, %gather3A_1754, %gather3A_1755 : vector<16xi1>, vector<16xf32>
    %mul3A_1761 = arith.mulf %select_n3A_1760, %gather3A_1756 : vector<16xf32>
    %swap3A_1762 = arith.constant 704 : index
    %swap3A_1763 = tpu.vector_load %arg13[%swap3A_1762] {strides = array<i32>} : memref<784xf32, #tpu.memory_space<vmem>>, vector<16xf32>,
    tpu.vector_store %arg13[%swap3A_1762], %mul3A_1761 {strides = array<i32>} : memref<784xf32, #tpu.memory_space<vmem>>, vector<16xf32>,
    %add3A_1764 = arith.constant 720 : i32
    %add3A_1765 = arith.addi %multiple_of3A, %add3A_1764 : i32
    %add3A_1766 = vector.broadcast %add3A_1765 : i32 to vector<16xi32>
    %add3A_1767 = arith.addi %add3A_1766, %iota3A : vector<16xi32>
    %mul3A_1768 = arith.constant 52429 : i32
    %mul3A_1769 = vector.broadcast %mul3A_1768 : i32 to vector<16xi32>
    %mul3A_1770 = arith.muli %add3A_1767, %mul3A_1769 : vector<16xi32>
    %shift_right_arithmetic3A_1771 = arith.constant 18 : i32
    %shift_right_arithmetic3A_1772 = vector.broadcast %shift_right_arithmetic3A_1771 : i32 to vector<16xi32>
    %shift_right_arithmetic3A_1773 = arith.shrsi %mul3A_1770, %shift_right_arithmetic3A_1772 : vector<16xi32>
    %mul3A_1774 = arith.constant 5 : i32
    %mul3A_1775 = vector.broadcast %mul3A_1774 : i32 to vector<16xi32>
    %mul3A_1776 = arith.muli %shift_right_arithmetic3A_1773, %mul3A_1775 : vector<16xi32>
    %sub3A_1777 = arith.subi %add3A_1767, %mul3A_1776 : vector<16xi32>
    %sub3A_1778 = vector.broadcast %multiple_of3A_135 : i32 to vector<16xi32>
    %sub3A_1779 = arith.subi %shift_right_arithmetic3A_1773, %sub3A_1778 : vector<16xi32>
    %lt3A_1780 = arith.constant 4 : i32
    %lt3A_1781 = vector.broadcast %lt3A_1780 : i32 to vector<16xi32>
    %lt3A_1782 = arith.cmpi slt, %sub3A_1777, %lt3A_1781 : vector<16xi32>
    %mul3A_1783 = arith.constant 4 : i32
    %mul3A_1784 = vector.broadcast %mul3A_1783 : i32 to vector<16xi32>
    %mul3A_1785 = arith.muli %sub3A_1779, %mul3A_1784 : vector<16xi32>
    %add3A_1786 = arith.addi %mul3A_1785, %sub3A_1777 : vector<16xi32>
    %jit3A_1787 = arith.constant 0 : i32
    %broadcast_in_dim3A_1788 = vector.broadcast %jit3A_1787 : i32 to vector<16xi32>
    %select_n3A_1789 = arith.select %lt3A_1782, %add3A_1786, %broadcast_in_dim3A_1788 : vector<16xi1>, vector<16xi32>
    %gather3A_1790 = tpu.vector_load_idx %arg11[%select_n3A_1789] : memref<672xf32, #tpu.memory_space<vmem>>[vector<16xi32>], vector<16xf32>,
    %gather3A_1791 = tpu.vector_load_idx %arg12[%sub3A_1779] : memref<168xf32, #tpu.memory_space<vmem>>[vector<16xi32>], vector<16xf32>,
    %gather3A_1792 = tpu.vector_load_idx %arg10[%sub3A_1779] : memref<168xf32, #tpu.memory_space<vmem>>[vector<16xi32>], vector<16xf32>,
    %lt3A_1793 = arith.constant 4 : i32
    %lt3A_1794 = vector.broadcast %lt3A_1793 : i32 to vector<16xi32>
    %lt3A_1795 = arith.cmpi slt, %sub3A_1777, %lt3A_1794 : vector<16xi32>
    %select_n3A_1796 = arith.select %lt3A_1795, %gather3A_1790, %gather3A_1791 : vector<16xi1>, vector<16xf32>
    %mul3A_1797 = arith.mulf %select_n3A_1796, %gather3A_1792 : vector<16xf32>
    %swap3A_1798 = arith.constant 720 : index
    %swap3A_1799 = tpu.vector_load %arg13[%swap3A_1798] {strides = array<i32>} : memref<784xf32, #tpu.memory_space<vmem>>, vector<16xf32>,
    tpu.vector_store %arg13[%swap3A_1798], %mul3A_1797 {strides = array<i32>} : memref<784xf32, #tpu.memory_space<vmem>>, vector<16xf32>,
    %add3A_1800 = arith.constant 736 : i32
    %add3A_1801 = arith.addi %multiple_of3A, %add3A_1800 : i32
    %add3A_1802 = vector.broadcast %add3A_1801 : i32 to vector<16xi32>
    %add3A_1803 = arith.addi %add3A_1802, %iota3A : vector<16xi32>
    %mul3A_1804 = arith.constant 52429 : i32
    %mul3A_1805 = vector.broadcast %mul3A_1804 : i32 to vector<16xi32>
    %mul3A_1806 = arith.muli %add3A_1803, %mul3A_1805 : vector<16xi32>
    %shift_right_arithmetic3A_1807 = arith.constant 18 : i32
    %shift_right_arithmetic3A_1808 = vector.broadcast %shift_right_arithmetic3A_1807 : i32 to vector<16xi32>
    %shift_right_arithmetic3A_1809 = arith.shrsi %mul3A_1806, %shift_right_arithmetic3A_1808 : vector<16xi32>
    %mul3A_1810 = arith.constant 5 : i32
    %mul3A_1811 = vector.broadcast %mul3A_1810 : i32 to vector<16xi32>
    %mul3A_1812 = arith.muli %shift_right_arithmetic3A_1809, %mul3A_1811 : vector<16xi32>
    %sub3A_1813 = arith.subi %add3A_1803, %mul3A_1812 : vector<16xi32>
    %sub3A_1814 = vector.broadcast %multiple_of3A_135 : i32 to vector<16xi32>
    %sub3A_1815 = arith.subi %shift_right_arithmetic3A_1809, %sub3A_1814 : vector<16xi32>
    %lt3A_1816 = arith.constant 4 : i32
    %lt3A_1817 = vector.broadcast %lt3A_1816 : i32 to vector<16xi32>
    %lt3A_1818 = arith.cmpi slt, %sub3A_1813, %lt3A_1817 : vector<16xi32>
    %mul3A_1819 = arith.constant 4 : i32
    %mul3A_1820 = vector.broadcast %mul3A_1819 : i32 to vector<16xi32>
    %mul3A_1821 = arith.muli %sub3A_1815, %mul3A_1820 : vector<16xi32>
    %add3A_1822 = arith.addi %mul3A_1821, %sub3A_1813 : vector<16xi32>
    %jit3A_1823 = arith.constant 0 : i32
    %broadcast_in_dim3A_1824 = vector.broadcast %jit3A_1823 : i32 to vector<16xi32>
    %select_n3A_1825 = arith.select %lt3A_1818, %add3A_1822, %broadcast_in_dim3A_1824 : vector<16xi1>, vector<16xi32>
    %gather3A_1826 = tpu.vector_load_idx %arg11[%select_n3A_1825] : memref<672xf32, #tpu.memory_space<vmem>>[vector<16xi32>], vector<16xf32>,
    %gather3A_1827 = tpu.vector_load_idx %arg12[%sub3A_1815] : memref<168xf32, #tpu.memory_space<vmem>>[vector<16xi32>], vector<16xf32>,
    %gather3A_1828 = tpu.vector_load_idx %arg10[%sub3A_1815] : memref<168xf32, #tpu.memory_space<vmem>>[vector<16xi32>], vector<16xf32>,
    %lt3A_1829 = arith.constant 4 : i32
    %lt3A_1830 = vector.broadcast %lt3A_1829 : i32 to vector<16xi32>
    %lt3A_1831 = arith.cmpi slt, %sub3A_1813, %lt3A_1830 : vector<16xi32>
    %select_n3A_1832 = arith.select %lt3A_1831, %gather3A_1826, %gather3A_1827 : vector<16xi1>, vector<16xf32>
    %mul3A_1833 = arith.mulf %select_n3A_1832, %gather3A_1828 : vector<16xf32>
    %swap3A_1834 = arith.constant 736 : index
    %swap3A_1835 = tpu.vector_load %arg13[%swap3A_1834] {strides = array<i32>} : memref<784xf32, #tpu.memory_space<vmem>>, vector<16xf32>,
    tpu.vector_store %arg13[%swap3A_1834], %mul3A_1833 {strides = array<i32>} : memref<784xf32, #tpu.memory_space<vmem>>, vector<16xf32>,
    %add3A_1836 = arith.constant 752 : i32
    %add3A_1837 = arith.addi %multiple_of3A, %add3A_1836 : i32
    %add3A_1838 = vector.broadcast %add3A_1837 : i32 to vector<16xi32>
    %add3A_1839 = arith.addi %add3A_1838, %iota3A : vector<16xi32>
    %mul3A_1840 = arith.constant 52429 : i32
    %mul3A_1841 = vector.broadcast %mul3A_1840 : i32 to vector<16xi32>
    %mul3A_1842 = arith.muli %add3A_1839, %mul3A_1841 : vector<16xi32>
    %shift_right_arithmetic3A_1843 = arith.constant 18 : i32
    %shift_right_arithmetic3A_1844 = vector.broadcast %shift_right_arithmetic3A_1843 : i32 to vector<16xi32>
    %shift_right_arithmetic3A_1845 = arith.shrsi %mul3A_1842, %shift_right_arithmetic3A_1844 : vector<16xi32>
    %mul3A_1846 = arith.constant 5 : i32
    %mul3A_1847 = vector.broadcast %mul3A_1846 : i32 to vector<16xi32>
    %mul3A_1848 = arith.muli %shift_right_arithmetic3A_1845, %mul3A_1847 : vector<16xi32>
    %sub3A_1849 = arith.subi %add3A_1839, %mul3A_1848 : vector<16xi32>
    %sub3A_1850 = vector.broadcast %multiple_of3A_135 : i32 to vector<16xi32>
    %sub3A_1851 = arith.subi %shift_right_arithmetic3A_1845, %sub3A_1850 : vector<16xi32>
    %lt3A_1852 = arith.constant 4 : i32
    %lt3A_1853 = vector.broadcast %lt3A_1852 : i32 to vector<16xi32>
    %lt3A_1854 = arith.cmpi slt, %sub3A_1849, %lt3A_1853 : vector<16xi32>
    %mul3A_1855 = arith.constant 4 : i32
    %mul3A_1856 = vector.broadcast %mul3A_1855 : i32 to vector<16xi32>
    %mul3A_1857 = arith.muli %sub3A_1851, %mul3A_1856 : vector<16xi32>
    %add3A_1858 = arith.addi %mul3A_1857, %sub3A_1849 : vector<16xi32>
    %jit3A_1859 = arith.constant 0 : i32
    %broadcast_in_dim3A_1860 = vector.broadcast %jit3A_1859 : i32 to vector<16xi32>
    %select_n3A_1861 = arith.select %lt3A_1854, %add3A_1858, %broadcast_in_dim3A_1860 : vector<16xi1>, vector<16xi32>
    %gather3A_1862 = tpu.vector_load_idx %arg11[%select_n3A_1861] : memref<672xf32, #tpu.memory_space<vmem>>[vector<16xi32>], vector<16xf32>,
    %gather3A_1863 = tpu.vector_load_idx %arg12[%sub3A_1851] : memref<168xf32, #tpu.memory_space<vmem>>[vector<16xi32>], vector<16xf32>,
    %gather3A_1864 = tpu.vector_load_idx %arg10[%sub3A_1851] : memref<168xf32, #tpu.memory_space<vmem>>[vector<16xi32>], vector<16xf32>,
    %lt3A_1865 = arith.constant 4 : i32
    %lt3A_1866 = vector.broadcast %lt3A_1865 : i32 to vector<16xi32>
    %lt3A_1867 = arith.cmpi slt, %sub3A_1849, %lt3A_1866 : vector<16xi32>
    %select_n3A_1868 = arith.select %lt3A_1867, %gather3A_1862, %gather3A_1863 : vector<16xi1>, vector<16xf32>
    %mul3A_1869 = arith.mulf %select_n3A_1868, %gather3A_1864 : vector<16xf32>
    %swap3A_1870 = arith.constant 752 : index
    %swap3A_1871 = tpu.vector_load %arg13[%swap3A_1870] {strides = array<i32>} : memref<784xf32, #tpu.memory_space<vmem>>, vector<16xf32>,
    tpu.vector_store %arg13[%swap3A_1870], %mul3A_1869 {strides = array<i32>} : memref<784xf32, #tpu.memory_space<vmem>>, vector<16xf32>,
    %add3A_1872 = arith.constant 768 : i32
    %add3A_1873 = arith.addi %multiple_of3A, %add3A_1872 : i32
    %add3A_1874 = vector.broadcast %add3A_1873 : i32 to vector<16xi32>
    %add3A_1875 = arith.addi %add3A_1874, %iota3A : vector<16xi32>
    %mul3A_1876 = arith.constant 52429 : i32
    %mul3A_1877 = vector.broadcast %mul3A_1876 : i32 to vector<16xi32>
    %mul3A_1878 = arith.muli %add3A_1875, %mul3A_1877 : vector<16xi32>
    %shift_right_arithmetic3A_1879 = arith.constant 18 : i32
    %shift_right_arithmetic3A_1880 = vector.broadcast %shift_right_arithmetic3A_1879 : i32 to vector<16xi32>
    %shift_right_arithmetic3A_1881 = arith.shrsi %mul3A_1878, %shift_right_arithmetic3A_1880 : vector<16xi32>
    %mul3A_1882 = arith.constant 5 : i32
    %mul3A_1883 = vector.broadcast %mul3A_1882 : i32 to vector<16xi32>
    %mul3A_1884 = arith.muli %shift_right_arithmetic3A_1881, %mul3A_1883 : vector<16xi32>
    %sub3A_1885 = arith.subi %add3A_1875, %mul3A_1884 : vector<16xi32>
    %sub3A_1886 = vector.broadcast %multiple_of3A_135 : i32 to vector<16xi32>
    %sub3A_1887 = arith.subi %shift_right_arithmetic3A_1881, %sub3A_1886 : vector<16xi32>
    %lt3A_1888 = arith.constant 4 : i32
    %lt3A_1889 = vector.broadcast %lt3A_1888 : i32 to vector<16xi32>
    %lt3A_1890 = arith.cmpi slt, %sub3A_1885, %lt3A_1889 : vector<16xi32>
    %mul3A_1891 = arith.constant 4 : i32
    %mul3A_1892 = vector.broadcast %mul3A_1891 : i32 to vector<16xi32>
    %mul3A_1893 = arith.muli %sub3A_1887, %mul3A_1892 : vector<16xi32>
    %add3A_1894 = arith.addi %mul3A_1893, %sub3A_1885 : vector<16xi32>
    %jit3A_1895 = arith.constant 0 : i32
    %broadcast_in_dim3A_1896 = vector.broadcast %jit3A_1895 : i32 to vector<16xi32>
    %select_n3A_1897 = arith.select %lt3A_1890, %add3A_1894, %broadcast_in_dim3A_1896 : vector<16xi1>, vector<16xi32>
    %gather3A_1898 = tpu.vector_load_idx %arg11[%select_n3A_1897] : memref<672xf32, #tpu.memory_space<vmem>>[vector<16xi32>], vector<16xf32>,
    %gather3A_1899 = tpu.vector_load_idx %arg12[%sub3A_1887] : memref<168xf32, #tpu.memory_space<vmem>>[vector<16xi32>], vector<16xf32>,
    %gather3A_1900 = tpu.vector_load_idx %arg10[%sub3A_1887] : memref<168xf32, #tpu.memory_space<vmem>>[vector<16xi32>], vector<16xf32>,
    %lt3A_1901 = arith.constant 4 : i32
    %lt3A_1902 = vector.broadcast %lt3A_1901 : i32 to vector<16xi32>
    %lt3A_1903 = arith.cmpi slt, %sub3A_1885, %lt3A_1902 : vector<16xi32>
    %select_n3A_1904 = arith.select %lt3A_1903, %gather3A_1898, %gather3A_1899 : vector<16xi1>, vector<16xf32>
    %mul3A_1905 = arith.mulf %select_n3A_1904, %gather3A_1900 : vector<16xf32>
    %swap3A_1906 = arith.constant 768 : index
    %swap3A_1907 = tpu.vector_load %arg13[%swap3A_1906] {strides = array<i32>} : memref<784xf32, #tpu.memory_space<vmem>>, vector<16xf32>,
    tpu.vector_store %arg13[%swap3A_1906], %mul3A_1905 {strides = array<i32>} : memref<784xf32, #tpu.memory_space<vmem>>, vector<16xf32>,
    %multiple_of3A_1908 = tpu.assume_multiple %multiple_of3A, 16 : i32
    %dma_start3A_1909 = tpu.memref_slice %arg6[%multiple_of3A_1908] : memref<25088xf32, #tpu.memory_space<hbm>> -> memref<784xf32, #tpu.memory_space<hbm>>
    %dma_start3A_1910 = tpu.memref_slice %arg6[%multiple_of3A_1908] : memref<25088xf32, #tpu.memory_space<hbm>> -> memref<784xf32, #tpu.memory_space<hbm>>
    tpu.enqueue_dma source(%arg13 : memref<784xf32, #tpu.memory_space<vmem>>) target(%dma_start3A_1910 : memref<784xf32, #tpu.memory_space<hbm>>) target_semaphore(%arg14 : memref<!tpu.dma_semaphore, #tpu.memory_space<semaphore_mem>>)
    %dma_wait3A_1911 = tpu.memref_slice %arg6[%multiple_of3A_1908] : memref<25088xf32, #tpu.memory_space<hbm>> -> memref<784xf32, #tpu.memory_space<hbm>>
    %dma_wait3A_1912 = tpu.memref_slice %arg6[%multiple_of3A_1908] : memref<25088xf32, #tpu.memory_space<hbm>> -> memref<784xf32, #tpu.memory_space<hbm>>
    tpu.wait_dma2 semaphore(%arg14 : memref<!tpu.dma_semaphore, #tpu.memory_space<semaphore_mem>>) src(%arg13 : memref<784xf32, #tpu.memory_space<vmem>>) dst(%dma_wait3A_1912 : memref<784xf32, #tpu.memory_space<hbm>>)
    return
  }
}

module attributes {stable_mosaic.version = 14 : i64} {
  func.func @_nms_body(%arg0: memref<40x128xf32, #tpu.memory_space<vmem>>, %arg1: memref<40x128xf32, #tpu.memory_space<vmem>>, %arg2: memref<40x128xf32, #tpu.memory_space<vmem>>, %arg3: memref<40x128xf32, #tpu.memory_space<vmem>>, %arg4: memref<40x128xf32, #tpu.memory_space<vmem>>, %arg5: memref<40x128xf32, #tpu.memory_space<vmem>>, %arg6: memref<320x128xf32, #tpu.memory_space<vmem>>) attributes {dimension_semantics = [], scalar_prefetch = 0 : i64, scratch_operands = 1 : i64, tpu.core_type = #tpu.core_type<tc>} {
    %broadcast_in_dim3A = arith.constant 1.000000e+00 : f32
    %broadcast_in_dim3A_0 = vector.broadcast %broadcast_in_dim3A : f32 to vector<40x128xf32>
    %swap3A = arith.constant 0 : index
    %swap3A_1 = arith.constant 0 : index
    %swap3A_2 = vector.load %arg4[%swap3A, %swap3A_1] : memref<40x128xf32, #tpu.memory_space<vmem>>, vector<40x128xf32>
    tpu.vector_store %arg4[%swap3A, %swap3A_1], %broadcast_in_dim3A_0 {strides = array<i32>} : memref<40x128xf32, #tpu.memory_space<vmem>>, vector<40x128xf32>,
    %broadcast_in_dim3A_3 = arith.constant 1.000000e+00 : f32
    %broadcast_in_dim3A_4 = vector.broadcast %broadcast_in_dim3A_3 : f32 to vector<320x128xf32>
    %swap3A_5 = arith.constant 0 : index
    %swap3A_6 = arith.constant 0 : index
    %swap3A_7 = vector.load %arg6[%swap3A_5, %swap3A_6] : memref<320x128xf32, #tpu.memory_space<vmem>>, vector<320x128xf32>
    tpu.vector_store %arg6[%swap3A_5, %swap3A_6], %broadcast_in_dim3A_4 {strides = array<i32>} : memref<320x128xf32, #tpu.memory_space<vmem>>, vector<320x128xf32>,
    %get3A = arith.constant 0 : index
    %get3A_8 = arith.constant 0 : index
    %get3A_9 = vector.load %arg2[%get3A, %get3A_8] : memref<40x128xf32, #tpu.memory_space<vmem>>, vector<40x128xf32>
    %get3A_10 = arith.constant 0 : index
    %get3A_11 = arith.constant 0 : index
    %get3A_12 = vector.load %arg0[%get3A_10, %get3A_11] : memref<40x128xf32, #tpu.memory_space<vmem>>, vector<40x128xf32>
    %sub3A = arith.subf %get3A_9, %get3A_12 : vector<40x128xf32>
    %get3A_13 = arith.constant 0 : index
    %get3A_14 = arith.constant 0 : index
    %get3A_15 = vector.load %arg3[%get3A_13, %get3A_14] : memref<40x128xf32, #tpu.memory_space<vmem>>, vector<40x128xf32>
    %get3A_16 = arith.constant 0 : index
    %get3A_17 = arith.constant 0 : index
    %get3A_18 = vector.load %arg1[%get3A_16, %get3A_17] : memref<40x128xf32, #tpu.memory_space<vmem>>, vector<40x128xf32>
    %sub3A_19 = arith.subf %get3A_15, %get3A_18 : vector<40x128xf32>
    %mul3A = arith.mulf %sub3A, %sub3A_19 : vector<40x128xf32>
    %swap3A_20 = arith.constant 0 : index
    %swap3A_21 = arith.constant 0 : index
    %swap3A_22 = vector.load %arg5[%swap3A_20, %swap3A_21] : memref<40x128xf32, #tpu.memory_space<vmem>>, vector<40x128xf32>
    tpu.vector_store %arg5[%swap3A_20, %swap3A_21], %mul3A {strides = array<i32>} : memref<40x128xf32, #tpu.memory_space<vmem>>, vector<40x128xf32>,
    %iota3A = tpu.iota {dimensions = array<i32: 0>} : vector<128x128xi32>
    %iota3A_23 = tpu.iota {dimensions = array<i32: 1>} : vector<128x128xi32>
    %lt3A = arith.cmpi slt, %iota3A, %iota3A_23 : vector<128x128xi32>
    %eq3A = arith.cmpi eq, %iota3A, %iota3A_23 : vector<128x128xi32>
    %scan3A = arith.constant 0 : i32
    %scan3A_24 = arith.constant 40 : i32
    %scan3A_25 = arith.addi %scan3A, %scan3A_24 : i32
    %scan3A_26 = arith.constant 1 : i32
    scf.for %scan3A_28 = %scan3A to %scan3A_25 step %scan3A_26  : i32 {
      %get3A_29 = arith.index_cast %scan3A_28 : i32 to index
      %get3A_30 = arith.constant 0 : index
      %get3A_31 = vector.load %arg0[%get3A_29, %get3A_30] : memref<40x128xf32, #tpu.memory_space<vmem>>, vector<1x128xf32>
      %jit3A = arith.constant 0.000000e+00 : f32
      %broadcast_in_dim3A_32 = vector.shape_cast %get3A_31 : vector<1x128xf32> to vector<1x128xf32>
      %broadcast_in_dim3A_33 = vector.broadcast %broadcast_in_dim3A_32 : vector<1x128xf32> to vector<128x128xf32>
      %broadcast_in_dim3A_34 = vector.broadcast %jit3A : f32 to vector<128x128xf32>
      %select_n3A = arith.select %eq3A, %broadcast_in_dim3A_33, %broadcast_in_dim3A_34 : vector<128x128xi1>, vector<128x128xf32>
      %reduce_sum3A = arith.constant dense<0.000000e+00> : vector<128xf32>
      %reduce_sum3A_35 = vector.multi_reduction <add>, %select_n3A, %reduce_sum3A [1] : vector<128x128xf32> to vector<128xf32>
      %broadcast_in_dim3A_36 = vector.shape_cast %reduce_sum3A_35 : vector<128xf32> to vector<128x1xf32>
      %get3A_37 = arith.index_cast %scan3A_28 : i32 to index
      %get3A_38 = arith.constant 0 : index
      %get3A_39 = vector.load %arg1[%get3A_37, %get3A_38] : memref<40x128xf32, #tpu.memory_space<vmem>>, vector<1x128xf32>
      %jit3A_40 = arith.constant 0.000000e+00 : f32
      %broadcast_in_dim3A_41 = vector.shape_cast %get3A_39 : vector<1x128xf32> to vector<1x128xf32>
      %broadcast_in_dim3A_42 = vector.broadcast %broadcast_in_dim3A_41 : vector<1x128xf32> to vector<128x128xf32>
      %broadcast_in_dim3A_43 = vector.broadcast %jit3A_40 : f32 to vector<128x128xf32>
      %select_n3A_44 = arith.select %eq3A, %broadcast_in_dim3A_42, %broadcast_in_dim3A_43 : vector<128x128xi1>, vector<128x128xf32>
      %reduce_sum3A_45 = arith.constant dense<0.000000e+00> : vector<128xf32>
      %reduce_sum3A_46 = vector.multi_reduction <add>, %select_n3A_44, %reduce_sum3A_45 [1] : vector<128x128xf32> to vector<128xf32>
      %broadcast_in_dim3A_47 = vector.shape_cast %reduce_sum3A_46 : vector<128xf32> to vector<128x1xf32>
      %get3A_48 = arith.index_cast %scan3A_28 : i32 to index
      %get3A_49 = arith.constant 0 : index
      %get3A_50 = vector.load %arg2[%get3A_48, %get3A_49] : memref<40x128xf32, #tpu.memory_space<vmem>>, vector<1x128xf32>
      %jit3A_51 = arith.constant 0.000000e+00 : f32
      %broadcast_in_dim3A_52 = vector.shape_cast %get3A_50 : vector<1x128xf32> to vector<1x128xf32>
      %broadcast_in_dim3A_53 = vector.broadcast %broadcast_in_dim3A_52 : vector<1x128xf32> to vector<128x128xf32>
      %broadcast_in_dim3A_54 = vector.broadcast %jit3A_51 : f32 to vector<128x128xf32>
      %select_n3A_55 = arith.select %eq3A, %broadcast_in_dim3A_53, %broadcast_in_dim3A_54 : vector<128x128xi1>, vector<128x128xf32>
      %reduce_sum3A_56 = arith.constant dense<0.000000e+00> : vector<128xf32>
      %reduce_sum3A_57 = vector.multi_reduction <add>, %select_n3A_55, %reduce_sum3A_56 [1] : vector<128x128xf32> to vector<128xf32>
      %broadcast_in_dim3A_58 = vector.shape_cast %reduce_sum3A_57 : vector<128xf32> to vector<128x1xf32>
      %get3A_59 = arith.index_cast %scan3A_28 : i32 to index
      %get3A_60 = arith.constant 0 : index
      %get3A_61 = vector.load %arg3[%get3A_59, %get3A_60] : memref<40x128xf32, #tpu.memory_space<vmem>>, vector<1x128xf32>
      %jit3A_62 = arith.constant 0.000000e+00 : f32
      %broadcast_in_dim3A_63 = vector.shape_cast %get3A_61 : vector<1x128xf32> to vector<1x128xf32>
      %broadcast_in_dim3A_64 = vector.broadcast %broadcast_in_dim3A_63 : vector<1x128xf32> to vector<128x128xf32>
      %broadcast_in_dim3A_65 = vector.broadcast %jit3A_62 : f32 to vector<128x128xf32>
      %select_n3A_66 = arith.select %eq3A, %broadcast_in_dim3A_64, %broadcast_in_dim3A_65 : vector<128x128xi1>, vector<128x128xf32>
      %reduce_sum3A_67 = arith.constant dense<0.000000e+00> : vector<128xf32>
      %reduce_sum3A_68 = vector.multi_reduction <add>, %select_n3A_66, %reduce_sum3A_67 [1] : vector<128x128xf32> to vector<128xf32>
      %broadcast_in_dim3A_69 = vector.shape_cast %reduce_sum3A_68 : vector<128xf32> to vector<128x1xf32>
      %sub3A_70 = arith.subf %broadcast_in_dim3A_58, %broadcast_in_dim3A_36 : vector<128x1xf32>
      %sub3A_71 = arith.subf %broadcast_in_dim3A_69, %broadcast_in_dim3A_47 : vector<128x1xf32>
      %mul3A_72 = arith.mulf %sub3A_70, %sub3A_71 : vector<128x1xf32>
      %get3A_73 = arith.index_cast %scan3A_28 : i32 to index
      %get3A_74 = arith.constant 0 : index
      %get3A_75 = vector.load %arg0[%get3A_73, %get3A_74] : memref<40x128xf32, #tpu.memory_space<vmem>>, vector<1x128xf32>
      %get3A_76 = arith.index_cast %scan3A_28 : i32 to index
      %get3A_77 = arith.constant 0 : index
      %get3A_78 = vector.load %arg1[%get3A_76, %get3A_77] : memref<40x128xf32, #tpu.memory_space<vmem>>, vector<1x128xf32>
      %get3A_79 = arith.index_cast %scan3A_28 : i32 to index
      %get3A_80 = arith.constant 0 : index
      %get3A_81 = vector.load %arg2[%get3A_79, %get3A_80] : memref<40x128xf32, #tpu.memory_space<vmem>>, vector<1x128xf32>
      %get3A_82 = arith.index_cast %scan3A_28 : i32 to index
      %get3A_83 = arith.constant 0 : index
      %get3A_84 = vector.load %arg3[%get3A_82, %get3A_83] : memref<40x128xf32, #tpu.memory_space<vmem>>, vector<1x128xf32>
      %get3A_85 = arith.index_cast %scan3A_28 : i32 to index
      %get3A_86 = arith.constant 0 : index
      %get3A_87 = vector.load %arg5[%get3A_85, %get3A_86] : memref<40x128xf32, #tpu.memory_space<vmem>>, vector<1x128xf32>
      %max3A = vector.broadcast %broadcast_in_dim3A_36 : vector<128x1xf32> to vector<128x128xf32>
      %max3A_88 = vector.broadcast %get3A_75 : vector<1x128xf32> to vector<128x128xf32>
      %max3A_89 = arith.maximumf %max3A, %max3A_88 : vector<128x128xf32>
      %max3A_90 = vector.broadcast %broadcast_in_dim3A_47 : vector<128x1xf32> to vector<128x128xf32>
      %max3A_91 = vector.broadcast %get3A_78 : vector<1x128xf32> to vector<128x128xf32>
      %max3A_92 = arith.maximumf %max3A_90, %max3A_91 : vector<128x128xf32>
      %min3A = vector.broadcast %broadcast_in_dim3A_58 : vector<128x1xf32> to vector<128x128xf32>
      %min3A_93 = vector.broadcast %get3A_81 : vector<1x128xf32> to vector<128x128xf32>
      %min3A_94 = arith.minimumf %min3A, %min3A_93 : vector<128x128xf32>
      %min3A_95 = vector.broadcast %broadcast_in_dim3A_69 : vector<128x1xf32> to vector<128x128xf32>
      %min3A_96 = vector.broadcast %get3A_84 : vector<1x128xf32> to vector<128x128xf32>
      %min3A_97 = arith.minimumf %min3A_95, %min3A_96 : vector<128x128xf32>
      %sub3A_98 = arith.subf %min3A_94, %max3A_89 : vector<128x128xf32>
      %max3A_99 = arith.constant 0.000000e+00 : f32
      %max3A_100 = vector.broadcast %max3A_99 : f32 to vector<128x128xf32>
      %max3A_101 = arith.maximumf %sub3A_98, %max3A_100 : vector<128x128xf32>
      %sub3A_102 = arith.subf %min3A_97, %max3A_92 : vector<128x128xf32>
      %max3A_103 = arith.constant 0.000000e+00 : f32
      %max3A_104 = vector.broadcast %max3A_103 : f32 to vector<128x128xf32>
      %max3A_105 = arith.maximumf %sub3A_102, %max3A_104 : vector<128x128xf32>
      %mul3A_106 = arith.mulf %max3A_101, %max3A_105 : vector<128x128xf32>
      %add3A = vector.broadcast %mul3A_72 : vector<128x1xf32> to vector<128x128xf32>
      %add3A_107 = vector.broadcast %get3A_87 : vector<1x128xf32> to vector<128x128xf32>
      %add3A_108 = arith.addf %add3A, %add3A_107 : vector<128x128xf32>
      %sub3A_109 = arith.subf %add3A_108, %mul3A_106 : vector<128x128xf32>
      %max3A_110 = arith.constant 9.99999996E-13 : f32
      %max3A_111 = vector.broadcast %max3A_110 : f32 to vector<128x128xf32>
      %max3A_112 = arith.maximumf %sub3A_109, %max3A_111 : vector<128x128xf32>
      %div3A = arith.divf %mul3A_106, %max3A_112 : vector<128x128xf32>
      %gt3A = arith.constant 5.000000e-01 : f32
      %gt3A_113 = vector.broadcast %gt3A : f32 to vector<128x128xf32>
      %gt3A_114 = arith.cmpf ogt, %div3A, %gt3A_113 : vector<128x128xf32>
      %and3A = arith.andi %gt3A_114, %lt3A : vector<128x128xi1>
      %jit3A_115 = arith.constant 1.000000e+00 : f32
      %jit3A_116 = arith.constant 0.000000e+00 : f32
      %broadcast_in_dim3A_117 = vector.broadcast %jit3A_115 : f32 to vector<128x128xf32>
      %broadcast_in_dim3A_118 = vector.broadcast %jit3A_116 : f32 to vector<128x128xf32>
      %select_n3A_119 = arith.select %and3A, %broadcast_in_dim3A_117, %broadcast_in_dim3A_118 : vector<128x128xi1>, vector<128x128xf32>
      %convert_element_type3A = arith.truncf %select_n3A_119 : vector<128x128xf32> to vector<128x128xbf16>
      %mul3A_120 = arith.constant 8 : i32
      %mul3A_121 = arith.muli %mul3A_120, %scan3A_28 : i32
      %get3A_122 = arith.index_cast %mul3A_121 : i32 to index
      %get3A_123 = arith.constant 0 : index
      %get3A_124 = vector.load %arg6[%get3A_122, %get3A_123] : memref<320x128xf32, #tpu.memory_space<vmem>>, vector<8x128xf32>
      %gt3A_125 = arith.constant 0.000000e+00 : f32
      %gt3A_126 = vector.broadcast %gt3A_125 : f32 to vector<8x128xf32>
      %gt3A_127 = arith.cmpf ogt, %get3A_124, %gt3A_126 : vector<8x128xf32>
      %reduce_and3A = arith.constant 1.000000e+00 : f32
      %reduce_and3A_128 = arith.constant 0.000000e+00 : f32
      %reduce_and3A_129 = vector.broadcast %reduce_and3A : f32 to vector<8x128xf32>
      %reduce_and3A_130 = vector.broadcast %reduce_and3A_128 : f32 to vector<8x128xf32>
      %reduce_and3A_131 = arith.select %gt3A_127, %reduce_and3A_129, %reduce_and3A_130 : vector<8x128xi1>, vector<8x128xf32>
      %reduce_and3A_132 = arith.constant dense<0x7F800000> : vector<128xf32>
      %reduce_and3A_133 = vector.multi_reduction <minimumf>, %reduce_and3A_131, %reduce_and3A_132 [0] : vector<8x128xf32> to vector<128xf32>
      %reduce_and3A_134 = arith.constant 0.000000e+00 : f32
      %reduce_and3A_135 = vector.broadcast %reduce_and3A_134 : f32 to vector<128xf32>
      %reduce_and3A_136 = arith.cmpf ogt, %reduce_and3A_133, %reduce_and3A_135 : vector<128xf32>
      %broadcast_in_dim3A_137 = vector.shape_cast %reduce_and3A_136 : vector<128xi1> to vector<1x128xi1>
      %convert_element_type3A_138 = arith.extui %broadcast_in_dim3A_137 : vector<1x128xi1> to vector<1x128xi32>
      %convert_element_type3A_139 = arith.sitofp %convert_element_type3A_138 : vector<1x128xi32> to vector<1x128xf32>
      %while3A = arith.constant true
      %while3A_140:2 = scf.while (%while3A_194 = %convert_element_type3A_139, %while3A_195 = %while3A) : (vector<1x128xf32>, i1) -> (vector<1x128xf32>, i1) {
        scf.condition(%while3A_195) %while3A_194, %while3A_195 : vector<1x128xf32>, i1
      } do {
      ^bb0(%while3A_194: vector<1x128xf32>, %while3A_195: i1):
        %convert_element_type3A_196 = arith.truncf %while3A_194 : vector<1x128xf32> to vector<1x128xbf16>
        %dot_general3A = arith.constant dense<0.000000e+00> : vector<1x128xf32>
        %dot_general3A_197 = tpu.matmul %convert_element_type3A_196, %convert_element_type3A, %dot_general3A {dimension_numbers = #tpu.dot_dimension_numbers<[1], [0], [0], [1], [0, 0, 1, 1], [], []>, transpose_lhs_hint = false} : vector<1x128xbf16>, vector<128x128xbf16>, vector<1x128xf32> -> vector<1x128xf32>
        %gt3A_198 = arith.constant 0.000000e+00 : f32
        %gt3A_199 = vector.broadcast %gt3A_198 : f32 to vector<1x128xf32>
        %gt3A_200 = arith.cmpf ogt, %dot_general3A_197, %gt3A_199 : vector<1x128xf32>
        %jit3A_201 = arith.constant 0.000000e+00 : f32
        %broadcast_in_dim3A_202 = vector.broadcast %jit3A_201 : f32 to vector<1x128xf32>
        %select_n3A_203 = arith.select %gt3A_200, %broadcast_in_dim3A_202, %convert_element_type3A_139 : vector<1x128xi1>, vector<1x128xf32>
        %ne3A_204 = arith.cmpf one, %select_n3A_203, %while3A_194 : vector<1x128xf32>
        %reduce_or3A_205 = arith.constant 1.000000e+00 : f32
        %reduce_or3A_206 = arith.constant 0.000000e+00 : f32
        %reduce_or3A_207 = vector.broadcast %reduce_or3A_205 : f32 to vector<1x128xf32>
        %reduce_or3A_208 = vector.broadcast %reduce_or3A_206 : f32 to vector<1x128xf32>
        %reduce_or3A_209 = arith.select %ne3A_204, %reduce_or3A_207, %reduce_or3A_208 : vector<1x128xi1>, vector<1x128xf32>
        %reduce_or3A_210 = vector.shape_cast %reduce_or3A_209 : vector<1x128xf32> to vector<1x1x128xf32>
        %reduce_or3A_211 = arith.constant dense<0xFF800000> : vector<1xf32>
        %reduce_or3A_212 = vector.multi_reduction <maximumf>, %reduce_or3A_210, %reduce_or3A_211 [1, 2] : vector<1x1x128xf32> to vector<1xf32>
        %reduce_or3A_213 = vector.shape_cast %reduce_or3A_212 : vector<1xf32> to vector<1x1x1xf32>
        %reduce_or3A_214 = vector.extract %reduce_or3A_213[0, 0, 0] : f32 from vector<1x1x1xf32>
        %reduce_or3A_215 = arith.constant 0.000000e+00 : f32
        %reduce_or3A_216 = arith.cmpf ogt, %reduce_or3A_214, %reduce_or3A_215 : f32
        scf.yield %select_n3A_203, %reduce_or3A_216 : vector<1x128xf32>, i1
      }
      %swap3A_141 = arith.index_cast %scan3A_28 : i32 to index
      %swap3A_142 = arith.constant 0 : index
      %swap3A_143 = vector.load %arg4[%swap3A_141, %swap3A_142] : memref<40x128xf32, #tpu.memory_space<vmem>>, vector<1x128xf32>
      tpu.vector_store %arg4[%swap3A_141, %swap3A_142], %while3A_140#0 {strides = array<i32>} : memref<40x128xf32, #tpu.memory_space<vmem>>, vector<1x128xf32>,
      %gt3A_144 = arith.constant 0.000000e+00 : f32
      %gt3A_145 = vector.broadcast %gt3A_144 : f32 to vector<1x128xf32>
      %gt3A_146 = arith.cmpf ogt, %while3A_140#0, %gt3A_145 : vector<1x128xf32>
      %and3A_147 = vector.broadcast %gt3A_146 : vector<1x128xi1> to vector<128x128xi1>
      %and3A_148 = arith.andi %eq3A, %and3A_147 : vector<128x128xi1>
      %reduce_or3A = arith.constant 1.000000e+00 : f32
      %reduce_or3A_149 = arith.constant 0.000000e+00 : f32
      %reduce_or3A_150 = vector.broadcast %reduce_or3A : f32 to vector<128x128xf32>
      %reduce_or3A_151 = vector.broadcast %reduce_or3A_149 : f32 to vector<128x128xf32>
      %reduce_or3A_152 = arith.select %and3A_148, %reduce_or3A_150, %reduce_or3A_151 : vector<128x128xi1>, vector<128x128xf32>
      %reduce_or3A_153 = arith.constant dense<0xFF800000> : vector<128xf32>
      %reduce_or3A_154 = vector.multi_reduction <maximumf>, %reduce_or3A_152, %reduce_or3A_153 [1] : vector<128x128xf32> to vector<128xf32>
      %reduce_or3A_155 = arith.constant 0.000000e+00 : f32
      %reduce_or3A_156 = vector.broadcast %reduce_or3A_155 : f32 to vector<128xf32>
      %reduce_or3A_157 = arith.cmpf ogt, %reduce_or3A_154, %reduce_or3A_156 : vector<128xf32>
      %broadcast_in_dim3A_158 = vector.shape_cast %reduce_or3A_157 : vector<128xi1> to vector<128x1xi1>
      %sub3A_159 = arith.constant 40 : i32
      %sub3A_160 = arith.subi %sub3A_159, %scan3A_28 : i32
      %jit3A_161 = arith.constant 2 : i32
      %div3A_162 = arith.divsi %sub3A_160, %jit3A_161 : i32
      %sign3A = arith.constant 0 : i32
      %sign3A_163 = arith.cmpi sgt, %sub3A_160, %sign3A : i32
      %sign3A_164 = arith.extui %sign3A_163 : i1 to i32
      %sign3A_165 = arith.constant 0 : i32
      %sign3A_166 = arith.cmpi slt, %sub3A_160, %sign3A_165 : i32
      %sign3A_167 = arith.extui %sign3A_166 : i1 to i32
      %sign3A_168 = arith.subi %sign3A_164, %sign3A_167 : i32
      %sign3A_169 = arith.constant 0 : i32
      %sign3A_170 = arith.cmpi sgt, %jit3A_161, %sign3A_169 : i32
      %sign3A_171 = arith.extui %sign3A_170 : i1 to i32
      %sign3A_172 = arith.constant 0 : i32
      %sign3A_173 = arith.cmpi slt, %jit3A_161, %sign3A_172 : i32
      %sign3A_174 = arith.extui %sign3A_173 : i1 to i32
      %sign3A_175 = arith.subi %sign3A_171, %sign3A_174 : i32
      %ne3A = arith.cmpi ne, %sign3A_168, %sign3A_175 : i32
      %rem3A = arith.remsi %sub3A_160, %jit3A_161 : i32
      %ne3A_176 = arith.constant 0 : i32
      %ne3A_177 = arith.cmpi ne, %rem3A, %ne3A_176 : i32
      %and3A_178 = arith.andi %ne3A, %ne3A_177 : i1
      %sub3A_179 = arith.constant 1 : i32
      %sub3A_180 = arith.subi %div3A_162, %sub3A_179 : i32
      %select_n3A_181 = arith.select %and3A_178, %sub3A_180, %div3A_162 : i32
      %while3A_182 = arith.constant 0 : i32
      %while3A_183 = arith.constant 0 : i32
      %while3A_184 = arith.subi %select_n3A_181, %while3A_182 : i32
      %while3A_185 = arith.addi %while3A_182, %while3A_184 : i32
      %while3A_186 = arith.constant 1 : i32
      %while3A_187 = arith.divsi %while3A_184, %while3A_186 : i32
      %while3A_188 = arith.muli %while3A_187, %while3A_186 : i32
      %while3A_189 = arith.addi %while3A_182, %while3A_188 : i32
      %while3A_190 = arith.constant 1 : i32
      %while3A_191 = scf.for %while3A_194 = %while3A_182 to %while3A_189 step %while3A_190 iter_args(%while3A_195 = %while3A_183) -> (i32)  : i32 {
        %add3A_196 = arith.constant 1 : i32
        %add3A_197 = arith.addi %scan3A_28, %add3A_196 : i32
        %mul3A_198 = arith.constant 2 : i32
        %mul3A_199 = arith.muli %mul3A_198, %while3A_194 : i32
        %add3A_200 = arith.addi %add3A_197, %mul3A_199 : i32
        %add3A_201 = arith.constant 1 : i32
        %add3A_202 = arith.addi %add3A_200, %add3A_201 : i32
        %min3A_203 = arith.constant 39 : i32
        %min3A_204 = arith.minsi %add3A_202, %min3A_203 : i32
        %get3A_205 = arith.index_cast %add3A_200 : i32 to index
        %get3A_206 = arith.constant 0 : index
        %get3A_207 = vector.load %arg0[%get3A_205, %get3A_206] : memref<40x128xf32, #tpu.memory_space<vmem>>, vector<1x128xf32>
        %get3A_208 = arith.index_cast %add3A_200 : i32 to index
        %get3A_209 = arith.constant 0 : index
        %get3A_210 = vector.load %arg1[%get3A_208, %get3A_209] : memref<40x128xf32, #tpu.memory_space<vmem>>, vector<1x128xf32>
        %get3A_211 = arith.index_cast %add3A_200 : i32 to index
        %get3A_212 = arith.constant 0 : index
        %get3A_213 = vector.load %arg2[%get3A_211, %get3A_212] : memref<40x128xf32, #tpu.memory_space<vmem>>, vector<1x128xf32>
        %get3A_214 = arith.index_cast %add3A_200 : i32 to index
        %get3A_215 = arith.constant 0 : index
        %get3A_216 = vector.load %arg3[%get3A_214, %get3A_215] : memref<40x128xf32, #tpu.memory_space<vmem>>, vector<1x128xf32>
        %get3A_217 = arith.index_cast %add3A_200 : i32 to index
        %get3A_218 = arith.constant 0 : index
        %get3A_219 = vector.load %arg5[%get3A_217, %get3A_218] : memref<40x128xf32, #tpu.memory_space<vmem>>, vector<1x128xf32>
        %max3A_220 = vector.broadcast %broadcast_in_dim3A_36 : vector<128x1xf32> to vector<128x128xf32>
        %max3A_221 = vector.broadcast %get3A_207 : vector<1x128xf32> to vector<128x128xf32>
        %max3A_222 = arith.maximumf %max3A_220, %max3A_221 : vector<128x128xf32>
        %max3A_223 = vector.broadcast %broadcast_in_dim3A_47 : vector<128x1xf32> to vector<128x128xf32>
        %max3A_224 = vector.broadcast %get3A_210 : vector<1x128xf32> to vector<128x128xf32>
        %max3A_225 = arith.maximumf %max3A_223, %max3A_224 : vector<128x128xf32>
        %min3A_226 = vector.broadcast %broadcast_in_dim3A_58 : vector<128x1xf32> to vector<128x128xf32>
        %min3A_227 = vector.broadcast %get3A_213 : vector<1x128xf32> to vector<128x128xf32>
        %min3A_228 = arith.minimumf %min3A_226, %min3A_227 : vector<128x128xf32>
        %min3A_229 = vector.broadcast %broadcast_in_dim3A_69 : vector<128x1xf32> to vector<128x128xf32>
        %min3A_230 = vector.broadcast %get3A_216 : vector<1x128xf32> to vector<128x128xf32>
        %min3A_231 = arith.minimumf %min3A_229, %min3A_230 : vector<128x128xf32>
        %sub3A_232 = arith.subf %min3A_228, %max3A_222 : vector<128x128xf32>
        %max3A_233 = arith.constant 0.000000e+00 : f32
        %max3A_234 = vector.broadcast %max3A_233 : f32 to vector<128x128xf32>
        %max3A_235 = arith.maximumf %sub3A_232, %max3A_234 : vector<128x128xf32>
        %sub3A_236 = arith.subf %min3A_231, %max3A_225 : vector<128x128xf32>
        %max3A_237 = arith.constant 0.000000e+00 : f32
        %max3A_238 = vector.broadcast %max3A_237 : f32 to vector<128x128xf32>
        %max3A_239 = arith.maximumf %sub3A_236, %max3A_238 : vector<128x128xf32>
        %mul3A_240 = arith.mulf %max3A_235, %max3A_239 : vector<128x128xf32>
        %add3A_241 = vector.broadcast %mul3A_72 : vector<128x1xf32> to vector<128x128xf32>
        %add3A_242 = vector.broadcast %get3A_219 : vector<1x128xf32> to vector<128x128xf32>
        %add3A_243 = arith.addf %add3A_241, %add3A_242 : vector<128x128xf32>
        %sub3A_244 = arith.subf %add3A_243, %mul3A_240 : vector<128x128xf32>
        %max3A_245 = arith.constant 9.99999996E-13 : f32
        %max3A_246 = vector.broadcast %max3A_245 : f32 to vector<128x128xf32>
        %max3A_247 = arith.maximumf %sub3A_244, %max3A_246 : vector<128x128xf32>
        %div3A_248 = arith.divf %mul3A_240, %max3A_247 : vector<128x128xf32>
        %get3A_249 = arith.index_cast %min3A_204 : i32 to index
        %get3A_250 = arith.constant 0 : index
        %get3A_251 = vector.load %arg0[%get3A_249, %get3A_250] : memref<40x128xf32, #tpu.memory_space<vmem>>, vector<1x128xf32>
        %get3A_252 = arith.index_cast %min3A_204 : i32 to index
        %get3A_253 = arith.constant 0 : index
        %get3A_254 = vector.load %arg1[%get3A_252, %get3A_253] : memref<40x128xf32, #tpu.memory_space<vmem>>, vector<1x128xf32>
        %get3A_255 = arith.index_cast %min3A_204 : i32 to index
        %get3A_256 = arith.constant 0 : index
        %get3A_257 = vector.load %arg2[%get3A_255, %get3A_256] : memref<40x128xf32, #tpu.memory_space<vmem>>, vector<1x128xf32>
        %get3A_258 = arith.index_cast %min3A_204 : i32 to index
        %get3A_259 = arith.constant 0 : index
        %get3A_260 = vector.load %arg3[%get3A_258, %get3A_259] : memref<40x128xf32, #tpu.memory_space<vmem>>, vector<1x128xf32>
        %get3A_261 = arith.index_cast %min3A_204 : i32 to index
        %get3A_262 = arith.constant 0 : index
        %get3A_263 = vector.load %arg5[%get3A_261, %get3A_262] : memref<40x128xf32, #tpu.memory_space<vmem>>, vector<1x128xf32>
        %max3A_264 = vector.broadcast %broadcast_in_dim3A_36 : vector<128x1xf32> to vector<128x128xf32>
        %max3A_265 = vector.broadcast %get3A_251 : vector<1x128xf32> to vector<128x128xf32>
        %max3A_266 = arith.maximumf %max3A_264, %max3A_265 : vector<128x128xf32>
        %max3A_267 = vector.broadcast %broadcast_in_dim3A_47 : vector<128x1xf32> to vector<128x128xf32>
        %max3A_268 = vector.broadcast %get3A_254 : vector<1x128xf32> to vector<128x128xf32>
        %max3A_269 = arith.maximumf %max3A_267, %max3A_268 : vector<128x128xf32>
        %min3A_270 = vector.broadcast %broadcast_in_dim3A_58 : vector<128x1xf32> to vector<128x128xf32>
        %min3A_271 = vector.broadcast %get3A_257 : vector<1x128xf32> to vector<128x128xf32>
        %min3A_272 = arith.minimumf %min3A_270, %min3A_271 : vector<128x128xf32>
        %min3A_273 = vector.broadcast %broadcast_in_dim3A_69 : vector<128x1xf32> to vector<128x128xf32>
        %min3A_274 = vector.broadcast %get3A_260 : vector<1x128xf32> to vector<128x128xf32>
        %min3A_275 = arith.minimumf %min3A_273, %min3A_274 : vector<128x128xf32>
        %sub3A_276 = arith.subf %min3A_272, %max3A_266 : vector<128x128xf32>
        %max3A_277 = arith.constant 0.000000e+00 : f32
        %max3A_278 = vector.broadcast %max3A_277 : f32 to vector<128x128xf32>
        %max3A_279 = arith.maximumf %sub3A_276, %max3A_278 : vector<128x128xf32>
        %sub3A_280 = arith.subf %min3A_275, %max3A_269 : vector<128x128xf32>
        %max3A_281 = arith.constant 0.000000e+00 : f32
        %max3A_282 = vector.broadcast %max3A_281 : f32 to vector<128x128xf32>
        %max3A_283 = arith.maximumf %sub3A_280, %max3A_282 : vector<128x128xf32>
        %mul3A_284 = arith.mulf %max3A_279, %max3A_283 : vector<128x128xf32>
        %add3A_285 = vector.broadcast %mul3A_72 : vector<128x1xf32> to vector<128x128xf32>
        %add3A_286 = vector.broadcast %get3A_263 : vector<1x128xf32> to vector<128x128xf32>
        %add3A_287 = arith.addf %add3A_285, %add3A_286 : vector<128x128xf32>
        %sub3A_288 = arith.subf %add3A_287, %mul3A_284 : vector<128x128xf32>
        %max3A_289 = arith.constant 9.99999996E-13 : f32
        %max3A_290 = vector.broadcast %max3A_289 : f32 to vector<128x128xf32>
        %max3A_291 = arith.maximumf %sub3A_288, %max3A_290 : vector<128x128xf32>
        %div3A_292 = arith.divf %mul3A_284, %max3A_291 : vector<128x128xf32>
        %gt3A_293 = arith.constant 5.000000e-01 : f32
        %gt3A_294 = vector.broadcast %gt3A_293 : f32 to vector<128x128xf32>
        %gt3A_295 = arith.cmpf ogt, %div3A_248, %gt3A_294 : vector<128x128xf32>
        %and3A_296 = vector.broadcast %broadcast_in_dim3A_158 : vector<128x1xi1> to vector<128x128xi1>
        %and3A_297 = arith.andi %gt3A_295, %and3A_296 : vector<128x128xi1>
        %reshape3A = vector.shape_cast %and3A_297 : vector<128x128xi1> to vector<16x8x128xi1>
        %reduce_or3A_298 = arith.constant 1.000000e+00 : f32
        %reduce_or3A_299 = arith.constant 0.000000e+00 : f32
        %reduce_or3A_300 = vector.broadcast %reduce_or3A_298 : f32 to vector<16x8x128xf32>
        %reduce_or3A_301 = vector.broadcast %reduce_or3A_299 : f32 to vector<16x8x128xf32>
        %reduce_or3A_302 = arith.select %reshape3A, %reduce_or3A_300, %reduce_or3A_301 : vector<16x8x128xi1>, vector<16x8x128xf32>
        %reduce_or3A_303 = arith.constant dense<0xFF800000> : vector<8x128xf32>
        %reduce_or3A_304 = vector.multi_reduction <maximumf>, %reduce_or3A_302, %reduce_or3A_303 [0] : vector<16x8x128xf32> to vector<8x128xf32>
        %reduce_or3A_305 = arith.constant 0.000000e+00 : f32
        %reduce_or3A_306 = vector.broadcast %reduce_or3A_305 : f32 to vector<8x128xf32>
        %reduce_or3A_307 = arith.cmpf ogt, %reduce_or3A_304, %reduce_or3A_306 : vector<8x128xf32>
        %gt3A_308 = arith.constant 5.000000e-01 : f32
        %gt3A_309 = vector.broadcast %gt3A_308 : f32 to vector<128x128xf32>
        %gt3A_310 = arith.cmpf ogt, %div3A_292, %gt3A_309 : vector<128x128xf32>
        %and3A_311 = vector.broadcast %broadcast_in_dim3A_158 : vector<128x1xi1> to vector<128x128xi1>
        %and3A_312 = arith.andi %gt3A_310, %and3A_311 : vector<128x128xi1>
        %reshape3A_313 = vector.shape_cast %and3A_312 : vector<128x128xi1> to vector<16x8x128xi1>
        %reduce_or3A_314 = arith.constant 1.000000e+00 : f32
        %reduce_or3A_315 = arith.constant 0.000000e+00 : f32
        %reduce_or3A_316 = vector.broadcast %reduce_or3A_314 : f32 to vector<16x8x128xf32>
        %reduce_or3A_317 = vector.broadcast %reduce_or3A_315 : f32 to vector<16x8x128xf32>
        %reduce_or3A_318 = arith.select %reshape3A_313, %reduce_or3A_316, %reduce_or3A_317 : vector<16x8x128xi1>, vector<16x8x128xf32>
        %reduce_or3A_319 = arith.constant dense<0xFF800000> : vector<8x128xf32>
        %reduce_or3A_320 = vector.multi_reduction <maximumf>, %reduce_or3A_318, %reduce_or3A_319 [0] : vector<16x8x128xf32> to vector<8x128xf32>
        %reduce_or3A_321 = arith.constant 0.000000e+00 : f32
        %reduce_or3A_322 = vector.broadcast %reduce_or3A_321 : f32 to vector<8x128xf32>
        %reduce_or3A_323 = arith.cmpf ogt, %reduce_or3A_320, %reduce_or3A_322 : vector<8x128xf32>
        %mul3A_324 = arith.constant 8 : i32
        %mul3A_325 = arith.muli %mul3A_324, %add3A_200 : i32
        %get3A_326 = arith.index_cast %mul3A_325 : i32 to index
        %get3A_327 = arith.constant 0 : index
        %get3A_328 = vector.load %arg6[%get3A_326, %get3A_327] : memref<320x128xf32, #tpu.memory_space<vmem>>, vector<8x128xf32>
        %jit3A_329 = arith.constant 0.000000e+00 : f32
        %broadcast_in_dim3A_330 = vector.broadcast %jit3A_329 : f32 to vector<8x128xf32>
        %select_n3A_331 = arith.select %reduce_or3A_307, %broadcast_in_dim3A_330, %get3A_328 : vector<8x128xi1>, vector<8x128xf32>
        %mul3A_332 = arith.constant 8 : i32
        %mul3A_333 = arith.muli %mul3A_332, %add3A_200 : i32
        %swap3A_334 = arith.index_cast %mul3A_333 : i32 to index
        %swap3A_335 = arith.constant 0 : index
        %swap3A_336 = vector.load %arg6[%swap3A_334, %swap3A_335] : memref<320x128xf32, #tpu.memory_space<vmem>>, vector<8x128xf32>
        tpu.vector_store %arg6[%swap3A_334, %swap3A_335], %select_n3A_331 {strides = array<i32>} : memref<320x128xf32, #tpu.memory_space<vmem>>, vector<8x128xf32>,
        %mul3A_337 = arith.constant 8 : i32
        %mul3A_338 = arith.muli %mul3A_337, %min3A_204 : i32
        %get3A_339 = arith.index_cast %mul3A_338 : i32 to index
        %get3A_340 = arith.constant 0 : index
        %get3A_341 = vector.load %arg6[%get3A_339, %get3A_340] : memref<320x128xf32, #tpu.memory_space<vmem>>, vector<8x128xf32>
        %lt3A_342 = arith.constant 40 : i32
        %lt3A_343 = arith.cmpi slt, %add3A_202, %lt3A_342 : i32
        %and3A_344 = vector.broadcast %lt3A_343 : i1 to vector<8x128xi1>
        %and3A_345 = arith.andi %reduce_or3A_323, %and3A_344 : vector<8x128xi1>
        %jit3A_346 = arith.constant 0.000000e+00 : f32
        %broadcast_in_dim3A_347 = vector.broadcast %jit3A_346 : f32 to vector<8x128xf32>
        %select_n3A_348 = arith.select %and3A_345, %broadcast_in_dim3A_347, %get3A_341 : vector<8x128xi1>, vector<8x128xf32>
        %mul3A_349 = arith.constant 8 : i32
        %mul3A_350 = arith.muli %mul3A_349, %min3A_204 : i32
        %swap3A_351 = arith.index_cast %mul3A_350 : i32 to index
        %swap3A_352 = arith.constant 0 : index
        %swap3A_353 = vector.load %arg6[%swap3A_351, %swap3A_352] : memref<320x128xf32, #tpu.memory_space<vmem>>, vector<8x128xf32>
        tpu.vector_store %arg6[%swap3A_351, %swap3A_352], %select_n3A_348 {strides = array<i32>} : memref<320x128xf32, #tpu.memory_space<vmem>>, vector<8x128xf32>,
        %while3A_354 = arith.constant 0 : i32
        scf.yield %while3A_354 : i32
      }
      %while3A_192 = arith.constant 1 : i32
      %while3A_193 = scf.for %while3A_194 = %while3A_189 to %while3A_185 step %while3A_192 iter_args(%while3A_195 = %while3A_191) -> (i32)  : i32 {
        %add3A_196 = arith.constant 1 : i32
        %add3A_197 = arith.addi %scan3A_28, %add3A_196 : i32
        %mul3A_198 = arith.constant 2 : i32
        %mul3A_199 = arith.muli %mul3A_198, %while3A_194 : i32
        %add3A_200 = arith.addi %add3A_197, %mul3A_199 : i32
        %add3A_201 = arith.constant 1 : i32
        %add3A_202 = arith.addi %add3A_200, %add3A_201 : i32
        %min3A_203 = arith.constant 39 : i32
        %min3A_204 = arith.minsi %add3A_202, %min3A_203 : i32
        %get3A_205 = arith.index_cast %add3A_200 : i32 to index
        %get3A_206 = arith.constant 0 : index
        %get3A_207 = vector.load %arg0[%get3A_205, %get3A_206] : memref<40x128xf32, #tpu.memory_space<vmem>>, vector<1x128xf32>
        %get3A_208 = arith.index_cast %add3A_200 : i32 to index
        %get3A_209 = arith.constant 0 : index
        %get3A_210 = vector.load %arg1[%get3A_208, %get3A_209] : memref<40x128xf32, #tpu.memory_space<vmem>>, vector<1x128xf32>
        %get3A_211 = arith.index_cast %add3A_200 : i32 to index
        %get3A_212 = arith.constant 0 : index
        %get3A_213 = vector.load %arg2[%get3A_211, %get3A_212] : memref<40x128xf32, #tpu.memory_space<vmem>>, vector<1x128xf32>
        %get3A_214 = arith.index_cast %add3A_200 : i32 to index
        %get3A_215 = arith.constant 0 : index
        %get3A_216 = vector.load %arg3[%get3A_214, %get3A_215] : memref<40x128xf32, #tpu.memory_space<vmem>>, vector<1x128xf32>
        %get3A_217 = arith.index_cast %add3A_200 : i32 to index
        %get3A_218 = arith.constant 0 : index
        %get3A_219 = vector.load %arg5[%get3A_217, %get3A_218] : memref<40x128xf32, #tpu.memory_space<vmem>>, vector<1x128xf32>
        %max3A_220 = vector.broadcast %broadcast_in_dim3A_36 : vector<128x1xf32> to vector<128x128xf32>
        %max3A_221 = vector.broadcast %get3A_207 : vector<1x128xf32> to vector<128x128xf32>
        %max3A_222 = arith.maximumf %max3A_220, %max3A_221 : vector<128x128xf32>
        %max3A_223 = vector.broadcast %broadcast_in_dim3A_47 : vector<128x1xf32> to vector<128x128xf32>
        %max3A_224 = vector.broadcast %get3A_210 : vector<1x128xf32> to vector<128x128xf32>
        %max3A_225 = arith.maximumf %max3A_223, %max3A_224 : vector<128x128xf32>
        %min3A_226 = vector.broadcast %broadcast_in_dim3A_58 : vector<128x1xf32> to vector<128x128xf32>
        %min3A_227 = vector.broadcast %get3A_213 : vector<1x128xf32> to vector<128x128xf32>
        %min3A_228 = arith.minimumf %min3A_226, %min3A_227 : vector<128x128xf32>
        %min3A_229 = vector.broadcast %broadcast_in_dim3A_69 : vector<128x1xf32> to vector<128x128xf32>
        %min3A_230 = vector.broadcast %get3A_216 : vector<1x128xf32> to vector<128x128xf32>
        %min3A_231 = arith.minimumf %min3A_229, %min3A_230 : vector<128x128xf32>
        %sub3A_232 = arith.subf %min3A_228, %max3A_222 : vector<128x128xf32>
        %max3A_233 = arith.constant 0.000000e+00 : f32
        %max3A_234 = vector.broadcast %max3A_233 : f32 to vector<128x128xf32>
        %max3A_235 = arith.maximumf %sub3A_232, %max3A_234 : vector<128x128xf32>
        %sub3A_236 = arith.subf %min3A_231, %max3A_225 : vector<128x128xf32>
        %max3A_237 = arith.constant 0.000000e+00 : f32
        %max3A_238 = vector.broadcast %max3A_237 : f32 to vector<128x128xf32>
        %max3A_239 = arith.maximumf %sub3A_236, %max3A_238 : vector<128x128xf32>
        %mul3A_240 = arith.mulf %max3A_235, %max3A_239 : vector<128x128xf32>
        %add3A_241 = vector.broadcast %mul3A_72 : vector<128x1xf32> to vector<128x128xf32>
        %add3A_242 = vector.broadcast %get3A_219 : vector<1x128xf32> to vector<128x128xf32>
        %add3A_243 = arith.addf %add3A_241, %add3A_242 : vector<128x128xf32>
        %sub3A_244 = arith.subf %add3A_243, %mul3A_240 : vector<128x128xf32>
        %max3A_245 = arith.constant 9.99999996E-13 : f32
        %max3A_246 = vector.broadcast %max3A_245 : f32 to vector<128x128xf32>
        %max3A_247 = arith.maximumf %sub3A_244, %max3A_246 : vector<128x128xf32>
        %div3A_248 = arith.divf %mul3A_240, %max3A_247 : vector<128x128xf32>
        %get3A_249 = arith.index_cast %min3A_204 : i32 to index
        %get3A_250 = arith.constant 0 : index
        %get3A_251 = vector.load %arg0[%get3A_249, %get3A_250] : memref<40x128xf32, #tpu.memory_space<vmem>>, vector<1x128xf32>
        %get3A_252 = arith.index_cast %min3A_204 : i32 to index
        %get3A_253 = arith.constant 0 : index
        %get3A_254 = vector.load %arg1[%get3A_252, %get3A_253] : memref<40x128xf32, #tpu.memory_space<vmem>>, vector<1x128xf32>
        %get3A_255 = arith.index_cast %min3A_204 : i32 to index
        %get3A_256 = arith.constant 0 : index
        %get3A_257 = vector.load %arg2[%get3A_255, %get3A_256] : memref<40x128xf32, #tpu.memory_space<vmem>>, vector<1x128xf32>
        %get3A_258 = arith.index_cast %min3A_204 : i32 to index
        %get3A_259 = arith.constant 0 : index
        %get3A_260 = vector.load %arg3[%get3A_258, %get3A_259] : memref<40x128xf32, #tpu.memory_space<vmem>>, vector<1x128xf32>
        %get3A_261 = arith.index_cast %min3A_204 : i32 to index
        %get3A_262 = arith.constant 0 : index
        %get3A_263 = vector.load %arg5[%get3A_261, %get3A_262] : memref<40x128xf32, #tpu.memory_space<vmem>>, vector<1x128xf32>
        %max3A_264 = vector.broadcast %broadcast_in_dim3A_36 : vector<128x1xf32> to vector<128x128xf32>
        %max3A_265 = vector.broadcast %get3A_251 : vector<1x128xf32> to vector<128x128xf32>
        %max3A_266 = arith.maximumf %max3A_264, %max3A_265 : vector<128x128xf32>
        %max3A_267 = vector.broadcast %broadcast_in_dim3A_47 : vector<128x1xf32> to vector<128x128xf32>
        %max3A_268 = vector.broadcast %get3A_254 : vector<1x128xf32> to vector<128x128xf32>
        %max3A_269 = arith.maximumf %max3A_267, %max3A_268 : vector<128x128xf32>
        %min3A_270 = vector.broadcast %broadcast_in_dim3A_58 : vector<128x1xf32> to vector<128x128xf32>
        %min3A_271 = vector.broadcast %get3A_257 : vector<1x128xf32> to vector<128x128xf32>
        %min3A_272 = arith.minimumf %min3A_270, %min3A_271 : vector<128x128xf32>
        %min3A_273 = vector.broadcast %broadcast_in_dim3A_69 : vector<128x1xf32> to vector<128x128xf32>
        %min3A_274 = vector.broadcast %get3A_260 : vector<1x128xf32> to vector<128x128xf32>
        %min3A_275 = arith.minimumf %min3A_273, %min3A_274 : vector<128x128xf32>
        %sub3A_276 = arith.subf %min3A_272, %max3A_266 : vector<128x128xf32>
        %max3A_277 = arith.constant 0.000000e+00 : f32
        %max3A_278 = vector.broadcast %max3A_277 : f32 to vector<128x128xf32>
        %max3A_279 = arith.maximumf %sub3A_276, %max3A_278 : vector<128x128xf32>
        %sub3A_280 = arith.subf %min3A_275, %max3A_269 : vector<128x128xf32>
        %max3A_281 = arith.constant 0.000000e+00 : f32
        %max3A_282 = vector.broadcast %max3A_281 : f32 to vector<128x128xf32>
        %max3A_283 = arith.maximumf %sub3A_280, %max3A_282 : vector<128x128xf32>
        %mul3A_284 = arith.mulf %max3A_279, %max3A_283 : vector<128x128xf32>
        %add3A_285 = vector.broadcast %mul3A_72 : vector<128x1xf32> to vector<128x128xf32>
        %add3A_286 = vector.broadcast %get3A_263 : vector<1x128xf32> to vector<128x128xf32>
        %add3A_287 = arith.addf %add3A_285, %add3A_286 : vector<128x128xf32>
        %sub3A_288 = arith.subf %add3A_287, %mul3A_284 : vector<128x128xf32>
        %max3A_289 = arith.constant 9.99999996E-13 : f32
        %max3A_290 = vector.broadcast %max3A_289 : f32 to vector<128x128xf32>
        %max3A_291 = arith.maximumf %sub3A_288, %max3A_290 : vector<128x128xf32>
        %div3A_292 = arith.divf %mul3A_284, %max3A_291 : vector<128x128xf32>
        %gt3A_293 = arith.constant 5.000000e-01 : f32
        %gt3A_294 = vector.broadcast %gt3A_293 : f32 to vector<128x128xf32>
        %gt3A_295 = arith.cmpf ogt, %div3A_248, %gt3A_294 : vector<128x128xf32>
        %and3A_296 = vector.broadcast %broadcast_in_dim3A_158 : vector<128x1xi1> to vector<128x128xi1>
        %and3A_297 = arith.andi %gt3A_295, %and3A_296 : vector<128x128xi1>
        %reshape3A = vector.shape_cast %and3A_297 : vector<128x128xi1> to vector<16x8x128xi1>
        %reduce_or3A_298 = arith.constant 1.000000e+00 : f32
        %reduce_or3A_299 = arith.constant 0.000000e+00 : f32
        %reduce_or3A_300 = vector.broadcast %reduce_or3A_298 : f32 to vector<16x8x128xf32>
        %reduce_or3A_301 = vector.broadcast %reduce_or3A_299 : f32 to vector<16x8x128xf32>
        %reduce_or3A_302 = arith.select %reshape3A, %reduce_or3A_300, %reduce_or3A_301 : vector<16x8x128xi1>, vector<16x8x128xf32>
        %reduce_or3A_303 = arith.constant dense<0xFF800000> : vector<8x128xf32>
        %reduce_or3A_304 = vector.multi_reduction <maximumf>, %reduce_or3A_302, %reduce_or3A_303 [0] : vector<16x8x128xf32> to vector<8x128xf32>
        %reduce_or3A_305 = arith.constant 0.000000e+00 : f32
        %reduce_or3A_306 = vector.broadcast %reduce_or3A_305 : f32 to vector<8x128xf32>
        %reduce_or3A_307 = arith.cmpf ogt, %reduce_or3A_304, %reduce_or3A_306 : vector<8x128xf32>
        %gt3A_308 = arith.constant 5.000000e-01 : f32
        %gt3A_309 = vector.broadcast %gt3A_308 : f32 to vector<128x128xf32>
        %gt3A_310 = arith.cmpf ogt, %div3A_292, %gt3A_309 : vector<128x128xf32>
        %and3A_311 = vector.broadcast %broadcast_in_dim3A_158 : vector<128x1xi1> to vector<128x128xi1>
        %and3A_312 = arith.andi %gt3A_310, %and3A_311 : vector<128x128xi1>
        %reshape3A_313 = vector.shape_cast %and3A_312 : vector<128x128xi1> to vector<16x8x128xi1>
        %reduce_or3A_314 = arith.constant 1.000000e+00 : f32
        %reduce_or3A_315 = arith.constant 0.000000e+00 : f32
        %reduce_or3A_316 = vector.broadcast %reduce_or3A_314 : f32 to vector<16x8x128xf32>
        %reduce_or3A_317 = vector.broadcast %reduce_or3A_315 : f32 to vector<16x8x128xf32>
        %reduce_or3A_318 = arith.select %reshape3A_313, %reduce_or3A_316, %reduce_or3A_317 : vector<16x8x128xi1>, vector<16x8x128xf32>
        %reduce_or3A_319 = arith.constant dense<0xFF800000> : vector<8x128xf32>
        %reduce_or3A_320 = vector.multi_reduction <maximumf>, %reduce_or3A_318, %reduce_or3A_319 [0] : vector<16x8x128xf32> to vector<8x128xf32>
        %reduce_or3A_321 = arith.constant 0.000000e+00 : f32
        %reduce_or3A_322 = vector.broadcast %reduce_or3A_321 : f32 to vector<8x128xf32>
        %reduce_or3A_323 = arith.cmpf ogt, %reduce_or3A_320, %reduce_or3A_322 : vector<8x128xf32>
        %mul3A_324 = arith.constant 8 : i32
        %mul3A_325 = arith.muli %mul3A_324, %add3A_200 : i32
        %get3A_326 = arith.index_cast %mul3A_325 : i32 to index
        %get3A_327 = arith.constant 0 : index
        %get3A_328 = vector.load %arg6[%get3A_326, %get3A_327] : memref<320x128xf32, #tpu.memory_space<vmem>>, vector<8x128xf32>
        %jit3A_329 = arith.constant 0.000000e+00 : f32
        %broadcast_in_dim3A_330 = vector.broadcast %jit3A_329 : f32 to vector<8x128xf32>
        %select_n3A_331 = arith.select %reduce_or3A_307, %broadcast_in_dim3A_330, %get3A_328 : vector<8x128xi1>, vector<8x128xf32>
        %mul3A_332 = arith.constant 8 : i32
        %mul3A_333 = arith.muli %mul3A_332, %add3A_200 : i32
        %swap3A_334 = arith.index_cast %mul3A_333 : i32 to index
        %swap3A_335 = arith.constant 0 : index
        %swap3A_336 = vector.load %arg6[%swap3A_334, %swap3A_335] : memref<320x128xf32, #tpu.memory_space<vmem>>, vector<8x128xf32>
        tpu.vector_store %arg6[%swap3A_334, %swap3A_335], %select_n3A_331 {strides = array<i32>} : memref<320x128xf32, #tpu.memory_space<vmem>>, vector<8x128xf32>,
        %mul3A_337 = arith.constant 8 : i32
        %mul3A_338 = arith.muli %mul3A_337, %min3A_204 : i32
        %get3A_339 = arith.index_cast %mul3A_338 : i32 to index
        %get3A_340 = arith.constant 0 : index
        %get3A_341 = vector.load %arg6[%get3A_339, %get3A_340] : memref<320x128xf32, #tpu.memory_space<vmem>>, vector<8x128xf32>
        %lt3A_342 = arith.constant 40 : i32
        %lt3A_343 = arith.cmpi slt, %add3A_202, %lt3A_342 : i32
        %and3A_344 = vector.broadcast %lt3A_343 : i1 to vector<8x128xi1>
        %and3A_345 = arith.andi %reduce_or3A_323, %and3A_344 : vector<8x128xi1>
        %jit3A_346 = arith.constant 0.000000e+00 : f32
        %broadcast_in_dim3A_347 = vector.broadcast %jit3A_346 : f32 to vector<8x128xf32>
        %select_n3A_348 = arith.select %and3A_345, %broadcast_in_dim3A_347, %get3A_341 : vector<8x128xi1>, vector<8x128xf32>
        %mul3A_349 = arith.constant 8 : i32
        %mul3A_350 = arith.muli %mul3A_349, %min3A_204 : i32
        %swap3A_351 = arith.index_cast %mul3A_350 : i32 to index
        %swap3A_352 = arith.constant 0 : index
        %swap3A_353 = vector.load %arg6[%swap3A_351, %swap3A_352] : memref<320x128xf32, #tpu.memory_space<vmem>>, vector<8x128xf32>
        tpu.vector_store %arg6[%swap3A_351, %swap3A_352], %select_n3A_348 {strides = array<i32>} : memref<320x128xf32, #tpu.memory_space<vmem>>, vector<8x128xf32>,
        %while3A_354 = arith.constant 0 : i32
        scf.yield %while3A_354 : i32
      }
    }
    %scan3A_27 = arith.constant 40 : i32
    return
  }
}

</mosaic_0001>

<sc_bundles>
// kernel: kernel.5.cloned.1.call-start
scs
__scs_entry_jumppad:
0x0: {  	(pc) =	sbr.rel $0x88, $3  }
0x1: {  	(tag) =	ssettag $0x0;
	lr =	simm.s32 $0x1  }
0x2: {  	[smem:$0x3F9F] =	sst lr;
	_ =	strace $0xD0000000  }
0x3: {  	_ = 	snop  }
0x4: {  	_ = 	snop  }
0x5: {  	_ = 	snop  }
0x6: {  	_ = 	snop  }
0x7: {  	_ = 	snop  }
__scs_overlays_trampoline_lowered:
0x8: {  	[smem:$0x3FAE] =	sst s0  }
0x9: {  	[smem:$0x3FAF] =	sst s1  }
0xa: {  	[smem:$0x3FB0] =	sst s2  }
0xb: {  	[smem:$0x3FB1] =	sst s3  }
0xc: {  	[smem:$0x3FB2] =	sst s4  }
0xd: {  	[smem:$0x3FB3] =	sst s5  }
0xe: {  	[smem:$0x3FB4] =	sst s6  }
0xf: {  	[smem:$0x3FB5] =	sst s7  }
0x10: {  	[smem:$0x3FB6] =	sst s8  }
0x11: {  	[smem:$0x3FB7] =	sst s9;
	s0 =	simm.s32 @!p0 $0x0  }
0x12: {  	s1 =	sld [smem:$0x3F9D];
	s0 =	simm.s32 @p0 $0x1  }
0x13: {  	[smem:$0x3FB8] =	sst s0;
	s0 =	simm.s32 @!p1 $0x0  }
0x14: {  	s2 =	sld [smem:$0x3F9C];
	s0 =	simm.s32 @p1 $0x1  }
0x15: {  	[smem:$0x3FB9] =	sst s0;
	s0 =	simm.s32 @!p2 $0x0  }
0x16: {  	s3 =	sld [smem:$0x3FDB];
	s0 =	simm.s32 @p2 $0x1  }
0x17: {  	s4 =	simm.s32 $0x1BF5;
	[smem:$0x3FBB] =	sst s0  }
0x18: {  	s0 =	sld [smem:$0x3F9E];
	_ =	swait.ge [sflag:s4], $0x0  }
0x19: {  	s7 =	sld [smem:$0x3F9F]  }
0x1a: {  	s8 =	sadd.s32 $0xFFFFE003, lr  }
0x1b: {  	s9 =	sadd.s32 $0xFFFFFEF7, lr;
	s5 =	simm.s32 $0xFFFFFFFF;
	p2 =	slt.u32 s8, $0xFFFFF086  }
0x1c: {  	p1 =	slt.u32 s9, $0xF7A;
	s5 =	simm.s32 @!p2 $0x0  }
0x1d: {  	s5 =	simm.s32 @p1 $0x1;
	p0 =	seq.s32 s7, s2  }
0x1e: {  	s7 =	smul.u32 @!p0 $0xF7A, s2;
	p2 =	seq.s32 @!p0 s5, $0x0  }
0x1f: {  	s9 =	smul.u32 $0xF7A, s1;
	s8 =	simm.s32 @!p0 $0x1BF5;
	p2 =	por !p2, p0  }
0x20: {  	[sflag:s8] =	ssyncset.s32 @!p0 $0xFFFFF086;
	s6 =	sadd.s32 @!p0 s3, s7;
	s7 =	simm.s32 @!p0 $0x108  }
0x21: {  	s3 =	sadd.s32 s3, s9;
	s6 =	sadd.s32 @!p0 $0x88, s6;
	s7 =	simm.s32 @p2 $0x1082  }
0x22: {  	[simem:s7], [sflag:s8] =	dma.local @!p0 [hbm:s6], $0xF7A  }
0x23: {  	s9 =	sor.u32 $0xD0000000, s2;
	s6 =	simm.s32 $0x108;
	_ =	swait.ge @!p0 [sflag:s8], $0x0  }
0x24: {  	s3 =	sadd.s32 $0x88, s3;
	s6 =	simm.s32 @!p1 $0x1082;
	[sflag:s4] =	ssyncset.s32 $0xFFFFF086  }
0x25: {  	[simem:s6], [sflag:s4] =	dma.local [hbm:s3], $0xF7A  }
0x26: {  	[smem:$0x3F9F] =	sst s1;
	(tag) =	ssettag s2;
	_ =	strace s9  }
0x27: {  	s1 =	sld [smem:$0x3FAF]  }
0x28: {  	s2 =	sld [smem:$0x3FB0]  }
0x29: {  	s4 =	sld [smem:$0x3FB2]  }
0x2a: {  	p0 =	seq.s32 s5, $0x0;
	s5 =	sld [smem:$0x3FB3]  }
0x2b: {  	s6 =	sld [smem:$0x3FB4]  }
0x2c: {  	s7 =	sld [smem:$0x3FB5]  }
0x2d: {  	s3 =	simm.s32 $0x108;
	s8 =	sld [smem:$0x3FB6]  }
0x2e: {  	s3 =	simm.s32 @!p0 $0x1082;
	s9 =	sld [smem:$0x3FB7]  }
0x2f: {  	lr =	sadd.s32 s0, s3;
	s0 =	sld [smem:$0x3FAE]  }
0x30: {  	s3 =	sld [smem:$0x3FB1]  }
0x31: {  	[smem:$0x3FBA] =	sst s10  }
0x32: {  	s10 =	sld [smem:$0x3FB8];
	_ =	sdelay $0x3  }
0x33: {  	p0 =	seq.s32 s10, $0x1;
	s10 =	sld [smem:$0x3FBA];
	_ =	sdelay $0x3  }
0x34: {  	[smem:$0x3FBA] =	sst s10  }
0x35: {  	s10 =	sld [smem:$0x3FB9];
	_ =	sdelay $0x3  }
0x36: {  	p1 =	seq.s32 s10, $0x1;
	s10 =	sld [smem:$0x3FBA];
	_ =	sdelay $0x3  }
0x37: {  	[smem:$0x3FBA] =	sst s10  }
0x38: {  	s10 =	sld [smem:$0x3FBB]  }
0x39: {  	_ = 	snop;
	(pc) =	sbr.ind lr, $3  }
0x3a: {  	_ = 	snop  }
0x3b: {  	_ = 	snop  }
0x3c: {  	p2 =	seq.s32 s10, $0x1;
	s10 =	sld [smem:$0x3FBA]  }
0x3d: {  	_ =	shalt  }
0x3e: {  	_ =	shalt  }
0x3f: {  	_ =	shalt  }
0x40: {  	_ =	shalt  }
0x41: {  	_ =	shalt  }
0x42: {  	_ =	shalt  }
0x43: {  	_ =	shalt  }
0x44: {  	_ =	shalt  }
0x45: {  	_ =	shalt  }
0x46: {  	_ =	shalt  }
0x47: {  	_ =	shalt  }
0x48: {  	_ =	shalt  }
0x49: {  	_ =	shalt  }
0x4a: {  	_ =	shalt  }
0x4b: {  	_ =	shalt  }
0x4c: {  	_ =	shalt  }
0x4d: {  	_ =	shalt  }
0x4e: {  	_ =	shalt  }
0x4f: {  	_ =	shalt  }
0x50: {  	_ =	shalt  }
0x51: {  	_ =	shalt  }
0x52: {  	_ =	shalt  }
0x53: {  	_ =	shalt  }
0x54: {  	_ =	shalt  }
0x55: {  	_ =	shalt  }
0x56: {  	_ =	shalt  }
0x57: {  	_ =	shalt  }
0x58: {  	_ =	shalt  }
0x59: {  	_ =	shalt  }
0x5a: {  	_ =	shalt  }
0x5b: {  	_ =	shalt  }
0x5c: {  	_ =	shalt  }
0x5d: {  	_ =	shalt  }
0x5e: {  	_ =	shalt  }
0x5f: {  	_ =	shalt  }
0x60: {  	_ =	shalt  }
0x61: {  	_ =	shalt  }
0x62: {  	_ =	shalt  }
0x63: {  	_ =	shalt  }
0x64: {  	_ =	shalt  }
0x65: {  	_ =	shalt  }
0x66: {  	_ =	shalt  }
0x67: {  	_ =	shalt  }
0x68: {  	_ =	shalt  }
0x69: {  	_ =	shalt  }
0x6a: {  	_ =	shalt  }
0x6b: {  	_ =	shalt  }
0x6c: {  	_ =	shalt  }
0x6d: {  	_ =	shalt  }
0x6e: {  	_ =	shalt  }
0x6f: {  	_ =	shalt  }
0x70: {  	_ =	shalt  }
0x71: {  	_ =	shalt  }
0x72: {  	_ =	shalt  }
0x73: {  	_ =	shalt  }
0x74: {  	_ =	shalt  }
0x75: {  	_ =	shalt  }
0x76: {  	_ =	shalt  }
0x77: {  	_ =	shalt  }
0x78: {  	_ =	shalt  }
0x79: {  	_ =	shalt  }
0x7a: {  	_ =	shalt  }
0x7b: {  	_ =	shalt  }
0x7c: {  	_ =	shalt  }
0x7d: {  	_ =	shalt  }
0x7e: {  	_ =	shalt  }
0x7f: {  	_ =	shalt  }
0x80: {  	_ =	shalt  }
0x81: {  	_ =	shalt  }
0x82: {  	_ =	shalt  }
0x83: {  	_ =	shalt  }
0x84: {  	_ =	shalt  }
0x85: {  	_ =	shalt  }
0x86: {  	_ =	shalt  }
0x87: {  	_ =	shalt  }
.Lfunc_end0:
.L_simem_size_0:
called_computation_lowered:
.L_overlay_start_0:
0x88: {  	s2 =	sld [smem:$0x3FD9]  }
0x89: {  	s3 =	sld [smem:$0x3FFE];
	_ =	sdelay $0x1  }
0x8a: {  	s1 =	srdreg.scid  }
0x8b: {  	s0 =	sand.u32 $0x1, s1  }
0x8c: {  	s17 =	sshll.u32 s0, $0xA;
	s2 =	sadd.s32 s3, s2  }
0x8d: {  	s2 =	sadd.s32 s2, s17  }
0x8e: {  	[smem:$0x3FC6] =	sst s2  }
0x8f: {  	_ = 	snop  }
0x90: {  	s2 =	sld [smem:$0x3FD0];
	(tm) =	ssettm $0x1  }
0x91: {  	s18 =	sld [smem:$0x3FFB];
	_ =	sdelay $0x3  }
0x92: {  	_ =	strace s18  }
0x93: {  	s3 =	sld [smem:$0x3FFC];
	_ =	sdelay $0x3  }
0x94: {  	_ =	strace s3  }
0x95: {  	s3 =	sld [smem:$0x3FFD];
	_ =	sdelay $0x3  }
0x96: {  	_ =	strace s3  }
0x97: {  	_ =	strace $0x8FFFFFFF  }
0x98: {  	s19 =	sld [smem:$0x3FDB];
	_ =	sdelay $0x1  }
0x99: {  	s4 =	simm.s32 $_scs_section_size  }
0x9a: {  	s5 =	simm.s32 $_size__tile_overlayer_lowered;
	s6 =	simm.s32 $_tile_overlayer_lowered  }
0x9b: {  	s22 =	simm.s32 $0x1BFF;
	s21 =	sshll.u32 s6, $0x1;
	s3 =	sadd.s32 s4, s19  }
0x9c: {  	s7 =	simm.s32 $0x0;
	s20 =	sshll.u32 s5, $0x1;
	s5 =	sadd.s32 s21, s3  }
0x9d: {  	[timem:s7], [sflag:s22] =	dma.local [hbm:s5], s20  }
0x9e: {  	_ =	swait.ge [sflag:s22], s20  }
0x9f: {  	s4 =	ssub.s32 $0x0, s20;
	[sflag:s22] =	ssyncset.done $0x0  }
0xa0: {  	[sflag:s22] =	ssyncadd.s32 s4;
	_ =	sdelay $0x1  }
0xa1: {  	s23 =	simm.s32 $0x1B8B  }
0xa2: {  	_ =	swait.ge [sflag:s23], $0x1  }
0xa3: {  	[sflag:s23] =	ssyncset.done $0x0  }
0xa4: {  	s25 =	simm.s32 $0x1B8E;
	s24 =	sld [smem:$0x3FFE];
	[sflag:s23] =	ssyncadd.s32 $0xFFFFFFFF  }
0xa5: {  	s26 =	simm.s32 $execute0_lowered;
	[smem:$0x3FD2] =	sst s25  }
0xa6: {  	s5 =	sshll.u32 s26, $0x1;
	_ =	strace $0x80000046;
	[dreg:$0x1] =	wrdreg $0xFFFFFFFF  }
0xa7: {  	s28 =	simm.s32 $_size_execute0_lowered;
	s3 =	sadd.s32 s3, s5;
	[dreg:$0x0] =	wrdreg $0x0  }
0xa8: {  	s5 =	sshll.u32 s28, $0x1;
	[dreg:$0x2] =	wrdreg s3  }
0xa9: {  	[dreg:$0x3] =	wrdreg s5  }
0xaa: {  	[dreg:$0x4] =	wrdreg $0xC0  }
0xab: {  	_ =	task [dreg:s7], $0x5FFFF  }
0xac: {  	[dreg:$0x1] =	wrdreg $0xFFFFFFFF  }
0xad: {  	[dreg:$0x0] =	wrdreg $0x60  }
0xae: {  	[dreg:$0x2] =	wrdreg s24  }
0xaf: {  	[dreg:$0x3] =	wrdreg s2  }
0xb0: {  	[dreg:$0x4] =	wrdreg $0x9  }
0xb1: {  	_ =	task.clear_ibuf [dreg:s7], $0x5FFFF;
	_ =	strace $0x90000046  }
0xb2: {  	s29 =	simm.s32 $0x9;
	_ =	strace $0x80000048  }
0xb3: {  	_ =	swait.ge [sflag:s29], $0x1  }
0xb4: {  	[sflag:s29] =	ssyncadd.s32 $0xFFFFFFFF  }
0xb5: {  	_ =	strace $0x90000048  }
0xb6: {  	_ =	sfence  }
0xb7: {  	s30 =	sld [smem:$0x0];
	_ =	sdelay $0x2  }
0xb8: {  	s31 =	sshll.u32 s1, $0xD;
	s1 =	sshrl.u32 s1, $0x2  }
0xb9: {  	s3 =	sand.u32 $0x4000, s31;
	s1 =	sadd.s32 s1, s30  }
0xba: {  	s0 =	sor.u32 s3, s0;
	s1 =	sshll.u32 s1, $0x11  }
0xbb: {  	s0 =	sor.u32 s1, s0  }
0xbc: {  	s0 =	sadd.s32 $0x8F2B, s0  }
0xbd: {  	[sflag:s0] =	ssyncadd.remote.s32 $0x1  }
0xbe: {  	_ =	sfence.sel $0xFFFF  }
0xbf: {  	[dreg:$0x0] =	wrdreg $0xFFFFFFFF;
	(pc) =	sbr.abs _section_cstart, $3  }
0xc0: {  	[dreg:$0x1] =	wrdreg $0xFFFFFFFF  }
0xc1: {  	_ =	task.clear_ibuf [dreg:s7], $0x2FFFF;
	_ =	strace $0x9FFFFFFF  }
0xc2: {  	(tm) =	ssettm $0x7FFFFFFF  }
0xc3: {  	_ =	shalt  }
tec
execute0_lowered:
.L_overlay_start_1:
0x0: {  	(tag) =	ssettag $0x1  }
0x1: {  	s0 =	rddreg [dreg:$0x0]  }
0x2: {  	s5 =	rddreg [dreg:$0x1];
	s1 =	simm.s32 $0x0  }
0x3: {  	s2 =	srdreg.scid;
	s21 =	stileid.u32;
	s28 =	simm.s32 $0x780  }
0x4: {  	s29 =	simm.s32 $0x400;
	s30 =	simm.s32 $0x800;
	s31 =	simm.s32 $0x480  }
0x5: {  	[smem:$0x7FF] =	sst s1;
	s3 =	sadd.s32 $0x400, s0;
	s7 =	sadd.s32 $0xE00, s0  }
0x6: {  	s4 =	sand.u32 $0x1, s2;
	s9 =	sadd.s32 $0x1200, s0;
	s11 =	sadd.s32 $0x1600, s0  }
0x7: {  	s10 =	sshll.u32 s21, $0x8;
	_ =	strace $0x80000047;
	s6 =	sshll.u32 s4, $0x4  }
0x8: {  	s4 =	ssub.s32 $0x2, s4;
	s10 =	sand.u32 $0x300, s10;
	s6 =	sor.u32 s21, s6  }
0x9: {  	s14 =	sshrl.u32 s4, $0x1;
	s8 =	sshll.u32 s6, $0x8;
	s12 =	sshllo.u32 s6, $0x1  }
0xa: {  	s14 =	ssub.s32 s4, s14;
	s23 =	smul.u32 $0xA0, s6;
	s8 =	sand.u32 $0x1C00, s8  }
0xb: {  	s13 =	sshll.u32 s12, $0x7;
	s15 =	smul.u32 $0x50, s12;
	s12 =	smax.u32 s14, $0x1  }
0xc: {  	s14 =	simm.s32 $0x80;
	s10 =	sor.u32 s10, s8;
	s13 =	sand.u32 $0x380, s13  }
0xd: {  	s24 =	sor.u32 $0x10, s23;
	s25 =	sadd.s32 $0x20, s23;
	s16 =	sadd.s32 $0x30, s23  }
0xe: {  	s17 =	sadd.s32 $0x40, s23;
	s26 =	sshrl.u32 s23, $0x3;
	v0 =	vmov s23;
	s23 =	simm.s32 $0x680  }
0xf: {  	s22 =	sshrl.u32 s10, $0x3;
	s8 =	sor.u32 s8, s13;
	s18 =	sadd.s32 $0x10, s15  }
0x10: {  	v1 =	vlaneseq.u32;
	s20 =	sadd.s32 $0x20, s15;
	s21 =	sadd.s32 $0x30, s15;
	s19 =	sadd.s32 $0x40, s15  }
0x11: {  	v1 =	vmul.u32 $0xFFFFFFFF, v1;
	s6 =	sadd.s32 s7, s26;
	s10 =	sadd.s32 s11, s26;
	s13 =	simm.s32 $0x1  }
0x12: {  	v4 =	vmov s16;
	v5 =	vmov s17;
	v6 =	vmov s15;
	s15 =	simm.s32 $0x50;
	s16 =	simm.s32 $0x100;
	s17 =	simm.s32 $0x500  }
0x13: {  	v2 =	vmov s24;
	v3 =	vmov s25;
	s24 =	simm.s32 $0x300;
	s25 =	simm.s32 $0x700;
	s4 =	sadd.s32 s0, s22  }
0x14: {  	v1 =	vadd.s32 $0x1388, v1;
	s8 =	sshrl.u32 s8, $0x3;
	s22 =	sadd.s32 $0xA, s26;
	v7 =	vmov s18;
	s18 =	simm.s32 $0x180  }
0x15: {  	v8 =	vmov s19;
	s19 =	simm.s32 $0x580;
	v9 =	vmov s20;
	v10 =	vmov s21;
	s20 =	simm.s32 $0x200;
	s21 =	simm.s32 $0x600  }
0x16: {  	vm9 =	vlt.u32 v0, v1;
	[dreg:$0x3] =	wrdreg s4;
	s0 =	sadd.s32 s0, s8;
	s4 =	sadd.s32 s5, s26  }
0x17: {  	vm4 =	vlt.u32 v6, v1;
	vm5 =	vlt.u32 v5, v1;
	vm6 =	vlt.u32 v4, v1;
	s5 =	sadd.s32 s5, s22;
	s7 =	sadd.s32 s7, s22;
	s8 =	sadd.s32 s9, s26  }
0x18: {  	vm7 =	vlt.u32 v3, v1;
	vm8 =	vlt.u32 v2, v1;
	s9 =	sadd.s32 s9, s22;
	s11 =	sadd.s32 s11, s22;
	vm0 =	vlt.u32 v8, v1;
	s22 =	simm.s32 $0x280  }
0x19: {  	vm1 =	vlt.u32 v10, v1;
	vm2 =	vlt.u32 v9, v1;
	vm3 =	vlt.u32 v7, v1;
	s26 =	simm.s32 $0x380;
	[dreg:$0x4] =	wrdreg s0;
	s0 =	simm.s32 $0x880  }
.LBB2_1:
0x1a: {  	s2 =	rddreg [dreg:$0x3]  }
0x1b: {  	[tilespmem:s1], [sflag:$0x1] =	stream.linear.gather [hbm4b:s2+s1], $0x80, $0x38;
	[tilespmem:$0x900] =	vst v63  }
0x1c: {  	_ =	swait.ge [sflag:s13], $0x80  }
0x1d: {  	[sflag:s13] =	ssyncset.done $0x0  }
0x1e: {  	s2 =	rddreg [dreg:$0x4];
	[sflag:s13] =	ssyncadd.s32 $0xFFFFFF80  }
0x1f: {  	[tilespmem:s14], [sflag:$0x1] =	stream.linear.gather [hbm4b:s2+s1], $0x80, $0x38;
	[tilespmem:$0x900] =	vst v63  }
0x20: {  	_ =	swait.ge [sflag:s13], $0x80  }
0x21: {  	[sflag:s13] =	ssyncset.done $0x0  }
0x22: {  	[sflag:s13] =	ssyncadd.s32 $0xFFFFFF80  }
0x23: {  	v0 =	vld [tilespmem:$0x0]  }
0x24: {  	v1 =	vld [tilespmem:$0x10]  }
0x25: {  	v18 =	vld [tilespmem:$0x20]  }
0x26: {  	v21 =	vld [tilespmem:$0x30]  }
0x27: {  	v24 =	vld [tilespmem:$0x40]  }
0x28: {  	v27 =	vld [tilespmem:$0x80];
	v0 =	vshll.u32 v0, $0x2  }
0x29: {  	v30 =	vld [tilespmem:$0x90];
	v19 =	vshll.u32 v1, $0x2;
	[tilespmem:$0x100] =	vst v0  }
0x2a: {  	v33 =	vld [tilespmem:$0xA0];
	v22 =	vshll.u32 v18, $0x2;
	[tilespmem:$0x110] =	vst v19  }
0x2b: {  	v36 =	vld [tilespmem:$0xB0];
	v25 =	vshll.u32 v21, $0x2;
	[tilespmem:$0x120] =	vst v22  }
0x2c: {  	v39 =	vld [tilespmem:$0xC0];
	v28 =	vshll.u32 v24, $0x2;
	[tilespmem:$0x130] =	vst v25  }
0x2d: {  	v31 =	vshll.u32 v27, $0x2;
	[tilespmem:$0x140] =	vst v28  }
0x2e: {  	v34 =	vshll.u32 v30, $0x2;
	[tilespmem:$0x180] =	vst v31  }
0x2f: {  	v37 =	vshll.u32 v33, $0x2;
	[tilespmem:$0x190] =	vst v34  }
0x30: {  	v40 =	vshll.u32 v36, $0x2;
	[tilespmem:$0x1A0] =	vst v37  }
0x31: {  	v42 =	vshll.u32 v39, $0x2;
	[tilespmem:$0x1B0] =	vst v40  }
0x32: {  	v2 =	vor.u32 $0x1, v0;
	[tilespmem:$0x1C0] =	vst v42  }
0x33: {  	v17 =	vor.u32 $0x2, v0;
	[tilespmem:$0x200] =	vst v2  }
0x34: {  	v0 =	vor.u32 $0x3, v0;
	[tilespmem:$0x300] =	vst v17  }
0x35: {  	v1 =	vor.u32 $0x1, v19;
	[tilespmem:$0x400] =	vst v0  }
0x36: {  	v20 =	vor.u32 $0x2, v19;
	[tilespmem:$0x210] =	vst v1  }
0x37: {  	v23 =	vor.u32 $0x2, v22;
	[tilespmem:$0x310] =	vst v20  }
0x38: {  	v26 =	vor.u32 $0x2, v25;
	[tilespmem:$0x320] =	vst v23  }
0x39: {  	v29 =	vor.u32 $0x2, v28;
	[tilespmem:$0x330] =	vst v26  }
0x3a: {  	v32 =	vor.u32 $0x2, v31;
	[tilespmem:$0x340] =	vst v29  }
0x3b: {  	v35 =	vor.u32 $0x2, v34;
	[tilespmem:$0x380] =	vst v32  }
0x3c: {  	v38 =	vor.u32 $0x2, v37;
	[tilespmem:$0x390] =	vst v35  }
0x3d: {  	v41 =	vor.u32 $0x2, v40;
	[tilespmem:$0x3A0] =	vst v38  }
0x3e: {  	v43 =	vor.u32 $0x2, v42;
	[tilespmem:$0x3B0] =	vst v41  }
0x3f: {  	v0 =	vor.u32 $0x3, v19;
	[tilespmem:$0x3C0] =	vst v43  }
0x40: {  	v2 =	vor.u32 $0x1, v22;
	[tilespmem:$0x410] =	vst v0  }
0x41: {  	v1 =	vor.u32 $0x1, v25;
	[tilespmem:$0x220] =	vst v2  }
0x42: {  	v0 =	vor.u32 $0x3, v22;
	[tilespmem:$0x230] =	vst v1  }
0x43: {  	v2 =	vor.u32 $0x1, v28;
	[tilespmem:$0x420] =	vst v0  }
0x44: {  	v1 =	vor.u32 $0x1, v31;
	[tilespmem:$0x240] =	vst v2  }
0x45: {  	v0 =	vor.u32 $0x3, v25;
	[tilespmem:$0x280] =	vst v1  }
0x46: {  	v2 =	vor.u32 $0x1, v34;
	[tilespmem:$0x430] =	vst v0  }
0x47: {  	v1 =	vor.u32 $0x1, v37;
	[tilespmem:$0x290] =	vst v2  }
0x48: {  	v0 =	vor.u32 $0x3, v28;
	[tilespmem:$0x2A0] =	vst v1  }
0x49: {  	v2 =	vor.u32 $0x1, v40;
	[tilespmem:$0x440] =	vst v0  }
0x4a: {  	v1 =	vor.u32 $0x1, v42;
	[tilespmem:$0x2B0] =	vst v2  }
0x4b: {  	v0 =	vor.u32 $0x3, v31;
	[tilespmem:$0x2C0] =	vst v1  }
0x4c: {  	[tilespmem:$0x480] =	vst v0;
	v0 =	vor.u32 $0x3, v34  }
0x4d: {  	[tilespmem:$0x490] =	vst v0;
	v0 =	vor.u32 $0x3, v37  }
0x4e: {  	[tilespmem:$0x4A0] =	vst v0;
	v0 =	vor.u32 $0x3, v40  }
0x4f: {  	[tilespmem:$0x4B0] =	vst v0;
	v0 =	vor.u32 $0x3, v42  }
0x50: {  	[tilespmem:$0x4C0] =	vst v0  }
0x51: {  	[tilespmem:s17], [sflag:$0x1] =	stream.indirect.gather [hbm4b:s3+s15], $0x1, s16, s15, $0xb8;
	[tilespmem:$0x900] =	vst v63  }
0x52: {  	_ =	swait.ge [sflag:s13], $0x50  }
0x53: {  	[sflag:s13] =	ssyncset.done $0x0  }
0x54: {  	[sflag:s13] =	ssyncadd.s32 $0xFFFFFFB0  }
0x55: {  	[tilespmem:s19], [sflag:$0x1] =	stream.indirect.gather [hbm4b:s3+s15], $0x1, s18, s15, $0xb8;
	[tilespmem:$0x900] =	vst v63  }
0x56: {  	_ =	swait.ge [sflag:s13], $0x50  }
0x57: {  	[sflag:s13] =	ssyncset.done $0x0  }
0x58: {  	[sflag:s13] =	ssyncadd.s32 $0xFFFFFFB0  }
0x59: {  	[tilespmem:s21], [sflag:$0x1] =	stream.indirect.gather [hbm4b:s3+s15], $0x1, s20, s15, $0xb8;
	[tilespmem:$0x900] =	vst v63  }
0x5a: {  	_ =	swait.ge [sflag:s13], $0x50  }
0x5b: {  	[sflag:s13] =	ssyncset.done $0x0  }
0x5c: {  	[sflag:s13] =	ssyncadd.s32 $0xFFFFFFB0  }
0x5d: {  	[tilespmem:s23], [sflag:$0x1] =	stream.indirect.gather [hbm4b:s3+s15], $0x1, s22, s15, $0xb8;
	[tilespmem:$0x900] =	vst v63  }
0x5e: {  	_ =	swait.ge [sflag:s13], $0x50  }
0x5f: {  	[sflag:s13] =	ssyncset.done $0x0  }
0x60: {  	[sflag:s13] =	ssyncadd.s32 $0xFFFFFFB0  }
0x61: {  	[tilespmem:s25], [sflag:$0x1] =	stream.indirect.gather [hbm4b:s3+s15], $0x1, s24, s15, $0xb8;
	[tilespmem:$0x900] =	vst v63  }
0x62: {  	_ =	swait.ge [sflag:s13], $0x50  }
0x63: {  	[sflag:s13] =	ssyncset.done $0x0  }
0x64: {  	[sflag:s13] =	ssyncadd.s32 $0xFFFFFFB0  }
0x65: {  	[tilespmem:s28], [sflag:$0x1] =	stream.indirect.gather [hbm4b:s3+s15], $0x1, s26, s15, $0xb8;
	[tilespmem:$0x900] =	vst v63  }
0x66: {  	_ =	swait.ge [sflag:s13], $0x50  }
0x67: {  	[sflag:s13] =	ssyncset.done $0x0  }
0x68: {  	[sflag:s13] =	ssyncadd.s32 $0xFFFFFFB0  }
0x69: {  	[tilespmem:s30], [sflag:$0x1] =	stream.indirect.gather [hbm4b:s3+s15], $0x1, s29, s15, $0xb8;
	[tilespmem:$0x900] =	vst v63  }
0x6a: {  	_ =	swait.ge [sflag:s13], $0x50  }
0x6b: {  	[sflag:s13] =	ssyncset.done $0x0  }
0x6c: {  	[sflag:s13] =	ssyncadd.s32 $0xFFFFFFB0  }
0x6d: {  	[tilespmem:s0], [sflag:$0x1] =	stream.indirect.gather [hbm4b:s3+s15], $0x1, s31, s15, $0xb8;
	[tilespmem:$0x900] =	vst v63  }
0x6e: {  	_ =	swait.ge [sflag:s13], $0x50  }
0x6f: {  	[sflag:s13] =	ssyncset.done $0x0  }
0x70: {  	[sflag:s13] =	ssyncadd.s32 $0xFFFFFFB0  }
0x71: {  	v44 =	vld [tilespmem:$0x500]  }
0x72: {  	v45 =	vld [tilespmem:$0x600]  }
0x73: {  	v46 =	vld [tilespmem:$0x700]  }
0x74: {  	v3 =	vld [tilespmem:$0x800]  }
0x75: {  	v4 =	vld [tilespmem:$0x510]  }
0x76: {  	v5 =	vld [tilespmem:$0x610];
	v0 =	vnsel vm9, $0x0, v44  }
0x77: {  	v48 =	vld [tilespmem:$0x710];
	v47 =	vnsel vm9, $0x0, v45;
	[tilespmem:$0x500] =	vst v0  }
0x78: {  	v50 =	vld [tilespmem:$0x810];
	v49 =	vnsel vm9, $0x0, v46;
	[tilespmem:$0x600] =	vst v47  }
0x79: {  	v52 =	vld [tilespmem:$0x520];
	v51 =	vnsel vm9, $0x0, v3;
	[tilespmem:$0x700] =	vst v49  }
0x7a: {  	v54 =	vld [tilespmem:$0x620];
	v53 =	vnsel vm8, $0x0, v4;
	[tilespmem:$0x800] =	vst v51  }
0x7b: {  	v56 =	vld [tilespmem:$0x720];
	v55 =	vnsel vm8, $0x0, v5;
	[tilespmem:$0x510] =	vst v53  }
0x7c: {  	v58 =	vld [tilespmem:$0x820];
	v57 =	vnsel vm8, $0x0, v48;
	[tilespmem:$0x610] =	vst v55  }
0x7d: {  	v60 =	vld [tilespmem:$0x530];
	v59 =	vnsel vm8, $0x0, v50;
	[tilespmem:$0x710] =	vst v57  }
0x7e: {  	v62 =	vld [tilespmem:$0x630];
	v61 =	vnsel vm7, $0x0, v52;
	[tilespmem:$0x810] =	vst v59  }
0x7f: {  	v8 =	vld [tilespmem:$0x730];
	v63 =	vnsel vm7, $0x0, v54;
	[tilespmem:$0x520] =	vst v61  }
0x80: {  	v10 =	vld [tilespmem:$0x830];
	v9 =	vnsel vm7, $0x0, v56;
	[tilespmem:$0x620] =	vst v63  }
0x81: {  	v12 =	vld [tilespmem:$0x540];
	v11 =	vnsel vm7, $0x0, v58;
	[tilespmem:$0x720] =	vst v9  }
0x82: {  	v14 =	vld [tilespmem:$0x640];
	v13 =	vnsel vm6, $0x0, v60;
	[tilespmem:$0x820] =	vst v11  }
0x83: {  	v16 =	vld [tilespmem:$0x740];
	v15 =	vnsel vm6, $0x0, v62;
	[tilespmem:$0x530] =	vst v13  }
0x84: {  	v18 =	vld [tilespmem:$0x840];
	v17 =	vnsel vm6, $0x0, v8;
	[tilespmem:$0x630] =	vst v15  }
0x85: {  	v20 =	vld [tilespmem:$0x580];
	v19 =	vnsel vm6, $0x0, v10;
	[tilespmem:$0x730] =	vst v17  }
0x86: {  	v22 =	vld [tilespmem:$0x680];
	v21 =	vnsel vm5, $0x0, v12;
	[tilespmem:$0x830] =	vst v19  }
0x87: {  	v24 =	vld [tilespmem:$0x780];
	v23 =	vnsel vm5, $0x0, v14;
	[tilespmem:$0x540] =	vst v21  }
0x88: {  	v26 =	vld [tilespmem:$0x880];
	v25 =	vnsel vm5, $0x0, v16;
	[tilespmem:$0x640] =	vst v23  }
0x89: {  	v28 =	vld [tilespmem:$0x590];
	v27 =	vnsel vm5, $0x0, v18;
	[tilespmem:$0x740] =	vst v25  }
0x8a: {  	v30 =	vld [tilespmem:$0x690];
	v29 =	vnsel vm4, $0x0, v20;
	[tilespmem:$0x840] =	vst v27  }
0x8b: {  	v32 =	vld [tilespmem:$0x790];
	v31 =	vnsel vm4, $0x0, v22;
	[tilespmem:$0x580] =	vst v29  }
0x8c: {  	v34 =	vld [tilespmem:$0x890];
	v33 =	vnsel vm4, $0x0, v24;
	[tilespmem:$0x680] =	vst v31  }
0x8d: {  	v36 =	vld [tilespmem:$0x5A0];
	v35 =	vnsel vm4, $0x0, v26;
	[tilespmem:$0x780] =	vst v33  }
0x8e: {  	v38 =	vld [tilespmem:$0x6A0];
	v37 =	vnsel vm3, $0x0, v28;
	[tilespmem:$0x880] =	vst v35  }
0x8f: {  	v40 =	vld [tilespmem:$0x7A0];
	v39 =	vnsel vm3, $0x0, v30;
	[tilespmem:$0x590] =	vst v37  }
0x90: {  	v42 =	vld [tilespmem:$0x8A0];
	v41 =	vnsel vm3, $0x0, v32;
	[tilespmem:$0x690] =	vst v39  }
0x91: {  	v43 =	vnsel vm3, $0x0, v34;
	v44 =	vld [tilespmem:$0x5B0];
	[tilespmem:$0x790] =	vst v41  }
0x92: {  	v45 =	vnsel vm2, $0x0, v36;
	v46 =	vld [tilespmem:$0x6B0];
	[tilespmem:$0x890] =	vst v43  }
0x93: {  	v48 =	vld [tilespmem:$0x7B0];
	[tilespmem:$0x5A0] =	vst v45;
	v47 =	vnsel vm2, $0x0, v38  }
0x94: {  	v50 =	vld [tilespmem:$0x8B0];
	v49 =	vnsel vm2, $0x0, v40;
	[tilespmem:$0x6A0] =	vst v47  }
0x95: {  	v52 =	vld [tilespmem:$0x5C0];
	v51 =	vnsel vm2, $0x0, v42;
	[tilespmem:$0x7A0] =	vst v49  }
0x96: {  	v54 =	vld [tilespmem:$0x6C0];
	[tilespmem:$0x8A0] =	vst v51;
	v53 =	vnsel vm1, $0x0, v44  }
0x97: {  	v56 =	vld [tilespmem:$0x7C0];
	v55 =	vnsel vm1, $0x0, v46;
	[tilespmem:$0x5B0] =	vst v53  }
0x98: {  	v58 =	vld [tilespmem:$0x8C0];
	v57 =	vnsel vm1, $0x0, v48;
	[tilespmem:$0x6B0] =	vst v55  }
0x99: {  	v59 =	vnsel vm1, $0x0, v50;
	[tilespmem:$0x7B0] =	vst v57  }
0x9a: {  	v60 =	vnsel vm0, $0x0, v52;
	[tilespmem:$0x8B0] =	vst v59  }
0x9b: {  	v61 =	vnsel vm0, $0x0, v54;
	[tilespmem:$0x5C0] =	vst v60  }
0x9c: {  	v62 =	vnsel vm0, $0x0, v56;
	[tilespmem:$0x6C0] =	vst v61  }
0x9d: {  	v63 =	vnsel vm0, $0x0, v58;
	[tilespmem:$0x7C0] =	vst v62  }
0x9e: {  	[tilespmem:$0x8C0] =	vst v63  }
0x9f: {  	[hbm4b:s4+s1] =	stream.linear.scatter [tilespmem:s17], [sflag:$0x1], $0x50, $0x38;
	[tilespmem:$0x900] =	vst v63  }
0xa0: {  	_ =	swait.ge [sflag:s13], $0x50  }
0xa1: {  	[sflag:s13] =	ssyncset.done $0x0  }
0xa2: {  	[sflag:s13] =	ssyncadd.s32 $0xFFFFFFB0  }
0xa3: {  	[hbm4b:s5+s1] =	stream.linear.scatter [tilespmem:s19], [sflag:$0x1], $0x50, $0x38;
	[tilespmem:$0x900] =	vst v63  }
0xa4: {  	_ =	swait.ge [sflag:s13], $0x50  }
0xa5: {  	[sflag:s13] =	ssyncset.done $0x0  }
0xa6: {  	[sflag:s13] =	ssyncadd.s32 $0xFFFFFFB0  }
0xa7: {  	[hbm4b:s6+s1] =	stream.linear.scatter [tilespmem:s21], [sflag:$0x1], $0x50, $0x38;
	[tilespmem:$0x900] =	vst v63  }
0xa8: {  	_ =	swait.ge [sflag:s13], $0x50  }
0xa9: {  	[sflag:s13] =	ssyncset.done $0x0  }
0xaa: {  	[sflag:s13] =	ssyncadd.s32 $0xFFFFFFB0  }
0xab: {  	[hbm4b:s7+s1] =	stream.linear.scatter [tilespmem:s23], [sflag:$0x1], $0x50, $0x38;
	[tilespmem:$0x900] =	vst v63  }
0xac: {  	_ =	swait.ge [sflag:s13], $0x50  }
0xad: {  	[sflag:s13] =	ssyncset.done $0x0  }
0xae: {  	[sflag:s13] =	ssyncadd.s32 $0xFFFFFFB0  }
0xaf: {  	[hbm4b:s8+s1] =	stream.linear.scatter [tilespmem:s25], [sflag:$0x1], $0x50, $0x38;
	[tilespmem:$0x900] =	vst v63  }
0xb0: {  	_ =	swait.ge [sflag:s13], $0x50  }
0xb1: {  	[sflag:s13] =	ssyncset.done $0x0  }
0xb2: {  	[sflag:s13] =	ssyncadd.s32 $0xFFFFFFB0  }
0xb3: {  	[hbm4b:s9+s1] =	stream.linear.scatter [tilespmem:s28], [sflag:$0x1], $0x50, $0x38;
	[tilespmem:$0x900] =	vst v63  }
0xb4: {  	_ =	swait.ge [sflag:s13], $0x50  }
0xb5: {  	[sflag:s13] =	ssyncset.done $0x0  }
0xb6: {  	[sflag:s13] =	ssyncadd.s32 $0xFFFFFFB0  }
0xb7: {  	[hbm4b:s10+s1] =	stream.linear.scatter [tilespmem:s30], [sflag:$0x1], $0x50, $0x38;
	[tilespmem:$0x900] =	vst v63  }
0xb8: {  	_ =	swait.ge [sflag:s13], $0x50  }
0xb9: {  	p0 =	sne.s32 s12, $0x1;
	[sflag:s13] =	ssyncset.done $0x0  }
.Ltmp0:
0xba: {  	[sflag:s13] =	ssyncadd.s32 $0xFFFFFFB0;
	(pc) =	sbr.rel @p0 .LBB2_1-.Ltmp0, $4  }
0xbb: {  	[hbm4b:s11+s1] =	stream.linear.scatter [tilespmem:s0], [sflag:$0x1], $0x50, $0x38;
	[tilespmem:$0x900] =	vst v63  }
0xbc: {  	_ =	swait.ge [sflag:s13], $0x50  }
0xbd: {  	[sflag:s13] =	ssyncset.done $0x0  }
0xbe: {  	s12 =	sadd.s32 $0xFFFFFFFF, s12;
	[sflag:s13] =	ssyncadd.s32 $0xFFFFFFB0  }
0xbf: {  	_ =	sfence.sel $0x180000  }
0xc0: {  	[bflag:$0x0] =	sbarrier.arrive $0xFFFF  }
0xc1: {  	_ =	strace $0x90000047  }
0xc2: {  	s0 =	stileid.u32;
	[bflag:$0x2] =	sbarrier.arrive $0xFFFF  }
0xc3: {  	p0 =	sne.s32 s0, $0x0;
	s0 =	rddreg [dreg:$0x2]  }
0xc4: {  	s0 =	sadd.s32 @!p0 $0x100000, s0  }
0xc5: {  	[sflag:s0] =	ssyncadd.tile.s32 @!p0 $0x1;
	_ =	shalt  }
.Lfunc_end2:
_tile_overlayer_lowered:
.L_overlay_start_2:
0xc6: {  	(tag) =	ssettag $0x2  }
0xc7: {  	s0 =	rddreg [dreg:$0x0];
	s2 =	stileid.u32  }
0xc8: {  	s1 =	rddreg [dreg:$0x1];
	p0 =	sne.s32 s2, $0x0  }
0xc9: {  	s3 =	rddreg [dreg:$0x2];
	[bflag:$0x3] =	sbarrier.arrive $0xFFFF;
	s2 =	simm.s32 @!p0 $0x1C02  }
0xca: {  	[timem:s3], [sflag:s2] =	dma.local @!p0 [hbm:s0], s1  }
0xcb: {  	s0 =	simm.s32 @!p0 $0x2  }
0xcc: {  	_ =	swait.ge @!p0 [sflag:s0], s1  }
0xcd: {  	s1 =	ssub.s32 @!p0 $0x0, s1;
	[sflag:s0] =	ssyncset.done @!p0 $0x0  }
0xce: {  	[sflag:s0] =	ssyncadd.s32 @!p0 s1  }
0xcf: {  	[bflag:$0x3] =	sbarrier.arrive $0xFFFF  }
0xd0: {  	_ =	shalt  }

// kernel: kernel.8.cloned.1.call-start
scs
__scs_entry_jumppad:
0x0: {  	(pc) =	sbr.rel $0x88, $3  }
0x1: {  	(tag) =	ssettag $0x0;
	lr =	simm.s32 $0x1  }
0x2: {  	[smem:$0x3F9F] =	sst lr;
	_ =	strace $0xD0000000  }
0x3: {  	_ = 	snop  }
0x4: {  	_ = 	snop  }
0x5: {  	_ = 	snop  }
0x6: {  	_ = 	snop  }
0x7: {  	_ = 	snop  }
__scs_overlays_trampoline_lowered:
0x8: {  	[smem:$0x3FAE] =	sst s0  }
0x9: {  	[smem:$0x3FAF] =	sst s1  }
0xa: {  	[smem:$0x3FB0] =	sst s2  }
0xb: {  	[smem:$0x3FB1] =	sst s3  }
0xc: {  	[smem:$0x3FB2] =	sst s4  }
0xd: {  	[smem:$0x3FB3] =	sst s5  }
0xe: {  	[smem:$0x3FB4] =	sst s6  }
0xf: {  	[smem:$0x3FB5] =	sst s7  }
0x10: {  	[smem:$0x3FB6] =	sst s8  }
0x11: {  	[smem:$0x3FB7] =	sst s9;
	s0 =	simm.s32 @!p0 $0x0  }
0x12: {  	s1 =	sld [smem:$0x3F9D];
	s0 =	simm.s32 @p0 $0x1  }
0x13: {  	[smem:$0x3FB8] =	sst s0;
	s0 =	simm.s32 @!p1 $0x0  }
0x14: {  	s2 =	sld [smem:$0x3F9C];
	s0 =	simm.s32 @p1 $0x1  }
0x15: {  	[smem:$0x3FB9] =	sst s0;
	s0 =	simm.s32 @!p2 $0x0  }
0x16: {  	s3 =	sld [smem:$0x3FDB];
	s0 =	simm.s32 @p2 $0x1  }
0x17: {  	s4 =	simm.s32 $0x1BF5;
	[smem:$0x3FBB] =	sst s0  }
0x18: {  	s0 =	sld [smem:$0x3F9E];
	_ =	swait.ge [sflag:s4], $0x0  }
0x19: {  	s7 =	sld [smem:$0x3F9F]  }
0x1a: {  	s8 =	sadd.s32 $0xFFFFE003, lr  }
0x1b: {  	s9 =	sadd.s32 $0xFFFFFEF7, lr;
	s5 =	simm.s32 $0xFFFFFFFF;
	p2 =	slt.u32 s8, $0xFFFFF086  }
0x1c: {  	p1 =	slt.u32 s9, $0xF7A;
	s5 =	simm.s32 @!p2 $0x0  }
0x1d: {  	s5 =	simm.s32 @p1 $0x1;
	p0 =	seq.s32 s7, s2  }
0x1e: {  	s7 =	smul.u32 @!p0 $0xF7A, s2;
	p2 =	seq.s32 @!p0 s5, $0x0  }
0x1f: {  	s9 =	smul.u32 $0xF7A, s1;
	s8 =	simm.s32 @!p0 $0x1BF5;
	p2 =	por !p2, p0  }
0x20: {  	[sflag:s8] =	ssyncset.s32 @!p0 $0xFFFFF086;
	s6 =	sadd.s32 @!p0 s3, s7;
	s7 =	simm.s32 @!p0 $0x108  }
0x21: {  	s3 =	sadd.s32 s3, s9;
	s6 =	sadd.s32 @!p0 $0x88, s6;
	s7 =	simm.s32 @p2 $0x1082  }
0x22: {  	[simem:s7], [sflag:s8] =	dma.local @!p0 [hbm:s6], $0xF7A  }
0x23: {  	s9 =	sor.u32 $0xD0000000, s2;
	s6 =	simm.s32 $0x108;
	_ =	swait.ge @!p0 [sflag:s8], $0x0  }
0x24: {  	s3 =	sadd.s32 $0x88, s3;
	s6 =	simm.s32 @!p1 $0x1082;
	[sflag:s4] =	ssyncset.s32 $0xFFFFF086  }
0x25: {  	[simem:s6], [sflag:s4] =	dma.local [hbm:s3], $0xF7A  }
0x26: {  	[smem:$0x3F9F] =	sst s1;
	(tag) =	ssettag s2;
	_ =	strace s9  }
0x27: {  	s1 =	sld [smem:$0x3FAF]  }
0x28: {  	s2 =	sld [smem:$0x3FB0]  }
0x29: {  	s4 =	sld [smem:$0x3FB2]  }
0x2a: {  	p0 =	seq.s32 s5, $0x0;
	s5 =	sld [smem:$0x3FB3]  }
0x2b: {  	s6 =	sld [smem:$0x3FB4]  }
0x2c: {  	s7 =	sld [smem:$0x3FB5]  }
0x2d: {  	s3 =	simm.s32 $0x108;
	s8 =	sld [smem:$0x3FB6]  }
0x2e: {  	s3 =	simm.s32 @!p0 $0x1082;
	s9 =	sld [smem:$0x3FB7]  }
0x2f: {  	lr =	sadd.s32 s0, s3;
	s0 =	sld [smem:$0x3FAE]  }
0x30: {  	s3 =	sld [smem:$0x3FB1]  }
0x31: {  	[smem:$0x3FBA] =	sst s10  }
0x32: {  	s10 =	sld [smem:$0x3FB8];
	_ =	sdelay $0x3  }
0x33: {  	p0 =	seq.s32 s10, $0x1;
	s10 =	sld [smem:$0x3FBA];
	_ =	sdelay $0x3  }
0x34: {  	[smem:$0x3FBA] =	sst s10  }
0x35: {  	s10 =	sld [smem:$0x3FB9];
	_ =	sdelay $0x3  }
0x36: {  	p1 =	seq.s32 s10, $0x1;
	s10 =	sld [smem:$0x3FBA];
	_ =	sdelay $0x3  }
0x37: {  	[smem:$0x3FBA] =	sst s10  }
0x38: {  	s10 =	sld [smem:$0x3FBB]  }
0x39: {  	_ = 	snop;
	(pc) =	sbr.ind lr, $3  }
0x3a: {  	_ = 	snop  }
0x3b: {  	_ = 	snop  }
0x3c: {  	p2 =	seq.s32 s10, $0x1;
	s10 =	sld [smem:$0x3FBA]  }
0x3d: {  	_ =	shalt  }
0x3e: {  	_ =	shalt  }
0x3f: {  	_ =	shalt  }
0x40: {  	_ =	shalt  }
0x41: {  	_ =	shalt  }
0x42: {  	_ =	shalt  }
0x43: {  	_ =	shalt  }
0x44: {  	_ =	shalt  }
0x45: {  	_ =	shalt  }
0x46: {  	_ =	shalt  }
0x47: {  	_ =	shalt  }
0x48: {  	_ =	shalt  }
0x49: {  	_ =	shalt  }
0x4a: {  	_ =	shalt  }
0x4b: {  	_ =	shalt  }
0x4c: {  	_ =	shalt  }
0x4d: {  	_ =	shalt  }
0x4e: {  	_ =	shalt  }
0x4f: {  	_ =	shalt  }
0x50: {  	_ =	shalt  }
0x51: {  	_ =	shalt  }
0x52: {  	_ =	shalt  }
0x53: {  	_ =	shalt  }
0x54: {  	_ =	shalt  }
0x55: {  	_ =	shalt  }
0x56: {  	_ =	shalt  }
0x57: {  	_ =	shalt  }
0x58: {  	_ =	shalt  }
0x59: {  	_ =	shalt  }
0x5a: {  	_ =	shalt  }
0x5b: {  	_ =	shalt  }
0x5c: {  	_ =	shalt  }
0x5d: {  	_ =	shalt  }
0x5e: {  	_ =	shalt  }
0x5f: {  	_ =	shalt  }
0x60: {  	_ =	shalt  }
0x61: {  	_ =	shalt  }
0x62: {  	_ =	shalt  }
0x63: {  	_ =	shalt  }
0x64: {  	_ =	shalt  }
0x65: {  	_ =	shalt  }
0x66: {  	_ =	shalt  }
0x67: {  	_ =	shalt  }
0x68: {  	_ =	shalt  }
0x69: {  	_ =	shalt  }
0x6a: {  	_ =	shalt  }
0x6b: {  	_ =	shalt  }
0x6c: {  	_ =	shalt  }
0x6d: {  	_ =	shalt  }
0x6e: {  	_ =	shalt  }
0x6f: {  	_ =	shalt  }
0x70: {  	_ =	shalt  }
0x71: {  	_ =	shalt  }
0x72: {  	_ =	shalt  }
0x73: {  	_ =	shalt  }
0x74: {  	_ =	shalt  }
0x75: {  	_ =	shalt  }
0x76: {  	_ =	shalt  }
0x77: {  	_ =	shalt  }
0x78: {  	_ =	shalt  }
0x79: {  	_ =	shalt  }
0x7a: {  	_ =	shalt  }
0x7b: {  	_ =	shalt  }
0x7c: {  	_ =	shalt  }
0x7d: {  	_ =	shalt  }
0x7e: {  	_ =	shalt  }
0x7f: {  	_ =	shalt  }
0x80: {  	_ =	shalt  }
0x81: {  	_ =	shalt  }
0x82: {  	_ =	shalt  }
0x83: {  	_ =	shalt  }
0x84: {  	_ =	shalt  }
0x85: {  	_ =	shalt  }
0x86: {  	_ =	shalt  }
0x87: {  	_ =	shalt  }
.Lfunc_end0:
.L_simem_size_0:
called_computation.1_lowered:
.L_overlay_start_0:
0x88: {  	s2 =	sld [smem:$0x3FD9]  }
0x89: {  	s3 =	sld [smem:$0x3FFE];
	_ =	sdelay $0x1  }
0x8a: {  	s1 =	srdreg.scid  }
0x8b: {  	s0 =	sand.u32 $0x1, s1  }
0x8c: {  	s17 =	sshll.u32 s0, $0xA;
	s2 =	sadd.s32 s3, s2  }
0x8d: {  	s2 =	sadd.s32 s2, s17  }
0x8e: {  	[smem:$0x3FC6] =	sst s2  }
0x8f: {  	_ = 	snop  }
0x90: {  	s2 =	sld [smem:$0x3FD0];
	(tm) =	ssettm $0x1  }
0x91: {  	s18 =	sld [smem:$0x3FFB];
	_ =	sdelay $0x3  }
0x92: {  	_ =	strace s18  }
0x93: {  	s3 =	sld [smem:$0x3FFC];
	_ =	sdelay $0x3  }
0x94: {  	_ =	strace s3  }
0x95: {  	s3 =	sld [smem:$0x3FFD];
	_ =	sdelay $0x3  }
0x96: {  	_ =	strace s3  }
0x97: {  	_ =	strace $0x8FFFFFFF  }
0x98: {  	s19 =	sld [smem:$0x3FDB];
	_ =	sdelay $0x1  }
0x99: {  	s4 =	simm.s32 $_scs_section_size  }
0x9a: {  	s5 =	simm.s32 $_size__tile_overlayer_lowered;
	s6 =	simm.s32 $_tile_overlayer_lowered  }
0x9b: {  	s22 =	simm.s32 $0x1BFF;
	s21 =	sshll.u32 s6, $0x1;
	s3 =	sadd.s32 s4, s19  }
0x9c: {  	s7 =	simm.s32 $0x0;
	s20 =	sshll.u32 s5, $0x1;
	s5 =	sadd.s32 s21, s3  }
0x9d: {  	[timem:s7], [sflag:s22] =	dma.local [hbm:s5], s20  }
0x9e: {  	_ =	swait.ge [sflag:s22], s20  }
0x9f: {  	s4 =	ssub.s32 $0x0, s20;
	[sflag:s22] =	ssyncset.done $0x0  }
0xa0: {  	[sflag:s22] =	ssyncadd.s32 s4;
	_ =	sdelay $0x1  }
0xa1: {  	s23 =	simm.s32 $0x1B8B  }
0xa2: {  	_ =	swait.ge [sflag:s23], $0x1  }
0xa3: {  	[sflag:s23] =	ssyncset.done $0x0  }
0xa4: {  	s25 =	simm.s32 $0x1B8E;
	s24 =	sld [smem:$0x3FFE];
	[sflag:s23] =	ssyncadd.s32 $0xFFFFFFFF  }
0xa5: {  	s26 =	simm.s32 $execute0_lowered;
	[smem:$0x3FD2] =	sst s25  }
0xa6: {  	s5 =	sshll.u32 s26, $0x1;
	_ =	strace $0x80000049;
	[dreg:$0x1] =	wrdreg $0xFFFFFFFF  }
0xa7: {  	s28 =	simm.s32 $_size_execute0_lowered;
	s3 =	sadd.s32 s3, s5;
	[dreg:$0x0] =	wrdreg $0x0  }
0xa8: {  	s5 =	sshll.u32 s28, $0x1;
	[dreg:$0x2] =	wrdreg s3  }
0xa9: {  	[dreg:$0x3] =	wrdreg s5  }
0xaa: {  	[dreg:$0x4] =	wrdreg $0xC0  }
0xab: {  	_ =	task [dreg:s7], $0x5FFFF  }
0xac: {  	[dreg:$0x1] =	wrdreg $0xFFFFFFFF  }
0xad: {  	[dreg:$0x0] =	wrdreg $0x60  }
0xae: {  	[dreg:$0x2] =	wrdreg s24  }
0xaf: {  	[dreg:$0x3] =	wrdreg s2  }
0xb0: {  	[dreg:$0x4] =	wrdreg $0x0  }
0xb1: {  	[dreg:$0x5] =	wrdreg $0x9  }
0xb2: {  	_ =	task.clear_ibuf [dreg:s7], $0x6FFFF;
	_ =	strace $0x90000049  }
0xb3: {  	s29 =	simm.s32 $0x9;
	_ =	strace $0x8000004B  }
0xb4: {  	_ =	swait.ge [sflag:s29], $0x1  }
0xb5: {  	[sflag:s29] =	ssyncadd.s32 $0xFFFFFFFF  }
0xb6: {  	_ =	strace $0x9000004B  }
0xb7: {  	_ =	sfence  }
0xb8: {  	s30 =	sld [smem:$0x0];
	_ =	sdelay $0x2  }
0xb9: {  	s31 =	sshll.u32 s1, $0xD;
	s1 =	sshrl.u32 s1, $0x2  }
0xba: {  	s3 =	sand.u32 $0x4000, s31;
	s1 =	sadd.s32 s1, s30  }
0xbb: {  	s0 =	sor.u32 s3, s0;
	s1 =	sshll.u32 s1, $0x11  }
0xbc: {  	s0 =	sor.u32 s1, s0  }
0xbd: {  	s0 =	sadd.s32 $0x8F2B, s0  }
0xbe: {  	[sflag:s0] =	ssyncadd.remote.s32 $0x1  }
0xbf: {  	_ =	sfence.sel $0xFFFF  }
0xc0: {  	[dreg:$0x0] =	wrdreg $0xFFFFFFFF;
	(pc) =	sbr.abs _section_cstart, $3  }
0xc1: {  	[dreg:$0x1] =	wrdreg $0xFFFFFFFF  }
0xc2: {  	_ =	task.clear_ibuf [dreg:s7], $0x2FFFF;
	_ =	strace $0x9FFFFFFF  }
0xc3: {  	(tm) =	ssettm $0x7FFFFFFF  }
tec
execute0_lowered:
.L_overlay_start_1:
0x0: {  	(tag) =	ssettag $0x1  }
0x1: {  	s0 =	srdreg.scid  }
0x2: {  	s3 =	sand.u32 $0x1, s0  }
0x3: {  	s0 =	stileid.u32;
	s1 =	sshll.u32 s3, $0x4  }
0x4: {  	s2 =	sor.u32 s0, s1  }
0x5: {  	s1 =	smul.u32 $0x310, s2  }
0x6: {  	v16 =	vlaneseq.u32  }
0x7: {  	v0 =	vor.u32 s1, v16  }
0x8: {  	v1 =	vmul.u32 $0xCCCD, v0  }
0x9: {  	s4 =	smul.u32 $0x27333D0, s2;
	s8 =	sadd.s32 $0x10, s1;
	s9 =	sadd.s32 $0x20, s1  }
0xa: {  	s11 =	sadd.s32 $0x40, s1;
	s13 =	sadd.s32 $0x60, s1;
	v3 =	vor.u32 s8, v16;
	v6 =	vor.u32 s9, v16;
	v1 =	vshrl.u32 v1, $0x12  }
0xb: {  	s5 =	sshrl.u32 s4, $0x12;
	s14 =	sadd.s32 $0x70, s1;
	s16 =	sadd.s32 $0x90, s1;
	v8 =	vor.u32 s11, v16;
	v10 =	vor.u32 s13, v16;
	v2 =	vmul.u32 $0xFFFFFFFB, v1  }
0xc: {  	s17 =	sadd.s32 $0xA0, s1;
	s2 =	sand.u32 $0x1FF8, s5;
	v11 =	vor.u32 s14, v16;
	v13 =	vor.u32 s16, v16;
	v4 =	vmul.u32 $0xCCCD, v3  }
0xd: {  	v14 =	vor.u32 s17, v16;
	v48 =	vmov s2;
	v2 =	vadd.s32 v0, v2  }
0xe: {  	v0 =	vsub.s32 v1, v48;
	v1 =	vshra.s32 v4, $0x12;
	vm0 =	vlt.s32 v2, $0x4  }
0xf: {  	s10 =	sadd.s32 $0x30, s1;
	v4 =	vshll.u32 v0, $0x2;
	v5 =	vmul.u32 $0xFFFFFFFB, v1;
	v1 =	vsub.s32 v1, v48  }
0x10: {  	[tilespmem:$0x1F8E0] =	vst v0;
	v0 =	vadd.s32 v2, v4;
	v2 =	vmul.u32 $0xCCCD, v6;
	v4 =	vor.u32 s10, v16  }
0x11: {  	v7 =	vshll.u32 v1, $0x2;
	v3 =	vadd.s32 v3, v5;
	v5 =	vmul.u32 $0xCCCD, v4  }
0x12: {  	s19 =	sadd.s32 $0xC0, s1;
	s20 =	sadd.s32 $0xD0, s1;
	vm1 =	vlt.s32 v3, $0x4;
	v2 =	vshra.s32 v2, $0x12;
	v3 =	vadd.s32 v3, v7  }
0x13: {  	s25 =	sadd.s32 $0x120, s1;
	v17 =	vor.u32 s19, v16;
	v18 =	vor.u32 s20, v16;
	[tilespmem:$0x1F930] =	vst v3;
	v3 =	vmul.u32 $0xFFFFFFFB, v2  }
0x14: {  	v23 =	vor.u32 s25, v16;
	v5 =	vshra.s32 v5, $0x12;
	v2 =	vsub.s32 v2, v48  }
0x15: {  	v7 =	vmul.u32 $0xFFFFFFFB, v5;
	v3 =	vadd.s32 v6, v3;
	v6 =	vshll.u32 v2, $0x2  }
0x16: {  	s26 =	sadd.s32 $0x130, s1;
	v9 =	vmul.u32 $0xCCCD, v8;
	vm2 =	vlt.s32 v3, $0x4;
	v3 =	vadd.s32 v3, v6  }
0x17: {  	v26 =	vor.u32 s26, v16;
	v4 =	vadd.s32 v4, v7;
	[tilespmem:$0x1F960] =	vst v3;
	v3 =	vsub.s32 v5, v48  }
0x18: {  	s12 =	sadd.s32 $0x50, s1;
	vm3 =	vlt.s32 v4, $0x4;
	v5 =	vshra.s32 v9, $0x12;
	v6 =	vshll.u32 v3, $0x2  }
0x19: {  	s28 =	sadd.s32 $0x140, s1;
	v9 =	vor.u32 s12, v16;
	v7 =	vmul.u32 $0xFFFFFFFB, v5;
	v4 =	vadd.s32 v4, v6  }
0x1a: {  	v27 =	vor.u32 s28, v16;
	v6 =	vmul.u32 $0xCCCD, v9;
	[tilespmem:$0x1F990] =	vst v4;
	v4 =	vsub.s32 v5, v48  }
0x1b: {  	v7 =	vadd.s32 v8, v7;
	v5 =	vmul.u32 $0xCCCD, v10;
	v8 =	vshll.u32 v4, $0x2  }
0x1c: {  	s29 =	sadd.s32 $0x150, s1;
	s30 =	sadd.s32 $0x160, s1;
	vm4 =	vlt.s32 v7, $0x4;
	v6 =	vshra.s32 v6, $0x12;
	v7 =	vadd.s32 v7, v8  }
0x1d: {  	s31 =	sadd.s32 $0x170, s1;
	v29 =	vor.u32 s29, v16;
	v30 =	vor.u32 s30, v16;
	[tilespmem:$0x1F9C0] =	vst v7;
	v7 =	vmul.u32 $0xFFFFFFFB, v6  }
0x1e: {  	v31 =	vor.u32 s31, v16;
	v8 =	vshra.s32 v5, $0x12;
	v5 =	vsub.s32 v6, v48  }
0x1f: {  	v6 =	vmul.u32 $0xFFFFFFFB, v8;
	v7 =	vadd.s32 v9, v7;
	v9 =	vshll.u32 v5, $0x2  }
0x20: {  	s6 =	sadd.s32 $0x180, s1;
	v12 =	vmul.u32 $0xCCCD, v11;
	vm5 =	vlt.s32 v7, $0x4;
	v7 =	vadd.s32 v7, v9  }
0x21: {  	s15 =	sadd.s32 $0x80, s1;
	v32 =	vor.u32 s6, v16;
	[tilespmem:$0x1F9F0] =	vst v7;
	v7 =	vadd.s32 v10, v6;
	v6 =	vsub.s32 v8, v48  }
0x22: {  	v8 =	vshra.s32 v12, $0x12;
	v12 =	vor.u32 s15, v16;
	v9 =	vshll.u32 v6, $0x2  }
0x23: {  	s7 =	sadd.s32 $0x1A0, s1;
	vm6 =	vlt.s32 v7, $0x4;
	v10 =	vmul.u32 $0xFFFFFFFB, v8;
	v7 =	vadd.s32 v7, v9  }
0x24: {  	v49 =	vor.u32 s7, v16;
	v9 =	vmul.u32 $0xCCCD, v12;
	[tilespmem:$0x1FA20] =	vst v7;
	v7 =	vsub.s32 v8, v48  }
0x25: {  	v10 =	vadd.s32 v11, v10;
	v8 =	vmul.u32 $0xCCCD, v13;
	v11 =	vshll.u32 v7, $0x2  }
0x26: {  	vm7 =	vlt.s32 v10, $0x4;
	v9 =	vshra.s32 v9, $0x12;
	v10 =	vadd.s32 v10, v11  }
0x27: {  	v15 =	vmul.u32 $0xCCCD, v14;
	v19 =	vmul.u32 $0xCCCD, v18;
	[tilespmem:$0x1FA50] =	vst v10;
	v10 =	vmul.u32 $0xFFFFFFFB, v9  }
0x28: {  	v25 =	vmul.u32 $0xCCCD, v26;
	v11 =	vshra.s32 v8, $0x12;
	v8 =	vsub.s32 v9, v48  }
0x29: {  	s6 =	sadd.s32 $0x190, s1;
	v9 =	vmul.u32 $0xFFFFFFFB, v11;
	v10 =	vadd.s32 v12, v10;
	v12 =	vshll.u32 v8, $0x2  }
0x2a: {  	s8 =	sadd.s32 $0x1B0, s1;
	v47 =	vor.u32 s6, v16;
	vm8 =	vlt.s32 v10, $0x4;
	v10 =	vadd.s32 v10, v12  }
0x2b: {  	s18 =	sadd.s32 $0xB0, s1;
	v50 =	vor.u32 s8, v16;
	[tilespmem:$0x1FA80] =	vst v10;
	v10 =	vadd.s32 v13, v9;
	v9 =	vsub.s32 v11, v48  }
0x2c: {  	v11 =	vshra.s32 v15, $0x12;
	v15 =	vor.u32 s18, v16;
	v12 =	vshll.u32 v9, $0x2  }
0x2d: {  	s9 =	sadd.s32 $0x1C0, s1;
	vm9 =	vlt.s32 v10, $0x4;
	v13 =	vmul.u32 $0xFFFFFFFB, v11;
	v10 =	vadd.s32 v10, v12  }
0x2e: {  	v51 =	vor.u32 s9, v16;
	v12 =	vmul.u32 $0xCCCD, v15;
	[tilespmem:$0x1FAB0] =	vst v10;
	v10 =	vsub.s32 v11, v48  }
0x2f: {  	v13 =	vadd.s32 v14, v13;
	v11 =	vmul.u32 $0xCCCD, v17;
	v14 =	vshll.u32 v10, $0x2  }
0x30: {  	s11 =	sadd.s32 $0x1E0, s1;
	s14 =	sadd.s32 $0x220, s1;
	vm10 =	vlt.s32 v13, $0x4;
	v12 =	vshra.s32 v12, $0x12;
	v13 =	vadd.s32 v13, v14  }
0x31: {  	v37 =	vor.u32 s11, v16;
	v63 =	vor.u32 s14, v16;
	s10 =	sadd.s32 $0x1D0, s1;
	[tilespmem:$0x1FAE0] =	vst v13;
	v13 =	vmul.u32 $0xFFFFFFFB, v12  }
0x32: {  	v36 =	vor.u32 s10, v16;
	v14 =	vshra.s32 v11, $0x12;
	v11 =	vsub.s32 v12, v48  }
0x33: {  	s21 =	sadd.s32 $0xE0, s1;
	v12 =	vmul.u32 $0xFFFFFFFB, v14;
	v13 =	vadd.s32 v15, v13;
	v15 =	vshll.u32 v11, $0x2  }
0x34: {  	vm11 =	vlt.s32 v13, $0x4;
	v13 =	vadd.s32 v13, v15;
	v15 =	vor.u32 s21, v16  }
0x35: {  	[tilespmem:$0x1FB10] =	vst v13;
	v13 =	vadd.s32 v17, v12;
	v12 =	vsub.s32 v14, v48;
	v14 =	vshra.s32 v19, $0x12  }
0x36: {  	s22 =	sadd.s32 $0xF0, s1;
	v20 =	vmul.u32 $0xCCCD, v15;
	v17 =	vshll.u32 v12, $0x2;
	v19 =	vmul.u32 $0xFFFFFFFB, v14  }
0x37: {  	vm12 =	vlt.s32 v13, $0x4;
	v13 =	vadd.s32 v13, v17;
	v17 =	vor.u32 s22, v16  }
0x38: {  	s12 =	sadd.s32 $0x1F0, s1;
	v18 =	vadd.s32 v18, v19;
	v19 =	vshra.s32 v20, $0x12;
	v20 =	vmul.u32 $0xCCCD, v17  }
0x39: {  	v58 =	vor.u32 s12, v16;
	[tilespmem:$0x1FB40] =	vst v13;
	v13 =	vsub.s32 v14, v48;
	v21 =	vmul.u32 $0xFFFFFFFB, v19  }
0x3a: {  	vm13 =	vlt.s32 v18, $0x4;
	v14 =	vsub.s32 v19, v48;
	v19 =	vshra.s32 v20, $0x12  }
0x3b: {  	v22 =	vshll.u32 v13, $0x2;
	v15 =	vadd.s32 v15, v21;
	v21 =	vmul.u32 $0xFFFFFFFB, v19  }
0x3c: {  	s23 =	sadd.s32 $0x100, s1;
	v20 =	vshll.u32 v14, $0x2;
	v18 =	vadd.s32 v18, v22;
	vm14 =	vlt.s32 v15, $0x4  }
0x3d: {  	s24 =	sadd.s32 $0x110, s1;
	[tilespmem:$0x1FB70] =	vst v18;
	v15 =	vadd.s32 v15, v20;
	v20 =	vor.u32 s23, v16;
	v17 =	vadd.s32 v17, v21  }
0x3e: {  	[tilespmem:$0x1FBA0] =	vst v15;
	v15 =	vsub.s32 v19, v48;
	v18 =	vmul.u32 $0xCCCD, v20;
	v21 =	vor.u32 s24, v16  }
0x3f: {  	vm15 =	vlt.s32 v17, $0x4;
	v19 =	vshll.u32 v15, $0x2;
	v22 =	vmul.u32 $0xCCCD, v21  }
0x40: {  	[tilespmem:$0x1F900] =	vst v0;
	v17 =	vadd.s32 v17, v19;
	v0 =	vshra.s32 v18, $0x12;
	v19 =	vmul.u32 $0xCCCD, v23  }
0x41: {  	s9 =	sadd.s32 $0x300, s1;
	v60 =	vmul.u32 $0xCCCD, v58;
	v24 =	vmul.u32 $0xFFFFFFFB, v0;
	v59 =	vshra.s32 v22, $0x12  }
0x42: {  	v22 =	vmul.u32 $0xFFFFFFFB, v59;
	v56 =	vshra.s32 v19, $0x12;
	v19 =	vor.u32 s9, v16  }
0x43: {  	[tilespmem:$0x1FBD0] =	vst v17;
	v17 =	vadd.s32 v20, v24;
	v24 =	vmul.u32 $0xFFFFFFFB, v56;
	v20 =	vshra.s32 v25, $0x12  }
0x44: {  	v25 =	vmul.u32 $0xCCCD, v32;
	[tilespmem:$0x1FBF0] =	vst v17;
	v17 =	vadd.s32 v21, v22;
	v21 =	vmul.u32 $0xCCCD, v27  }
0x45: {  	v28 =	vmul.u32 $0xFFFFFFFB, v20;
	v22 =	vmul.u32 $0xCCCD, v29;
	[tilespmem:$0x1FC00] =	vst v17;
	v17 =	vadd.s32 v23, v24  }
0x46: {  	v23 =	vmul.u32 $0xCCCD, v30;
	v24 =	vmul.u32 $0xCCCD, v31;
	v25 =	vshra.s32 v25, $0x12  }
0x47: {  	[tilespmem:$0x1FC10] =	vst v17;
	v21 =	vshra.s32 v21, $0x12;
	v22 =	vshra.s32 v22, $0x12;
	v17 =	vadd.s32 v26, v28  }
0x48: {  	v28 =	vmul.u32 $0xFFFFFFFB, v25;
	v33 =	vmul.u32 $0xFFFFFFFB, v21;
	v23 =	vshra.s32 v23, $0x12  }
0x49: {  	v34 =	vmul.u32 $0xFFFFFFFB, v22;
	v24 =	vshra.s32 v24, $0x12;
	v35 =	vmul.u32 $0xFFFFFFFB, v23  }
0x4a: {  	s13 =	sadd.s32 $0x200, s1;
	[tilespmem:$0x1FC80] =	vst v17;
	v26 =	vmul.u32 $0xFFFFFFFB, v24;
	v17 =	vadd.s32 v27, v33;
	v27 =	vmul.u32 $0xCCCD, v49  }
0x4b: {  	[tilespmem:$0x1FC90] =	vst v17;
	v17 =	vadd.s32 v29, v34;
	v29 =	vmul.u32 $0xCCCD, v51;
	v34 =	vor.u32 s13, v16  }
0x4c: {  	s7 =	sadd.s32 $0x210, s1;
	[tilespmem:$0x1FCA0] =	vst v17;
	v17 =	vadd.s32 v30, v35;
	v30 =	vmul.u32 $0xCCCD, v36;
	v27 =	vshra.s32 v27, $0x12  }
0x4d: {  	v35 =	vor.u32 s7, v16;
	v61 =	vmul.u32 $0xCCCD, v34;
	[tilespmem:$0x1FD10] =	vst v17;
	v17 =	vadd.s32 v31, v26  }
0x4e: {  	v26 =	vmul.u32 $0xCCCD, v47;
	v31 =	vmul.u32 $0xCCCD, v37;
	v29 =	vshra.s32 v29, $0x12  }
0x4f: {  	v39 =	vmul.u32 $0xFFFFFFFB, v27;
	v62 =	vmul.u32 $0xCCCD, v35;
	[tilespmem:$0x1FD20] =	vst v17;
	v17 =	vadd.s32 v32, v28  }
0x50: {  	s17 =	sadd.s32 $0x250, s1;
	v28 =	vmul.u32 $0xCCCD, v50;
	v30 =	vshra.s32 v30, $0x12;
	v41 =	vmul.u32 $0xFFFFFFFB, v29  }
0x51: {  	v32 =	vor.u32 s17, v16;
	v26 =	vshra.s32 v26, $0x12;
	v55 =	vshra.s32 v31, $0x12  }
0x52: {  	v54 =	vmul.u32 $0xFFFFFFFB, v30;
	v31 =	vshra.s32 v60, $0x12;
	v38 =	vmul.u32 $0xFFFFFFFB, v26  }
0x53: {  	v33 =	vshra.s32 v62, $0x12;
	v28 =	vshra.s32 v28, $0x12;
	v57 =	vmul.u32 $0xFFFFFFFB, v55  }
0x54: {  	[tilespmem:$0x1FD30] =	vst v17;
	v44 =	vmul.u32 $0xFFFFFFFB, v31;
	v40 =	vmul.u32 $0xFFFFFFFB, v28;
	v17 =	vadd.s32 v47, v38  }
0x55: {  	s19 =	sadd.s32 $0x270, s1;
	s15 =	sadd.s32 $0x230, s1;
	v46 =	vmul.u32 $0xFFFFFFFB, v33;
	[tilespmem:$0x1FDA0] =	vst v17;
	v17 =	vadd.s32 v49, v39;
	v49 =	vmul.u32 $0xCCCD, v63  }
0x56: {  	v38 =	vor.u32 s19, v16;
	[tilespmem:$0x1FDB0] =	vst v17;
	v17 =	vadd.s32 v50, v40;
	v50 =	vor.u32 s15, v16  }
0x57: {  	[tilespmem:$0x1FDC0] =	vst v17;
	v17 =	vadd.s32 v51, v41;
	v42 =	vmul.u32 $0xCCCD, v50;
	v39 =	vshra.s32 v49, $0x12  }
0x58: {  	s16 =	sadd.s32 $0x240, s1;
	[tilespmem:$0x1FE30] =	vst v17;
	v17 =	vadd.s32 v36, v54;
	v36 =	vshra.s32 v61, $0x12;
	v47 =	vmul.u32 $0xFFFFFFFB, v39  }
0x59: {  	v61 =	vmul.u32 $0xCCCD, v32;
	[tilespmem:$0x1FE40] =	vst v17;
	v17 =	vadd.s32 v37, v57;
	v57 =	vor.u32 s16, v16  }
0x5a: {  	s20 =	sadd.s32 $0x280, s1;
	v54 =	vshra.s32 v42, $0x12;
	v45 =	vmul.u32 $0xFFFFFFFB, v36;
	v43 =	vmul.u32 $0xCCCD, v57  }
0x5b: {  	[tilespmem:$0x1FE50] =	vst v17;
	v17 =	vadd.s32 v58, v44;
	v58 =	vmul.u32 $0xFFFFFFFB, v54;
	v44 =	vor.u32 s20, v16  }
0x5c: {  	s24 =	sadd.s32 $0x2C0, s1;
	v37 =	vshra.s32 v61, $0x12;
	[tilespmem:$0x1FEC0] =	vst v17;
	v17 =	vadd.s32 v34, v45;
	v52 =	vmul.u32 $0xCCCD, v44  }
0x5d: {  	s18 =	sadd.s32 $0x260, s1;
	s21 =	sadd.s32 $0x290, s1;
	v34 =	vor.u32 s24, v16;
	v53 =	vshra.s32 v43, $0x12;
	[tilespmem:$0x1FED0] =	vst v17;
	v17 =	vadd.s32 v35, v46  }
0x5e: {  	v35 =	vor.u32 s18, v16;
	v46 =	vor.u32 s21, v16;
	v60 =	vmul.u32 $0xFFFFFFFB, v53  }
0x5f: {  	s22 =	sadd.s32 $0x2A0, s1;
	[tilespmem:$0x1FEE0] =	vst v17;
	v17 =	vadd.s32 v63, v47;
	v62 =	vmul.u32 $0xCCCD, v35;
	v63 =	vmul.u32 $0xCCCD, v38  }
0x60: {  	v47 =	vor.u32 s22, v16;
	v52 =	vshra.s32 v52, $0x12;
	[tilespmem:$0x1FF50] =	vst v17;
	v17 =	vadd.s32 v50, v58  }
0x61: {  	v50 =	vmul.u32 $0xCCCD, v47;
	v58 =	vmul.u32 $0xFFFFFFFB, v37;
	[tilespmem:$0x1FF60] =	vst v17;
	v17 =	vadd.s32 v57, v60  }
0x62: {  	v57 =	vmul.u32 $0xCCCD, v46;
	v40 =	vshra.s32 v62, $0x12;
	v41 =	vshra.s32 v63, $0x12  }
0x63: {  	s23 =	sadd.s32 $0x2B0, s1;
	v62 =	vmul.u32 $0xFFFFFFFB, v52;
	v51 =	vshra.s32 v50, $0x12;
	v43 =	vmul.u32 $0xFFFFFFFB, v40  }
0x64: {  	v61 =	vmul.u32 $0xFFFFFFFB, v41;
	v60 =	vadd.s32 v32, v58;
	v32 =	vor.u32 s23, v16  }
0x65: {  	s26 =	sadd.s32 $0x2F0, s1;
	[tilespmem:$0x1FF70] =	vst v17;
	v42 =	vshra.s32 v57, $0x12;
	v49 =	vmul.u32 $0xFFFFFFFB, v51;
	v17 =	vadd.s32 v44, v62  }
0x66: {  	s25 =	sadd.s32 $0x2D0, s1;
	s8 =	sadd.s32 $0x2E0, s1;
	v44 =	vor.u32 s26, v16;
	v58 =	vadd.s32 v35, v43;
	v57 =	vadd.s32 v38, v61  }
0x67: {  	v35 =	vor.u32 s25, v16;
	v38 =	vor.u32 s8, v16;
	v43 =	vmul.u32 $0xCCCD, v32  }
0x68: {  	[tilespmem:$0x1FFA0] =	vst v17;
	v16 =	vmul.u32 $0xCCCD, v44;
	v17 =	vadd.s32 v47, v49;
	v49 =	vmul.u32 $0xCCCD, v34  }
0x69: {  	v45 =	vmul.u32 $0xFFFFFFFB, v42;
	v43 =	vshra.s32 v43, $0x12  }
0x6a: {  	v47 =	vshra.s32 v49, $0x12;
	v49 =	vshra.s32 v16, $0x12;
	v16 =	vmul.u32 $0xFFFFFFFB, v43  }
0x6b: {  	v50 =	vmul.u32 $0xCCCD, v35;
	[tilespmem:$0x1FFB0] =	vst v17;
	v17 =	vmul.u32 $0xCCCD, v19  }
0x6c: {  	v61 =	vadd.s32 v46, v45;
	v16 =	vadd.s32 v32, v16  }
0x6d: {  	v45 =	vshra.s32 v50, $0x12;
	v50 =	vshra.s32 v17, $0x12;
	[tilespmem:$0x1FFC0] =	vst v16;
	v16 =	vmul.u32 $0xFFFFFFFB, v49  }
0x6e: {  	v32 =	vmul.u32 $0xFFFFFFFB, v50  }
0x6f: {  	v16 =	vadd.s32 v44, v16  }
0x70: {  	[tilespmem:$0x1FFE0] =	vst v16;
	v16 =	vadd.s32 v19, v32  }
0x71: {  	[tilespmem:$0x1FFF0] =	vst v16;
	v16 =	vsub.s32 v0, v48;
	v0 =	vimm.s32 $0x0  }
0x72: {  	v0 =	vsel vm0, $0xFFFFFFFF, v0  }
0x73: {  	[tilespmem:$0x1F8F0] =	vst v0;
	v0 =	vld [tilespmem:$0x1F900];
	_ =	sdelay $0x4  }
0x74: {  	v0 =	vnsel vm0, $0x0, v0  }
0x75: {  	[tilespmem:$0x1F910] =	vst v0;
	v0 =	vimm.s32 $0x0  }
0x76: {  	v0 =	vsel vm1, $0xFFFFFFFF, v0  }
0x77: {  	[tilespmem:$0x1F920] =	vst v0;
	v0 =	vld [tilespmem:$0x1F930];
	_ =	sdelay $0x4  }
0x78: {  	v0 =	vnsel vm1, $0x0, v0  }
0x79: {  	[tilespmem:$0x1F940] =	vst v0;
	v0 =	vimm.s32 $0x0  }
0x7a: {  	v0 =	vsel vm2, $0xFFFFFFFF, v0  }
0x7b: {  	[tilespmem:$0x1F950] =	vst v0;
	v0 =	vld [tilespmem:$0x1F960];
	_ =	sdelay $0x4  }
0x7c: {  	v0 =	vnsel vm2, $0x0, v0  }
0x7d: {  	[tilespmem:$0x1F970] =	vst v0;
	v0 =	vimm.s32 $0x0  }
0x7e: {  	v0 =	vsel vm3, $0xFFFFFFFF, v0  }
0x7f: {  	[tilespmem:$0x1F980] =	vst v0;
	v0 =	vld [tilespmem:$0x1F990];
	_ =	sdelay $0x4  }
0x80: {  	v0 =	vnsel vm3, $0x0, v0  }
0x81: {  	[tilespmem:$0x1F9A0] =	vst v0;
	v0 =	vimm.s32 $0x0  }
0x82: {  	v0 =	vsel vm4, $0xFFFFFFFF, v0  }
0x83: {  	[tilespmem:$0x1F9B0] =	vst v0;
	v0 =	vld [tilespmem:$0x1F9C0];
	_ =	sdelay $0x4  }
0x84: {  	v0 =	vnsel vm4, $0x0, v0  }
0x85: {  	[tilespmem:$0x1F9D0] =	vst v0;
	v0 =	vimm.s32 $0x0  }
0x86: {  	v0 =	vsel vm5, $0xFFFFFFFF, v0  }
0x87: {  	[tilespmem:$0x1F9E0] =	vst v0;
	v0 =	vld [tilespmem:$0x1F9F0];
	_ =	sdelay $0x4  }
0x88: {  	v0 =	vnsel vm5, $0x0, v0  }
0x89: {  	[tilespmem:$0x1FA00] =	vst v0;
	v0 =	vimm.s32 $0x0  }
0x8a: {  	v0 =	vsel vm6, $0xFFFFFFFF, v0  }
0x8b: {  	[tilespmem:$0x1FA10] =	vst v0;
	v0 =	vld [tilespmem:$0x1FA20];
	_ =	sdelay $0x4  }
0x8c: {  	v0 =	vnsel vm6, $0x0, v0  }
0x8d: {  	[tilespmem:$0x1FA30] =	vst v0;
	v0 =	vimm.s32 $0x0  }
0x8e: {  	v0 =	vsel vm7, $0xFFFFFFFF, v0  }
0x8f: {  	[tilespmem:$0x1FA40] =	vst v0;
	v0 =	vld [tilespmem:$0x1FA50];
	_ =	sdelay $0x4  }
0x90: {  	v0 =	vnsel vm7, $0x0, v0  }
0x91: {  	[tilespmem:$0x1FA60] =	vst v0;
	v0 =	vimm.s32 $0x0  }
0x92: {  	v0 =	vsel vm8, $0xFFFFFFFF, v0  }
0x93: {  	[tilespmem:$0x1FA70] =	vst v0;
	v0 =	vld [tilespmem:$0x1FA80];
	_ =	sdelay $0x4  }
0x94: {  	v0 =	vnsel vm8, $0x0, v0  }
0x95: {  	[tilespmem:$0x1FA90] =	vst v0;
	v0 =	vimm.s32 $0x0  }
0x96: {  	v0 =	vsel vm9, $0xFFFFFFFF, v0  }
0x97: {  	[tilespmem:$0x1FAA0] =	vst v0;
	v0 =	vld [tilespmem:$0x1FAB0];
	_ =	sdelay $0x4  }
0x98: {  	v0 =	vnsel vm9, $0x0, v0  }
0x99: {  	[tilespmem:$0x1FAC0] =	vst v0;
	v0 =	vimm.s32 $0x0  }
0x9a: {  	v0 =	vsel vm10, $0xFFFFFFFF, v0  }
0x9b: {  	[tilespmem:$0x1FAD0] =	vst v0;
	v0 =	vld [tilespmem:$0x1FAE0];
	_ =	sdelay $0x4  }
0x9c: {  	v0 =	vnsel vm10, $0x0, v0  }
0x9d: {  	[tilespmem:$0x1FAF0] =	vst v0;
	v0 =	vimm.s32 $0x0  }
0x9e: {  	v0 =	vsel vm11, $0xFFFFFFFF, v0  }
0x9f: {  	[tilespmem:$0x1FB00] =	vst v0;
	v0 =	vld [tilespmem:$0x1FB10];
	_ =	sdelay $0x4  }
0xa0: {  	v0 =	vnsel vm11, $0x0, v0  }
0xa1: {  	[tilespmem:$0x1FB20] =	vst v0;
	v0 =	vimm.s32 $0x0  }
0xa2: {  	v0 =	vsel vm12, $0xFFFFFFFF, v0  }
0xa3: {  	[tilespmem:$0x1FB30] =	vst v0;
	v0 =	vld [tilespmem:$0x1FB40];
	_ =	sdelay $0x4  }
0xa4: {  	v0 =	vnsel vm12, $0x0, v0  }
0xa5: {  	[tilespmem:$0x1FB50] =	vst v0;
	v0 =	vimm.s32 $0x0  }
0xa6: {  	v0 =	vsel vm13, $0xFFFFFFFF, v0  }
0xa7: {  	[tilespmem:$0x1FB60] =	vst v0;
	v0 =	vld [tilespmem:$0x1FB70];
	_ =	sdelay $0x4  }
0xa8: {  	v0 =	vnsel vm13, $0x0, v0  }
0xa9: {  	[tilespmem:$0x1FB80] =	vst v0;
	v0 =	vimm.s32 $0x0  }
0xaa: {  	v0 =	vsel vm14, $0xFFFFFFFF, v0  }
0xab: {  	[tilespmem:$0x1FB90] =	vst v0;
	v0 =	vld [tilespmem:$0x1FBA0];
	_ =	sdelay $0x4  }
0xac: {  	v0 =	vnsel vm14, $0x0, v0  }
0xad: {  	[tilespmem:$0x1FBB0] =	vst v0;
	v0 =	vimm.s32 $0x0  }
0xae: {  	v0 =	vsel vm15, $0xFFFFFFFF, v0  }
0xaf: {  	v63 =	vmul.u32 $0xCCCD, v38;
	[tilespmem:$0x1FBC0] =	vst v0;
	v0 =	vld [tilespmem:$0x1FBD0]  }
0xb0: {  	v31 =	vsub.s32 v31, v48;
	v33 =	vsub.s32 v33, v48  }
0xb1: {  	v37 =	vsub.s32 v37, v48;
	v46 =	vshra.s32 v63, $0x12;
	v17 =	vmul.u32 $0xFFFFFFFB, v47  }
0xb2: {  	v43 =	vsub.s32 v43, v48;
	v63 =	vmul.u32 $0xFFFFFFFB, v45;
	v18 =	vmul.u32 $0xFFFFFFFB, v46  }
0xb3: {  	v45 =	vsub.s32 v45, v48;
	v46 =	vsub.s32 v46, v48;
	v62 =	vadd.s32 v34, v17  }
0xb4: {  	v63 =	vadd.s32 v35, v63;
	v17 =	vadd.s32 v38, v18;
	v0 =	vnsel vm15, $0x0, v0  }
0xb5: {  	v18 =	vsub.s32 v56, v48;
	v34 =	vsub.s32 v39, v48;
	v35 =	vsub.s32 v54, v48;
	[tilespmem:$0x1FBE0] =	vst v0;
	v0 =	vld [tilespmem:$0x1FBF0]  }
0xb6: {  	v38 =	vsub.s32 v40, v48;
	v39 =	vsub.s32 v41, v48;
	v40 =	vsub.s32 v52, v48  }
0xb7: {  	v41 =	vsub.s32 v42, v48;
	v42 =	vsub.s32 v51, v48;
	[tilespmem:$0x1FFD0] =	vst v17;
	v17 =	vsub.s32 v59, v48  }
0xb8: {  	v44 =	vsub.s32 v47, v48;
	v47 =	vsub.s32 v49, v48;
	v59 =	vshll.u32 v17, $0x2  }
0xb9: {  	v19 =	vsub.s32 v20, v48;
	v20 =	vsub.s32 v21, v48;
	v56 =	vshll.u32 v16, $0x2  }
0xba: {  	v21 =	vsub.s32 v22, v48;
	v22 =	vsub.s32 v23, v48;
	v49 =	vadd.s32 v0, v56;
	v56 =	vld [tilespmem:$0x1FC00]  }
0xbb: {  	v23 =	vsub.s32 v24, v48;
	v24 =	vsub.s32 v25, v48;
	v25 =	vsub.s32 v26, v48  }
0xbc: {  	v26 =	vsub.s32 v27, v48;
	v27 =	vsub.s32 v28, v48;
	v28 =	vsub.s32 v29, v48  }
0xbd: {  	v29 =	vsub.s32 v30, v48;
	v30 =	vsub.s32 v55, v48;
	v32 =	vsub.s32 v36, v48  }
0xbe: {  	v36 =	vsub.s32 v53, v48;
	vm0 =	vlt.s32 v0, $0x4;
	v0 =	vimm.s32 $0x0  }
0xbf: {  	v48 =	vsub.s32 v50, v48;
	v0 =	vsel vm0, $0xFFFFFFFF, v0;
	v50 =	vadd.s32 v56, v59;
	v59 =	vld [tilespmem:$0x1FC10]  }
0xc0: {  	[tilespmem:$0x1FC20] =	vst v0;
	v0 =	vnsel vm0, $0x0, v49  }
0xc1: {  	[tilespmem:$0x1FC30] =	vst v0;
	v0 =	vimm.s32 $0x0;
	vm1 =	vlt.s32 v56, $0x4  }
0xc2: {  	v0 =	vsel vm1, $0xFFFFFFFF, v0  }
0xc3: {  	[tilespmem:$0x1FC40] =	vst v0;
	v0 =	vnsel vm1, $0x0, v50  }
0xc4: {  	v51 =	vshll.u32 v18, $0x2;
	[tilespmem:$0x1FC50] =	vst v0;
	v0 =	vimm.s32 $0x0;
	vm2 =	vlt.s32 v59, $0x4  }
0xc5: {  	v51 =	vadd.s32 v59, v51;
	v0 =	vsel vm2, $0xFFFFFFFF, v0  }
0xc6: {  	[tilespmem:$0x1FC60] =	vst v0;
	v0 =	vnsel vm2, $0x0, v51  }
0xc7: {  	[tilespmem:$0x1FC70] =	vst v0;
	v0 =	vld [tilespmem:$0x1FC80];
	_ =	sdelay $0x3  }
0xc8: {  	v56 =	vshll.u32 v19, $0x2  }
0xc9: {  	v49 =	vadd.s32 v0, v56;
	v56 =	vld [tilespmem:$0x1FC90];
	_ =	sdelay $0x3  }
0xca: {  	v59 =	vshll.u32 v20, $0x2;
	vm0 =	vlt.s32 v0, $0x4;
	v0 =	vimm.s32 $0x0  }
0xcb: {  	v0 =	vsel vm0, $0xFFFFFFFF, v0;
	v50 =	vadd.s32 v56, v59;
	v59 =	vld [tilespmem:$0x1FCA0]  }
0xcc: {  	[tilespmem:$0x1FCB0] =	vst v0;
	v0 =	vnsel vm0, $0x0, v49  }
0xcd: {  	[tilespmem:$0x1FCC0] =	vst v0;
	v0 =	vimm.s32 $0x0;
	vm1 =	vlt.s32 v56, $0x4  }
0xce: {  	v0 =	vsel vm1, $0xFFFFFFFF, v0  }
0xcf: {  	[tilespmem:$0x1FCD0] =	vst v0;
	v0 =	vnsel vm1, $0x0, v50  }
0xd0: {  	v51 =	vshll.u32 v21, $0x2;
	[tilespmem:$0x1FCE0] =	vst v0;
	v0 =	vimm.s32 $0x0;
	vm2 =	vlt.s32 v59, $0x4  }
0xd1: {  	v51 =	vadd.s32 v59, v51;
	v0 =	vsel vm2, $0xFFFFFFFF, v0  }
0xd2: {  	[tilespmem:$0x1FCF0] =	vst v0;
	v0 =	vnsel vm2, $0x0, v51  }
0xd3: {  	[tilespmem:$0x1FD00] =	vst v0;
	v0 =	vld [tilespmem:$0x1FD10];
	_ =	sdelay $0x3  }
0xd4: {  	v56 =	vshll.u32 v22, $0x2  }
0xd5: {  	v49 =	vadd.s32 v0, v56;
	v56 =	vld [tilespmem:$0x1FD20];
	_ =	sdelay $0x3  }
0xd6: {  	v59 =	vshll.u32 v23, $0x2;
	vm0 =	vlt.s32 v0, $0x4;
	v0 =	vimm.s32 $0x0  }
0xd7: {  	v0 =	vsel vm0, $0xFFFFFFFF, v0;
	v50 =	vadd.s32 v56, v59;
	v59 =	vld [tilespmem:$0x1FD30]  }
0xd8: {  	[tilespmem:$0x1FD40] =	vst v0;
	v0 =	vnsel vm0, $0x0, v49  }
0xd9: {  	[tilespmem:$0x1FD50] =	vst v0;
	v0 =	vimm.s32 $0x0;
	vm1 =	vlt.s32 v56, $0x4  }
0xda: {  	v0 =	vsel vm1, $0xFFFFFFFF, v0  }
0xdb: {  	[tilespmem:$0x1FD60] =	vst v0;
	v0 =	vnsel vm1, $0x0, v50  }
0xdc: {  	v51 =	vshll.u32 v24, $0x2;
	[tilespmem:$0x1FD70] =	vst v0;
	v0 =	vimm.s32 $0x0;
	vm2 =	vlt.s32 v59, $0x4  }
0xdd: {  	v51 =	vadd.s32 v59, v51;
	v0 =	vsel vm2, $0xFFFFFFFF, v0  }
0xde: {  	[tilespmem:$0x1FD80] =	vst v0;
	v0 =	vnsel vm2, $0x0, v51  }
0xdf: {  	[tilespmem:$0x1FD90] =	vst v0;
	v0 =	vld [tilespmem:$0x1FDA0];
	_ =	sdelay $0x3  }
0xe0: {  	v56 =	vshll.u32 v25, $0x2  }
0xe1: {  	v49 =	vadd.s32 v0, v56;
	v56 =	vld [tilespmem:$0x1FDB0];
	_ =	sdelay $0x3  }
0xe2: {  	v59 =	vshll.u32 v26, $0x2;
	vm0 =	vlt.s32 v0, $0x4;
	v0 =	vimm.s32 $0x0  }
0xe3: {  	v0 =	vsel vm0, $0xFFFFFFFF, v0;
	v50 =	vadd.s32 v56, v59;
	v59 =	vld [tilespmem:$0x1FDC0]  }
0xe4: {  	[tilespmem:$0x1FDD0] =	vst v0;
	v0 =	vnsel vm0, $0x0, v49  }
0xe5: {  	[tilespmem:$0x1FDE0] =	vst v0;
	v0 =	vimm.s32 $0x0;
	vm1 =	vlt.s32 v56, $0x4  }
0xe6: {  	v0 =	vsel vm1, $0xFFFFFFFF, v0  }
0xe7: {  	[tilespmem:$0x1FDF0] =	vst v0;
	v0 =	vnsel vm1, $0x0, v50  }
0xe8: {  	v51 =	vshll.u32 v27, $0x2;
	[tilespmem:$0x1FE00] =	vst v0;
	v0 =	vimm.s32 $0x0;
	vm2 =	vlt.s32 v59, $0x4  }
0xe9: {  	v51 =	vadd.s32 v59, v51;
	v0 =	vsel vm2, $0xFFFFFFFF, v0  }
0xea: {  	[tilespmem:$0x1FE10] =	vst v0;
	v0 =	vnsel vm2, $0x0, v51  }
0xeb: {  	[tilespmem:$0x1FE20] =	vst v0;
	v0 =	vld [tilespmem:$0x1FE30];
	_ =	sdelay $0x3  }
0xec: {  	v56 =	vshll.u32 v28, $0x2  }
0xed: {  	v49 =	vadd.s32 v0, v56;
	v56 =	vld [tilespmem:$0x1FE40];
	_ =	sdelay $0x3  }
0xee: {  	v59 =	vshll.u32 v29, $0x2;
	vm0 =	vlt.s32 v0, $0x4;
	v0 =	vimm.s32 $0x0  }
0xef: {  	v0 =	vsel vm0, $0xFFFFFFFF, v0;
	v50 =	vadd.s32 v56, v59;
	v59 =	vld [tilespmem:$0x1FE50]  }
0xf0: {  	[tilespmem:$0x1FE60] =	vst v0;
	v0 =	vnsel vm0, $0x0, v49  }
0xf1: {  	[tilespmem:$0x1FE70] =	vst v0;
	v0 =	vimm.s32 $0x0;
	vm1 =	vlt.s32 v56, $0x4  }
0xf2: {  	v0 =	vsel vm1, $0xFFFFFFFF, v0  }
0xf3: {  	[tilespmem:$0x1FE80] =	vst v0;
	v0 =	vnsel vm1, $0x0, v50  }
0xf4: {  	v51 =	vshll.u32 v30, $0x2;
	[tilespmem:$0x1FE90] =	vst v0;
	v0 =	vimm.s32 $0x0;
	vm2 =	vlt.s32 v59, $0x4  }
0xf5: {  	v51 =	vadd.s32 v59, v51;
	v0 =	vsel vm2, $0xFFFFFFFF, v0  }
0xf6: {  	[tilespmem:$0x1FEA0] =	vst v0;
	v0 =	vnsel vm2, $0x0, v51  }
0xf7: {  	[tilespmem:$0x1FEB0] =	vst v0;
	v0 =	vld [tilespmem:$0x1FEC0];
	_ =	sdelay $0x3  }
0xf8: {  	v56 =	vshll.u32 v31, $0x2  }
0xf9: {  	v49 =	vadd.s32 v0, v56;
	v56 =	vld [tilespmem:$0x1FED0];
	_ =	sdelay $0x3  }
0xfa: {  	v59 =	vshll.u32 v32, $0x2;
	vm0 =	vlt.s32 v0, $0x4;
	v0 =	vimm.s32 $0x0  }
0xfb: {  	v0 =	vsel vm0, $0xFFFFFFFF, v0;
	v50 =	vadd.s32 v56, v59;
	v59 =	vld [tilespmem:$0x1FEE0]  }
0xfc: {  	[tilespmem:$0x1FEF0] =	vst v0;
	v0 =	vnsel vm0, $0x0, v49  }
0xfd: {  	[tilespmem:$0x1FF00] =	vst v0;
	v0 =	vimm.s32 $0x0;
	vm1 =	vlt.s32 v56, $0x4  }
0xfe: {  	v0 =	vsel vm1, $0xFFFFFFFF, v0  }
0xff: {  	[tilespmem:$0x1FF10] =	vst v0;
	v0 =	vnsel vm1, $0x0, v50  }
0x100: {  	v51 =	vshll.u32 v33, $0x2;
	[tilespmem:$0x1FF20] =	vst v0;
	v0 =	vimm.s32 $0x0;
	vm2 =	vlt.s32 v59, $0x4  }
0x101: {  	v51 =	vadd.s32 v59, v51;
	v0 =	vsel vm2, $0xFFFFFFFF, v0  }
0x102: {  	[tilespmem:$0x1FF30] =	vst v0;
	v0 =	vnsel vm2, $0x0, v51  }
0x103: {  	[tilespmem:$0x1FF40] =	vst v0;
	v0 =	vld [tilespmem:$0x1FF50];
	_ =	sdelay $0x3  }
0x104: {  	v56 =	vshll.u32 v34, $0x2  }
0x105: {  	v49 =	vadd.s32 v0, v56;
	v56 =	vld [tilespmem:$0x1FF60];
	_ =	sdelay $0x3  }
0x106: {  	s5 =	rddreg [dreg:$0x3];
	v59 =	vshll.u32 v35, $0x2;
	vm2 =	vlt.s32 v0, $0x4  }
0x107: {  	s6 =	rddreg [dreg:$0x2];
	v0 =	vnsel vm2, $0x0, v49;
	v50 =	vadd.s32 v56, v59;
	vm3 =	vlt.s32 v56, $0x4  }
0x108: {  	s13 =	rddreg [dreg:$0x0];
	s7 =	simm.s32 $0x0;
	[tilespmem:$0x1FF80] =	vst v0;
	v0 =	vnsel vm3, $0x0, v50  }
0x109: {  	[smem:$0x7FF] =	sst s7;
	[tilespmem:$0x1FF90] =	vst v0  }
0x10a: {  	s15 =	rddreg [dreg:$0x1];
	v59 =	vld [tilespmem:$0x1FF70];
	_ =	strace $0x8000004A  }
0x10b: {  	v0 =	vld [tilespmem:$0x1FFA0];
	_ =	sdelay $0x1  }
0x10c: {  	v54 =	vshll.u32 v37, $0x2  }
0x10d: {  	vm5 =	vlt.s32 v60, $0x4;
	vm6 =	vlt.s32 v58, $0x4;
	v51 =	vshll.u32 v36, $0x2  }
0x10e: {  	v49 =	vadd.s32 v60, v54;
	v60 =	vshll.u32 v40, $0x2;
	v56 =	vshll.u32 v38, $0x2  }
0x10f: {  	v50 =	vadd.s32 v58, v56;
	v56 =	vnsel vm5, $0x0, v49;
	v49 =	vadd.s32 v0, v60;
	v60 =	vld [tilespmem:$0x1FFB0]  }
0x110: {  	vm7 =	vlt.s32 v57, $0x4;
	vm9 =	vlt.s32 v61, $0x4;
	v51 =	vadd.s32 v59, v51  }
0x111: {  	vm4 =	vlt.s32 v59, $0x4;
	v59 =	vshll.u32 v39, $0x2;
	vm8 =	vlt.s32 v0, $0x4;
	v0 =	vld [tilespmem:$0x1FFC0]  }
0x112: {  	s3 =	ssub.s32 $0x2, s3;
	s28 =	sshrl.u32 s4, $0x13;
	v54 =	vshll.u32 v41, $0x2;
	v55 =	vnsel vm4, $0x0, v51;
	v51 =	vadd.s32 v57, v59  }
0x113: {  	s4 =	sshrl.u32 s4, $0x15;
	s29 =	sshrl.u32 s3, $0x1;
	s10 =	sshll.u32 s0, $0x6;
	v57 =	vnsel vm6, $0x0, v50;
	v59 =	vshll.u32 v42, $0x2;
	v50 =	vadd.s32 v61, v54  }
0x114: {  	s31 =	sshrl.u32 s1, $0x3;
	s2 =	sadd.s32 s2, s6;
	s30 =	sor.u32 $0x10, s10;
	v54 =	vshll.u32 v45, $0x2;
	v58 =	vnsel vm7, $0x0, v51;
	v51 =	vadd.s32 v60, v59  }
0x115: {  	s11 =	sor.u32 $0x20, s10;
	s12 =	sadd.s32 $0xE00, s13;
	s9 =	sadd.s32 s13, s30;
	v53 =	vld [tilespmem:$0x1FFE0];
	vm10 =	vlt.s32 v60, $0x4;
	v59 =	vnsel vm8, $0x0, v49;
	v49 =	vshll.u32 v43, $0x2  }
0x116: {  	s17 =	ssub.s32 s3, s29;
	s3 =	sadd.s32 s12, s10;
	s19 =	simm.s32 $0x1C0;
	v60 =	vnsel vm9, $0x0, v50;
	vm11 =	vlt.s32 v0, $0x4;
	v49 =	vadd.s32 v0, v49;
	v0 =	vld [tilespmem:$0x1FFD0]  }
0x117: {  	s15 =	sadd.s32 s15, s31;
	s16 =	sadd.s32 s4, s13;
	s4 =	sadd.s32 s13, s10;
	v50 =	vshll.u32 v44, $0x2;
	v61 =	vnsel vm10, $0x0, v51;
	v51 =	vadd.s32 v63, v54;
	v54 =	vld [tilespmem:$0x1FFF0]  }
0x118: {  	s1 =	sadd.s32 $0x1A00, s16;
	s16 =	smax.u32 s17, $0x1;
	s17 =	simm.s32 $0x140;
	v52 =	vshll.u32 v48, $0x2;
	vm12 =	vlt.s32 v62, $0x4;
	v50 =	vadd.s32 v62, v50  }
0x119: {  	s20 =	simm.s32 $0x50;
	s24 =	simm.s32 $0x740;
	s18 =	sor.u32 $0x30, s10;
	vm13 =	vlt.s32 v63, $0x4;
	v62 =	vnsel vm11, $0x0, v49;
	v63 =	vnsel vm12, $0x0, v50  }
0x11a: {  	s10 =	sadd.s32 s12, s11;
	s11 =	sadd.s32 s13, s11;
	s21 =	simm.s32 $0x240;
	v49 =	vnsel vm13, $0x0, v51;
	v50 =	vshll.u32 v46, $0x2;
	v51 =	vshll.u32 v47, $0x2  }
0x11b: {  	s22 =	simm.s32 $0x640;
	s23 =	simm.s32 $0x340;
	s8 =	sand.u32 $0xFFC, s28;
	vm15 =	vlt.s32 v53, $0x4;
	v51 =	vadd.s32 v53, v51;
	v50 =	vadd.s32 v0, v50  }
0x11c: {  	s14 =	sadd.s32 s8, s13;
	s8 =	sadd.s32 s12, s30;
	s12 =	sadd.s32 s12, s18;
	v52 =	vadd.s32 v54, v52;
	vm14 =	vlt.s32 v0, $0x4;
	vm0 =	vlt.s32 v54, $0x4  }
0x11d: {  	s13 =	sadd.s32 s13, s18;
	s18 =	simm.s32 $0x1;
	s14 =	sadd.s32 $0x400, s14;
	v51 =	vnsel vm15, $0x0, v51;
	v50 =	vnsel vm14, $0x0, v50;
	v52 =	vnsel vm0, $0x0, v52  }
.LBB2_1:
0x11e: {  	[tilespmem:s17], [sflag:$0x1] =	stream.linear.gather [hbm4b:s3+s7], $0x80, $0x38;
	[tilespmem:$0xAC0] =	vst v63  }
0x11f: {  	_ =	swait.ge [sflag:s18], $0x80  }
0x120: {  	[sflag:s18] =	ssyncset.done $0x0  }
0x121: {  	[sflag:s18] =	ssyncadd.s32 $0xFFFFFF80  }
0x122: {  	[tilespmem:s19], [sflag:$0x1] =	stream.linear.gather [hbm4b:s4+s7], $0x80, $0x38;
	[tilespmem:$0xAC0] =	vst v63  }
0x123: {  	_ =	swait.ge [sflag:s18], $0x80  }
0x124: {  	[sflag:s18] =	ssyncset.done $0x0  }
0x125: {  	[sflag:s18] =	ssyncadd.s32 $0xFFFFFF80  }
0x126: {  	[spmem:s6] =	stream.indirect.scatter [tilespmem:s17], [sflag:$0x1], $0x1, s19, s20, $0xb8;
	[tilespmem:$0xAC0] =	vst v63  }
0x127: {  	_ =	swait.ge [sflag:s18], $0x50  }
0x128: {  	[sflag:s18] =	ssyncset.done $0x0  }
0x129: {  	[sflag:s18] =	ssyncadd.s32 $0xFFFFFFB0  }
0x12a: {  	[tilespmem:s17], [sflag:$0x1] =	stream.linear.gather [hbm4b:s8+s7], $0x80, $0x38;
	[tilespmem:$0xAC0] =	vst v63  }
0x12b: {  	_ =	swait.ge [sflag:s18], $0x80  }
0x12c: {  	[sflag:s18] =	ssyncset.done $0x0  }
0x12d: {  	[sflag:s18] =	ssyncadd.s32 $0xFFFFFF80  }
0x12e: {  	[tilespmem:s19], [sflag:$0x1] =	stream.linear.gather [hbm4b:s9+s7], $0x80, $0x38;
	[tilespmem:$0xAC0] =	vst v63  }
0x12f: {  	_ =	swait.ge [sflag:s18], $0x80  }
0x130: {  	[sflag:s18] =	ssyncset.done $0x0  }
0x131: {  	[sflag:s18] =	ssyncadd.s32 $0xFFFFFF80  }
0x132: {  	[spmem:s6] =	stream.indirect.scatter [tilespmem:s17], [sflag:$0x1], $0x1, s19, s20, $0xb8;
	[tilespmem:$0xAC0] =	vst v63  }
0x133: {  	_ =	swait.ge [sflag:s18], $0x50  }
0x134: {  	[sflag:s18] =	ssyncset.done $0x0  }
0x135: {  	[sflag:s18] =	ssyncadd.s32 $0xFFFFFFB0  }
0x136: {  	[tilespmem:s17], [sflag:$0x1] =	stream.linear.gather [hbm4b:s10+s7], $0x80, $0x38;
	[tilespmem:$0xAC0] =	vst v63  }
0x137: {  	_ =	swait.ge [sflag:s18], $0x80  }
0x138: {  	[sflag:s18] =	ssyncset.done $0x0  }
0x139: {  	[sflag:s18] =	ssyncadd.s32 $0xFFFFFF80  }
0x13a: {  	[tilespmem:s19], [sflag:$0x1] =	stream.linear.gather [hbm4b:s11+s7], $0x80, $0x38;
	[tilespmem:$0xAC0] =	vst v63  }
0x13b: {  	_ =	swait.ge [sflag:s18], $0x80  }
0x13c: {  	[sflag:s18] =	ssyncset.done $0x0  }
0x13d: {  	[sflag:s18] =	ssyncadd.s32 $0xFFFFFF80  }
0x13e: {  	[spmem:s6] =	stream.indirect.scatter [tilespmem:s17], [sflag:$0x1], $0x1, s19, s20, $0xb8;
	[tilespmem:$0xAC0] =	vst v63  }
0x13f: {  	_ =	swait.ge [sflag:s18], $0x50  }
0x140: {  	[sflag:s18] =	ssyncset.done $0x0  }
0x141: {  	[sflag:s18] =	ssyncadd.s32 $0xFFFFFFB0  }
0x142: {  	[tilespmem:s17], [sflag:$0x1] =	stream.linear.gather [hbm4b:s12+s7], $0x80, $0x38;
	[tilespmem:$0xAC0] =	vst v63  }
0x143: {  	_ =	swait.ge [sflag:s18], $0x80  }
0x144: {  	[sflag:s18] =	ssyncset.done $0x0  }
0x145: {  	[sflag:s18] =	ssyncadd.s32 $0xFFFFFF80  }
0x146: {  	[tilespmem:s19], [sflag:$0x1] =	stream.linear.gather [hbm4b:s13+s7], $0x80, $0x38;
	[tilespmem:$0xAC0] =	vst v63  }
0x147: {  	_ =	swait.ge [sflag:s18], $0x80  }
0x148: {  	[sflag:s18] =	ssyncset.done $0x0  }
0x149: {  	[sflag:s18] =	ssyncadd.s32 $0xFFFFFF80  }
0x14a: {  	[spmem:s6] =	stream.indirect.scatter [tilespmem:s17], [sflag:$0x1], $0x1, s19, s20, $0xb8;
	[tilespmem:$0xAC0] =	vst v63  }
0x14b: {  	_ =	swait.ge [sflag:s18], $0x50  }
0x14c: {  	[sflag:s18] =	ssyncset.done $0x0  }
0x14d: {  	[sflag:s18] =	ssyncadd.s32 $0xFFFFFFB0  }
0x14e: {  	[bflag:$0x0] =	sbarrier.arrive $0xFFFF  }
0x14f: {  	[tilespmem:s21], [sflag:$0x1] =	stream.linear.gather [spmem:s2], $0xA8, $0x38;
	[tilespmem:$0xAC0] =	vst v63  }
0x150: {  	_ =	swait.ge [sflag:s18], $0xA8  }
0x151: {  	[sflag:s18] =	ssyncset.done $0x0  }
0x152: {  	[sflag:s18] =	ssyncadd.s32 $0xFFFFFF58  }
0x153: {  	[tilespmem:s22], [sflag:$0x1] =	stream.linear.gather [hbm4b:s1+s7], $0xA8, $0x38;
	[tilespmem:$0xAC0] =	vst v63  }
0x154: {  	_ =	swait.ge [sflag:s18], $0xA8  }
0x155: {  	[sflag:s18] =	ssyncset.done $0x0  }
0x156: {  	[sflag:s18] =	ssyncadd.s32 $0xFFFFFF58  }
0x157: {  	[tilespmem:s23], [sflag:$0x1] =	stream.linear.gather [hbm4b:s14+s7], $0x2A0, $0x38;
	[tilespmem:$0xAC0] =	vst v63  }
0x158: {  	_ =	swait.ge [sflag:s18], $0x2A0  }
0x159: {  	v0 =	vld [tilespmem:$0x1F910]  }
0x15a: {  	v54 =	vld [tilespmem:$0x1F8E0];
	_ =	sdelay $0x4  }
0x15b: {  	[sflag:s18] =	ssyncset.done $0x0  }
0x15c: {  	[sflag:s18] =	ssyncadd.s32 $0xFFFFFD60  }
0x15d: {  	v53 =	vld.idx.msk [tilespmem:v0+s23+$0x0], $0xffff  }
0x15e: {  	v0 =	vld.idx.msk [tilespmem:v54+s22+$0x0], $0xffff  }
0x15f: {  	v54 =	vld.idx.msk [tilespmem:v54+s21+$0x0], $0xffff;
	[tilespmem:$0x1F8D0] =	vst v1  }
0x160: {  	v1 =	vld [tilespmem:$0x1F8F0];
	_ =	sdelay $0x4  }
0x161: {  	vm1 =	vnez.u8 v1  }
0x162: {  	v0 =	vsel vm1, v53, v0  }
0x163: {  	v1 =	vld [tilespmem:$0x1F8D0];
	v0 =	vmul.f32 v54, v0;
	_ =	sdelay $0x1  }
0x164: {  	[tilespmem:$0x740] =	vst v0;
	v0 =	vld [tilespmem:$0x1F940];
	_ =	sdelay $0x5  }
0x165: {  	v53 =	vld.idx.msk [tilespmem:v1+s22+$0x0], $0xffff  }
0x166: {  	v54 =	vld.idx.msk [tilespmem:v1+s21+$0x0], $0xffff  }
0x167: {  	v0 =	vld.idx.msk [tilespmem:v0+s23+$0x0], $0xffff;
	[tilespmem:$0x1F8D0] =	vst v2  }
0x168: {  	v2 =	vld [tilespmem:$0x1F920];
	_ =	sdelay $0x4  }
0x169: {  	vm1 =	vnez.u8 v2  }
0x16a: {  	v0 =	vsel vm1, v0, v53  }
0x16b: {  	v2 =	vld [tilespmem:$0x1F8D0];
	v0 =	vmul.f32 v54, v0;
	_ =	sdelay $0x1  }
0x16c: {  	[tilespmem:$0x750] =	vst v0;
	v0 =	vld [tilespmem:$0x1F970];
	_ =	sdelay $0x5  }
0x16d: {  	v53 =	vld.idx.msk [tilespmem:v2+s22+$0x0], $0xffff  }
0x16e: {  	v54 =	vld.idx.msk [tilespmem:v2+s21+$0x0], $0xffff  }
0x16f: {  	v0 =	vld.idx.msk [tilespmem:v0+s23+$0x0], $0xffff;
	[tilespmem:$0x1F8D0] =	vst v3  }
0x170: {  	v3 =	vld [tilespmem:$0x1F950];
	_ =	sdelay $0x4  }
0x171: {  	vm1 =	vnez.u8 v3  }
0x172: {  	v0 =	vsel vm1, v0, v53  }
0x173: {  	v3 =	vld [tilespmem:$0x1F8D0];
	v0 =	vmul.f32 v54, v0;
	_ =	sdelay $0x1  }
0x174: {  	[tilespmem:$0x760] =	vst v0;
	v0 =	vld [tilespmem:$0x1F9A0];
	_ =	sdelay $0x5  }
0x175: {  	v53 =	vld.idx.msk [tilespmem:v3+s22+$0x0], $0xffff  }
0x176: {  	v54 =	vld.idx.msk [tilespmem:v3+s21+$0x0], $0xffff  }
0x177: {  	v0 =	vld.idx.msk [tilespmem:v0+s23+$0x0], $0xffff;
	[tilespmem:$0x1F8D0] =	vst v4  }
0x178: {  	v4 =	vld [tilespmem:$0x1F980];
	_ =	sdelay $0x4  }
0x179: {  	vm1 =	vnez.u8 v4  }
0x17a: {  	v0 =	vsel vm1, v0, v53  }
0x17b: {  	v4 =	vld [tilespmem:$0x1F8D0];
	v0 =	vmul.f32 v54, v0;
	_ =	sdelay $0x1  }
0x17c: {  	[tilespmem:$0x770] =	vst v0;
	v0 =	vld [tilespmem:$0x1F9D0];
	_ =	sdelay $0x5  }
0x17d: {  	v53 =	vld.idx.msk [tilespmem:v4+s22+$0x0], $0xffff  }
0x17e: {  	v54 =	vld.idx.msk [tilespmem:v4+s21+$0x0], $0xffff  }
0x17f: {  	v0 =	vld.idx.msk [tilespmem:v0+s23+$0x0], $0xffff;
	[tilespmem:$0x1F8D0] =	vst v1  }
0x180: {  	v1 =	vld [tilespmem:$0x1F9B0];
	_ =	sdelay $0x4  }
0x181: {  	vm1 =	vnez.u8 v1  }
0x182: {  	v0 =	vsel vm1, v0, v53  }
0x183: {  	v0 =	vmul.f32 v54, v0  }
0x184: {  	v1 =	vld [tilespmem:$0x1F8D0]  }
0x185: {  	[tilespmem:$0x780] =	vst v0;
	v0 =	vld [tilespmem:$0x1FA00];
	_ =	sdelay $0x5  }
0x186: {  	v53 =	vld.idx.msk [tilespmem:v5+s22+$0x0], $0xffff  }
0x187: {  	v54 =	vld.idx.msk [tilespmem:v5+s21+$0x0], $0xffff  }
0x188: {  	v0 =	vld.idx.msk [tilespmem:v0+s23+$0x0], $0xffff;
	[tilespmem:$0x1F8D0] =	vst v1  }
0x189: {  	v1 =	vld [tilespmem:$0x1F9E0];
	_ =	sdelay $0x4  }
0x18a: {  	vm1 =	vnez.u8 v1  }
0x18b: {  	v0 =	vsel vm1, v0, v53  }
0x18c: {  	v0 =	vmul.f32 v54, v0  }
0x18d: {  	v1 =	vld [tilespmem:$0x1F8D0]  }
0x18e: {  	[tilespmem:$0x790] =	vst v0;
	v0 =	vld [tilespmem:$0x1FA30];
	_ =	sdelay $0x5  }
0x18f: {  	v53 =	vld.idx.msk [tilespmem:v6+s22+$0x0], $0xffff  }
0x190: {  	v54 =	vld.idx.msk [tilespmem:v6+s21+$0x0], $0xffff  }
0x191: {  	v0 =	vld.idx.msk [tilespmem:v0+s23+$0x0], $0xffff;
	[tilespmem:$0x1F8D0] =	vst v1  }
0x192: {  	v1 =	vld [tilespmem:$0x1FA10];
	_ =	sdelay $0x4  }
0x193: {  	vm1 =	vnez.u8 v1  }
0x194: {  	v0 =	vsel vm1, v0, v53  }
0x195: {  	v0 =	vmul.f32 v54, v0  }
0x196: {  	v1 =	vld [tilespmem:$0x1F8D0]  }
0x197: {  	[tilespmem:$0x7A0] =	vst v0;
	v0 =	vld [tilespmem:$0x1FA60];
	_ =	sdelay $0x5  }
0x198: {  	v53 =	vld.idx.msk [tilespmem:v7+s22+$0x0], $0xffff  }
0x199: {  	v54 =	vld.idx.msk [tilespmem:v7+s21+$0x0], $0xffff  }
0x19a: {  	v0 =	vld.idx.msk [tilespmem:v0+s23+$0x0], $0xffff;
	[tilespmem:$0x1F8D0] =	vst v1  }
0x19b: {  	v1 =	vld [tilespmem:$0x1FA40];
	_ =	sdelay $0x4  }
0x19c: {  	vm1 =	vnez.u8 v1  }
0x19d: {  	v0 =	vsel vm1, v0, v53  }
0x19e: {  	v0 =	vmul.f32 v54, v0  }
0x19f: {  	v1 =	vld [tilespmem:$0x1F8D0]  }
0x1a0: {  	[tilespmem:$0x7B0] =	vst v0;
	v0 =	vld [tilespmem:$0x1FA90];
	_ =	sdelay $0x5  }
0x1a1: {  	v53 =	vld.idx.msk [tilespmem:v8+s22+$0x0], $0xffff  }
0x1a2: {  	v54 =	vld.idx.msk [tilespmem:v8+s21+$0x0], $0xffff  }
0x1a3: {  	v0 =	vld.idx.msk [tilespmem:v0+s23+$0x0], $0xffff;
	[tilespmem:$0x1F8D0] =	vst v1  }
0x1a4: {  	v1 =	vld [tilespmem:$0x1FA70];
	_ =	sdelay $0x4  }
0x1a5: {  	vm1 =	vnez.u8 v1  }
0x1a6: {  	v0 =	vsel vm1, v0, v53  }
0x1a7: {  	v0 =	vmul.f32 v54, v0  }
0x1a8: {  	v1 =	vld [tilespmem:$0x1F8D0]  }
0x1a9: {  	[tilespmem:$0x7C0] =	vst v0;
	v0 =	vld [tilespmem:$0x1FAC0];
	_ =	sdelay $0x5  }
0x1aa: {  	v53 =	vld.idx.msk [tilespmem:v9+s22+$0x0], $0xffff  }
0x1ab: {  	v54 =	vld.idx.msk [tilespmem:v9+s21+$0x0], $0xffff  }
0x1ac: {  	v0 =	vld.idx.msk [tilespmem:v0+s23+$0x0], $0xffff;
	[tilespmem:$0x1F8D0] =	vst v1  }
0x1ad: {  	v1 =	vld [tilespmem:$0x1FAA0];
	_ =	sdelay $0x4  }
0x1ae: {  	vm1 =	vnez.u8 v1  }
0x1af: {  	v0 =	vsel vm1, v0, v53  }
0x1b0: {  	v0 =	vmul.f32 v54, v0  }
0x1b1: {  	v1 =	vld [tilespmem:$0x1F8D0]  }
0x1b2: {  	[tilespmem:$0x7D0] =	vst v0;
	v0 =	vld [tilespmem:$0x1FAF0];
	_ =	sdelay $0x5  }
0x1b3: {  	v53 =	vld.idx.msk [tilespmem:v10+s22+$0x0], $0xffff  }
0x1b4: {  	v54 =	vld.idx.msk [tilespmem:v10+s21+$0x0], $0xffff  }
0x1b5: {  	v0 =	vld.idx.msk [tilespmem:v0+s23+$0x0], $0xffff;
	[tilespmem:$0x1F8D0] =	vst v1  }
0x1b6: {  	v1 =	vld [tilespmem:$0x1FAD0];
	_ =	sdelay $0x4  }
0x1b7: {  	vm1 =	vnez.u8 v1  }
0x1b8: {  	v0 =	vsel vm1, v0, v53  }
0x1b9: {  	v0 =	vmul.f32 v54, v0  }
0x1ba: {  	v1 =	vld [tilespmem:$0x1F8D0]  }
0x1bb: {  	[tilespmem:$0x7E0] =	vst v0;
	v0 =	vld [tilespmem:$0x1FB20];
	_ =	sdelay $0x5  }
0x1bc: {  	v53 =	vld.idx.msk [tilespmem:v11+s22+$0x0], $0xffff  }
0x1bd: {  	v54 =	vld.idx.msk [tilespmem:v11+s21+$0x0], $0xffff  }
0x1be: {  	v0 =	vld.idx.msk [tilespmem:v0+s23+$0x0], $0xffff;
	[tilespmem:$0x1F8D0] =	vst v1  }
0x1bf: {  	v1 =	vld [tilespmem:$0x1FB00];
	_ =	sdelay $0x4  }
0x1c0: {  	vm1 =	vnez.u8 v1  }
0x1c1: {  	v0 =	vsel vm1, v0, v53  }
0x1c2: {  	v0 =	vmul.f32 v54, v0  }
0x1c3: {  	v1 =	vld [tilespmem:$0x1F8D0]  }
0x1c4: {  	[tilespmem:$0x7F0] =	vst v0;
	v0 =	vld [tilespmem:$0x1FB50];
	_ =	sdelay $0x5  }
0x1c5: {  	v53 =	vld.idx.msk [tilespmem:v12+s22+$0x0], $0xffff  }
0x1c6: {  	v54 =	vld.idx.msk [tilespmem:v12+s21+$0x0], $0xffff  }
0x1c7: {  	v0 =	vld.idx.msk [tilespmem:v0+s23+$0x0], $0xffff;
	[tilespmem:$0x1F8D0] =	vst v1  }
0x1c8: {  	v1 =	vld [tilespmem:$0x1FB30];
	_ =	sdelay $0x4  }
0x1c9: {  	vm1 =	vnez.u8 v1  }
0x1ca: {  	v0 =	vsel vm1, v0, v53  }
0x1cb: {  	v0 =	vmul.f32 v54, v0  }
0x1cc: {  	v1 =	vld [tilespmem:$0x1F8D0]  }
0x1cd: {  	[tilespmem:$0x800] =	vst v0;
	v0 =	vld [tilespmem:$0x1FB80];
	_ =	sdelay $0x5  }
0x1ce: {  	v53 =	vld.idx.msk [tilespmem:v13+s22+$0x0], $0xffff  }
0x1cf: {  	v54 =	vld.idx.msk [tilespmem:v13+s21+$0x0], $0xffff  }
0x1d0: {  	v0 =	vld.idx.msk [tilespmem:v0+s23+$0x0], $0xffff;
	[tilespmem:$0x1F8D0] =	vst v1  }
0x1d1: {  	v1 =	vld [tilespmem:$0x1FB60];
	_ =	sdelay $0x4  }
0x1d2: {  	vm1 =	vnez.u8 v1  }
0x1d3: {  	v0 =	vsel vm1, v0, v53  }
0x1d4: {  	v0 =	vmul.f32 v54, v0  }
0x1d5: {  	v1 =	vld [tilespmem:$0x1F8D0]  }
0x1d6: {  	[tilespmem:$0x810] =	vst v0;
	v0 =	vld [tilespmem:$0x1FBB0];
	_ =	sdelay $0x5  }
0x1d7: {  	v53 =	vld.idx.msk [tilespmem:v14+s22+$0x0], $0xffff  }
0x1d8: {  	v54 =	vld.idx.msk [tilespmem:v14+s21+$0x0], $0xffff  }
0x1d9: {  	v0 =	vld.idx.msk [tilespmem:v0+s23+$0x0], $0xffff;
	[tilespmem:$0x1F8D0] =	vst v1  }
0x1da: {  	v1 =	vld [tilespmem:$0x1FB90];
	_ =	sdelay $0x4  }
0x1db: {  	vm1 =	vnez.u8 v1  }
0x1dc: {  	v0 =	vsel vm1, v0, v53  }
0x1dd: {  	v0 =	vmul.f32 v54, v0  }
0x1de: {  	v1 =	vld [tilespmem:$0x1F8D0]  }
0x1df: {  	[tilespmem:$0x820] =	vst v0;
	v0 =	vld [tilespmem:$0x1FBE0];
	_ =	sdelay $0x5  }
0x1e0: {  	v53 =	vld.idx.msk [tilespmem:v15+s22+$0x0], $0xffff  }
0x1e1: {  	v54 =	vld.idx.msk [tilespmem:v15+s21+$0x0], $0xffff  }
0x1e2: {  	v0 =	vld.idx.msk [tilespmem:v0+s23+$0x0], $0xffff;
	[tilespmem:$0x1F8D0] =	vst v1  }
0x1e3: {  	v1 =	vld [tilespmem:$0x1FBC0];
	_ =	sdelay $0x4  }
0x1e4: {  	vm1 =	vnez.u8 v1  }
0x1e5: {  	v0 =	vsel vm1, v0, v53  }
0x1e6: {  	v0 =	vmul.f32 v54, v0  }
0x1e7: {  	v1 =	vld [tilespmem:$0x1F8D0]  }
0x1e8: {  	[tilespmem:$0x830] =	vst v0;
	v0 =	vld [tilespmem:$0x1FC30];
	_ =	sdelay $0x5  }
0x1e9: {  	v53 =	vld.idx.msk [tilespmem:v16+s22+$0x0], $0xffff  }
0x1ea: {  	v54 =	vld.idx.msk [tilespmem:v16+s21+$0x0], $0xffff  }
0x1eb: {  	v0 =	vld.idx.msk [tilespmem:v0+s23+$0x0], $0xffff;
	[tilespmem:$0x1F8D0] =	vst v1  }
0x1ec: {  	v1 =	vld [tilespmem:$0x1FC20];
	_ =	sdelay $0x4  }
0x1ed: {  	vm1 =	vnez.u8 v1  }
0x1ee: {  	v0 =	vsel vm1, v0, v53  }
0x1ef: {  	v0 =	vmul.f32 v54, v0  }
0x1f0: {  	v1 =	vld [tilespmem:$0x1F8D0]  }
0x1f1: {  	[tilespmem:$0x840] =	vst v0;
	v0 =	vld [tilespmem:$0x1FC50];
	_ =	sdelay $0x5  }
0x1f2: {  	v53 =	vld.idx.msk [tilespmem:v17+s22+$0x0], $0xffff  }
0x1f3: {  	v54 =	vld.idx.msk [tilespmem:v17+s21+$0x0], $0xffff  }
0x1f4: {  	v0 =	vld.idx.msk [tilespmem:v0+s23+$0x0], $0xffff;
	[tilespmem:$0x1F8D0] =	vst v1  }
0x1f5: {  	v1 =	vld [tilespmem:$0x1FC40];
	_ =	sdelay $0x4  }
0x1f6: {  	vm1 =	vnez.u8 v1  }
0x1f7: {  	v0 =	vsel vm1, v0, v53  }
0x1f8: {  	v0 =	vmul.f32 v54, v0  }
0x1f9: {  	v1 =	vld [tilespmem:$0x1F8D0]  }
0x1fa: {  	[tilespmem:$0x850] =	vst v0;
	v0 =	vld [tilespmem:$0x1FC70];
	_ =	sdelay $0x5  }
0x1fb: {  	v53 =	vld.idx.msk [tilespmem:v18+s22+$0x0], $0xffff  }
0x1fc: {  	v54 =	vld.idx.msk [tilespmem:v18+s21+$0x0], $0xffff  }
0x1fd: {  	v0 =	vld.idx.msk [tilespmem:v0+s23+$0x0], $0xffff;
	[tilespmem:$0x1F8D0] =	vst v1  }
0x1fe: {  	v1 =	vld [tilespmem:$0x1FC60];
	_ =	sdelay $0x4  }
0x1ff: {  	vm1 =	vnez.u8 v1  }
0x200: {  	v0 =	vsel vm1, v0, v53  }
0x201: {  	v0 =	vmul.f32 v54, v0  }
0x202: {  	v1 =	vld [tilespmem:$0x1F8D0]  }
0x203: {  	[tilespmem:$0x860] =	vst v0;
	v0 =	vld [tilespmem:$0x1FCC0];
	_ =	sdelay $0x5  }
0x204: {  	v53 =	vld.idx.msk [tilespmem:v19+s22+$0x0], $0xffff  }
0x205: {  	v54 =	vld.idx.msk [tilespmem:v19+s21+$0x0], $0xffff  }
0x206: {  	v0 =	vld.idx.msk [tilespmem:v0+s23+$0x0], $0xffff;
	[tilespmem:$0x1F8D0] =	vst v1  }
0x207: {  	v1 =	vld [tilespmem:$0x1FCB0];
	_ =	sdelay $0x4  }
0x208: {  	vm1 =	vnez.u8 v1  }
0x209: {  	v0 =	vsel vm1, v0, v53  }
0x20a: {  	v0 =	vmul.f32 v54, v0  }
0x20b: {  	v1 =	vld [tilespmem:$0x1F8D0]  }
0x20c: {  	[tilespmem:$0x870] =	vst v0;
	v0 =	vld [tilespmem:$0x1FCE0];
	_ =	sdelay $0x5  }
0x20d: {  	v53 =	vld.idx.msk [tilespmem:v20+s22+$0x0], $0xffff  }
0x20e: {  	v54 =	vld.idx.msk [tilespmem:v20+s21+$0x0], $0xffff  }
0x20f: {  	v0 =	vld.idx.msk [tilespmem:v0+s23+$0x0], $0xffff;
	[tilespmem:$0x1F8D0] =	vst v1  }
0x210: {  	v1 =	vld [tilespmem:$0x1FCD0];
	_ =	sdelay $0x4  }
0x211: {  	vm1 =	vnez.u8 v1  }
0x212: {  	v0 =	vsel vm1, v0, v53  }
0x213: {  	v0 =	vmul.f32 v54, v0  }
0x214: {  	v1 =	vld [tilespmem:$0x1F8D0]  }
0x215: {  	[tilespmem:$0x880] =	vst v0;
	v0 =	vld [tilespmem:$0x1FD00];
	_ =	sdelay $0x5  }
0x216: {  	v53 =	vld.idx.msk [tilespmem:v21+s22+$0x0], $0xffff  }
0x217: {  	v54 =	vld.idx.msk [tilespmem:v21+s21+$0x0], $0xffff  }
0x218: {  	v0 =	vld.idx.msk [tilespmem:v0+s23+$0x0], $0xffff;
	[tilespmem:$0x1F8D0] =	vst v1  }
0x219: {  	v1 =	vld [tilespmem:$0x1FCF0];
	_ =	sdelay $0x4  }
0x21a: {  	vm1 =	vnez.u8 v1  }
0x21b: {  	v0 =	vsel vm1, v0, v53  }
0x21c: {  	v0 =	vmul.f32 v54, v0  }
0x21d: {  	v1 =	vld [tilespmem:$0x1F8D0]  }
0x21e: {  	[tilespmem:$0x890] =	vst v0;
	v0 =	vld [tilespmem:$0x1FD50];
	_ =	sdelay $0x5  }
0x21f: {  	v53 =	vld.idx.msk [tilespmem:v22+s22+$0x0], $0xffff  }
0x220: {  	v54 =	vld.idx.msk [tilespmem:v22+s21+$0x0], $0xffff  }
0x221: {  	v0 =	vld.idx.msk [tilespmem:v0+s23+$0x0], $0xffff;
	[tilespmem:$0x1F8D0] =	vst v1  }
0x222: {  	v1 =	vld [tilespmem:$0x1FD40];
	_ =	sdelay $0x4  }
0x223: {  	vm1 =	vnez.u8 v1  }
0x224: {  	v0 =	vsel vm1, v0, v53  }
0x225: {  	v0 =	vmul.f32 v54, v0  }
0x226: {  	v1 =	vld [tilespmem:$0x1F8D0]  }
0x227: {  	[tilespmem:$0x8A0] =	vst v0;
	v0 =	vld [tilespmem:$0x1FD70];
	_ =	sdelay $0x5  }
0x228: {  	v53 =	vld.idx.msk [tilespmem:v23+s22+$0x0], $0xffff  }
0x229: {  	v54 =	vld.idx.msk [tilespmem:v23+s21+$0x0], $0xffff  }
0x22a: {  	v0 =	vld.idx.msk [tilespmem:v0+s23+$0x0], $0xffff;
	[tilespmem:$0x1F8D0] =	vst v1  }
0x22b: {  	v1 =	vld [tilespmem:$0x1FD60];
	_ =	sdelay $0x4  }
0x22c: {  	vm1 =	vnez.u8 v1  }
0x22d: {  	v0 =	vsel vm1, v0, v53  }
0x22e: {  	v0 =	vmul.f32 v54, v0  }
0x22f: {  	v1 =	vld [tilespmem:$0x1F8D0]  }
0x230: {  	[tilespmem:$0x8B0] =	vst v0;
	v0 =	vld [tilespmem:$0x1FD90];
	_ =	sdelay $0x5  }
0x231: {  	v53 =	vld.idx.msk [tilespmem:v24+s22+$0x0], $0xffff  }
0x232: {  	v54 =	vld.idx.msk [tilespmem:v24+s21+$0x0], $0xffff  }
0x233: {  	v0 =	vld.idx.msk [tilespmem:v0+s23+$0x0], $0xffff;
	[tilespmem:$0x1F8D0] =	vst v1  }
0x234: {  	v1 =	vld [tilespmem:$0x1FD80];
	_ =	sdelay $0x4  }
0x235: {  	vm1 =	vnez.u8 v1  }
0x236: {  	v0 =	vsel vm1, v0, v53  }
0x237: {  	v0 =	vmul.f32 v54, v0  }
0x238: {  	v1 =	vld [tilespmem:$0x1F8D0]  }
0x239: {  	[tilespmem:$0x8C0] =	vst v0;
	v0 =	vld [tilespmem:$0x1FDE0];
	_ =	sdelay $0x5  }
0x23a: {  	v53 =	vld.idx.msk [tilespmem:v25+s22+$0x0], $0xffff  }
0x23b: {  	v54 =	vld.idx.msk [tilespmem:v25+s21+$0x0], $0xffff  }
0x23c: {  	v0 =	vld.idx.msk [tilespmem:v0+s23+$0x0], $0xffff;
	[tilespmem:$0x1F8D0] =	vst v1  }
0x23d: {  	v1 =	vld [tilespmem:$0x1FDD0];
	_ =	sdelay $0x4  }
0x23e: {  	vm1 =	vnez.u8 v1  }
0x23f: {  	v0 =	vsel vm1, v0, v53  }
0x240: {  	v0 =	vmul.f32 v54, v0  }
0x241: {  	v1 =	vld [tilespmem:$0x1F8D0]  }
0x242: {  	[tilespmem:$0x8D0] =	vst v0;
	v0 =	vld [tilespmem:$0x1FE00];
	_ =	sdelay $0x5  }
0x243: {  	v53 =	vld.idx.msk [tilespmem:v26+s22+$0x0], $0xffff  }
0x244: {  	v54 =	vld.idx.msk [tilespmem:v26+s21+$0x0], $0xffff  }
0x245: {  	v0 =	vld.idx.msk [tilespmem:v0+s23+$0x0], $0xffff;
	[tilespmem:$0x1F8D0] =	vst v1  }
0x246: {  	v1 =	vld [tilespmem:$0x1FDF0];
	_ =	sdelay $0x4  }
0x247: {  	vm1 =	vnez.u8 v1  }
0x248: {  	v0 =	vsel vm1, v0, v53  }
0x249: {  	v0 =	vmul.f32 v54, v0  }
0x24a: {  	v1 =	vld [tilespmem:$0x1F8D0]  }
0x24b: {  	[tilespmem:$0x8E0] =	vst v0;
	v0 =	vld [tilespmem:$0x1FE20];
	_ =	sdelay $0x5  }
0x24c: {  	v53 =	vld.idx.msk [tilespmem:v27+s22+$0x0], $0xffff  }
0x24d: {  	v54 =	vld.idx.msk [tilespmem:v27+s21+$0x0], $0xffff  }
0x24e: {  	v0 =	vld.idx.msk [tilespmem:v0+s23+$0x0], $0xffff;
	[tilespmem:$0x1F8D0] =	vst v1  }
0x24f: {  	v1 =	vld [tilespmem:$0x1FE10];
	_ =	sdelay $0x4  }
0x250: {  	vm1 =	vnez.u8 v1  }
0x251: {  	v0 =	vsel vm1, v0, v53  }
0x252: {  	v0 =	vmul.f32 v54, v0  }
0x253: {  	v1 =	vld [tilespmem:$0x1F8D0]  }
0x254: {  	[tilespmem:$0x8F0] =	vst v0;
	v0 =	vld [tilespmem:$0x1FE70];
	_ =	sdelay $0x5  }
0x255: {  	v53 =	vld.idx.msk [tilespmem:v28+s22+$0x0], $0xffff  }
0x256: {  	v54 =	vld.idx.msk [tilespmem:v28+s21+$0x0], $0xffff  }
0x257: {  	v0 =	vld.idx.msk [tilespmem:v0+s23+$0x0], $0xffff;
	[tilespmem:$0x1F8D0] =	vst v1  }
0x258: {  	v1 =	vld [tilespmem:$0x1FE60];
	_ =	sdelay $0x4  }
0x259: {  	vm1 =	vnez.u8 v1  }
0x25a: {  	v0 =	vsel vm1, v0, v53  }
0x25b: {  	v0 =	vmul.f32 v54, v0  }
0x25c: {  	v1 =	vld [tilespmem:$0x1F8D0]  }
0x25d: {  	[tilespmem:$0x900] =	vst v0;
	v0 =	vld [tilespmem:$0x1FE90];
	_ =	sdelay $0x5  }
0x25e: {  	v53 =	vld.idx.msk [tilespmem:v29+s22+$0x0], $0xffff  }
0x25f: {  	v54 =	vld.idx.msk [tilespmem:v29+s21+$0x0], $0xffff  }
0x260: {  	v0 =	vld.idx.msk [tilespmem:v0+s23+$0x0], $0xffff;
	[tilespmem:$0x1F8D0] =	vst v1  }
0x261: {  	v1 =	vld [tilespmem:$0x1FE80];
	_ =	sdelay $0x4  }
0x262: {  	vm1 =	vnez.u8 v1  }
0x263: {  	v0 =	vsel vm1, v0, v53  }
0x264: {  	v0 =	vmul.f32 v54, v0  }
0x265: {  	v1 =	vld [tilespmem:$0x1F8D0]  }
0x266: {  	[tilespmem:$0x910] =	vst v0;
	v0 =	vld [tilespmem:$0x1FEB0];
	_ =	sdelay $0x5  }
0x267: {  	v53 =	vld.idx.msk [tilespmem:v30+s22+$0x0], $0xffff  }
0x268: {  	v54 =	vld.idx.msk [tilespmem:v30+s21+$0x0], $0xffff  }
0x269: {  	v0 =	vld.idx.msk [tilespmem:v0+s23+$0x0], $0xffff;
	[tilespmem:$0x1F8D0] =	vst v1  }
0x26a: {  	v1 =	vld [tilespmem:$0x1FEA0];
	_ =	sdelay $0x4  }
0x26b: {  	vm1 =	vnez.u8 v1  }
0x26c: {  	v0 =	vsel vm1, v0, v53  }
0x26d: {  	v0 =	vmul.f32 v54, v0  }
0x26e: {  	v1 =	vld [tilespmem:$0x1F8D0]  }
0x26f: {  	[tilespmem:$0x920] =	vst v0;
	v0 =	vld [tilespmem:$0x1FF00];
	_ =	sdelay $0x5  }
0x270: {  	v53 =	vld.idx.msk [tilespmem:v31+s22+$0x0], $0xffff  }
0x271: {  	v54 =	vld.idx.msk [tilespmem:v31+s21+$0x0], $0xffff  }
0x272: {  	v0 =	vld.idx.msk [tilespmem:v0+s23+$0x0], $0xffff;
	[tilespmem:$0x1F8D0] =	vst v1  }
0x273: {  	v1 =	vld [tilespmem:$0x1FEF0];
	_ =	sdelay $0x4  }
0x274: {  	vm1 =	vnez.u8 v1  }
0x275: {  	v0 =	vsel vm1, v0, v53  }
0x276: {  	v0 =	vmul.f32 v54, v0  }
0x277: {  	v1 =	vld [tilespmem:$0x1F8D0]  }
0x278: {  	[tilespmem:$0x930] =	vst v0;
	v0 =	vld [tilespmem:$0x1FF20];
	_ =	sdelay $0x5  }
0x279: {  	v53 =	vld.idx.msk [tilespmem:v32+s22+$0x0], $0xffff  }
0x27a: {  	v54 =	vld.idx.msk [tilespmem:v32+s21+$0x0], $0xffff  }
0x27b: {  	v0 =	vld.idx.msk [tilespmem:v0+s23+$0x0], $0xffff;
	[tilespmem:$0x1F8D0] =	vst v1  }
0x27c: {  	v1 =	vld [tilespmem:$0x1FF10];
	_ =	sdelay $0x4  }
0x27d: {  	vm1 =	vnez.u8 v1  }
0x27e: {  	v0 =	vsel vm1, v0, v53  }
0x27f: {  	v0 =	vmul.f32 v54, v0  }
0x280: {  	v1 =	vld [tilespmem:$0x1F8D0]  }
0x281: {  	[tilespmem:$0x940] =	vst v0;
	v0 =	vld [tilespmem:$0x1FF40];
	_ =	sdelay $0x5  }
0x282: {  	v53 =	vld.idx.msk [tilespmem:v33+s22+$0x0], $0xffff  }
0x283: {  	v54 =	vld.idx.msk [tilespmem:v33+s21+$0x0], $0xffff  }
0x284: {  	v0 =	vld.idx.msk [tilespmem:v0+s23+$0x0], $0xffff;
	[tilespmem:$0x1F8D0] =	vst v1  }
0x285: {  	v1 =	vld [tilespmem:$0x1FF30];
	_ =	sdelay $0x4  }
0x286: {  	vm1 =	vnez.u8 v1  }
0x287: {  	v0 =	vsel vm1, v0, v53  }
0x288: {  	v0 =	vmul.f32 v54, v0  }
0x289: {  	v1 =	vld [tilespmem:$0x1F8D0]  }
0x28a: {  	[tilespmem:$0x950] =	vst v0;
	v0 =	vld [tilespmem:$0x1FF80];
	_ =	sdelay $0x6  }
0x28b: {  	v53 =	vld.idx.msk [tilespmem:v34+s22+$0x0], $0xffff  }
0x28c: {  	v0 =	vld.idx.msk [tilespmem:v0+s23+$0x0], $0xffff  }
0x28d: {  	v54 =	vld.idx.msk [tilespmem:v34+s21+$0x0], $0xffff;
	_ =	sdelay $0x3  }
0x28e: {  	v0 =	vsel vm2, v0, v53  }
0x28f: {  	v0 =	vmul.f32 v54, v0;
	_ =	sdelay $0x1  }
0x290: {  	[tilespmem:$0x960] =	vst v0;
	v0 =	vld [tilespmem:$0x1FF90];
	_ =	sdelay $0x6  }
0x291: {  	v53 =	vld.idx.msk [tilespmem:v35+s22+$0x0], $0xffff  }
0x292: {  	v0 =	vld.idx.msk [tilespmem:v0+s23+$0x0], $0xffff  }
0x293: {  	v54 =	vld.idx.msk [tilespmem:v35+s21+$0x0], $0xffff;
	_ =	sdelay $0x3  }
0x294: {  	v0 =	vsel vm3, v0, v53  }
0x295: {  	v0 =	vmul.f32 v54, v0;
	_ =	sdelay $0x1  }
0x296: {  	[tilespmem:$0x970] =	vst v0  }
0x297: {  	v0 =	vld.idx.msk [tilespmem:v55+s23+$0x0], $0xffff  }
0x298: {  	v53 =	vld.idx.msk [tilespmem:v36+s22+$0x0], $0xffff  }
0x299: {  	v54 =	vld.idx.msk [tilespmem:v36+s21+$0x0], $0xffff;
	_ =	sdelay $0x3  }
0x29a: {  	v0 =	vsel vm4, v0, v53  }
0x29b: {  	v0 =	vmul.f32 v54, v0;
	_ =	sdelay $0x1  }
0x29c: {  	[tilespmem:$0x980] =	vst v0  }
0x29d: {  	v0 =	vld.idx.msk [tilespmem:v56+s23+$0x0], $0xffff  }
0x29e: {  	v53 =	vld.idx.msk [tilespmem:v37+s22+$0x0], $0xffff  }
0x29f: {  	v54 =	vld.idx.msk [tilespmem:v37+s21+$0x0], $0xffff;
	_ =	sdelay $0x3  }
0x2a0: {  	v0 =	vsel vm5, v0, v53  }
0x2a1: {  	v0 =	vmul.f32 v54, v0;
	_ =	sdelay $0x1  }
0x2a2: {  	[tilespmem:$0x990] =	vst v0  }
0x2a3: {  	v0 =	vld.idx.msk [tilespmem:v57+s23+$0x0], $0xffff  }
0x2a4: {  	v53 =	vld.idx.msk [tilespmem:v38+s22+$0x0], $0xffff  }
0x2a5: {  	v54 =	vld.idx.msk [tilespmem:v38+s21+$0x0], $0xffff;
	_ =	sdelay $0x3  }
0x2a6: {  	v0 =	vsel vm6, v0, v53  }
0x2a7: {  	v0 =	vmul.f32 v54, v0;
	_ =	sdelay $0x1  }
0x2a8: {  	[tilespmem:$0x9A0] =	vst v0  }
0x2a9: {  	v0 =	vld.idx.msk [tilespmem:v58+s23+$0x0], $0xffff  }
0x2aa: {  	v53 =	vld.idx.msk [tilespmem:v39+s22+$0x0], $0xffff  }
0x2ab: {  	v54 =	vld.idx.msk [tilespmem:v39+s21+$0x0], $0xffff;
	_ =	sdelay $0x3  }
0x2ac: {  	v0 =	vsel vm7, v0, v53  }
0x2ad: {  	v0 =	vmul.f32 v54, v0;
	_ =	sdelay $0x1  }
0x2ae: {  	[tilespmem:$0x9B0] =	vst v0  }
0x2af: {  	v0 =	vld.idx.msk [tilespmem:v59+s23+$0x0], $0xffff  }
0x2b0: {  	v53 =	vld.idx.msk [tilespmem:v40+s22+$0x0], $0xffff  }
0x2b1: {  	v54 =	vld.idx.msk [tilespmem:v40+s21+$0x0], $0xffff;
	_ =	sdelay $0x3  }
0x2b2: {  	v0 =	vsel vm8, v0, v53  }
0x2b3: {  	v0 =	vmul.f32 v54, v0;
	_ =	sdelay $0x1  }
0x2b4: {  	[tilespmem:$0x9C0] =	vst v0  }
0x2b5: {  	v0 =	vld.idx.msk [tilespmem:v60+s23+$0x0], $0xffff  }
0x2b6: {  	v53 =	vld.idx.msk [tilespmem:v41+s22+$0x0], $0xffff  }
0x2b7: {  	v54 =	vld.idx.msk [tilespmem:v41+s21+$0x0], $0xffff;
	_ =	sdelay $0x3  }
0x2b8: {  	v0 =	vsel vm9, v0, v53  }
0x2b9: {  	v0 =	vmul.f32 v54, v0;
	_ =	sdelay $0x1  }
0x2ba: {  	[tilespmem:$0x9D0] =	vst v0  }
0x2bb: {  	v0 =	vld.idx.msk [tilespmem:v61+s23+$0x0], $0xffff  }
0x2bc: {  	v53 =	vld.idx.msk [tilespmem:v42+s22+$0x0], $0xffff  }
0x2bd: {  	v54 =	vld.idx.msk [tilespmem:v42+s21+$0x0], $0xffff;
	_ =	sdelay $0x3  }
0x2be: {  	v0 =	vsel vm10, v0, v53  }
0x2bf: {  	v0 =	vmul.f32 v54, v0;
	_ =	sdelay $0x1  }
0x2c0: {  	[tilespmem:$0x9E0] =	vst v0  }
0x2c1: {  	v0 =	vld.idx.msk [tilespmem:v62+s23+$0x0], $0xffff  }
0x2c2: {  	v53 =	vld.idx.msk [tilespmem:v43+s22+$0x0], $0xffff  }
0x2c3: {  	v54 =	vld.idx.msk [tilespmem:v43+s21+$0x0], $0xffff;
	_ =	sdelay $0x3  }
0x2c4: {  	v0 =	vsel vm11, v0, v53  }
0x2c5: {  	v0 =	vmul.f32 v54, v0;
	_ =	sdelay $0x1  }
0x2c6: {  	[tilespmem:$0x9F0] =	vst v0  }
0x2c7: {  	v0 =	vld.idx.msk [tilespmem:v63+s23+$0x0], $0xffff  }
0x2c8: {  	v53 =	vld.idx.msk [tilespmem:v44+s22+$0x0], $0xffff  }
0x2c9: {  	v54 =	vld.idx.msk [tilespmem:v44+s21+$0x0], $0xffff;
	_ =	sdelay $0x3  }
0x2ca: {  	v0 =	vsel vm12, v0, v53  }
0x2cb: {  	v0 =	vmul.f32 v54, v0;
	_ =	sdelay $0x1  }
0x2cc: {  	[tilespmem:$0xA00] =	vst v0  }
0x2cd: {  	v0 =	vld.idx.msk [tilespmem:v49+s23+$0x0], $0xffff  }
0x2ce: {  	v53 =	vld.idx.msk [tilespmem:v45+s22+$0x0], $0xffff  }
0x2cf: {  	v54 =	vld.idx.msk [tilespmem:v45+s21+$0x0], $0xffff;
	_ =	sdelay $0x3  }
0x2d0: {  	v0 =	vsel vm13, v0, v53  }
0x2d1: {  	v0 =	vmul.f32 v54, v0;
	_ =	sdelay $0x1  }
0x2d2: {  	[tilespmem:$0xA10] =	vst v0  }
0x2d3: {  	v0 =	vld.idx.msk [tilespmem:v50+s23+$0x0], $0xffff  }
0x2d4: {  	v53 =	vld.idx.msk [tilespmem:v46+s22+$0x0], $0xffff  }
0x2d5: {  	v54 =	vld.idx.msk [tilespmem:v46+s21+$0x0], $0xffff;
	_ =	sdelay $0x3  }
0x2d6: {  	v0 =	vsel vm14, v0, v53  }
0x2d7: {  	v0 =	vmul.f32 v54, v0;
	_ =	sdelay $0x1  }
0x2d8: {  	[tilespmem:$0xA20] =	vst v0  }
0x2d9: {  	v0 =	vld.idx.msk [tilespmem:v51+s23+$0x0], $0xffff  }
0x2da: {  	v53 =	vld.idx.msk [tilespmem:v47+s22+$0x0], $0xffff  }
0x2db: {  	v54 =	vld.idx.msk [tilespmem:v47+s21+$0x0], $0xffff;
	_ =	sdelay $0x3  }
0x2dc: {  	v0 =	vsel vm15, v0, v53  }
0x2dd: {  	v0 =	vmul.f32 v54, v0;
	_ =	sdelay $0x1  }
0x2de: {  	[tilespmem:$0xA30] =	vst v0  }
0x2df: {  	v0 =	vld.idx.msk [tilespmem:v52+s23+$0x0], $0xffff  }
0x2e0: {  	v53 =	vld.idx.msk [tilespmem:v48+s22+$0x0], $0xffff  }
0x2e1: {  	v54 =	vld.idx.msk [tilespmem:v48+s21+$0x0], $0xffff;
	_ =	sdelay $0x3  }
0x2e2: {  	v0 =	vsel vm0, v0, v53  }
0x2e3: {  	v0 =	vmul.f32 v54, v0  }
0x2e4: {  	p0 =	sne.s32 s16, $0x1  }
.Ltmp0:
0x2e5: {  	[tilespmem:$0xA40] =	vst v0;
	(pc) =	sbr.rel @p0 .LBB2_1-.Ltmp0, $4  }
0x2e6: {  	[hbm4b:s15+s7] =	stream.linear.scatter [tilespmem:s24], [sflag:$0x1], $0x310, $0x38;
	[tilespmem:$0xAC0] =	vst v63  }
0x2e7: {  	_ =	swait.ge [sflag:s18], $0x310  }
0x2e8: {  	[sflag:s18] =	ssyncset.done $0x0  }
0x2e9: {  	s16 =	sadd.s32 $0xFFFFFFFF, s16;
	[sflag:s18] =	ssyncadd.s32 $0xFFFFFCF0  }
0x2ea: {  	_ =	sfence.sel $0x180000  }
0x2eb: {  	[bflag:$0x0] =	sbarrier.arrive $0xFFFF  }
0x2ec: {  	p0 =	sne.s32 s0, $0x0;
	_ =	strace $0x9000004A  }
0x2ed: {  	s0 =	sadd.s32 @!p0 $0x100000, s5;
	[bflag:$0x2] =	sbarrier.arrive $0xFFFF  }
0x2ee: {  	[sflag:s0] =	ssyncadd.tile.s32 @!p0 $0x1;
	_ =	shalt  }
.Lfunc_end2:
_tile_overlayer_lowered:
.L_overlay_start_2:
0x2ef: {  	(tag) =	ssettag $0x2  }
0x2f0: {  	s0 =	rddreg [dreg:$0x0];
	s2 =	stileid.u32  }
0x2f1: {  	s1 =	rddreg [dreg:$0x1];
	p0 =	sne.s32 s2, $0x0  }
0x2f2: {  	s3 =	rddreg [dreg:$0x2];
	[bflag:$0x3] =	sbarrier.arrive $0xFFFF;
	s2 =	simm.s32 @!p0 $0x1C02  }
0x2f3: {  	[timem:s3], [sflag:s2] =	dma.local @!p0 [hbm:s0], s1  }
0x2f4: {  	s0 =	simm.s32 @!p0 $0x2  }
0x2f5: {  	_ =	swait.ge @!p0 [sflag:s0], s1  }
0x2f6: {  	s1 =	ssub.s32 @!p0 $0x0, s1;
	[sflag:s0] =	ssyncset.done @!p0 $0x0  }
0x2f7: {  	[sflag:s0] =	ssyncadd.s32 @!p0 s1  }
0x2f8: {  	[bflag:$0x3] =	sbarrier.arrive $0xFFFF  }
0x2f9: {  	_ =	shalt  }

</sc_bundles>
